<compile_context>
chip_gen: v7x
topology: tpu7x:2x2x1
jax: 0.10.2.dev20260603
libtpu: 0.0.44.dev20260713+nightly
codegen_flags: <defaults>
</compile_context>

<pallas_src>
import jax
import jax.numpy as jnp
from jax import lax
from jax.experimental import pallas as pl
from jax.experimental.pallas import tpu as pltpu
from jax.experimental.pallas import tpu_sc as plsc

N = 16384
D = 128
L = 16
NS = 16
CHUNK = N // NS
NVEC = CHUNK // L
ROWS_PER_RND = 128
POS_PER_W = N // NS
NROUND = POS_PER_W // ROWS_PER_RND
MARGIN_THRESHOLD = 0.5


def _sc_body(proj_hbm, pair_hbm, out_hbm,
             H, BB, ST, PERM, PS,
             keys_v, bb_v, cstage_v, bb_local_v, totals_v, st_v, st2_v,
             ps2_v, pos2d_v, vals2d_v, eidx_v,
             rows0_v, rows1_v, rows2_v, rows3_v, row_v,
             sem0, sem1, sem2, sem3):
  c = lax.axis_index("c")
  s = lax.axis_index("s")
  iota = lax.iota(jnp.int32, L)
  lane15 = iota == (L - 1)

  pltpu.async_copy(pair_hbm.at[pl.ds(CHUNK * s, CHUNK)], keys_v, sem0)

  def vals_body(g, _):
    for m in range(8):
      vals2d_v[g, pl.ds(L * m, L)] = CHUNK * s + 128 * g + L * m + iota
    return 0
  lax.fori_loop(0, 8, vals_body, 0)

  def zero_body(i, _):
    for u in range(8):
      cstage_v[pl.ds(L * 8 * i + L * u, L)] = jnp.zeros((L,), jnp.int32)
    return 0
  lax.fori_loop(0, N // (L * 8), zero_body, 0)
  pltpu.make_async_copy(pair_hbm.at[pl.ds(CHUNK * s, CHUNK)], keys_v,
                        sem0).wait()

  def hist_body(j, _):
    k = keys_v[pl.ds(L * j, L)]
    cnt, last = plsc.scan_count(k)
    plsc.addupdate_scatter(cstage_v, [k], cnt, mask=last)
    return 0
  lax.fori_loop(0, NVEC, hist_body, 0)

  pltpu.sync_copy(cstage_v, H.at[s])
  plsc.subcore_barrier()

  for t in range(NS):
    pltpu.async_copy(H.at[t, pl.ds(CHUNK * s, CHUNK)],
                     cstage_v.at[pl.ds(CHUNK * t, CHUNK)], sem0)
  for t in range(NS):
    pltpu.make_async_copy(H.at[t, pl.ds(CHUNK * s, CHUNK)],
                          cstage_v.at[pl.ds(CHUNK * t, CHUNK)], sem0).wait()

  def colscan_body(j, _):
    acc = jnp.zeros((L,), jnp.int32)
    for t in range(NS):
      sl = pl.ds(CHUNK * t + L * j, L)
      tmp = cstage_v[sl]
      cstage_v[sl] = acc
      acc = acc + tmp
    cs = plsc.cumsum(acc)
    bb_local_v[pl.ds(L * j, L)] = cs - acc
    plsc.store_scatter(totals_v, [jnp.full((L,), j, jnp.int32)], cs,
                       mask=lane15)
    return 0
  lax.fori_loop(0, NVEC, colscan_body, 0)

  sum4 = (totals_v[pl.ds(0, L)] + totals_v[pl.ds(L, L)]
          + totals_v[pl.ds(2 * L, L)] + totals_v[pl.ds(3 * L, L)])
  st_v[0, :] = plsc.cumsum(sum4)
  pltpu.sync_copy(st_v.at[0], ST.at[s])
  for t in range(NS):
    pltpu.async_copy(cstage_v.at[pl.ds(CHUNK * t, CHUNK)],
                     H.at[t, pl.ds(CHUNK * s, CHUNK)], sem0)
  for t in range(NS):
    pltpu.make_async_copy(cstage_v.at[pl.ds(CHUNK * t, CHUNK)],
                          H.at[t, pl.ds(CHUNK * s, CHUNK)], sem0).wait()
  plsc.subcore_barrier()

  pltpu.sync_copy(ST, st2_v)
  stv = plsc.load_gather(st2_v, [iota, jnp.full((L,), L - 1, jnp.int32)])
  prior = jnp.sum(jnp.where(iota < s, stv, 0))

  carry = prior
  for q in range(NVEC // L):
    v = totals_v[pl.ds(L * q, L)]
    cs = plsc.cumsum(v)
    totals_v[pl.ds(L * q, L)] = cs - v + carry
    carry = carry + cs[L - 1]

  def binbase_body(j, _):
    sl = pl.ds(L * j, L)
    t0 = totals_v[pl.ds(j, L)][0]
    bb_local_v[sl] = bb_local_v[sl] + t0
    return 0
  lax.fori_loop(0, NVEC, binbase_body, 0)
  pltpu.sync_copy(bb_local_v, BB.at[pl.ds(CHUNK * s, CHUNK)])
  plsc.subcore_barrier()

  pltpu.async_copy(BB, bb_v, sem0)
  pltpu.async_copy(H.at[s], cstage_v, sem1)
  pltpu.make_async_copy(BB, bb_v, sem0).wait()
  pltpu.make_async_copy(H.at[s], cstage_v, sem1).wait()

  def rank_body(j, _):
    k = keys_v[pl.ds(L * j, L)]
    cnt, last = plsc.scan_count(k)
    base = plsc.load_gather(bb_v, [k]) + plsc.load_gather(cstage_v, [k])
    pos2d_v[j // 8, pl.ds(L * (j % 8), L)] = base + cnt - 1
    plsc.addupdate_scatter(cstage_v, [k], cnt, mask=last)
    return 0
  lax.fori_loop(0, NVEC, rank_body, 0)

  for g in range(8):
    pltpu.async_copy(vals2d_v.at[g], PERM.at[pos2d_v.at[g]], sem0)
  for g in range(8):
    pltpu.make_async_copy(vals2d_v.at[g], PERM.at[pos2d_v.at[g]],
                          sem0).wait()
  plsc.subcore_barrier()

  base_pos = POS_PER_W * s
  pltpu.sync_copy(PERM.at[pl.ds(base_pos, POS_PER_W)], eidx_v)
  bufs = (rows0_v, rows1_v, rows2_v, rows3_v)
  sems = (sem0, sem1, sem2, sem3)

  def start(g, b):
    pltpu.async_copy(proj_hbm.at[eidx_v.at[pl.ds(ROWS_PER_RND * g,
                                                 ROWS_PER_RND)]],
                     bufs[b], sems[b])

  def wait(g, b):
    pltpu.make_async_copy(proj_hbm.at[eidx_v.at[pl.ds(ROWS_PER_RND * g,
                                                      ROWS_PER_RND)]],
                          bufs[b], sems[b]).wait()

  def make_pair_body(buf):
    def pair_body(p, acc_vec):
      a = 2 * p
      accv = buf[a, pl.ds(0, L)] * buf[a + 1, pl.ds(0, L)]
      for m in range(1, D // L):
        accv = accv + buf[a, pl.ds(L * m, L)] * buf[a + 1, pl.ds(L * m, L)]
      cs = plsc.cumsum(accv)
      relu = jnp.maximum(cs - MARGIN_THRESHOLD, 0.0)
      return acc_vec + jnp.where(lane15, relu, 0.0)
    return pair_body

  start(0, 0)
  start(1, 1)
  start(2, 2)
  acc_vec = jnp.zeros((L,), jnp.float32)

  def round_body(i, acc_vec):
    for b in range(4):
      g = 4 * i + b
      wait(g, b)
      acc_vec = lax.fori_loop(0, ROWS_PER_RND // 2, make_pair_body(bufs[b]),
                              acc_vec)

      @pl.when(g + 3 < NROUND)
      def _():
        start(g + 3, (b + 3) % 4)
    return acc_vec
  acc_vec = lax.fori_loop(0, NROUND // 4, round_body, acc_vec)

  st_v[0, :] = plsc.bitcast(acc_vec, jnp.int32)
  pltpu.sync_copy(st_v.at[0], PS.at[s])
  plsc.subcore_barrier()

  @pl.when(s == 0)
  def _():
    pltpu.sync_copy(PS, ps2_v)
    pv = plsc.load_gather(ps2_v, [iota, jnp.full((L,), L - 1, jnp.int32)])
    total = jnp.sum(plsc.bitcast(pv, jnp.float32)) * (1.0 / (N // 2))
    row_v[...] = jnp.full((L,), total, jnp.float32)
    pltpu.sync_copy(row_v, out_hbm.at[0])


def _make_kernel():
  mesh = plsc.VectorSubcoreMesh(core_axis_name="c", subcore_axis_name="s",
                                num_cores=1)
  return pl.kernel(
      _sc_body,
      out_type=jax.ShapeDtypeStruct((1, L), jnp.float32),
      mesh=mesh,
      compiler_params=pltpu.CompilerParams(needs_layout_passes=False),
      scratch_types=[
          pltpu.VMEM_SHARED((NS, N), jnp.int32),
          pltpu.VMEM_SHARED((N,), jnp.int32),
          pltpu.VMEM_SHARED((NS, L), jnp.int32),
          pltpu.VMEM_SHARED((N,), jnp.int32),
          pltpu.VMEM_SHARED((NS, L), jnp.int32),
          pltpu.VMEM((CHUNK,), jnp.int32),
          pltpu.VMEM((N,), jnp.int32),
          pltpu.VMEM((N,), jnp.int32),
          pltpu.VMEM((CHUNK,), jnp.int32),
          pltpu.VMEM((NVEC + L,), jnp.int32),
          pltpu.VMEM((1, L), jnp.int32),
          pltpu.VMEM((NS, L), jnp.int32),
          pltpu.VMEM((NS, L), jnp.int32),
          pltpu.VMEM((8, 128), jnp.int32),
          pltpu.VMEM((8, 128), jnp.int32),
          pltpu.VMEM((POS_PER_W,), jnp.int32),
          pltpu.VMEM((ROWS_PER_RND, D), jnp.float32),
          pltpu.VMEM((ROWS_PER_RND, D), jnp.float32),
          pltpu.VMEM((ROWS_PER_RND, D), jnp.float32),
          pltpu.VMEM((ROWS_PER_RND, D), jnp.float32),
          pltpu.VMEM((L,), jnp.float32),
          pltpu.SemaphoreType.DMA,
          pltpu.SemaphoreType.DMA,
          pltpu.SemaphoreType.DMA,
          pltpu.SemaphoreType.DMA,
      ],
  )


def kernel(projections, labels, pair_indices):
  del labels
  out = _make_kernel()(projections, pair_indices.astype(jnp.int32))
  return out[0, 0]

# --- scband reference (transcript-rebuilt; emitter-appended) ---
"""Pipeline reference for scband-paired-contrastive-loss-47064251629991 (READ-ONLY COPY).

The authoritative reference and input builder live on the scoring server;
editing this copy changes nothing except your own understanding.
"""

import jax, jax.numpy as jnp
import numpy as np

MARGIN = 0.5

def setup_inputs(seed: int = 0) -> dict:
    key = jax.random.key(seed)
    k1, k2, k3 = jax.random.split(key, 3)
    projections = jax.random.normal(k1, (16384, 128), dtype=jnp.float32)
    labels = jax.random.randint(k2, (16384,), 0, 2, dtype=jnp.int64 if jax.config.jax_enable_x64 else jnp.int32)
    pair_indices = jax.random.randint(k3, (16384,), 0, 16384, dtype=jnp.int64 if jax.config.jax_enable_x64 else jnp.int32)
    return {"projections": projections, "labels": labels, "pair_indices": pair_indices}

def reference(projections, labels, pair_indices):
    batch_size = projections.shape[0]
    sorted_indices = jnp.argsort(pair_indices)
    sorted_projections = jnp.take(projections, sorted_indices, axis=0)
    sorted_labels = jnp.take(labels, sorted_indices, axis=0)
    if batch_size % 2 != 0:
        sorted_projections = sorted_projections[:-1]
        sorted_labels = sorted_labels[:-1]
        batch_size = batch_size - 1
    num_pairs = batch_size // 2
    paired_projections = sorted_projections.reshape(num_pairs, 2, -1)
    paired_labels = sorted_labels.reshape(num_pairs, 2)
    real_mask = paired_labels == 1
    real_first = real_mask[:, 0]
    real_first_expanded = real_first[:, None]
    z_real = jnp.where(real_first_expanded, paired_projections[:, 0, :], paired_projections[:, 1, :])
    z_fake = jnp.where(real_first_expanded, paired_projections[:, 1, :], paired_projections[:, 0, :])
    cos_sim = (z_real * z_fake).sum(axis=1)
    target_threshold = 1.0 - MARGIN
    losses = jax.nn.relu(cos_sim - target_threshold)
    return losses.mean()

if __name__ == "__main__":
    import jax
    _d = setup_inputs()
    print(jax.jit(kernel)(*tuple(_d.values())))

</pallas_src>

<mosaic_0001>
#map = affine_map<(d0, d1) -> (0, 0)>
#map1 = affine_map<(d0, d1) -> (0)>
module attributes {stable_mosaic.version = 14 : i64} {
  func.func @_sc_body(%arg0: i32, %arg1: i32, %arg2: memref<16384x128xf32, #tpu.memory_space<hbm>>, %arg3: memref<16384xi32, #tpu.memory_space<hbm>>, %arg4: memref<1x16xf32, #tpu.memory_space<hbm>>, %arg5: memref<16x16384xi32, #tpu.memory_space<vmem_shared>>, %arg6: memref<16384xi32, #tpu.memory_space<vmem_shared>>, %arg7: memref<16x16xi32, #tpu.memory_space<vmem_shared>>, %arg8: memref<16384xi32, #tpu.memory_space<vmem_shared>>, %arg9: memref<16x16xi32, #tpu.memory_space<vmem_shared>>, %arg10: memref<1024xi32, #tpu.memory_space<vmem>>, %arg11: memref<16384xi32, #tpu.memory_space<vmem>>, %arg12: memref<16384xi32, #tpu.memory_space<vmem>>, %arg13: memref<1024xi32, #tpu.memory_space<vmem>>, %arg14: memref<80xi32, #tpu.memory_space<vmem>>, %arg15: memref<1x16xi32, #tpu.memory_space<vmem>>, %arg16: memref<16x16xi32, #tpu.memory_space<vmem>>, %arg17: memref<16x16xi32, #tpu.memory_space<vmem>>, %arg18: memref<8x128xi32, #tpu.memory_space<vmem>>, %arg19: memref<8x128xi32, #tpu.memory_space<vmem>>, %arg20: memref<1024xi32, #tpu.memory_space<vmem>>, %arg21: memref<128x128xf32, #tpu.memory_space<vmem>>, %arg22: memref<128x128xf32, #tpu.memory_space<vmem>>, %arg23: memref<128x128xf32, #tpu.memory_space<vmem>>, %arg24: memref<128x128xf32, #tpu.memory_space<vmem>>, %arg25: memref<16xf32, #tpu.memory_space<vmem>>, %arg26: memref<!tpu.dma_semaphore, #tpu.memory_space<semaphore_mem>>, %arg27: memref<!tpu.dma_semaphore, #tpu.memory_space<semaphore_mem>>, %arg28: memref<!tpu.dma_semaphore, #tpu.memory_space<semaphore_mem>>, %arg29: memref<!tpu.dma_semaphore, #tpu.memory_space<semaphore_mem>>) attributes {dimension_semantics = [#tpu.dimension_semantics<core_parallel>, #tpu.dimension_semantics<subcore_parallel>], iteration_bounds = array<i64: 1, 16>, scalar_prefetch = 0 : i64, scratch_operands = 25 : i64, tpu.core_type = #tpu.core_type<sc_vector_subcore>, window_params = [{transform_indices = #map}, {transform_indices = #map1}, {transform_indices = #map}]} {
    %iota3A = tpu.iota {dimensions = array<i32: 0>} : vector<16xi32>
    %eq3A = arith.constant 15 : i32
    %eq3A_0 = vector.broadcast %eq3A : i32 to vector<16xi32>
    %eq3A_1 = arith.cmpi eq, %iota3A, %eq3A_0 : vector<16xi32>
    %mul3A = arith.constant 1024 : i32
    %mul3A_2 = arith.muli %mul3A, %arg1 : i32
    %dma_start3A = tpu.memref_slice %arg3[%mul3A_2] : memref<16384xi32, #tpu.memory_space<hbm>> -> memref<1024xi32, #tpu.memory_space<hbm>>
    %dma_start3A_3 = tpu.memref_slice %arg3[%mul3A_2] : memref<16384xi32, #tpu.memory_space<hbm>> -> memref<1024xi32, #tpu.memory_space<hbm>>
    tpu.enqueue_dma source(%dma_start3A_3 : memref<1024xi32, #tpu.memory_space<hbm>>) target(%arg10 : memref<1024xi32, #tpu.memory_space<vmem>>) target_semaphore(%arg26 : memref<!tpu.dma_semaphore, #tpu.memory_space<semaphore_mem>>)
    %scan3A = arith.constant 0 : i32
    %scan3A_4 = arith.constant 0 : i32
    %scan3A_5 = arith.constant 8 : i32
    %scan3A_6 = arith.addi %scan3A_4, %scan3A_5 : i32
    %scan3A_7 = arith.constant 1 : i32
    %scan3A_8 = scf.for %scan3A_1032 = %scan3A_4 to %scan3A_6 step %scan3A_7 iter_args(%scan3A_1033 = %scan3A) -> (i32)  : i32 {
      %mul3A_1034 = arith.constant 1024 : i32
      %mul3A_1035 = arith.muli %mul3A_1034, %arg1 : i32
      %mul3A_1036 = arith.constant 128 : i32
      %mul3A_1037 = arith.muli %mul3A_1036, %scan3A_1032 : i32
      %add3A_1038 = arith.addi %mul3A_1035, %mul3A_1037 : i32
      %add3A_1039 = arith.constant 0 : i32
      %add3A_1040 = arith.addi %add3A_1038, %add3A_1039 : i32
      %add3A_1041 = vector.broadcast %add3A_1040 : i32 to vector<16xi32>
      %add3A_1042 = arith.addi %add3A_1041, %iota3A : vector<16xi32>
      %swap3A_1043 = arith.index_cast %scan3A_1032 : i32 to index
      %swap3A_1044 = arith.constant 0 : index
      %swap3A_1045 = tpu.vector_load %arg19[%swap3A_1043, %swap3A_1044] {strides = array<i32>} : memref<8x128xi32, #tpu.memory_space<vmem>>, vector<16xi32>,
      tpu.vector_store %arg19[%swap3A_1043, %swap3A_1044], %add3A_1042 {strides = array<i32>} : memref<8x128xi32, #tpu.memory_space<vmem>>, vector<16xi32>,
      %mul3A_1046 = arith.constant 1024 : i32
      %mul3A_1047 = arith.muli %mul3A_1046, %arg1 : i32
      %mul3A_1048 = arith.constant 128 : i32
      %mul3A_1049 = arith.muli %mul3A_1048, %scan3A_1032 : i32
      %add3A_1050 = arith.addi %mul3A_1047, %mul3A_1049 : i32
      %add3A_1051 = arith.constant 16 : i32
      %add3A_1052 = arith.addi %add3A_1050, %add3A_1051 : i32
      %add3A_1053 = vector.broadcast %add3A_1052 : i32 to vector<16xi32>
      %add3A_1054 = arith.addi %add3A_1053, %iota3A : vector<16xi32>
      %swap3A_1055 = arith.index_cast %scan3A_1032 : i32 to index
      %swap3A_1056 = arith.constant 16 : index
      %swap3A_1057 = tpu.vector_load %arg19[%swap3A_1055, %swap3A_1056] {strides = array<i32>} : memref<8x128xi32, #tpu.memory_space<vmem>>, vector<16xi32>,
      tpu.vector_store %arg19[%swap3A_1055, %swap3A_1056], %add3A_1054 {strides = array<i32>} : memref<8x128xi32, #tpu.memory_space<vmem>>, vector<16xi32>,
      %mul3A_1058 = arith.constant 1024 : i32
      %mul3A_1059 = arith.muli %mul3A_1058, %arg1 : i32
      %mul3A_1060 = arith.constant 128 : i32
      %mul3A_1061 = arith.muli %mul3A_1060, %scan3A_1032 : i32
      %add3A_1062 = arith.addi %mul3A_1059, %mul3A_1061 : i32
      %add3A_1063 = arith.constant 32 : i32
      %add3A_1064 = arith.addi %add3A_1062, %add3A_1063 : i32
      %add3A_1065 = vector.broadcast %add3A_1064 : i32 to vector<16xi32>
      %add3A_1066 = arith.addi %add3A_1065, %iota3A : vector<16xi32>
      %swap3A_1067 = arith.index_cast %scan3A_1032 : i32 to index
      %swap3A_1068 = arith.constant 32 : index
      %swap3A_1069 = tpu.vector_load %arg19[%swap3A_1067, %swap3A_1068] {strides = array<i32>} : memref<8x128xi32, #tpu.memory_space<vmem>>, vector<16xi32>,
      tpu.vector_store %arg19[%swap3A_1067, %swap3A_1068], %add3A_1066 {strides = array<i32>} : memref<8x128xi32, #tpu.memory_space<vmem>>, vector<16xi32>,
      %mul3A_1070 = arith.constant 1024 : i32
      %mul3A_1071 = arith.muli %mul3A_1070, %arg1 : i32
      %mul3A_1072 = arith.constant 128 : i32
      %mul3A_1073 = arith.muli %mul3A_1072, %scan3A_1032 : i32
      %add3A_1074 = arith.addi %mul3A_1071, %mul3A_1073 : i32
      %add3A_1075 = arith.constant 48 : i32
      %add3A_1076 = arith.addi %add3A_1074, %add3A_1075 : i32
      %add3A_1077 = vector.broadcast %add3A_1076 : i32 to vector<16xi32>
      %add3A_1078 = arith.addi %add3A_1077, %iota3A : vector<16xi32>
      %swap3A_1079 = arith.index_cast %scan3A_1032 : i32 to index
      %swap3A_1080 = arith.constant 48 : index
      %swap3A_1081 = tpu.vector_load %arg19[%swap3A_1079, %swap3A_1080] {strides = array<i32>} : memref<8x128xi32, #tpu.memory_space<vmem>>, vector<16xi32>,
      tpu.vector_store %arg19[%swap3A_1079, %swap3A_1080], %add3A_1078 {strides = array<i32>} : memref<8x128xi32, #tpu.memory_space<vmem>>, vector<16xi32>,
      %mul3A_1082 = arith.constant 1024 : i32
      %mul3A_1083 = arith.muli %mul3A_1082, %arg1 : i32
      %mul3A_1084 = arith.constant 128 : i32
      %mul3A_1085 = arith.muli %mul3A_1084, %scan3A_1032 : i32
      %add3A_1086 = arith.addi %mul3A_1083, %mul3A_1085 : i32
      %add3A_1087 = arith.constant 64 : i32
      %add3A_1088 = arith.addi %add3A_1086, %add3A_1087 : i32
      %add3A_1089 = vector.broadcast %add3A_1088 : i32 to vector<16xi32>
      %add3A_1090 = arith.addi %add3A_1089, %iota3A : vector<16xi32>
      %swap3A_1091 = arith.index_cast %scan3A_1032 : i32 to index
      %swap3A_1092 = arith.constant 64 : index
      %swap3A_1093 = tpu.vector_load %arg19[%swap3A_1091, %swap3A_1092] {strides = array<i32>} : memref<8x128xi32, #tpu.memory_space<vmem>>, vector<16xi32>,
      tpu.vector_store %arg19[%swap3A_1091, %swap3A_1092], %add3A_1090 {strides = array<i32>} : memref<8x128xi32, #tpu.memory_space<vmem>>, vector<16xi32>,
      %mul3A_1094 = arith.constant 1024 : i32
      %mul3A_1095 = arith.muli %mul3A_1094, %arg1 : i32
      %mul3A_1096 = arith.constant 128 : i32
      %mul3A_1097 = arith.muli %mul3A_1096, %scan3A_1032 : i32
      %add3A_1098 = arith.addi %mul3A_1095, %mul3A_1097 : i32
      %add3A_1099 = arith.constant 80 : i32
      %add3A_1100 = arith.addi %add3A_1098, %add3A_1099 : i32
      %add3A_1101 = vector.broadcast %add3A_1100 : i32 to vector<16xi32>
      %add3A_1102 = arith.addi %add3A_1101, %iota3A : vector<16xi32>
      %swap3A_1103 = arith.index_cast %scan3A_1032 : i32 to index
      %swap3A_1104 = arith.constant 80 : index
      %swap3A_1105 = tpu.vector_load %arg19[%swap3A_1103, %swap3A_1104] {strides = array<i32>} : memref<8x128xi32, #tpu.memory_space<vmem>>, vector<16xi32>,
      tpu.vector_store %arg19[%swap3A_1103, %swap3A_1104], %add3A_1102 {strides = array<i32>} : memref<8x128xi32, #tpu.memory_space<vmem>>, vector<16xi32>,
      %mul3A_1106 = arith.constant 1024 : i32
      %mul3A_1107 = arith.muli %mul3A_1106, %arg1 : i32
      %mul3A_1108 = arith.constant 128 : i32
      %mul3A_1109 = arith.muli %mul3A_1108, %scan3A_1032 : i32
      %add3A_1110 = arith.addi %mul3A_1107, %mul3A_1109 : i32
      %add3A_1111 = arith.constant 96 : i32
      %add3A_1112 = arith.addi %add3A_1110, %add3A_1111 : i32
      %add3A_1113 = vector.broadcast %add3A_1112 : i32 to vector<16xi32>
      %add3A_1114 = arith.addi %add3A_1113, %iota3A : vector<16xi32>
      %swap3A_1115 = arith.index_cast %scan3A_1032 : i32 to index
      %swap3A_1116 = arith.constant 96 : index
      %swap3A_1117 = tpu.vector_load %arg19[%swap3A_1115, %swap3A_1116] {strides = array<i32>} : memref<8x128xi32, #tpu.memory_space<vmem>>, vector<16xi32>,
      tpu.vector_store %arg19[%swap3A_1115, %swap3A_1116], %add3A_1114 {strides = array<i32>} : memref<8x128xi32, #tpu.memory_space<vmem>>, vector<16xi32>,
      %mul3A_1118 = arith.constant 1024 : i32
      %mul3A_1119 = arith.muli %mul3A_1118, %arg1 : i32
      %mul3A_1120 = arith.constant 128 : i32
      %mul3A_1121 = arith.muli %mul3A_1120, %scan3A_1032 : i32
      %add3A_1122 = arith.addi %mul3A_1119, %mul3A_1121 : i32
      %add3A_1123 = arith.constant 112 : i32
      %add3A_1124 = arith.addi %add3A_1122, %add3A_1123 : i32
      %add3A_1125 = vector.broadcast %add3A_1124 : i32 to vector<16xi32>
      %add3A_1126 = arith.addi %add3A_1125, %iota3A : vector<16xi32>
      %swap3A_1127 = arith.index_cast %scan3A_1032 : i32 to index
      %swap3A_1128 = arith.constant 112 : index
      %swap3A_1129 = tpu.vector_load %arg19[%swap3A_1127, %swap3A_1128] {strides = array<i32>} : memref<8x128xi32, #tpu.memory_space<vmem>>, vector<16xi32>,
      tpu.vector_store %arg19[%swap3A_1127, %swap3A_1128], %add3A_1126 {strides = array<i32>} : memref<8x128xi32, #tpu.memory_space<vmem>>, vector<16xi32>,
      %scan3A_1130 = arith.constant 0 : i32
      scf.yield %scan3A_1130 : i32
    }
    %scan3A_9 = arith.constant 8 : i32
    %scan3A_10 = arith.constant 0 : i32
    %scan3A_11 = arith.constant 0 : i32
    %scan3A_12 = arith.constant 128 : i32
    %scan3A_13 = arith.addi %scan3A_11, %scan3A_12 : i32
    %scan3A_14 = arith.constant 1 : i32
    %scan3A_15 = scf.for %scan3A_1032 = %scan3A_11 to %scan3A_13 step %scan3A_14 iter_args(%scan3A_1033 = %scan3A_10) -> (i32)  : i32 {
      %broadcast_in_dim3A_1034 = arith.constant 0 : i32
      %broadcast_in_dim3A_1035 = vector.broadcast %broadcast_in_dim3A_1034 : i32 to vector<16xi32>
      %mul3A_1036 = arith.constant 128 : i32
      %mul3A_1037 = arith.muli %mul3A_1036, %scan3A_1032 : i32
      %add3A_1038 = arith.constant 0 : i32
      %add3A_1039 = arith.addi %mul3A_1037, %add3A_1038 : i32
      %swap3A_1040 = arith.index_cast %add3A_1039 : i32 to index
      %swap3A_1041 = tpu.vector_load %arg12[%swap3A_1040] {strides = array<i32>} : memref<16384xi32, #tpu.memory_space<vmem>>, vector<16xi32>,
      tpu.vector_store %arg12[%swap3A_1040], %broadcast_in_dim3A_1035 {strides = array<i32>} : memref<16384xi32, #tpu.memory_space<vmem>>, vector<16xi32>,
      %broadcast_in_dim3A_1042 = arith.constant 0 : i32
      %broadcast_in_dim3A_1043 = vector.broadcast %broadcast_in_dim3A_1042 : i32 to vector<16xi32>
      %mul3A_1044 = arith.constant 128 : i32
      %mul3A_1045 = arith.muli %mul3A_1044, %scan3A_1032 : i32
      %add3A_1046 = arith.constant 16 : i32
      %add3A_1047 = arith.addi %mul3A_1045, %add3A_1046 : i32
      %swap3A_1048 = arith.index_cast %add3A_1047 : i32 to index
      %swap3A_1049 = tpu.vector_load %arg12[%swap3A_1048] {strides = array<i32>} : memref<16384xi32, #tpu.memory_space<vmem>>, vector<16xi32>,
      tpu.vector_store %arg12[%swap3A_1048], %broadcast_in_dim3A_1043 {strides = array<i32>} : memref<16384xi32, #tpu.memory_space<vmem>>, vector<16xi32>,
      %broadcast_in_dim3A_1050 = arith.constant 0 : i32
      %broadcast_in_dim3A_1051 = vector.broadcast %broadcast_in_dim3A_1050 : i32 to vector<16xi32>
      %mul3A_1052 = arith.constant 128 : i32
      %mul3A_1053 = arith.muli %mul3A_1052, %scan3A_1032 : i32
      %add3A_1054 = arith.constant 32 : i32
      %add3A_1055 = arith.addi %mul3A_1053, %add3A_1054 : i32
      %swap3A_1056 = arith.index_cast %add3A_1055 : i32 to index
      %swap3A_1057 = tpu.vector_load %arg12[%swap3A_1056] {strides = array<i32>} : memref<16384xi32, #tpu.memory_space<vmem>>, vector<16xi32>,
      tpu.vector_store %arg12[%swap3A_1056], %broadcast_in_dim3A_1051 {strides = array<i32>} : memref<16384xi32, #tpu.memory_space<vmem>>, vector<16xi32>,
      %broadcast_in_dim3A_1058 = arith.constant 0 : i32
      %broadcast_in_dim3A_1059 = vector.broadcast %broadcast_in_dim3A_1058 : i32 to vector<16xi32>
      %mul3A_1060 = arith.constant 128 : i32
      %mul3A_1061 = arith.muli %mul3A_1060, %scan3A_1032 : i32
      %add3A_1062 = arith.constant 48 : i32
      %add3A_1063 = arith.addi %mul3A_1061, %add3A_1062 : i32
      %swap3A_1064 = arith.index_cast %add3A_1063 : i32 to index
      %swap3A_1065 = tpu.vector_load %arg12[%swap3A_1064] {strides = array<i32>} : memref<16384xi32, #tpu.memory_space<vmem>>, vector<16xi32>,
      tpu.vector_store %arg12[%swap3A_1064], %broadcast_in_dim3A_1059 {strides = array<i32>} : memref<16384xi32, #tpu.memory_space<vmem>>, vector<16xi32>,
      %broadcast_in_dim3A_1066 = arith.constant 0 : i32
      %broadcast_in_dim3A_1067 = vector.broadcast %broadcast_in_dim3A_1066 : i32 to vector<16xi32>
      %mul3A_1068 = arith.constant 128 : i32
      %mul3A_1069 = arith.muli %mul3A_1068, %scan3A_1032 : i32
      %add3A_1070 = arith.constant 64 : i32
      %add3A_1071 = arith.addi %mul3A_1069, %add3A_1070 : i32
      %swap3A_1072 = arith.index_cast %add3A_1071 : i32 to index
      %swap3A_1073 = tpu.vector_load %arg12[%swap3A_1072] {strides = array<i32>} : memref<16384xi32, #tpu.memory_space<vmem>>, vector<16xi32>,
      tpu.vector_store %arg12[%swap3A_1072], %broadcast_in_dim3A_1067 {strides = array<i32>} : memref<16384xi32, #tpu.memory_space<vmem>>, vector<16xi32>,
      %broadcast_in_dim3A_1074 = arith.constant 0 : i32
      %broadcast_in_dim3A_1075 = vector.broadcast %broadcast_in_dim3A_1074 : i32 to vector<16xi32>
      %mul3A_1076 = arith.constant 128 : i32
      %mul3A_1077 = arith.muli %mul3A_1076, %scan3A_1032 : i32
      %add3A_1078 = arith.constant 80 : i32
      %add3A_1079 = arith.addi %mul3A_1077, %add3A_1078 : i32
      %swap3A_1080 = arith.index_cast %add3A_1079 : i32 to index
      %swap3A_1081 = tpu.vector_load %arg12[%swap3A_1080] {strides = array<i32>} : memref<16384xi32, #tpu.memory_space<vmem>>, vector<16xi32>,
      tpu.vector_store %arg12[%swap3A_1080], %broadcast_in_dim3A_1075 {strides = array<i32>} : memref<16384xi32, #tpu.memory_space<vmem>>, vector<16xi32>,
      %broadcast_in_dim3A_1082 = arith.constant 0 : i32
      %broadcast_in_dim3A_1083 = vector.broadcast %broadcast_in_dim3A_1082 : i32 to vector<16xi32>
      %mul3A_1084 = arith.constant 128 : i32
      %mul3A_1085 = arith.muli %mul3A_1084, %scan3A_1032 : i32
      %add3A_1086 = arith.constant 96 : i32
      %add3A_1087 = arith.addi %mul3A_1085, %add3A_1086 : i32
      %swap3A_1088 = arith.index_cast %add3A_1087 : i32 to index
      %swap3A_1089 = tpu.vector_load %arg12[%swap3A_1088] {strides = array<i32>} : memref<16384xi32, #tpu.memory_space<vmem>>, vector<16xi32>,
      tpu.vector_store %arg12[%swap3A_1088], %broadcast_in_dim3A_1083 {strides = array<i32>} : memref<16384xi32, #tpu.memory_space<vmem>>, vector<16xi32>,
      %broadcast_in_dim3A_1090 = arith.constant 0 : i32
      %broadcast_in_dim3A_1091 = vector.broadcast %broadcast_in_dim3A_1090 : i32 to vector<16xi32>
      %mul3A_1092 = arith.constant 128 : i32
      %mul3A_1093 = arith.muli %mul3A_1092, %scan3A_1032 : i32
      %add3A_1094 = arith.constant 112 : i32
      %add3A_1095 = arith.addi %mul3A_1093, %add3A_1094 : i32
      %swap3A_1096 = arith.index_cast %add3A_1095 : i32 to index
      %swap3A_1097 = tpu.vector_load %arg12[%swap3A_1096] {strides = array<i32>} : memref<16384xi32, #tpu.memory_space<vmem>>, vector<16xi32>,
      tpu.vector_store %arg12[%swap3A_1096], %broadcast_in_dim3A_1091 {strides = array<i32>} : memref<16384xi32, #tpu.memory_space<vmem>>, vector<16xi32>,
      %scan3A_1098 = arith.constant 0 : i32
      scf.yield %scan3A_1098 : i32
    }
    %scan3A_16 = arith.constant 128 : i32
    %mul3A_17 = arith.constant 1024 : i32
    %mul3A_18 = arith.muli %mul3A_17, %arg1 : i32
    %dma_wait3A = tpu.memref_slice %arg3[%mul3A_18] : memref<16384xi32, #tpu.memory_space<hbm>> -> memref<1024xi32, #tpu.memory_space<hbm>>
    %dma_wait3A_19 = tpu.memref_slice %arg3[%mul3A_18] : memref<16384xi32, #tpu.memory_space<hbm>> -> memref<1024xi32, #tpu.memory_space<hbm>>
    tpu.wait_dma2 semaphore(%arg26 : memref<!tpu.dma_semaphore, #tpu.memory_space<semaphore_mem>>) src(%dma_wait3A_19 : memref<1024xi32, #tpu.memory_space<hbm>>) dst(%arg10 : memref<1024xi32, #tpu.memory_space<vmem>>)
    %scan3A_20 = arith.constant 0 : i32
    %scan3A_21 = arith.constant 0 : i32
    %scan3A_22 = arith.constant 64 : i32
    %scan3A_23 = arith.addi %scan3A_21, %scan3A_22 : i32
    %scan3A_24 = arith.constant 1 : i32
    %scan3A_25 = scf.for %scan3A_1032 = %scan3A_21 to %scan3A_23 step %scan3A_24 iter_args(%scan3A_1033 = %scan3A_20) -> (i32)  : i32 {
      %mul3A_1034 = arith.constant 16 : i32
      %mul3A_1035 = arith.muli %mul3A_1034, %scan3A_1032 : i32
      %get3A_1036 = arith.index_cast %mul3A_1035 : i32 to index
      %get3A_1037 = tpu.vector_load %arg10[%get3A_1036] {strides = array<i32>} : memref<1024xi32, #tpu.memory_space<vmem>>, vector<16xi32>,
      %broadcast_in_dim3A_1038 = arith.constant true
      %broadcast_in_dim3A_1039 = vector.broadcast %broadcast_in_dim3A_1038 : i1 to vector<16xi1>
      %unique3A, %unique3A_1040 = tpu.scan_count mask(%broadcast_in_dim3A_1039 : vector<16xi1>) value(%get3A_1037 : vector<16xi32>) : vector<16xi1>, vector<16xi32>
      tpu.vector_store_idx %arg12[%get3A_1037], %unique3A_1040 masked %unique3A {add = true} : memref<16384xi32, #tpu.memory_space<vmem>>[vector<16xi32>], vector<16xi32>, vector<16xi1>
      %scan3A_1041 = arith.constant 0 : i32
      scf.yield %scan3A_1041 : i32
    }
    %scan3A_26 = arith.constant 64 : i32
    "tpu.region"() ({
      %run_scoped3A_1032 = tpu.sem_alloc : memref<!tpu.dma_semaphore, #tpu.memory_space<semaphore_mem>>
      %dma_start3A_1033 = arith.constant 0 : i32
      %dma_start3A_1034 = tpu.memref_slice %arg5[%arg1, %dma_start3A_1033] : memref<16x16384xi32, #tpu.memory_space<vmem_shared>> -> memref<1x16384xi32, #tpu.memory_space<vmem_shared>>
      %dma_start3A_1035 = tpu.memref_squeeze %dma_start3A_1034 : memref<1x16384xi32, #tpu.memory_space<vmem_shared>> -> memref<16384xi32, #tpu.memory_space<vmem_shared>>
      %dma_start3A_1036 = arith.constant 0 : i32
      %dma_start3A_1037 = tpu.memref_slice %arg5[%arg1, %dma_start3A_1036] : memref<16x16384xi32, #tpu.memory_space<vmem_shared>> -> memref<1x16384xi32, #tpu.memory_space<vmem_shared>>
      %dma_start3A_1038 = tpu.memref_squeeze %dma_start3A_1037 : memref<1x16384xi32, #tpu.memory_space<vmem_shared>> -> memref<16384xi32, #tpu.memory_space<vmem_shared>>
      tpu.enqueue_dma source(%arg12 : memref<16384xi32, #tpu.memory_space<vmem>>) target(%dma_start3A_1038 : memref<16384xi32, #tpu.memory_space<vmem_shared>>) target_semaphore(%run_scoped3A_1032 : memref<!tpu.dma_semaphore, #tpu.memory_space<semaphore_mem>>)
      %dma_wait3A_1039 = arith.constant 0 : i32
      %dma_wait3A_1040 = tpu.memref_slice %arg5[%arg1, %dma_wait3A_1039] : memref<16x16384xi32, #tpu.memory_space<vmem_shared>> -> memref<1x16384xi32, #tpu.memory_space<vmem_shared>>
      %dma_wait3A_1041 = tpu.memref_squeeze %dma_wait3A_1040 : memref<1x16384xi32, #tpu.memory_space<vmem_shared>> -> memref<16384xi32, #tpu.memory_space<vmem_shared>>
      %dma_wait3A_1042 = arith.constant 0 : i32
      %dma_wait3A_1043 = tpu.memref_slice %arg5[%arg1, %dma_wait3A_1042] : memref<16x16384xi32, #tpu.memory_space<vmem_shared>> -> memref<1x16384xi32, #tpu.memory_space<vmem_shared>>
      %dma_wait3A_1044 = tpu.memref_squeeze %dma_wait3A_1043 : memref<1x16384xi32, #tpu.memory_space<vmem_shared>> -> memref<16384xi32, #tpu.memory_space<vmem_shared>>
      tpu.wait_dma2 semaphore(%run_scoped3A_1032 : memref<!tpu.dma_semaphore, #tpu.memory_space<semaphore_mem>>) src(%arg12 : memref<16384xi32, #tpu.memory_space<vmem>>) dst(%dma_wait3A_1044 : memref<16384xi32, #tpu.memory_space<vmem_shared>>)
      tpu.yield
    }) : () -> ()
    %barrier3A = arith.constant 0 : index
    tpu.barrier barrier_id(%barrier3A)
    %mul3A_27 = arith.constant 1024 : i32
    %mul3A_28 = arith.muli %mul3A_27, %arg1 : i32
    %dma_start3A_29 = arith.constant 0 : i32
    %dma_start3A_30 = arith.constant 0 : i32
    %dma_start3A_31 = tpu.memref_slice %arg12[%dma_start3A_30] : memref<16384xi32, #tpu.memory_space<vmem>> -> memref<1024xi32, #tpu.memory_space<vmem>>
    %dma_start3A_32 = tpu.memref_slice %arg5[%dma_start3A_29, %mul3A_28] : memref<16x16384xi32, #tpu.memory_space<vmem_shared>> -> memref<1x1024xi32, #tpu.memory_space<vmem_shared>>
    %dma_start3A_33 = tpu.memref_squeeze %dma_start3A_32 : memref<1x1024xi32, #tpu.memory_space<vmem_shared>> -> memref<1024xi32, #tpu.memory_space<vmem_shared>>
    %dma_start3A_34 = arith.constant 0 : i32
    %dma_start3A_35 = tpu.memref_slice %arg12[%dma_start3A_34] : memref<16384xi32, #tpu.memory_space<vmem>> -> memref<1024xi32, #tpu.memory_space<vmem>>
    %dma_start3A_36 = tpu.memref_slice %arg5[%dma_start3A_29, %mul3A_28] : memref<16x16384xi32, #tpu.memory_space<vmem_shared>> -> memref<1x1024xi32, #tpu.memory_space<vmem_shared>>
    %dma_start3A_37 = tpu.memref_squeeze %dma_start3A_36 : memref<1x1024xi32, #tpu.memory_space<vmem_shared>> -> memref<1024xi32, #tpu.memory_space<vmem_shared>>
    tpu.enqueue_dma source(%dma_start3A_37 : memref<1024xi32, #tpu.memory_space<vmem_shared>>) target(%dma_start3A_35 : memref<1024xi32, #tpu.memory_space<vmem>>) target_semaphore(%arg26 : memref<!tpu.dma_semaphore, #tpu.memory_space<semaphore_mem>>)
    %mul3A_38 = arith.constant 1024 : i32
    %mul3A_39 = arith.muli %mul3A_38, %arg1 : i32
    %dma_start3A_40 = arith.constant 1 : i32
    %dma_start3A_41 = arith.constant 1024 : i32
    %dma_start3A_42 = tpu.memref_slice %arg12[%dma_start3A_41] : memref<16384xi32, #tpu.memory_space<vmem>> -> memref<1024xi32, #tpu.memory_space<vmem>>
    %dma_start3A_43 = tpu.memref_slice %arg5[%dma_start3A_40, %mul3A_39] : memref<16x16384xi32, #tpu.memory_space<vmem_shared>> -> memref<1x1024xi32, #tpu.memory_space<vmem_shared>>
    %dma_start3A_44 = tpu.memref_squeeze %dma_start3A_43 : memref<1x1024xi32, #tpu.memory_space<vmem_shared>> -> memref<1024xi32, #tpu.memory_space<vmem_shared>>
    %dma_start3A_45 = arith.constant 1024 : i32
    %dma_start3A_46 = tpu.memref_slice %arg12[%dma_start3A_45] : memref<16384xi32, #tpu.memory_space<vmem>> -> memref<1024xi32, #tpu.memory_space<vmem>>
    %dma_start3A_47 = tpu.memref_slice %arg5[%dma_start3A_40, %mul3A_39] : memref<16x16384xi32, #tpu.memory_space<vmem_shared>> -> memref<1x1024xi32, #tpu.memory_space<vmem_shared>>
    %dma_start3A_48 = tpu.memref_squeeze %dma_start3A_47 : memref<1x1024xi32, #tpu.memory_space<vmem_shared>> -> memref<1024xi32, #tpu.memory_space<vmem_shared>>
    tpu.enqueue_dma source(%dma_start3A_48 : memref<1024xi32, #tpu.memory_space<vmem_shared>>) target(%dma_start3A_46 : memref<1024xi32, #tpu.memory_space<vmem>>) target_semaphore(%arg26 : memref<!tpu.dma_semaphore, #tpu.memory_space<semaphore_mem>>)
    %mul3A_49 = arith.constant 1024 : i32
    %mul3A_50 = arith.muli %mul3A_49, %arg1 : i32
    %dma_start3A_51 = arith.constant 2 : i32
    %dma_start3A_52 = arith.constant 2048 : i32
    %dma_start3A_53 = tpu.memref_slice %arg12[%dma_start3A_52] : memref<16384xi32, #tpu.memory_space<vmem>> -> memref<1024xi32, #tpu.memory_space<vmem>>
    %dma_start3A_54 = tpu.memref_slice %arg5[%dma_start3A_51, %mul3A_50] : memref<16x16384xi32, #tpu.memory_space<vmem_shared>> -> memref<1x1024xi32, #tpu.memory_space<vmem_shared>>
    %dma_start3A_55 = tpu.memref_squeeze %dma_start3A_54 : memref<1x1024xi32, #tpu.memory_space<vmem_shared>> -> memref<1024xi32, #tpu.memory_space<vmem_shared>>
    %dma_start3A_56 = arith.constant 2048 : i32
    %dma_start3A_57 = tpu.memref_slice %arg12[%dma_start3A_56] : memref<16384xi32, #tpu.memory_space<vmem>> -> memref<1024xi32, #tpu.memory_space<vmem>>
    %dma_start3A_58 = tpu.memref_slice %arg5[%dma_start3A_51, %mul3A_50] : memref<16x16384xi32, #tpu.memory_space<vmem_shared>> -> memref<1x1024xi32, #tpu.memory_space<vmem_shared>>
    %dma_start3A_59 = tpu.memref_squeeze %dma_start3A_58 : memref<1x1024xi32, #tpu.memory_space<vmem_shared>> -> memref<1024xi32, #tpu.memory_space<vmem_shared>>
    tpu.enqueue_dma source(%dma_start3A_59 : memref<1024xi32, #tpu.memory_space<vmem_shared>>) target(%dma_start3A_57 : memref<1024xi32, #tpu.memory_space<vmem>>) target_semaphore(%arg26 : memref<!tpu.dma_semaphore, #tpu.memory_space<semaphore_mem>>)
    %mul3A_60 = arith.constant 1024 : i32
    %mul3A_61 = arith.muli %mul3A_60, %arg1 : i32
    %dma_start3A_62 = arith.constant 3 : i32
    %dma_start3A_63 = arith.constant 3072 : i32
    %dma_start3A_64 = tpu.memref_slice %arg12[%dma_start3A_63] : memref<16384xi32, #tpu.memory_space<vmem>> -> memref<1024xi32, #tpu.memory_space<vmem>>
    %dma_start3A_65 = tpu.memref_slice %arg5[%dma_start3A_62, %mul3A_61] : memref<16x16384xi32, #tpu.memory_space<vmem_shared>> -> memref<1x1024xi32, #tpu.memory_space<vmem_shared>>
    %dma_start3A_66 = tpu.memref_squeeze %dma_start3A_65 : memref<1x1024xi32, #tpu.memory_space<vmem_shared>> -> memref<1024xi32, #tpu.memory_space<vmem_shared>>
    %dma_start3A_67 = arith.constant 3072 : i32
    %dma_start3A_68 = tpu.memref_slice %arg12[%dma_start3A_67] : memref<16384xi32, #tpu.memory_space<vmem>> -> memref<1024xi32, #tpu.memory_space<vmem>>
    %dma_start3A_69 = tpu.memref_slice %arg5[%dma_start3A_62, %mul3A_61] : memref<16x16384xi32, #tpu.memory_space<vmem_shared>> -> memref<1x1024xi32, #tpu.memory_space<vmem_shared>>
    %dma_start3A_70 = tpu.memref_squeeze %dma_start3A_69 : memref<1x1024xi32, #tpu.memory_space<vmem_shared>> -> memref<1024xi32, #tpu.memory_space<vmem_shared>>
    tpu.enqueue_dma source(%dma_start3A_70 : memref<1024xi32, #tpu.memory_space<vmem_shared>>) target(%dma_start3A_68 : memref<1024xi32, #tpu.memory_space<vmem>>) target_semaphore(%arg26 : memref<!tpu.dma_semaphore, #tpu.memory_space<semaphore_mem>>)
    %mul3A_71 = arith.constant 1024 : i32
    %mul3A_72 = arith.muli %mul3A_71, %arg1 : i32
    %dma_start3A_73 = arith.constant 4 : i32
    %dma_start3A_74 = arith.constant 4096 : i32
    %dma_start3A_75 = tpu.memref_slice %arg12[%dma_start3A_74] : memref<16384xi32, #tpu.memory_space<vmem>> -> memref<1024xi32, #tpu.memory_space<vmem>>
    %dma_start3A_76 = tpu.memref_slice %arg5[%dma_start3A_73, %mul3A_72] : memref<16x16384xi32, #tpu.memory_space<vmem_shared>> -> memref<1x1024xi32, #tpu.memory_space<vmem_shared>>
    %dma_start3A_77 = tpu.memref_squeeze %dma_start3A_76 : memref<1x1024xi32, #tpu.memory_space<vmem_shared>> -> memref<1024xi32, #tpu.memory_space<vmem_shared>>
    %dma_start3A_78 = arith.constant 4096 : i32
    %dma_start3A_79 = tpu.memref_slice %arg12[%dma_start3A_78] : memref<16384xi32, #tpu.memory_space<vmem>> -> memref<1024xi32, #tpu.memory_space<vmem>>
    %dma_start3A_80 = tpu.memref_slice %arg5[%dma_start3A_73, %mul3A_72] : memref<16x16384xi32, #tpu.memory_space<vmem_shared>> -> memref<1x1024xi32, #tpu.memory_space<vmem_shared>>
    %dma_start3A_81 = tpu.memref_squeeze %dma_start3A_80 : memref<1x1024xi32, #tpu.memory_space<vmem_shared>> -> memref<1024xi32, #tpu.memory_space<vmem_shared>>
    tpu.enqueue_dma source(%dma_start3A_81 : memref<1024xi32, #tpu.memory_space<vmem_shared>>) target(%dma_start3A_79 : memref<1024xi32, #tpu.memory_space<vmem>>) target_semaphore(%arg26 : memref<!tpu.dma_semaphore, #tpu.memory_space<semaphore_mem>>)
    %mul3A_82 = arith.constant 1024 : i32
    %mul3A_83 = arith.muli %mul3A_82, %arg1 : i32
    %dma_start3A_84 = arith.constant 5 : i32
    %dma_start3A_85 = arith.constant 5120 : i32
    %dma_start3A_86 = tpu.memref_slice %arg12[%dma_start3A_85] : memref<16384xi32, #tpu.memory_space<vmem>> -> memref<1024xi32, #tpu.memory_space<vmem>>
    %dma_start3A_87 = tpu.memref_slice %arg5[%dma_start3A_84, %mul3A_83] : memref<16x16384xi32, #tpu.memory_space<vmem_shared>> -> memref<1x1024xi32, #tpu.memory_space<vmem_shared>>
    %dma_start3A_88 = tpu.memref_squeeze %dma_start3A_87 : memref<1x1024xi32, #tpu.memory_space<vmem_shared>> -> memref<1024xi32, #tpu.memory_space<vmem_shared>>
    %dma_start3A_89 = arith.constant 5120 : i32
    %dma_start3A_90 = tpu.memref_slice %arg12[%dma_start3A_89] : memref<16384xi32, #tpu.memory_space<vmem>> -> memref<1024xi32, #tpu.memory_space<vmem>>
    %dma_start3A_91 = tpu.memref_slice %arg5[%dma_start3A_84, %mul3A_83] : memref<16x16384xi32, #tpu.memory_space<vmem_shared>> -> memref<1x1024xi32, #tpu.memory_space<vmem_shared>>
    %dma_start3A_92 = tpu.memref_squeeze %dma_start3A_91 : memref<1x1024xi32, #tpu.memory_space<vmem_shared>> -> memref<1024xi32, #tpu.memory_space<vmem_shared>>
    tpu.enqueue_dma source(%dma_start3A_92 : memref<1024xi32, #tpu.memory_space<vmem_shared>>) target(%dma_start3A_90 : memref<1024xi32, #tpu.memory_space<vmem>>) target_semaphore(%arg26 : memref<!tpu.dma_semaphore, #tpu.memory_space<semaphore_mem>>)
    %mul3A_93 = arith.constant 1024 : i32
    %mul3A_94 = arith.muli %mul3A_93, %arg1 : i32
    %dma_start3A_95 = arith.constant 6 : i32
    %dma_start3A_96 = arith.constant 6144 : i32
    %dma_start3A_97 = tpu.memref_slice %arg12[%dma_start3A_96] : memref<16384xi32, #tpu.memory_space<vmem>> -> memref<1024xi32, #tpu.memory_space<vmem>>
    %dma_start3A_98 = tpu.memref_slice %arg5[%dma_start3A_95, %mul3A_94] : memref<16x16384xi32, #tpu.memory_space<vmem_shared>> -> memref<1x1024xi32, #tpu.memory_space<vmem_shared>>
    %dma_start3A_99 = tpu.memref_squeeze %dma_start3A_98 : memref<1x1024xi32, #tpu.memory_space<vmem_shared>> -> memref<1024xi32, #tpu.memory_space<vmem_shared>>
    %dma_start3A_100 = arith.constant 6144 : i32
    %dma_start3A_101 = tpu.memref_slice %arg12[%dma_start3A_100] : memref<16384xi32, #tpu.memory_space<vmem>> -> memref<1024xi32, #tpu.memory_space<vmem>>
    %dma_start3A_102 = tpu.memref_slice %arg5[%dma_start3A_95, %mul3A_94] : memref<16x16384xi32, #tpu.memory_space<vmem_shared>> -> memref<1x1024xi32, #tpu.memory_space<vmem_shared>>
    %dma_start3A_103 = tpu.memref_squeeze %dma_start3A_102 : memref<1x1024xi32, #tpu.memory_space<vmem_shared>> -> memref<1024xi32, #tpu.memory_space<vmem_shared>>
    tpu.enqueue_dma source(%dma_start3A_103 : memref<1024xi32, #tpu.memory_space<vmem_shared>>) target(%dma_start3A_101 : memref<1024xi32, #tpu.memory_space<vmem>>) target_semaphore(%arg26 : memref<!tpu.dma_semaphore, #tpu.memory_space<semaphore_mem>>)
    %mul3A_104 = arith.constant 1024 : i32
    %mul3A_105 = arith.muli %mul3A_104, %arg1 : i32
    %dma_start3A_106 = arith.constant 7 : i32
    %dma_start3A_107 = arith.constant 7168 : i32
    %dma_start3A_108 = tpu.memref_slice %arg12[%dma_start3A_107] : memref<16384xi32, #tpu.memory_space<vmem>> -> memref<1024xi32, #tpu.memory_space<vmem>>
    %dma_start3A_109 = tpu.memref_slice %arg5[%dma_start3A_106, %mul3A_105] : memref<16x16384xi32, #tpu.memory_space<vmem_shared>> -> memref<1x1024xi32, #tpu.memory_space<vmem_shared>>
    %dma_start3A_110 = tpu.memref_squeeze %dma_start3A_109 : memref<1x1024xi32, #tpu.memory_space<vmem_shared>> -> memref<1024xi32, #tpu.memory_space<vmem_shared>>
    %dma_start3A_111 = arith.constant 7168 : i32
    %dma_start3A_112 = tpu.memref_slice %arg12[%dma_start3A_111] : memref<16384xi32, #tpu.memory_space<vmem>> -> memref<1024xi32, #tpu.memory_space<vmem>>
    %dma_start3A_113 = tpu.memref_slice %arg5[%dma_start3A_106, %mul3A_105] : memref<16x16384xi32, #tpu.memory_space<vmem_shared>> -> memref<1x1024xi32, #tpu.memory_space<vmem_shared>>
    %dma_start3A_114 = tpu.memref_squeeze %dma_start3A_113 : memref<1x1024xi32, #tpu.memory_space<vmem_shared>> -> memref<1024xi32, #tpu.memory_space<vmem_shared>>
    tpu.enqueue_dma source(%dma_start3A_114 : memref<1024xi32, #tpu.memory_space<vmem_shared>>) target(%dma_start3A_112 : memref<1024xi32, #tpu.memory_space<vmem>>) target_semaphore(%arg26 : memref<!tpu.dma_semaphore, #tpu.memory_space<semaphore_mem>>)
    %mul3A_115 = arith.constant 1024 : i32
    %mul3A_116 = arith.muli %mul3A_115, %arg1 : i32
    %dma_start3A_117 = arith.constant 8 : i32
    %dma_start3A_118 = arith.constant 8192 : i32
    %dma_start3A_119 = tpu.memref_slice %arg12[%dma_start3A_118] : memref<16384xi32, #tpu.memory_space<vmem>> -> memref<1024xi32, #tpu.memory_space<vmem>>
    %dma_start3A_120 = tpu.memref_slice %arg5[%dma_start3A_117, %mul3A_116] : memref<16x16384xi32, #tpu.memory_space<vmem_shared>> -> memref<1x1024xi32, #tpu.memory_space<vmem_shared>>
    %dma_start3A_121 = tpu.memref_squeeze %dma_start3A_120 : memref<1x1024xi32, #tpu.memory_space<vmem_shared>> -> memref<1024xi32, #tpu.memory_space<vmem_shared>>
    %dma_start3A_122 = arith.constant 8192 : i32
    %dma_start3A_123 = tpu.memref_slice %arg12[%dma_start3A_122] : memref<16384xi32, #tpu.memory_space<vmem>> -> memref<1024xi32, #tpu.memory_space<vmem>>
    %dma_start3A_124 = tpu.memref_slice %arg5[%dma_start3A_117, %mul3A_116] : memref<16x16384xi32, #tpu.memory_space<vmem_shared>> -> memref<1x1024xi32, #tpu.memory_space<vmem_shared>>
    %dma_start3A_125 = tpu.memref_squeeze %dma_start3A_124 : memref<1x1024xi32, #tpu.memory_space<vmem_shared>> -> memref<1024xi32, #tpu.memory_space<vmem_shared>>
    tpu.enqueue_dma source(%dma_start3A_125 : memref<1024xi32, #tpu.memory_space<vmem_shared>>) target(%dma_start3A_123 : memref<1024xi32, #tpu.memory_space<vmem>>) target_semaphore(%arg26 : memref<!tpu.dma_semaphore, #tpu.memory_space<semaphore_mem>>)
    %mul3A_126 = arith.constant 1024 : i32
    %mul3A_127 = arith.muli %mul3A_126, %arg1 : i32
    %dma_start3A_128 = arith.constant 9 : i32
    %dma_start3A_129 = arith.constant 9216 : i32
    %dma_start3A_130 = tpu.memref_slice %arg12[%dma_start3A_129] : memref<16384xi32, #tpu.memory_space<vmem>> -> memref<1024xi32, #tpu.memory_space<vmem>>
    %dma_start3A_131 = tpu.memref_slice %arg5[%dma_start3A_128, %mul3A_127] : memref<16x16384xi32, #tpu.memory_space<vmem_shared>> -> memref<1x1024xi32, #tpu.memory_space<vmem_shared>>
    %dma_start3A_132 = tpu.memref_squeeze %dma_start3A_131 : memref<1x1024xi32, #tpu.memory_space<vmem_shared>> -> memref<1024xi32, #tpu.memory_space<vmem_shared>>
    %dma_start3A_133 = arith.constant 9216 : i32
    %dma_start3A_134 = tpu.memref_slice %arg12[%dma_start3A_133] : memref<16384xi32, #tpu.memory_space<vmem>> -> memref<1024xi32, #tpu.memory_space<vmem>>
    %dma_start3A_135 = tpu.memref_slice %arg5[%dma_start3A_128, %mul3A_127] : memref<16x16384xi32, #tpu.memory_space<vmem_shared>> -> memref<1x1024xi32, #tpu.memory_space<vmem_shared>>
    %dma_start3A_136 = tpu.memref_squeeze %dma_start3A_135 : memref<1x1024xi32, #tpu.memory_space<vmem_shared>> -> memref<1024xi32, #tpu.memory_space<vmem_shared>>
    tpu.enqueue_dma source(%dma_start3A_136 : memref<1024xi32, #tpu.memory_space<vmem_shared>>) target(%dma_start3A_134 : memref<1024xi32, #tpu.memory_space<vmem>>) target_semaphore(%arg26 : memref<!tpu.dma_semaphore, #tpu.memory_space<semaphore_mem>>)
    %mul3A_137 = arith.constant 1024 : i32
    %mul3A_138 = arith.muli %mul3A_137, %arg1 : i32
    %dma_start3A_139 = arith.constant 10 : i32
    %dma_start3A_140 = arith.constant 10240 : i32
    %dma_start3A_141 = tpu.memref_slice %arg12[%dma_start3A_140] : memref<16384xi32, #tpu.memory_space<vmem>> -> memref<1024xi32, #tpu.memory_space<vmem>>
    %dma_start3A_142 = tpu.memref_slice %arg5[%dma_start3A_139, %mul3A_138] : memref<16x16384xi32, #tpu.memory_space<vmem_shared>> -> memref<1x1024xi32, #tpu.memory_space<vmem_shared>>
    %dma_start3A_143 = tpu.memref_squeeze %dma_start3A_142 : memref<1x1024xi32, #tpu.memory_space<vmem_shared>> -> memref<1024xi32, #tpu.memory_space<vmem_shared>>
    %dma_start3A_144 = arith.constant 10240 : i32
    %dma_start3A_145 = tpu.memref_slice %arg12[%dma_start3A_144] : memref<16384xi32, #tpu.memory_space<vmem>> -> memref<1024xi32, #tpu.memory_space<vmem>>
    %dma_start3A_146 = tpu.memref_slice %arg5[%dma_start3A_139, %mul3A_138] : memref<16x16384xi32, #tpu.memory_space<vmem_shared>> -> memref<1x1024xi32, #tpu.memory_space<vmem_shared>>
    %dma_start3A_147 = tpu.memref_squeeze %dma_start3A_146 : memref<1x1024xi32, #tpu.memory_space<vmem_shared>> -> memref<1024xi32, #tpu.memory_space<vmem_shared>>
    tpu.enqueue_dma source(%dma_start3A_147 : memref<1024xi32, #tpu.memory_space<vmem_shared>>) target(%dma_start3A_145 : memref<1024xi32, #tpu.memory_space<vmem>>) target_semaphore(%arg26 : memref<!tpu.dma_semaphore, #tpu.memory_space<semaphore_mem>>)
    %mul3A_148 = arith.constant 1024 : i32
    %mul3A_149 = arith.muli %mul3A_148, %arg1 : i32
    %dma_start3A_150 = arith.constant 11 : i32
    %dma_start3A_151 = arith.constant 11264 : i32
    %dma_start3A_152 = tpu.memref_slice %arg12[%dma_start3A_151] : memref<16384xi32, #tpu.memory_space<vmem>> -> memref<1024xi32, #tpu.memory_space<vmem>>
    %dma_start3A_153 = tpu.memref_slice %arg5[%dma_start3A_150, %mul3A_149] : memref<16x16384xi32, #tpu.memory_space<vmem_shared>> -> memref<1x1024xi32, #tpu.memory_space<vmem_shared>>
    %dma_start3A_154 = tpu.memref_squeeze %dma_start3A_153 : memref<1x1024xi32, #tpu.memory_space<vmem_shared>> -> memref<1024xi32, #tpu.memory_space<vmem_shared>>
    %dma_start3A_155 = arith.constant 11264 : i32
    %dma_start3A_156 = tpu.memref_slice %arg12[%dma_start3A_155] : memref<16384xi32, #tpu.memory_space<vmem>> -> memref<1024xi32, #tpu.memory_space<vmem>>
    %dma_start3A_157 = tpu.memref_slice %arg5[%dma_start3A_150, %mul3A_149] : memref<16x16384xi32, #tpu.memory_space<vmem_shared>> -> memref<1x1024xi32, #tpu.memory_space<vmem_shared>>
    %dma_start3A_158 = tpu.memref_squeeze %dma_start3A_157 : memref<1x1024xi32, #tpu.memory_space<vmem_shared>> -> memref<1024xi32, #tpu.memory_space<vmem_shared>>
    tpu.enqueue_dma source(%dma_start3A_158 : memref<1024xi32, #tpu.memory_space<vmem_shared>>) target(%dma_start3A_156 : memref<1024xi32, #tpu.memory_space<vmem>>) target_semaphore(%arg26 : memref<!tpu.dma_semaphore, #tpu.memory_space<semaphore_mem>>)
    %mul3A_159 = arith.constant 1024 : i32
    %mul3A_160 = arith.muli %mul3A_159, %arg1 : i32
    %dma_start3A_161 = arith.constant 12 : i32
    %dma_start3A_162 = arith.constant 12288 : i32
    %dma_start3A_163 = tpu.memref_slice %arg12[%dma_start3A_162] : memref<16384xi32, #tpu.memory_space<vmem>> -> memref<1024xi32, #tpu.memory_space<vmem>>
    %dma_start3A_164 = tpu.memref_slice %arg5[%dma_start3A_161, %mul3A_160] : memref<16x16384xi32, #tpu.memory_space<vmem_shared>> -> memref<1x1024xi32, #tpu.memory_space<vmem_shared>>
    %dma_start3A_165 = tpu.memref_squeeze %dma_start3A_164 : memref<1x1024xi32, #tpu.memory_space<vmem_shared>> -> memref<1024xi32, #tpu.memory_space<vmem_shared>>
    %dma_start3A_166 = arith.constant 12288 : i32
    %dma_start3A_167 = tpu.memref_slice %arg12[%dma_start3A_166] : memref<16384xi32, #tpu.memory_space<vmem>> -> memref<1024xi32, #tpu.memory_space<vmem>>
    %dma_start3A_168 = tpu.memref_slice %arg5[%dma_start3A_161, %mul3A_160] : memref<16x16384xi32, #tpu.memory_space<vmem_shared>> -> memref<1x1024xi32, #tpu.memory_space<vmem_shared>>
    %dma_start3A_169 = tpu.memref_squeeze %dma_start3A_168 : memref<1x1024xi32, #tpu.memory_space<vmem_shared>> -> memref<1024xi32, #tpu.memory_space<vmem_shared>>
    tpu.enqueue_dma source(%dma_start3A_169 : memref<1024xi32, #tpu.memory_space<vmem_shared>>) target(%dma_start3A_167 : memref<1024xi32, #tpu.memory_space<vmem>>) target_semaphore(%arg26 : memref<!tpu.dma_semaphore, #tpu.memory_space<semaphore_mem>>)
    %mul3A_170 = arith.constant 1024 : i32
    %mul3A_171 = arith.muli %mul3A_170, %arg1 : i32
    %dma_start3A_172 = arith.constant 13 : i32
    %dma_start3A_173 = arith.constant 13312 : i32
    %dma_start3A_174 = tpu.memref_slice %arg12[%dma_start3A_173] : memref<16384xi32, #tpu.memory_space<vmem>> -> memref<1024xi32, #tpu.memory_space<vmem>>
    %dma_start3A_175 = tpu.memref_slice %arg5[%dma_start3A_172, %mul3A_171] : memref<16x16384xi32, #tpu.memory_space<vmem_shared>> -> memref<1x1024xi32, #tpu.memory_space<vmem_shared>>
    %dma_start3A_176 = tpu.memref_squeeze %dma_start3A_175 : memref<1x1024xi32, #tpu.memory_space<vmem_shared>> -> memref<1024xi32, #tpu.memory_space<vmem_shared>>
    %dma_start3A_177 = arith.constant 13312 : i32
    %dma_start3A_178 = tpu.memref_slice %arg12[%dma_start3A_177] : memref<16384xi32, #tpu.memory_space<vmem>> -> memref<1024xi32, #tpu.memory_space<vmem>>
    %dma_start3A_179 = tpu.memref_slice %arg5[%dma_start3A_172, %mul3A_171] : memref<16x16384xi32, #tpu.memory_space<vmem_shared>> -> memref<1x1024xi32, #tpu.memory_space<vmem_shared>>
    %dma_start3A_180 = tpu.memref_squeeze %dma_start3A_179 : memref<1x1024xi32, #tpu.memory_space<vmem_shared>> -> memref<1024xi32, #tpu.memory_space<vmem_shared>>
    tpu.enqueue_dma source(%dma_start3A_180 : memref<1024xi32, #tpu.memory_space<vmem_shared>>) target(%dma_start3A_178 : memref<1024xi32, #tpu.memory_space<vmem>>) target_semaphore(%arg26 : memref<!tpu.dma_semaphore, #tpu.memory_space<semaphore_mem>>)
    %mul3A_181 = arith.constant 1024 : i32
    %mul3A_182 = arith.muli %mul3A_181, %arg1 : i32
    %dma_start3A_183 = arith.constant 14 : i32
    %dma_start3A_184 = arith.constant 14336 : i32
    %dma_start3A_185 = tpu.memref_slice %arg12[%dma_start3A_184] : memref<16384xi32, #tpu.memory_space<vmem>> -> memref<1024xi32, #tpu.memory_space<vmem>>
    %dma_start3A_186 = tpu.memref_slice %arg5[%dma_start3A_183, %mul3A_182] : memref<16x16384xi32, #tpu.memory_space<vmem_shared>> -> memref<1x1024xi32, #tpu.memory_space<vmem_shared>>
    %dma_start3A_187 = tpu.memref_squeeze %dma_start3A_186 : memref<1x1024xi32, #tpu.memory_space<vmem_shared>> -> memref<1024xi32, #tpu.memory_space<vmem_shared>>
    %dma_start3A_188 = arith.constant 14336 : i32
    %dma_start3A_189 = tpu.memref_slice %arg12[%dma_start3A_188] : memref<16384xi32, #tpu.memory_space<vmem>> -> memref<1024xi32, #tpu.memory_space<vmem>>
    %dma_start3A_190 = tpu.memref_slice %arg5[%dma_start3A_183, %mul3A_182] : memref<16x16384xi32, #tpu.memory_space<vmem_shared>> -> memref<1x1024xi32, #tpu.memory_space<vmem_shared>>
    %dma_start3A_191 = tpu.memref_squeeze %dma_start3A_190 : memref<1x1024xi32, #tpu.memory_space<vmem_shared>> -> memref<1024xi32, #tpu.memory_space<vmem_shared>>
    tpu.enqueue_dma source(%dma_start3A_191 : memref<1024xi32, #tpu.memory_space<vmem_shared>>) target(%dma_start3A_189 : memref<1024xi32, #tpu.memory_space<vmem>>) target_semaphore(%arg26 : memref<!tpu.dma_semaphore, #tpu.memory_space<semaphore_mem>>)
    %mul3A_192 = arith.constant 1024 : i32
    %mul3A_193 = arith.muli %mul3A_192, %arg1 : i32
    %dma_start3A_194 = arith.constant 15 : i32
    %dma_start3A_195 = arith.constant 15360 : i32
    %dma_start3A_196 = tpu.memref_slice %arg12[%dma_start3A_195] : memref<16384xi32, #tpu.memory_space<vmem>> -> memref<1024xi32, #tpu.memory_space<vmem>>
    %dma_start3A_197 = tpu.memref_slice %arg5[%dma_start3A_194, %mul3A_193] : memref<16x16384xi32, #tpu.memory_space<vmem_shared>> -> memref<1x1024xi32, #tpu.memory_space<vmem_shared>>
    %dma_start3A_198 = tpu.memref_squeeze %dma_start3A_197 : memref<1x1024xi32, #tpu.memory_space<vmem_shared>> -> memref<1024xi32, #tpu.memory_space<vmem_shared>>
    %dma_start3A_199 = arith.constant 15360 : i32
    %dma_start3A_200 = tpu.memref_slice %arg12[%dma_start3A_199] : memref<16384xi32, #tpu.memory_space<vmem>> -> memref<1024xi32, #tpu.memory_space<vmem>>
    %dma_start3A_201 = tpu.memref_slice %arg5[%dma_start3A_194, %mul3A_193] : memref<16x16384xi32, #tpu.memory_space<vmem_shared>> -> memref<1x1024xi32, #tpu.memory_space<vmem_shared>>
    %dma_start3A_202 = tpu.memref_squeeze %dma_start3A_201 : memref<1x1024xi32, #tpu.memory_space<vmem_shared>> -> memref<1024xi32, #tpu.memory_space<vmem_shared>>
    tpu.enqueue_dma source(%dma_start3A_202 : memref<1024xi32, #tpu.memory_space<vmem_shared>>) target(%dma_start3A_200 : memref<1024xi32, #tpu.memory_space<vmem>>) target_semaphore(%arg26 : memref<!tpu.dma_semaphore, #tpu.memory_space<semaphore_mem>>)
    %mul3A_203 = arith.constant 1024 : i32
    %mul3A_204 = arith.muli %mul3A_203, %arg1 : i32
    %dma_wait3A_205 = arith.constant 0 : i32
    %dma_wait3A_206 = arith.constant 0 : i32
    %dma_wait3A_207 = tpu.memref_slice %arg12[%dma_wait3A_206] : memref<16384xi32, #tpu.memory_space<vmem>> -> memref<1024xi32, #tpu.memory_space<vmem>>
    %dma_wait3A_208 = tpu.memref_slice %arg5[%dma_wait3A_205, %mul3A_204] : memref<16x16384xi32, #tpu.memory_space<vmem_shared>> -> memref<1x1024xi32, #tpu.memory_space<vmem_shared>>
    %dma_wait3A_209 = tpu.memref_squeeze %dma_wait3A_208 : memref<1x1024xi32, #tpu.memory_space<vmem_shared>> -> memref<1024xi32, #tpu.memory_space<vmem_shared>>
    %dma_wait3A_210 = arith.constant 0 : i32
    %dma_wait3A_211 = tpu.memref_slice %arg12[%dma_wait3A_210] : memref<16384xi32, #tpu.memory_space<vmem>> -> memref<1024xi32, #tpu.memory_space<vmem>>
    %dma_wait3A_212 = tpu.memref_slice %arg5[%dma_wait3A_205, %mul3A_204] : memref<16x16384xi32, #tpu.memory_space<vmem_shared>> -> memref<1x1024xi32, #tpu.memory_space<vmem_shared>>
    %dma_wait3A_213 = tpu.memref_squeeze %dma_wait3A_212 : memref<1x1024xi32, #tpu.memory_space<vmem_shared>> -> memref<1024xi32, #tpu.memory_space<vmem_shared>>
    tpu.wait_dma2 semaphore(%arg26 : memref<!tpu.dma_semaphore, #tpu.memory_space<semaphore_mem>>) src(%dma_wait3A_213 : memref<1024xi32, #tpu.memory_space<vmem_shared>>) dst(%dma_wait3A_211 : memref<1024xi32, #tpu.memory_space<vmem>>)
    %mul3A_214 = arith.constant 1024 : i32
    %mul3A_215 = arith.muli %mul3A_214, %arg1 : i32
    %dma_wait3A_216 = arith.constant 1 : i32
    %dma_wait3A_217 = arith.constant 1024 : i32
    %dma_wait3A_218 = tpu.memref_slice %arg12[%dma_wait3A_217] : memref<16384xi32, #tpu.memory_space<vmem>> -> memref<1024xi32, #tpu.memory_space<vmem>>
    %dma_wait3A_219 = tpu.memref_slice %arg5[%dma_wait3A_216, %mul3A_215] : memref<16x16384xi32, #tpu.memory_space<vmem_shared>> -> memref<1x1024xi32, #tpu.memory_space<vmem_shared>>
    %dma_wait3A_220 = tpu.memref_squeeze %dma_wait3A_219 : memref<1x1024xi32, #tpu.memory_space<vmem_shared>> -> memref<1024xi32, #tpu.memory_space<vmem_shared>>
    %dma_wait3A_221 = arith.constant 1024 : i32
    %dma_wait3A_222 = tpu.memref_slice %arg12[%dma_wait3A_221] : memref<16384xi32, #tpu.memory_space<vmem>> -> memref<1024xi32, #tpu.memory_space<vmem>>
    %dma_wait3A_223 = tpu.memref_slice %arg5[%dma_wait3A_216, %mul3A_215] : memref<16x16384xi32, #tpu.memory_space<vmem_shared>> -> memref<1x1024xi32, #tpu.memory_space<vmem_shared>>
    %dma_wait3A_224 = tpu.memref_squeeze %dma_wait3A_223 : memref<1x1024xi32, #tpu.memory_space<vmem_shared>> -> memref<1024xi32, #tpu.memory_space<vmem_shared>>
    tpu.wait_dma2 semaphore(%arg26 : memref<!tpu.dma_semaphore, #tpu.memory_space<semaphore_mem>>) src(%dma_wait3A_224 : memref<1024xi32, #tpu.memory_space<vmem_shared>>) dst(%dma_wait3A_222 : memref<1024xi32, #tpu.memory_space<vmem>>)
    %mul3A_225 = arith.constant 1024 : i32
    %mul3A_226 = arith.muli %mul3A_225, %arg1 : i32
    %dma_wait3A_227 = arith.constant 2 : i32
    %dma_wait3A_228 = arith.constant 2048 : i32
    %dma_wait3A_229 = tpu.memref_slice %arg12[%dma_wait3A_228] : memref<16384xi32, #tpu.memory_space<vmem>> -> memref<1024xi32, #tpu.memory_space<vmem>>
    %dma_wait3A_230 = tpu.memref_slice %arg5[%dma_wait3A_227, %mul3A_226] : memref<16x16384xi32, #tpu.memory_space<vmem_shared>> -> memref<1x1024xi32, #tpu.memory_space<vmem_shared>>
    %dma_wait3A_231 = tpu.memref_squeeze %dma_wait3A_230 : memref<1x1024xi32, #tpu.memory_space<vmem_shared>> -> memref<1024xi32, #tpu.memory_space<vmem_shared>>
    %dma_wait3A_232 = arith.constant 2048 : i32
    %dma_wait3A_233 = tpu.memref_slice %arg12[%dma_wait3A_232] : memref<16384xi32, #tpu.memory_space<vmem>> -> memref<1024xi32, #tpu.memory_space<vmem>>
    %dma_wait3A_234 = tpu.memref_slice %arg5[%dma_wait3A_227, %mul3A_226] : memref<16x16384xi32, #tpu.memory_space<vmem_shared>> -> memref<1x1024xi32, #tpu.memory_space<vmem_shared>>
    %dma_wait3A_235 = tpu.memref_squeeze %dma_wait3A_234 : memref<1x1024xi32, #tpu.memory_space<vmem_shared>> -> memref<1024xi32, #tpu.memory_space<vmem_shared>>
    tpu.wait_dma2 semaphore(%arg26 : memref<!tpu.dma_semaphore, #tpu.memory_space<semaphore_mem>>) src(%dma_wait3A_235 : memref<1024xi32, #tpu.memory_space<vmem_shared>>) dst(%dma_wait3A_233 : memref<1024xi32, #tpu.memory_space<vmem>>)
    %mul3A_236 = arith.constant 1024 : i32
    %mul3A_237 = arith.muli %mul3A_236, %arg1 : i32
    %dma_wait3A_238 = arith.constant 3 : i32
    %dma_wait3A_239 = arith.constant 3072 : i32
    %dma_wait3A_240 = tpu.memref_slice %arg12[%dma_wait3A_239] : memref<16384xi32, #tpu.memory_space<vmem>> -> memref<1024xi32, #tpu.memory_space<vmem>>
    %dma_wait3A_241 = tpu.memref_slice %arg5[%dma_wait3A_238, %mul3A_237] : memref<16x16384xi32, #tpu.memory_space<vmem_shared>> -> memref<1x1024xi32, #tpu.memory_space<vmem_shared>>
    %dma_wait3A_242 = tpu.memref_squeeze %dma_wait3A_241 : memref<1x1024xi32, #tpu.memory_space<vmem_shared>> -> memref<1024xi32, #tpu.memory_space<vmem_shared>>
    %dma_wait3A_243 = arith.constant 3072 : i32
    %dma_wait3A_244 = tpu.memref_slice %arg12[%dma_wait3A_243] : memref<16384xi32, #tpu.memory_space<vmem>> -> memref<1024xi32, #tpu.memory_space<vmem>>
    %dma_wait3A_245 = tpu.memref_slice %arg5[%dma_wait3A_238, %mul3A_237] : memref<16x16384xi32, #tpu.memory_space<vmem_shared>> -> memref<1x1024xi32, #tpu.memory_space<vmem_shared>>
    %dma_wait3A_246 = tpu.memref_squeeze %dma_wait3A_245 : memref<1x1024xi32, #tpu.memory_space<vmem_shared>> -> memref<1024xi32, #tpu.memory_space<vmem_shared>>
    tpu.wait_dma2 semaphore(%arg26 : memref<!tpu.dma_semaphore, #tpu.memory_space<semaphore_mem>>) src(%dma_wait3A_246 : memref<1024xi32, #tpu.memory_space<vmem_shared>>) dst(%dma_wait3A_244 : memref<1024xi32, #tpu.memory_space<vmem>>)
    %mul3A_247 = arith.constant 1024 : i32
    %mul3A_248 = arith.muli %mul3A_247, %arg1 : i32
    %dma_wait3A_249 = arith.constant 4 : i32
    %dma_wait3A_250 = arith.constant 4096 : i32
    %dma_wait3A_251 = tpu.memref_slice %arg12[%dma_wait3A_250] : memref<16384xi32, #tpu.memory_space<vmem>> -> memref<1024xi32, #tpu.memory_space<vmem>>
    %dma_wait3A_252 = tpu.memref_slice %arg5[%dma_wait3A_249, %mul3A_248] : memref<16x16384xi32, #tpu.memory_space<vmem_shared>> -> memref<1x1024xi32, #tpu.memory_space<vmem_shared>>
    %dma_wait3A_253 = tpu.memref_squeeze %dma_wait3A_252 : memref<1x1024xi32, #tpu.memory_space<vmem_shared>> -> memref<1024xi32, #tpu.memory_space<vmem_shared>>
    %dma_wait3A_254 = arith.constant 4096 : i32
    %dma_wait3A_255 = tpu.memref_slice %arg12[%dma_wait3A_254] : memref<16384xi32, #tpu.memory_space<vmem>> -> memref<1024xi32, #tpu.memory_space<vmem>>
    %dma_wait3A_256 = tpu.memref_slice %arg5[%dma_wait3A_249, %mul3A_248] : memref<16x16384xi32, #tpu.memory_space<vmem_shared>> -> memref<1x1024xi32, #tpu.memory_space<vmem_shared>>
    %dma_wait3A_257 = tpu.memref_squeeze %dma_wait3A_256 : memref<1x1024xi32, #tpu.memory_space<vmem_shared>> -> memref<1024xi32, #tpu.memory_space<vmem_shared>>
    tpu.wait_dma2 semaphore(%arg26 : memref<!tpu.dma_semaphore, #tpu.memory_space<semaphore_mem>>) src(%dma_wait3A_257 : memref<1024xi32, #tpu.memory_space<vmem_shared>>) dst(%dma_wait3A_255 : memref<1024xi32, #tpu.memory_space<vmem>>)
    %mul3A_258 = arith.constant 1024 : i32
    %mul3A_259 = arith.muli %mul3A_258, %arg1 : i32
    %dma_wait3A_260 = arith.constant 5 : i32
    %dma_wait3A_261 = arith.constant 5120 : i32
    %dma_wait3A_262 = tpu.memref_slice %arg12[%dma_wait3A_261] : memref<16384xi32, #tpu.memory_space<vmem>> -> memref<1024xi32, #tpu.memory_space<vmem>>
    %dma_wait3A_263 = tpu.memref_slice %arg5[%dma_wait3A_260, %mul3A_259] : memref<16x16384xi32, #tpu.memory_space<vmem_shared>> -> memref<1x1024xi32, #tpu.memory_space<vmem_shared>>
    %dma_wait3A_264 = tpu.memref_squeeze %dma_wait3A_263 : memref<1x1024xi32, #tpu.memory_space<vmem_shared>> -> memref<1024xi32, #tpu.memory_space<vmem_shared>>
    %dma_wait3A_265 = arith.constant 5120 : i32
    %dma_wait3A_266 = tpu.memref_slice %arg12[%dma_wait3A_265] : memref<16384xi32, #tpu.memory_space<vmem>> -> memref<1024xi32, #tpu.memory_space<vmem>>
    %dma_wait3A_267 = tpu.memref_slice %arg5[%dma_wait3A_260, %mul3A_259] : memref<16x16384xi32, #tpu.memory_space<vmem_shared>> -> memref<1x1024xi32, #tpu.memory_space<vmem_shared>>
    %dma_wait3A_268 = tpu.memref_squeeze %dma_wait3A_267 : memref<1x1024xi32, #tpu.memory_space<vmem_shared>> -> memref<1024xi32, #tpu.memory_space<vmem_shared>>
    tpu.wait_dma2 semaphore(%arg26 : memref<!tpu.dma_semaphore, #tpu.memory_space<semaphore_mem>>) src(%dma_wait3A_268 : memref<1024xi32, #tpu.memory_space<vmem_shared>>) dst(%dma_wait3A_266 : memref<1024xi32, #tpu.memory_space<vmem>>)
    %mul3A_269 = arith.constant 1024 : i32
    %mul3A_270 = arith.muli %mul3A_269, %arg1 : i32
    %dma_wait3A_271 = arith.constant 6 : i32
    %dma_wait3A_272 = arith.constant 6144 : i32
    %dma_wait3A_273 = tpu.memref_slice %arg12[%dma_wait3A_272] : memref<16384xi32, #tpu.memory_space<vmem>> -> memref<1024xi32, #tpu.memory_space<vmem>>
    %dma_wait3A_274 = tpu.memref_slice %arg5[%dma_wait3A_271, %mul3A_270] : memref<16x16384xi32, #tpu.memory_space<vmem_shared>> -> memref<1x1024xi32, #tpu.memory_space<vmem_shared>>
    %dma_wait3A_275 = tpu.memref_squeeze %dma_wait3A_274 : memref<1x1024xi32, #tpu.memory_space<vmem_shared>> -> memref<1024xi32, #tpu.memory_space<vmem_shared>>
    %dma_wait3A_276 = arith.constant 6144 : i32
    %dma_wait3A_277 = tpu.memref_slice %arg12[%dma_wait3A_276] : memref<16384xi32, #tpu.memory_space<vmem>> -> memref<1024xi32, #tpu.memory_space<vmem>>
    %dma_wait3A_278 = tpu.memref_slice %arg5[%dma_wait3A_271, %mul3A_270] : memref<16x16384xi32, #tpu.memory_space<vmem_shared>> -> memref<1x1024xi32, #tpu.memory_space<vmem_shared>>
    %dma_wait3A_279 = tpu.memref_squeeze %dma_wait3A_278 : memref<1x1024xi32, #tpu.memory_space<vmem_shared>> -> memref<1024xi32, #tpu.memory_space<vmem_shared>>
    tpu.wait_dma2 semaphore(%arg26 : memref<!tpu.dma_semaphore, #tpu.memory_space<semaphore_mem>>) src(%dma_wait3A_279 : memref<1024xi32, #tpu.memory_space<vmem_shared>>) dst(%dma_wait3A_277 : memref<1024xi32, #tpu.memory_space<vmem>>)
    %mul3A_280 = arith.constant 1024 : i32
    %mul3A_281 = arith.muli %mul3A_280, %arg1 : i32
    %dma_wait3A_282 = arith.constant 7 : i32
    %dma_wait3A_283 = arith.constant 7168 : i32
    %dma_wait3A_284 = tpu.memref_slice %arg12[%dma_wait3A_283] : memref<16384xi32, #tpu.memory_space<vmem>> -> memref<1024xi32, #tpu.memory_space<vmem>>
    %dma_wait3A_285 = tpu.memref_slice %arg5[%dma_wait3A_282, %mul3A_281] : memref<16x16384xi32, #tpu.memory_space<vmem_shared>> -> memref<1x1024xi32, #tpu.memory_space<vmem_shared>>
    %dma_wait3A_286 = tpu.memref_squeeze %dma_wait3A_285 : memref<1x1024xi32, #tpu.memory_space<vmem_shared>> -> memref<1024xi32, #tpu.memory_space<vmem_shared>>
    %dma_wait3A_287 = arith.constant 7168 : i32
    %dma_wait3A_288 = tpu.memref_slice %arg12[%dma_wait3A_287] : memref<16384xi32, #tpu.memory_space<vmem>> -> memref<1024xi32, #tpu.memory_space<vmem>>
    %dma_wait3A_289 = tpu.memref_slice %arg5[%dma_wait3A_282, %mul3A_281] : memref<16x16384xi32, #tpu.memory_space<vmem_shared>> -> memref<1x1024xi32, #tpu.memory_space<vmem_shared>>
    %dma_wait3A_290 = tpu.memref_squeeze %dma_wait3A_289 : memref<1x1024xi32, #tpu.memory_space<vmem_shared>> -> memref<1024xi32, #tpu.memory_space<vmem_shared>>
    tpu.wait_dma2 semaphore(%arg26 : memref<!tpu.dma_semaphore, #tpu.memory_space<semaphore_mem>>) src(%dma_wait3A_290 : memref<1024xi32, #tpu.memory_space<vmem_shared>>) dst(%dma_wait3A_288 : memref<1024xi32, #tpu.memory_space<vmem>>)
    %mul3A_291 = arith.constant 1024 : i32
    %mul3A_292 = arith.muli %mul3A_291, %arg1 : i32
    %dma_wait3A_293 = arith.constant 8 : i32
    %dma_wait3A_294 = arith.constant 8192 : i32
    %dma_wait3A_295 = tpu.memref_slice %arg12[%dma_wait3A_294] : memref<16384xi32, #tpu.memory_space<vmem>> -> memref<1024xi32, #tpu.memory_space<vmem>>
    %dma_wait3A_296 = tpu.memref_slice %arg5[%dma_wait3A_293, %mul3A_292] : memref<16x16384xi32, #tpu.memory_space<vmem_shared>> -> memref<1x1024xi32, #tpu.memory_space<vmem_shared>>
    %dma_wait3A_297 = tpu.memref_squeeze %dma_wait3A_296 : memref<1x1024xi32, #tpu.memory_space<vmem_shared>> -> memref<1024xi32, #tpu.memory_space<vmem_shared>>
    %dma_wait3A_298 = arith.constant 8192 : i32
    %dma_wait3A_299 = tpu.memref_slice %arg12[%dma_wait3A_298] : memref<16384xi32, #tpu.memory_space<vmem>> -> memref<1024xi32, #tpu.memory_space<vmem>>
    %dma_wait3A_300 = tpu.memref_slice %arg5[%dma_wait3A_293, %mul3A_292] : memref<16x16384xi32, #tpu.memory_space<vmem_shared>> -> memref<1x1024xi32, #tpu.memory_space<vmem_shared>>
    %dma_wait3A_301 = tpu.memref_squeeze %dma_wait3A_300 : memref<1x1024xi32, #tpu.memory_space<vmem_shared>> -> memref<1024xi32, #tpu.memory_space<vmem_shared>>
    tpu.wait_dma2 semaphore(%arg26 : memref<!tpu.dma_semaphore, #tpu.memory_space<semaphore_mem>>) src(%dma_wait3A_301 : memref<1024xi32, #tpu.memory_space<vmem_shared>>) dst(%dma_wait3A_299 : memref<1024xi32, #tpu.memory_space<vmem>>)
    %mul3A_302 = arith.constant 1024 : i32
    %mul3A_303 = arith.muli %mul3A_302, %arg1 : i32
    %dma_wait3A_304 = arith.constant 9 : i32
    %dma_wait3A_305 = arith.constant 9216 : i32
    %dma_wait3A_306 = tpu.memref_slice %arg12[%dma_wait3A_305] : memref<16384xi32, #tpu.memory_space<vmem>> -> memref<1024xi32, #tpu.memory_space<vmem>>
    %dma_wait3A_307 = tpu.memref_slice %arg5[%dma_wait3A_304, %mul3A_303] : memref<16x16384xi32, #tpu.memory_space<vmem_shared>> -> memref<1x1024xi32, #tpu.memory_space<vmem_shared>>
    %dma_wait3A_308 = tpu.memref_squeeze %dma_wait3A_307 : memref<1x1024xi32, #tpu.memory_space<vmem_shared>> -> memref<1024xi32, #tpu.memory_space<vmem_shared>>
    %dma_wait3A_309 = arith.constant 9216 : i32
    %dma_wait3A_310 = tpu.memref_slice %arg12[%dma_wait3A_309] : memref<16384xi32, #tpu.memory_space<vmem>> -> memref<1024xi32, #tpu.memory_space<vmem>>
    %dma_wait3A_311 = tpu.memref_slice %arg5[%dma_wait3A_304, %mul3A_303] : memref<16x16384xi32, #tpu.memory_space<vmem_shared>> -> memref<1x1024xi32, #tpu.memory_space<vmem_shared>>
    %dma_wait3A_312 = tpu.memref_squeeze %dma_wait3A_311 : memref<1x1024xi32, #tpu.memory_space<vmem_shared>> -> memref<1024xi32, #tpu.memory_space<vmem_shared>>
    tpu.wait_dma2 semaphore(%arg26 : memref<!tpu.dma_semaphore, #tpu.memory_space<semaphore_mem>>) src(%dma_wait3A_312 : memref<1024xi32, #tpu.memory_space<vmem_shared>>) dst(%dma_wait3A_310 : memref<1024xi32, #tpu.memory_space<vmem>>)
    %mul3A_313 = arith.constant 1024 : i32
    %mul3A_314 = arith.muli %mul3A_313, %arg1 : i32
    %dma_wait3A_315 = arith.constant 10 : i32
    %dma_wait3A_316 = arith.constant 10240 : i32
    %dma_wait3A_317 = tpu.memref_slice %arg12[%dma_wait3A_316] : memref<16384xi32, #tpu.memory_space<vmem>> -> memref<1024xi32, #tpu.memory_space<vmem>>
    %dma_wait3A_318 = tpu.memref_slice %arg5[%dma_wait3A_315, %mul3A_314] : memref<16x16384xi32, #tpu.memory_space<vmem_shared>> -> memref<1x1024xi32, #tpu.memory_space<vmem_shared>>
    %dma_wait3A_319 = tpu.memref_squeeze %dma_wait3A_318 : memref<1x1024xi32, #tpu.memory_space<vmem_shared>> -> memref<1024xi32, #tpu.memory_space<vmem_shared>>
    %dma_wait3A_320 = arith.constant 10240 : i32
    %dma_wait3A_321 = tpu.memref_slice %arg12[%dma_wait3A_320] : memref<16384xi32, #tpu.memory_space<vmem>> -> memref<1024xi32, #tpu.memory_space<vmem>>
    %dma_wait3A_322 = tpu.memref_slice %arg5[%dma_wait3A_315, %mul3A_314] : memref<16x16384xi32, #tpu.memory_space<vmem_shared>> -> memref<1x1024xi32, #tpu.memory_space<vmem_shared>>
    %dma_wait3A_323 = tpu.memref_squeeze %dma_wait3A_322 : memref<1x1024xi32, #tpu.memory_space<vmem_shared>> -> memref<1024xi32, #tpu.memory_space<vmem_shared>>
    tpu.wait_dma2 semaphore(%arg26 : memref<!tpu.dma_semaphore, #tpu.memory_space<semaphore_mem>>) src(%dma_wait3A_323 : memref<1024xi32, #tpu.memory_space<vmem_shared>>) dst(%dma_wait3A_321 : memref<1024xi32, #tpu.memory_space<vmem>>)
    %mul3A_324 = arith.constant 1024 : i32
    %mul3A_325 = arith.muli %mul3A_324, %arg1 : i32
    %dma_wait3A_326 = arith.constant 11 : i32
    %dma_wait3A_327 = arith.constant 11264 : i32
    %dma_wait3A_328 = tpu.memref_slice %arg12[%dma_wait3A_327] : memref<16384xi32, #tpu.memory_space<vmem>> -> memref<1024xi32, #tpu.memory_space<vmem>>
    %dma_wait3A_329 = tpu.memref_slice %arg5[%dma_wait3A_326, %mul3A_325] : memref<16x16384xi32, #tpu.memory_space<vmem_shared>> -> memref<1x1024xi32, #tpu.memory_space<vmem_shared>>
    %dma_wait3A_330 = tpu.memref_squeeze %dma_wait3A_329 : memref<1x1024xi32, #tpu.memory_space<vmem_shared>> -> memref<1024xi32, #tpu.memory_space<vmem_shared>>
    %dma_wait3A_331 = arith.constant 11264 : i32
    %dma_wait3A_332 = tpu.memref_slice %arg12[%dma_wait3A_331] : memref<16384xi32, #tpu.memory_space<vmem>> -> memref<1024xi32, #tpu.memory_space<vmem>>
    %dma_wait3A_333 = tpu.memref_slice %arg5[%dma_wait3A_326, %mul3A_325] : memref<16x16384xi32, #tpu.memory_space<vmem_shared>> -> memref<1x1024xi32, #tpu.memory_space<vmem_shared>>
    %dma_wait3A_334 = tpu.memref_squeeze %dma_wait3A_333 : memref<1x1024xi32, #tpu.memory_space<vmem_shared>> -> memref<1024xi32, #tpu.memory_space<vmem_shared>>
    tpu.wait_dma2 semaphore(%arg26 : memref<!tpu.dma_semaphore, #tpu.memory_space<semaphore_mem>>) src(%dma_wait3A_334 : memref<1024xi32, #tpu.memory_space<vmem_shared>>) dst(%dma_wait3A_332 : memref<1024xi32, #tpu.memory_space<vmem>>)
    %mul3A_335 = arith.constant 1024 : i32
    %mul3A_336 = arith.muli %mul3A_335, %arg1 : i32
    %dma_wait3A_337 = arith.constant 12 : i32
    %dma_wait3A_338 = arith.constant 12288 : i32
    %dma_wait3A_339 = tpu.memref_slice %arg12[%dma_wait3A_338] : memref<16384xi32, #tpu.memory_space<vmem>> -> memref<1024xi32, #tpu.memory_space<vmem>>
    %dma_wait3A_340 = tpu.memref_slice %arg5[%dma_wait3A_337, %mul3A_336] : memref<16x16384xi32, #tpu.memory_space<vmem_shared>> -> memref<1x1024xi32, #tpu.memory_space<vmem_shared>>
    %dma_wait3A_341 = tpu.memref_squeeze %dma_wait3A_340 : memref<1x1024xi32, #tpu.memory_space<vmem_shared>> -> memref<1024xi32, #tpu.memory_space<vmem_shared>>
    %dma_wait3A_342 = arith.constant 12288 : i32
    %dma_wait3A_343 = tpu.memref_slice %arg12[%dma_wait3A_342] : memref<16384xi32, #tpu.memory_space<vmem>> -> memref<1024xi32, #tpu.memory_space<vmem>>
    %dma_wait3A_344 = tpu.memref_slice %arg5[%dma_wait3A_337, %mul3A_336] : memref<16x16384xi32, #tpu.memory_space<vmem_shared>> -> memref<1x1024xi32, #tpu.memory_space<vmem_shared>>
    %dma_wait3A_345 = tpu.memref_squeeze %dma_wait3A_344 : memref<1x1024xi32, #tpu.memory_space<vmem_shared>> -> memref<1024xi32, #tpu.memory_space<vmem_shared>>
    tpu.wait_dma2 semaphore(%arg26 : memref<!tpu.dma_semaphore, #tpu.memory_space<semaphore_mem>>) src(%dma_wait3A_345 : memref<1024xi32, #tpu.memory_space<vmem_shared>>) dst(%dma_wait3A_343 : memref<1024xi32, #tpu.memory_space<vmem>>)
    %mul3A_346 = arith.constant 1024 : i32
    %mul3A_347 = arith.muli %mul3A_346, %arg1 : i32
    %dma_wait3A_348 = arith.constant 13 : i32
    %dma_wait3A_349 = arith.constant 13312 : i32
    %dma_wait3A_350 = tpu.memref_slice %arg12[%dma_wait3A_349] : memref<16384xi32, #tpu.memory_space<vmem>> -> memref<1024xi32, #tpu.memory_space<vmem>>
    %dma_wait3A_351 = tpu.memref_slice %arg5[%dma_wait3A_348, %mul3A_347] : memref<16x16384xi32, #tpu.memory_space<vmem_shared>> -> memref<1x1024xi32, #tpu.memory_space<vmem_shared>>
    %dma_wait3A_352 = tpu.memref_squeeze %dma_wait3A_351 : memref<1x1024xi32, #tpu.memory_space<vmem_shared>> -> memref<1024xi32, #tpu.memory_space<vmem_shared>>
    %dma_wait3A_353 = arith.constant 13312 : i32
    %dma_wait3A_354 = tpu.memref_slice %arg12[%dma_wait3A_353] : memref<16384xi32, #tpu.memory_space<vmem>> -> memref<1024xi32, #tpu.memory_space<vmem>>
    %dma_wait3A_355 = tpu.memref_slice %arg5[%dma_wait3A_348, %mul3A_347] : memref<16x16384xi32, #tpu.memory_space<vmem_shared>> -> memref<1x1024xi32, #tpu.memory_space<vmem_shared>>
    %dma_wait3A_356 = tpu.memref_squeeze %dma_wait3A_355 : memref<1x1024xi32, #tpu.memory_space<vmem_shared>> -> memref<1024xi32, #tpu.memory_space<vmem_shared>>
    tpu.wait_dma2 semaphore(%arg26 : memref<!tpu.dma_semaphore, #tpu.memory_space<semaphore_mem>>) src(%dma_wait3A_356 : memref<1024xi32, #tpu.memory_space<vmem_shared>>) dst(%dma_wait3A_354 : memref<1024xi32, #tpu.memory_space<vmem>>)
    %mul3A_357 = arith.constant 1024 : i32
    %mul3A_358 = arith.muli %mul3A_357, %arg1 : i32
    %dma_wait3A_359 = arith.constant 14 : i32
    %dma_wait3A_360 = arith.constant 14336 : i32
    %dma_wait3A_361 = tpu.memref_slice %arg12[%dma_wait3A_360] : memref<16384xi32, #tpu.memory_space<vmem>> -> memref<1024xi32, #tpu.memory_space<vmem>>
    %dma_wait3A_362 = tpu.memref_slice %arg5[%dma_wait3A_359, %mul3A_358] : memref<16x16384xi32, #tpu.memory_space<vmem_shared>> -> memref<1x1024xi32, #tpu.memory_space<vmem_shared>>
    %dma_wait3A_363 = tpu.memref_squeeze %dma_wait3A_362 : memref<1x1024xi32, #tpu.memory_space<vmem_shared>> -> memref<1024xi32, #tpu.memory_space<vmem_shared>>
    %dma_wait3A_364 = arith.constant 14336 : i32
    %dma_wait3A_365 = tpu.memref_slice %arg12[%dma_wait3A_364] : memref<16384xi32, #tpu.memory_space<vmem>> -> memref<1024xi32, #tpu.memory_space<vmem>>
    %dma_wait3A_366 = tpu.memref_slice %arg5[%dma_wait3A_359, %mul3A_358] : memref<16x16384xi32, #tpu.memory_space<vmem_shared>> -> memref<1x1024xi32, #tpu.memory_space<vmem_shared>>
    %dma_wait3A_367 = tpu.memref_squeeze %dma_wait3A_366 : memref<1x1024xi32, #tpu.memory_space<vmem_shared>> -> memref<1024xi32, #tpu.memory_space<vmem_shared>>
    tpu.wait_dma2 semaphore(%arg26 : memref<!tpu.dma_semaphore, #tpu.memory_space<semaphore_mem>>) src(%dma_wait3A_367 : memref<1024xi32, #tpu.memory_space<vmem_shared>>) dst(%dma_wait3A_365 : memref<1024xi32, #tpu.memory_space<vmem>>)
    %mul3A_368 = arith.constant 1024 : i32
    %mul3A_369 = arith.muli %mul3A_368, %arg1 : i32
    %dma_wait3A_370 = arith.constant 15 : i32
    %dma_wait3A_371 = arith.constant 15360 : i32
    %dma_wait3A_372 = tpu.memref_slice %arg12[%dma_wait3A_371] : memref<16384xi32, #tpu.memory_space<vmem>> -> memref<1024xi32, #tpu.memory_space<vmem>>
    %dma_wait3A_373 = tpu.memref_slice %arg5[%dma_wait3A_370, %mul3A_369] : memref<16x16384xi32, #tpu.memory_space<vmem_shared>> -> memref<1x1024xi32, #tpu.memory_space<vmem_shared>>
    %dma_wait3A_374 = tpu.memref_squeeze %dma_wait3A_373 : memref<1x1024xi32, #tpu.memory_space<vmem_shared>> -> memref<1024xi32, #tpu.memory_space<vmem_shared>>
    %dma_wait3A_375 = arith.constant 15360 : i32
    %dma_wait3A_376 = tpu.memref_slice %arg12[%dma_wait3A_375] : memref<16384xi32, #tpu.memory_space<vmem>> -> memref<1024xi32, #tpu.memory_space<vmem>>
    %dma_wait3A_377 = tpu.memref_slice %arg5[%dma_wait3A_370, %mul3A_369] : memref<16x16384xi32, #tpu.memory_space<vmem_shared>> -> memref<1x1024xi32, #tpu.memory_space<vmem_shared>>
    %dma_wait3A_378 = tpu.memref_squeeze %dma_wait3A_377 : memref<1x1024xi32, #tpu.memory_space<vmem_shared>> -> memref<1024xi32, #tpu.memory_space<vmem_shared>>
    tpu.wait_dma2 semaphore(%arg26 : memref<!tpu.dma_semaphore, #tpu.memory_space<semaphore_mem>>) src(%dma_wait3A_378 : memref<1024xi32, #tpu.memory_space<vmem_shared>>) dst(%dma_wait3A_376 : memref<1024xi32, #tpu.memory_space<vmem>>)
    %scan3A_379 = arith.constant 0 : i32
    %scan3A_380 = arith.constant 0 : i32
    %scan3A_381 = arith.constant 64 : i32
    %scan3A_382 = arith.addi %scan3A_380, %scan3A_381 : i32
    %scan3A_383 = arith.constant 1 : i32
    %scan3A_384 = scf.for %scan3A_1032 = %scan3A_380 to %scan3A_382 step %scan3A_383 iter_args(%scan3A_1033 = %scan3A_379) -> (i32)  : i32 {
      %broadcast_in_dim3A_1034 = arith.constant 0 : i32
      %broadcast_in_dim3A_1035 = vector.broadcast %broadcast_in_dim3A_1034 : i32 to vector<16xi32>
      %mul3A_1036 = arith.constant 16 : i32
      %mul3A_1037 = arith.muli %mul3A_1036, %scan3A_1032 : i32
      %add3A_1038 = arith.constant 0 : i32
      %add3A_1039 = arith.addi %add3A_1038, %mul3A_1037 : i32
      %get3A_1040 = arith.index_cast %add3A_1039 : i32 to index
      %get3A_1041 = tpu.vector_load %arg12[%get3A_1040] {strides = array<i32>} : memref<16384xi32, #tpu.memory_space<vmem>>, vector<16xi32>,
      %swap3A_1042 = arith.index_cast %add3A_1039 : i32 to index
      %swap3A_1043 = tpu.vector_load %arg12[%swap3A_1042] {strides = array<i32>} : memref<16384xi32, #tpu.memory_space<vmem>>, vector<16xi32>,
      tpu.vector_store %arg12[%swap3A_1042], %broadcast_in_dim3A_1035 {strides = array<i32>} : memref<16384xi32, #tpu.memory_space<vmem>>, vector<16xi32>,
      %add3A_1044 = arith.addi %broadcast_in_dim3A_1035, %get3A_1041 : vector<16xi32>
      %mul3A_1045 = arith.constant 16 : i32
      %mul3A_1046 = arith.muli %mul3A_1045, %scan3A_1032 : i32
      %add3A_1047 = arith.constant 1024 : i32
      %add3A_1048 = arith.addi %add3A_1047, %mul3A_1046 : i32
      %get3A_1049 = arith.index_cast %add3A_1048 : i32 to index
      %get3A_1050 = tpu.vector_load %arg12[%get3A_1049] {strides = array<i32>} : memref<16384xi32, #tpu.memory_space<vmem>>, vector<16xi32>,
      %swap3A_1051 = arith.index_cast %add3A_1048 : i32 to index
      %swap3A_1052 = tpu.vector_load %arg12[%swap3A_1051] {strides = array<i32>} : memref<16384xi32, #tpu.memory_space<vmem>>, vector<16xi32>,
      tpu.vector_store %arg12[%swap3A_1051], %add3A_1044 {strides = array<i32>} : memref<16384xi32, #tpu.memory_space<vmem>>, vector<16xi32>,
      %add3A_1053 = arith.addi %add3A_1044, %get3A_1050 : vector<16xi32>
      %mul3A_1054 = arith.constant 16 : i32
      %mul3A_1055 = arith.muli %mul3A_1054, %scan3A_1032 : i32
      %add3A_1056 = arith.constant 2048 : i32
      %add3A_1057 = arith.addi %add3A_1056, %mul3A_1055 : i32
      %get3A_1058 = arith.index_cast %add3A_1057 : i32 to index
      %get3A_1059 = tpu.vector_load %arg12[%get3A_1058] {strides = array<i32>} : memref<16384xi32, #tpu.memory_space<vmem>>, vector<16xi32>,
      %swap3A_1060 = arith.index_cast %add3A_1057 : i32 to index
      %swap3A_1061 = tpu.vector_load %arg12[%swap3A_1060] {strides = array<i32>} : memref<16384xi32, #tpu.memory_space<vmem>>, vector<16xi32>,
      tpu.vector_store %arg12[%swap3A_1060], %add3A_1053 {strides = array<i32>} : memref<16384xi32, #tpu.memory_space<vmem>>, vector<16xi32>,
      %add3A_1062 = arith.addi %add3A_1053, %get3A_1059 : vector<16xi32>
      %mul3A_1063 = arith.constant 16 : i32
      %mul3A_1064 = arith.muli %mul3A_1063, %scan3A_1032 : i32
      %add3A_1065 = arith.constant 3072 : i32
      %add3A_1066 = arith.addi %add3A_1065, %mul3A_1064 : i32
      %get3A_1067 = arith.index_cast %add3A_1066 : i32 to index
      %get3A_1068 = tpu.vector_load %arg12[%get3A_1067] {strides = array<i32>} : memref<16384xi32, #tpu.memory_space<vmem>>, vector<16xi32>,
      %swap3A_1069 = arith.index_cast %add3A_1066 : i32 to index
      %swap3A_1070 = tpu.vector_load %arg12[%swap3A_1069] {strides = array<i32>} : memref<16384xi32, #tpu.memory_space<vmem>>, vector<16xi32>,
      tpu.vector_store %arg12[%swap3A_1069], %add3A_1062 {strides = array<i32>} : memref<16384xi32, #tpu.memory_space<vmem>>, vector<16xi32>,
      %add3A_1071 = arith.addi %add3A_1062, %get3A_1068 : vector<16xi32>
      %mul3A_1072 = arith.constant 16 : i32
      %mul3A_1073 = arith.muli %mul3A_1072, %scan3A_1032 : i32
      %add3A_1074 = arith.constant 4096 : i32
      %add3A_1075 = arith.addi %add3A_1074, %mul3A_1073 : i32
      %get3A_1076 = arith.index_cast %add3A_1075 : i32 to index
      %get3A_1077 = tpu.vector_load %arg12[%get3A_1076] {strides = array<i32>} : memref<16384xi32, #tpu.memory_space<vmem>>, vector<16xi32>,
      %swap3A_1078 = arith.index_cast %add3A_1075 : i32 to index
      %swap3A_1079 = tpu.vector_load %arg12[%swap3A_1078] {strides = array<i32>} : memref<16384xi32, #tpu.memory_space<vmem>>, vector<16xi32>,
      tpu.vector_store %arg12[%swap3A_1078], %add3A_1071 {strides = array<i32>} : memref<16384xi32, #tpu.memory_space<vmem>>, vector<16xi32>,
      %add3A_1080 = arith.addi %add3A_1071, %get3A_1077 : vector<16xi32>
      %mul3A_1081 = arith.constant 16 : i32
      %mul3A_1082 = arith.muli %mul3A_1081, %scan3A_1032 : i32
      %add3A_1083 = arith.constant 5120 : i32
      %add3A_1084 = arith.addi %add3A_1083, %mul3A_1082 : i32
      %get3A_1085 = arith.index_cast %add3A_1084 : i32 to index
      %get3A_1086 = tpu.vector_load %arg12[%get3A_1085] {strides = array<i32>} : memref<16384xi32, #tpu.memory_space<vmem>>, vector<16xi32>,
      %swap3A_1087 = arith.index_cast %add3A_1084 : i32 to index
      %swap3A_1088 = tpu.vector_load %arg12[%swap3A_1087] {strides = array<i32>} : memref<16384xi32, #tpu.memory_space<vmem>>, vector<16xi32>,
      tpu.vector_store %arg12[%swap3A_1087], %add3A_1080 {strides = array<i32>} : memref<16384xi32, #tpu.memory_space<vmem>>, vector<16xi32>,
      %add3A_1089 = arith.addi %add3A_1080, %get3A_1086 : vector<16xi32>
      %mul3A_1090 = arith.constant 16 : i32
      %mul3A_1091 = arith.muli %mul3A_1090, %scan3A_1032 : i32
      %add3A_1092 = arith.constant 6144 : i32
      %add3A_1093 = arith.addi %add3A_1092, %mul3A_1091 : i32
      %get3A_1094 = arith.index_cast %add3A_1093 : i32 to index
      %get3A_1095 = tpu.vector_load %arg12[%get3A_1094] {strides = array<i32>} : memref<16384xi32, #tpu.memory_space<vmem>>, vector<16xi32>,
      %swap3A_1096 = arith.index_cast %add3A_1093 : i32 to index
      %swap3A_1097 = tpu.vector_load %arg12[%swap3A_1096] {strides = array<i32>} : memref<16384xi32, #tpu.memory_space<vmem>>, vector<16xi32>,
      tpu.vector_store %arg12[%swap3A_1096], %add3A_1089 {strides = array<i32>} : memref<16384xi32, #tpu.memory_space<vmem>>, vector<16xi32>,
      %add3A_1098 = arith.addi %add3A_1089, %get3A_1095 : vector<16xi32>
      %mul3A_1099 = arith.constant 16 : i32
      %mul3A_1100 = arith.muli %mul3A_1099, %scan3A_1032 : i32
      %add3A_1101 = arith.constant 7168 : i32
      %add3A_1102 = arith.addi %add3A_1101, %mul3A_1100 : i32
      %get3A_1103 = arith.index_cast %add3A_1102 : i32 to index
      %get3A_1104 = tpu.vector_load %arg12[%get3A_1103] {strides = array<i32>} : memref<16384xi32, #tpu.memory_space<vmem>>, vector<16xi32>,
      %swap3A_1105 = arith.index_cast %add3A_1102 : i32 to index
      %swap3A_1106 = tpu.vector_load %arg12[%swap3A_1105] {strides = array<i32>} : memref<16384xi32, #tpu.memory_space<vmem>>, vector<16xi32>,
      tpu.vector_store %arg12[%swap3A_1105], %add3A_1098 {strides = array<i32>} : memref<16384xi32, #tpu.memory_space<vmem>>, vector<16xi32>,
      %add3A_1107 = arith.addi %add3A_1098, %get3A_1104 : vector<16xi32>
      %mul3A_1108 = arith.constant 16 : i32
      %mul3A_1109 = arith.muli %mul3A_1108, %scan3A_1032 : i32
      %add3A_1110 = arith.constant 8192 : i32
      %add3A_1111 = arith.addi %add3A_1110, %mul3A_1109 : i32
      %get3A_1112 = arith.index_cast %add3A_1111 : i32 to index
      %get3A_1113 = tpu.vector_load %arg12[%get3A_1112] {strides = array<i32>} : memref<16384xi32, #tpu.memory_space<vmem>>, vector<16xi32>,
      %swap3A_1114 = arith.index_cast %add3A_1111 : i32 to index
      %swap3A_1115 = tpu.vector_load %arg12[%swap3A_1114] {strides = array<i32>} : memref<16384xi32, #tpu.memory_space<vmem>>, vector<16xi32>,
      tpu.vector_store %arg12[%swap3A_1114], %add3A_1107 {strides = array<i32>} : memref<16384xi32, #tpu.memory_space<vmem>>, vector<16xi32>,
      %add3A_1116 = arith.addi %add3A_1107, %get3A_1113 : vector<16xi32>
      %mul3A_1117 = arith.constant 16 : i32
      %mul3A_1118 = arith.muli %mul3A_1117, %scan3A_1032 : i32
      %add3A_1119 = arith.constant 9216 : i32
      %add3A_1120 = arith.addi %add3A_1119, %mul3A_1118 : i32
      %get3A_1121 = arith.index_cast %add3A_1120 : i32 to index
      %get3A_1122 = tpu.vector_load %arg12[%get3A_1121] {strides = array<i32>} : memref<16384xi32, #tpu.memory_space<vmem>>, vector<16xi32>,
      %swap3A_1123 = arith.index_cast %add3A_1120 : i32 to index
      %swap3A_1124 = tpu.vector_load %arg12[%swap3A_1123] {strides = array<i32>} : memref<16384xi32, #tpu.memory_space<vmem>>, vector<16xi32>,
      tpu.vector_store %arg12[%swap3A_1123], %add3A_1116 {strides = array<i32>} : memref<16384xi32, #tpu.memory_space<vmem>>, vector<16xi32>,
      %add3A_1125 = arith.addi %add3A_1116, %get3A_1122 : vector<16xi32>
      %mul3A_1126 = arith.constant 16 : i32
      %mul3A_1127 = arith.muli %mul3A_1126, %scan3A_1032 : i32
      %add3A_1128 = arith.constant 10240 : i32
      %add3A_1129 = arith.addi %add3A_1128, %mul3A_1127 : i32
      %get3A_1130 = arith.index_cast %add3A_1129 : i32 to index
      %get3A_1131 = tpu.vector_load %arg12[%get3A_1130] {strides = array<i32>} : memref<16384xi32, #tpu.memory_space<vmem>>, vector<16xi32>,
      %swap3A_1132 = arith.index_cast %add3A_1129 : i32 to index
      %swap3A_1133 = tpu.vector_load %arg12[%swap3A_1132] {strides = array<i32>} : memref<16384xi32, #tpu.memory_space<vmem>>, vector<16xi32>,
      tpu.vector_store %arg12[%swap3A_1132], %add3A_1125 {strides = array<i32>} : memref<16384xi32, #tpu.memory_space<vmem>>, vector<16xi32>,
      %add3A_1134 = arith.addi %add3A_1125, %get3A_1131 : vector<16xi32>
      %mul3A_1135 = arith.constant 16 : i32
      %mul3A_1136 = arith.muli %mul3A_1135, %scan3A_1032 : i32
      %add3A_1137 = arith.constant 11264 : i32
      %add3A_1138 = arith.addi %add3A_1137, %mul3A_1136 : i32
      %get3A_1139 = arith.index_cast %add3A_1138 : i32 to index
      %get3A_1140 = tpu.vector_load %arg12[%get3A_1139] {strides = array<i32>} : memref<16384xi32, #tpu.memory_space<vmem>>, vector<16xi32>,
      %swap3A_1141 = arith.index_cast %add3A_1138 : i32 to index
      %swap3A_1142 = tpu.vector_load %arg12[%swap3A_1141] {strides = array<i32>} : memref<16384xi32, #tpu.memory_space<vmem>>, vector<16xi32>,
      tpu.vector_store %arg12[%swap3A_1141], %add3A_1134 {strides = array<i32>} : memref<16384xi32, #tpu.memory_space<vmem>>, vector<16xi32>,
      %add3A_1143 = arith.addi %add3A_1134, %get3A_1140 : vector<16xi32>
      %mul3A_1144 = arith.constant 16 : i32
      %mul3A_1145 = arith.muli %mul3A_1144, %scan3A_1032 : i32
      %add3A_1146 = arith.constant 12288 : i32
      %add3A_1147 = arith.addi %add3A_1146, %mul3A_1145 : i32
      %get3A_1148 = arith.index_cast %add3A_1147 : i32 to index
      %get3A_1149 = tpu.vector_load %arg12[%get3A_1148] {strides = array<i32>} : memref<16384xi32, #tpu.memory_space<vmem>>, vector<16xi32>,
      %swap3A_1150 = arith.index_cast %add3A_1147 : i32 to index
      %swap3A_1151 = tpu.vector_load %arg12[%swap3A_1150] {strides = array<i32>} : memref<16384xi32, #tpu.memory_space<vmem>>, vector<16xi32>,
      tpu.vector_store %arg12[%swap3A_1150], %add3A_1143 {strides = array<i32>} : memref<16384xi32, #tpu.memory_space<vmem>>, vector<16xi32>,
      %add3A_1152 = arith.addi %add3A_1143, %get3A_1149 : vector<16xi32>
      %mul3A_1153 = arith.constant 16 : i32
      %mul3A_1154 = arith.muli %mul3A_1153, %scan3A_1032 : i32
      %add3A_1155 = arith.constant 13312 : i32
      %add3A_1156 = arith.addi %add3A_1155, %mul3A_1154 : i32
      %get3A_1157 = arith.index_cast %add3A_1156 : i32 to index
      %get3A_1158 = tpu.vector_load %arg12[%get3A_1157] {strides = array<i32>} : memref<16384xi32, #tpu.memory_space<vmem>>, vector<16xi32>,
      %swap3A_1159 = arith.index_cast %add3A_1156 : i32 to index
      %swap3A_1160 = tpu.vector_load %arg12[%swap3A_1159] {strides = array<i32>} : memref<16384xi32, #tpu.memory_space<vmem>>, vector<16xi32>,
      tpu.vector_store %arg12[%swap3A_1159], %add3A_1152 {strides = array<i32>} : memref<16384xi32, #tpu.memory_space<vmem>>, vector<16xi32>,
      %add3A_1161 = arith.addi %add3A_1152, %get3A_1158 : vector<16xi32>
      %mul3A_1162 = arith.constant 16 : i32
      %mul3A_1163 = arith.muli %mul3A_1162, %scan3A_1032 : i32
      %add3A_1164 = arith.constant 14336 : i32
      %add3A_1165 = arith.addi %add3A_1164, %mul3A_1163 : i32
      %get3A_1166 = arith.index_cast %add3A_1165 : i32 to index
      %get3A_1167 = tpu.vector_load %arg12[%get3A_1166] {strides = array<i32>} : memref<16384xi32, #tpu.memory_space<vmem>>, vector<16xi32>,
      %swap3A_1168 = arith.index_cast %add3A_1165 : i32 to index
      %swap3A_1169 = tpu.vector_load %arg12[%swap3A_1168] {strides = array<i32>} : memref<16384xi32, #tpu.memory_space<vmem>>, vector<16xi32>,
      tpu.vector_store %arg12[%swap3A_1168], %add3A_1161 {strides = array<i32>} : memref<16384xi32, #tpu.memory_space<vmem>>, vector<16xi32>,
      %add3A_1170 = arith.addi %add3A_1161, %get3A_1167 : vector<16xi32>
      %mul3A_1171 = arith.constant 16 : i32
      %mul3A_1172 = arith.muli %mul3A_1171, %scan3A_1032 : i32
      %add3A_1173 = arith.constant 15360 : i32
      %add3A_1174 = arith.addi %add3A_1173, %mul3A_1172 : i32
      %get3A_1175 = arith.index_cast %add3A_1174 : i32 to index
      %get3A_1176 = tpu.vector_load %arg12[%get3A_1175] {strides = array<i32>} : memref<16384xi32, #tpu.memory_space<vmem>>, vector<16xi32>,
      %swap3A_1177 = arith.index_cast %add3A_1174 : i32 to index
      %swap3A_1178 = tpu.vector_load %arg12[%swap3A_1177] {strides = array<i32>} : memref<16384xi32, #tpu.memory_space<vmem>>, vector<16xi32>,
      tpu.vector_store %arg12[%swap3A_1177], %add3A_1170 {strides = array<i32>} : memref<16384xi32, #tpu.memory_space<vmem>>, vector<16xi32>,
      %add3A_1179 = arith.addi %add3A_1170, %get3A_1176 : vector<16xi32>
      %broadcast_in_dim3A_1180 = arith.constant true
      %broadcast_in_dim3A_1181 = vector.broadcast %broadcast_in_dim3A_1180 : i1 to vector<16xi1>
      %masked_cumsum3A_1182 = tpu.scan <sum>, %add3A_1179 masked %broadcast_in_dim3A_1181 : vector<16xi32>, vector<16xi1> -> vector<16xi32>
      %sub3A_1183 = arith.subi %masked_cumsum3A_1182, %add3A_1179 : vector<16xi32>
      %mul3A_1184 = arith.constant 16 : i32
      %mul3A_1185 = arith.muli %mul3A_1184, %scan3A_1032 : i32
      %swap3A_1186 = arith.index_cast %mul3A_1185 : i32 to index
      %swap3A_1187 = tpu.vector_load %arg13[%swap3A_1186] {strides = array<i32>} : memref<1024xi32, #tpu.memory_space<vmem>>, vector<16xi32>,
      tpu.vector_store %arg13[%swap3A_1186], %sub3A_1183 {strides = array<i32>} : memref<1024xi32, #tpu.memory_space<vmem>>, vector<16xi32>,
      %broadcast_in_dim3A_1188 = vector.broadcast %scan3A_1032 : i32 to vector<16xi32>
      tpu.vector_store_idx %arg14[%broadcast_in_dim3A_1188], %masked_cumsum3A_1182 masked %eq3A_1 : memref<80xi32, #tpu.memory_space<vmem>>[vector<16xi32>], vector<16xi32>, vector<16xi1>
      %scan3A_1189 = arith.constant 0 : i32
      scf.yield %scan3A_1189 : i32
    }
    %scan3A_385 = arith.constant 64 : i32
    %get3A = arith.constant 0 : index
    %get3A_386 = tpu.vector_load %arg14[%get3A] {strides = array<i32>} : memref<80xi32, #tpu.memory_space<vmem>>, vector<16xi32>,
    %get3A_387 = arith.constant 16 : index
    %get3A_388 = tpu.vector_load %arg14[%get3A_387] {strides = array<i32>} : memref<80xi32, #tpu.memory_space<vmem>>, vector<16xi32>,
    %add3A = arith.addi %get3A_386, %get3A_388 : vector<16xi32>
    %get3A_389 = arith.constant 32 : index
    %get3A_390 = tpu.vector_load %arg14[%get3A_389] {strides = array<i32>} : memref<80xi32, #tpu.memory_space<vmem>>, vector<16xi32>,
    %add3A_391 = arith.addi %add3A, %get3A_390 : vector<16xi32>
    %get3A_392 = arith.constant 48 : index
    %get3A_393 = tpu.vector_load %arg14[%get3A_392] {strides = array<i32>} : memref<80xi32, #tpu.memory_space<vmem>>, vector<16xi32>,
    %add3A_394 = arith.addi %add3A_391, %get3A_393 : vector<16xi32>
    %broadcast_in_dim3A = arith.constant true
    %broadcast_in_dim3A_395 = vector.broadcast %broadcast_in_dim3A : i1 to vector<16xi1>
    %masked_cumsum3A = tpu.scan <sum>, %add3A_394 masked %broadcast_in_dim3A_395 : vector<16xi32>, vector<16xi1> -> vector<16xi32>
    %swap3A = arith.constant 0 : i32
    %swap3A_396 = arith.index_cast %swap3A : i32 to index
    %swap3A_397 = arith.constant 0 : index
    %swap3A_398 = tpu.vector_load %arg15[%swap3A_396, %swap3A_397] {strides = array<i32>} : memref<1x16xi32, #tpu.memory_space<vmem>>, vector<16xi32>,
    tpu.vector_store %arg15[%swap3A_396, %swap3A_397], %masked_cumsum3A {strides = array<i32>} : memref<1x16xi32, #tpu.memory_space<vmem>>, vector<16xi32>,
    %run_scoped3A = arith.constant 0 : i32
    "tpu.region"() ({
      %run_scoped3A_1032 = tpu.sem_alloc : memref<!tpu.dma_semaphore, #tpu.memory_space<semaphore_mem>>
      %dma_start3A_1033 = arith.constant 0 : i32
      %dma_start3A_1034 = tpu.memref_slice %arg15[%run_scoped3A, %dma_start3A_1033] : memref<1x16xi32, #tpu.memory_space<vmem>> -> memref<1x16xi32, #tpu.memory_space<vmem>>
      %dma_start3A_1035 = tpu.memref_squeeze %dma_start3A_1034 : memref<1x16xi32, #tpu.memory_space<vmem>> -> memref<16xi32, #tpu.memory_space<vmem>>
      %dma_start3A_1036 = arith.constant 0 : i32
      %dma_start3A_1037 = tpu.memref_slice %arg7[%arg1, %dma_start3A_1036] : memref<16x16xi32, #tpu.memory_space<vmem_shared>> -> memref<1x16xi32, #tpu.memory_space<vmem_shared>>
      %dma_start3A_1038 = tpu.memref_squeeze %dma_start3A_1037 : memref<1x16xi32, #tpu.memory_space<vmem_shared>> -> memref<16xi32, #tpu.memory_space<vmem_shared>>
      %dma_start3A_1039 = arith.constant 0 : i32
      %dma_start3A_1040 = tpu.memref_slice %arg7[%arg1, %dma_start3A_1039] : memref<16x16xi32, #tpu.memory_space<vmem_shared>> -> memref<1x16xi32, #tpu.memory_space<vmem_shared>>
      %dma_start3A_1041 = tpu.memref_squeeze %dma_start3A_1040 : memref<1x16xi32, #tpu.memory_space<vmem_shared>> -> memref<16xi32, #tpu.memory_space<vmem_shared>>
      %dma_start3A_1042 = arith.constant 0 : i32
      %dma_start3A_1043 = tpu.memref_slice %arg15[%run_scoped3A, %dma_start3A_1042] : memref<1x16xi32, #tpu.memory_space<vmem>> -> memref<1x16xi32, #tpu.memory_space<vmem>>
      %dma_start3A_1044 = tpu.memref_squeeze %dma_start3A_1043 : memref<1x16xi32, #tpu.memory_space<vmem>> -> memref<16xi32, #tpu.memory_space<vmem>>
      tpu.enqueue_dma source(%dma_start3A_1044 : memref<16xi32, #tpu.memory_space<vmem>>) target(%dma_start3A_1041 : memref<16xi32, #tpu.memory_space<vmem_shared>>) target_semaphore(%run_scoped3A_1032 : memref<!tpu.dma_semaphore, #tpu.memory_space<semaphore_mem>>)
      %dma_wait3A_1045 = arith.constant 0 : i32
      %dma_wait3A_1046 = tpu.memref_slice %arg15[%run_scoped3A, %dma_wait3A_1045] : memref<1x16xi32, #tpu.memory_space<vmem>> -> memref<1x16xi32, #tpu.memory_space<vmem>>
      %dma_wait3A_1047 = tpu.memref_squeeze %dma_wait3A_1046 : memref<1x16xi32, #tpu.memory_space<vmem>> -> memref<16xi32, #tpu.memory_space<vmem>>
      %dma_wait3A_1048 = arith.constant 0 : i32
      %dma_wait3A_1049 = tpu.memref_slice %arg7[%arg1, %dma_wait3A_1048] : memref<16x16xi32, #tpu.memory_space<vmem_shared>> -> memref<1x16xi32, #tpu.memory_space<vmem_shared>>
      %dma_wait3A_1050 = tpu.memref_squeeze %dma_wait3A_1049 : memref<1x16xi32, #tpu.memory_space<vmem_shared>> -> memref<16xi32, #tpu.memory_space<vmem_shared>>
      %dma_wait3A_1051 = arith.constant 0 : i32
      %dma_wait3A_1052 = tpu.memref_slice %arg7[%arg1, %dma_wait3A_1051] : memref<16x16xi32, #tpu.memory_space<vmem_shared>> -> memref<1x16xi32, #tpu.memory_space<vmem_shared>>
      %dma_wait3A_1053 = tpu.memref_squeeze %dma_wait3A_1052 : memref<1x16xi32, #tpu.memory_space<vmem_shared>> -> memref<16xi32, #tpu.memory_space<vmem_shared>>
      %dma_wait3A_1054 = arith.constant 0 : i32
      %dma_wait3A_1055 = tpu.memref_slice %arg15[%run_scoped3A, %dma_wait3A_1054] : memref<1x16xi32, #tpu.memory_space<vmem>> -> memref<1x16xi32, #tpu.memory_space<vmem>>
      %dma_wait3A_1056 = tpu.memref_squeeze %dma_wait3A_1055 : memref<1x16xi32, #tpu.memory_space<vmem>> -> memref<16xi32, #tpu.memory_space<vmem>>
      tpu.wait_dma2 semaphore(%run_scoped3A_1032 : memref<!tpu.dma_semaphore, #tpu.memory_space<semaphore_mem>>) src(%dma_wait3A_1056 : memref<16xi32, #tpu.memory_space<vmem>>) dst(%dma_wait3A_1053 : memref<16xi32, #tpu.memory_space<vmem_shared>>)
      tpu.yield
    }) : () -> ()
    %mul3A_399 = arith.constant 1024 : i32
    %mul3A_400 = arith.muli %mul3A_399, %arg1 : i32
    %dma_start3A_401 = arith.constant 0 : i32
    %dma_start3A_402 = arith.constant 0 : i32
    %dma_start3A_403 = tpu.memref_slice %arg12[%dma_start3A_402] : memref<16384xi32, #tpu.memory_space<vmem>> -> memref<1024xi32, #tpu.memory_space<vmem>>
    %dma_start3A_404 = tpu.memref_slice %arg5[%dma_start3A_401, %mul3A_400] : memref<16x16384xi32, #tpu.memory_space<vmem_shared>> -> memref<1x1024xi32, #tpu.memory_space<vmem_shared>>
    %dma_start3A_405 = tpu.memref_squeeze %dma_start3A_404 : memref<1x1024xi32, #tpu.memory_space<vmem_shared>> -> memref<1024xi32, #tpu.memory_space<vmem_shared>>
    %dma_start3A_406 = tpu.memref_slice %arg5[%dma_start3A_401, %mul3A_400] : memref<16x16384xi32, #tpu.memory_space<vmem_shared>> -> memref<1x1024xi32, #tpu.memory_space<vmem_shared>>
    %dma_start3A_407 = tpu.memref_squeeze %dma_start3A_406 : memref<1x1024xi32, #tpu.memory_space<vmem_shared>> -> memref<1024xi32, #tpu.memory_space<vmem_shared>>
    %dma_start3A_408 = arith.constant 0 : i32
    %dma_start3A_409 = tpu.memref_slice %arg12[%dma_start3A_408] : memref<16384xi32, #tpu.memory_space<vmem>> -> memref<1024xi32, #tpu.memory_space<vmem>>
    tpu.enqueue_dma source(%dma_start3A_409 : memref<1024xi32, #tpu.memory_space<vmem>>) target(%dma_start3A_407 : memref<1024xi32, #tpu.memory_space<vmem_shared>>) target_semaphore(%arg26 : memref<!tpu.dma_semaphore, #tpu.memory_space<semaphore_mem>>)
    %mul3A_410 = arith.constant 1024 : i32
    %mul3A_411 = arith.muli %mul3A_410, %arg1 : i32
    %dma_start3A_412 = arith.constant 1 : i32
    %dma_start3A_413 = arith.constant 1024 : i32
    %dma_start3A_414 = tpu.memref_slice %arg12[%dma_start3A_413] : memref<16384xi32, #tpu.memory_space<vmem>> -> memref<1024xi32, #tpu.memory_space<vmem>>
    %dma_start3A_415 = tpu.memref_slice %arg5[%dma_start3A_412, %mul3A_411] : memref<16x16384xi32, #tpu.memory_space<vmem_shared>> -> memref<1x1024xi32, #tpu.memory_space<vmem_shared>>
    %dma_start3A_416 = tpu.memref_squeeze %dma_start3A_415 : memref<1x1024xi32, #tpu.memory_space<vmem_shared>> -> memref<1024xi32, #tpu.memory_space<vmem_shared>>
    %dma_start3A_417 = tpu.memref_slice %arg5[%dma_start3A_412, %mul3A_411] : memref<16x16384xi32, #tpu.memory_space<vmem_shared>> -> memref<1x1024xi32, #tpu.memory_space<vmem_shared>>
    %dma_start3A_418 = tpu.memref_squeeze %dma_start3A_417 : memref<1x1024xi32, #tpu.memory_space<vmem_shared>> -> memref<1024xi32, #tpu.memory_space<vmem_shared>>
    %dma_start3A_419 = arith.constant 1024 : i32
    %dma_start3A_420 = tpu.memref_slice %arg12[%dma_start3A_419] : memref<16384xi32, #tpu.memory_space<vmem>> -> memref<1024xi32, #tpu.memory_space<vmem>>
    tpu.enqueue_dma source(%dma_start3A_420 : memref<1024xi32, #tpu.memory_space<vmem>>) target(%dma_start3A_418 : memref<1024xi32, #tpu.memory_space<vmem_shared>>) target_semaphore(%arg26 : memref<!tpu.dma_semaphore, #tpu.memory_space<semaphore_mem>>)
    %mul3A_421 = arith.constant 1024 : i32
    %mul3A_422 = arith.muli %mul3A_421, %arg1 : i32
    %dma_start3A_423 = arith.constant 2 : i32
    %dma_start3A_424 = arith.constant 2048 : i32
    %dma_start3A_425 = tpu.memref_slice %arg12[%dma_start3A_424] : memref<16384xi32, #tpu.memory_space<vmem>> -> memref<1024xi32, #tpu.memory_space<vmem>>
    %dma_start3A_426 = tpu.memref_slice %arg5[%dma_start3A_423, %mul3A_422] : memref<16x16384xi32, #tpu.memory_space<vmem_shared>> -> memref<1x1024xi32, #tpu.memory_space<vmem_shared>>
    %dma_start3A_427 = tpu.memref_squeeze %dma_start3A_426 : memref<1x1024xi32, #tpu.memory_space<vmem_shared>> -> memref<1024xi32, #tpu.memory_space<vmem_shared>>
    %dma_start3A_428 = tpu.memref_slice %arg5[%dma_start3A_423, %mul3A_422] : memref<16x16384xi32, #tpu.memory_space<vmem_shared>> -> memref<1x1024xi32, #tpu.memory_space<vmem_shared>>
    %dma_start3A_429 = tpu.memref_squeeze %dma_start3A_428 : memref<1x1024xi32, #tpu.memory_space<vmem_shared>> -> memref<1024xi32, #tpu.memory_space<vmem_shared>>
    %dma_start3A_430 = arith.constant 2048 : i32
    %dma_start3A_431 = tpu.memref_slice %arg12[%dma_start3A_430] : memref<16384xi32, #tpu.memory_space<vmem>> -> memref<1024xi32, #tpu.memory_space<vmem>>
    tpu.enqueue_dma source(%dma_start3A_431 : memref<1024xi32, #tpu.memory_space<vmem>>) target(%dma_start3A_429 : memref<1024xi32, #tpu.memory_space<vmem_shared>>) target_semaphore(%arg26 : memref<!tpu.dma_semaphore, #tpu.memory_space<semaphore_mem>>)
    %mul3A_432 = arith.constant 1024 : i32
    %mul3A_433 = arith.muli %mul3A_432, %arg1 : i32
    %dma_start3A_434 = arith.constant 3 : i32
    %dma_start3A_435 = arith.constant 3072 : i32
    %dma_start3A_436 = tpu.memref_slice %arg12[%dma_start3A_435] : memref<16384xi32, #tpu.memory_space<vmem>> -> memref<1024xi32, #tpu.memory_space<vmem>>
    %dma_start3A_437 = tpu.memref_slice %arg5[%dma_start3A_434, %mul3A_433] : memref<16x16384xi32, #tpu.memory_space<vmem_shared>> -> memref<1x1024xi32, #tpu.memory_space<vmem_shared>>
    %dma_start3A_438 = tpu.memref_squeeze %dma_start3A_437 : memref<1x1024xi32, #tpu.memory_space<vmem_shared>> -> memref<1024xi32, #tpu.memory_space<vmem_shared>>
    %dma_start3A_439 = tpu.memref_slice %arg5[%dma_start3A_434, %mul3A_433] : memref<16x16384xi32, #tpu.memory_space<vmem_shared>> -> memref<1x1024xi32, #tpu.memory_space<vmem_shared>>
    %dma_start3A_440 = tpu.memref_squeeze %dma_start3A_439 : memref<1x1024xi32, #tpu.memory_space<vmem_shared>> -> memref<1024xi32, #tpu.memory_space<vmem_shared>>
    %dma_start3A_441 = arith.constant 3072 : i32
    %dma_start3A_442 = tpu.memref_slice %arg12[%dma_start3A_441] : memref<16384xi32, #tpu.memory_space<vmem>> -> memref<1024xi32, #tpu.memory_space<vmem>>
    tpu.enqueue_dma source(%dma_start3A_442 : memref<1024xi32, #tpu.memory_space<vmem>>) target(%dma_start3A_440 : memref<1024xi32, #tpu.memory_space<vmem_shared>>) target_semaphore(%arg26 : memref<!tpu.dma_semaphore, #tpu.memory_space<semaphore_mem>>)
    %mul3A_443 = arith.constant 1024 : i32
    %mul3A_444 = arith.muli %mul3A_443, %arg1 : i32
    %dma_start3A_445 = arith.constant 4 : i32
    %dma_start3A_446 = arith.constant 4096 : i32
    %dma_start3A_447 = tpu.memref_slice %arg12[%dma_start3A_446] : memref<16384xi32, #tpu.memory_space<vmem>> -> memref<1024xi32, #tpu.memory_space<vmem>>
    %dma_start3A_448 = tpu.memref_slice %arg5[%dma_start3A_445, %mul3A_444] : memref<16x16384xi32, #tpu.memory_space<vmem_shared>> -> memref<1x1024xi32, #tpu.memory_space<vmem_shared>>
    %dma_start3A_449 = tpu.memref_squeeze %dma_start3A_448 : memref<1x1024xi32, #tpu.memory_space<vmem_shared>> -> memref<1024xi32, #tpu.memory_space<vmem_shared>>
    %dma_start3A_450 = tpu.memref_slice %arg5[%dma_start3A_445, %mul3A_444] : memref<16x16384xi32, #tpu.memory_space<vmem_shared>> -> memref<1x1024xi32, #tpu.memory_space<vmem_shared>>
    %dma_start3A_451 = tpu.memref_squeeze %dma_start3A_450 : memref<1x1024xi32, #tpu.memory_space<vmem_shared>> -> memref<1024xi32, #tpu.memory_space<vmem_shared>>
    %dma_start3A_452 = arith.constant 4096 : i32
    %dma_start3A_453 = tpu.memref_slice %arg12[%dma_start3A_452] : memref<16384xi32, #tpu.memory_space<vmem>> -> memref<1024xi32, #tpu.memory_space<vmem>>
    tpu.enqueue_dma source(%dma_start3A_453 : memref<1024xi32, #tpu.memory_space<vmem>>) target(%dma_start3A_451 : memref<1024xi32, #tpu.memory_space<vmem_shared>>) target_semaphore(%arg26 : memref<!tpu.dma_semaphore, #tpu.memory_space<semaphore_mem>>)
    %mul3A_454 = arith.constant 1024 : i32
    %mul3A_455 = arith.muli %mul3A_454, %arg1 : i32
    %dma_start3A_456 = arith.constant 5 : i32
    %dma_start3A_457 = arith.constant 5120 : i32
    %dma_start3A_458 = tpu.memref_slice %arg12[%dma_start3A_457] : memref<16384xi32, #tpu.memory_space<vmem>> -> memref<1024xi32, #tpu.memory_space<vmem>>
    %dma_start3A_459 = tpu.memref_slice %arg5[%dma_start3A_456, %mul3A_455] : memref<16x16384xi32, #tpu.memory_space<vmem_shared>> -> memref<1x1024xi32, #tpu.memory_space<vmem_shared>>
    %dma_start3A_460 = tpu.memref_squeeze %dma_start3A_459 : memref<1x1024xi32, #tpu.memory_space<vmem_shared>> -> memref<1024xi32, #tpu.memory_space<vmem_shared>>
    %dma_start3A_461 = tpu.memref_slice %arg5[%dma_start3A_456, %mul3A_455] : memref<16x16384xi32, #tpu.memory_space<vmem_shared>> -> memref<1x1024xi32, #tpu.memory_space<vmem_shared>>
    %dma_start3A_462 = tpu.memref_squeeze %dma_start3A_461 : memref<1x1024xi32, #tpu.memory_space<vmem_shared>> -> memref<1024xi32, #tpu.memory_space<vmem_shared>>
    %dma_start3A_463 = arith.constant 5120 : i32
    %dma_start3A_464 = tpu.memref_slice %arg12[%dma_start3A_463] : memref<16384xi32, #tpu.memory_space<vmem>> -> memref<1024xi32, #tpu.memory_space<vmem>>
    tpu.enqueue_dma source(%dma_start3A_464 : memref<1024xi32, #tpu.memory_space<vmem>>) target(%dma_start3A_462 : memref<1024xi32, #tpu.memory_space<vmem_shared>>) target_semaphore(%arg26 : memref<!tpu.dma_semaphore, #tpu.memory_space<semaphore_mem>>)
    %mul3A_465 = arith.constant 1024 : i32
    %mul3A_466 = arith.muli %mul3A_465, %arg1 : i32
    %dma_start3A_467 = arith.constant 6 : i32
    %dma_start3A_468 = arith.constant 6144 : i32
    %dma_start3A_469 = tpu.memref_slice %arg12[%dma_start3A_468] : memref<16384xi32, #tpu.memory_space<vmem>> -> memref<1024xi32, #tpu.memory_space<vmem>>
    %dma_start3A_470 = tpu.memref_slice %arg5[%dma_start3A_467, %mul3A_466] : memref<16x16384xi32, #tpu.memory_space<vmem_shared>> -> memref<1x1024xi32, #tpu.memory_space<vmem_shared>>
    %dma_start3A_471 = tpu.memref_squeeze %dma_start3A_470 : memref<1x1024xi32, #tpu.memory_space<vmem_shared>> -> memref<1024xi32, #tpu.memory_space<vmem_shared>>
    %dma_start3A_472 = tpu.memref_slice %arg5[%dma_start3A_467, %mul3A_466] : memref<16x16384xi32, #tpu.memory_space<vmem_shared>> -> memref<1x1024xi32, #tpu.memory_space<vmem_shared>>
    %dma_start3A_473 = tpu.memref_squeeze %dma_start3A_472 : memref<1x1024xi32, #tpu.memory_space<vmem_shared>> -> memref<1024xi32, #tpu.memory_space<vmem_shared>>
    %dma_start3A_474 = arith.constant 6144 : i32
    %dma_start3A_475 = tpu.memref_slice %arg12[%dma_start3A_474] : memref<16384xi32, #tpu.memory_space<vmem>> -> memref<1024xi32, #tpu.memory_space<vmem>>
    tpu.enqueue_dma source(%dma_start3A_475 : memref<1024xi32, #tpu.memory_space<vmem>>) target(%dma_start3A_473 : memref<1024xi32, #tpu.memory_space<vmem_shared>>) target_semaphore(%arg26 : memref<!tpu.dma_semaphore, #tpu.memory_space<semaphore_mem>>)
    %mul3A_476 = arith.constant 1024 : i32
    %mul3A_477 = arith.muli %mul3A_476, %arg1 : i32
    %dma_start3A_478 = arith.constant 7 : i32
    %dma_start3A_479 = arith.constant 7168 : i32
    %dma_start3A_480 = tpu.memref_slice %arg12[%dma_start3A_479] : memref<16384xi32, #tpu.memory_space<vmem>> -> memref<1024xi32, #tpu.memory_space<vmem>>
    %dma_start3A_481 = tpu.memref_slice %arg5[%dma_start3A_478, %mul3A_477] : memref<16x16384xi32, #tpu.memory_space<vmem_shared>> -> memref<1x1024xi32, #tpu.memory_space<vmem_shared>>
    %dma_start3A_482 = tpu.memref_squeeze %dma_start3A_481 : memref<1x1024xi32, #tpu.memory_space<vmem_shared>> -> memref<1024xi32, #tpu.memory_space<vmem_shared>>
    %dma_start3A_483 = tpu.memref_slice %arg5[%dma_start3A_478, %mul3A_477] : memref<16x16384xi32, #tpu.memory_space<vmem_shared>> -> memref<1x1024xi32, #tpu.memory_space<vmem_shared>>
    %dma_start3A_484 = tpu.memref_squeeze %dma_start3A_483 : memref<1x1024xi32, #tpu.memory_space<vmem_shared>> -> memref<1024xi32, #tpu.memory_space<vmem_shared>>
    %dma_start3A_485 = arith.constant 7168 : i32
    %dma_start3A_486 = tpu.memref_slice %arg12[%dma_start3A_485] : memref<16384xi32, #tpu.memory_space<vmem>> -> memref<1024xi32, #tpu.memory_space<vmem>>
    tpu.enqueue_dma source(%dma_start3A_486 : memref<1024xi32, #tpu.memory_space<vmem>>) target(%dma_start3A_484 : memref<1024xi32, #tpu.memory_space<vmem_shared>>) target_semaphore(%arg26 : memref<!tpu.dma_semaphore, #tpu.memory_space<semaphore_mem>>)
    %mul3A_487 = arith.constant 1024 : i32
    %mul3A_488 = arith.muli %mul3A_487, %arg1 : i32
    %dma_start3A_489 = arith.constant 8 : i32
    %dma_start3A_490 = arith.constant 8192 : i32
    %dma_start3A_491 = tpu.memref_slice %arg12[%dma_start3A_490] : memref<16384xi32, #tpu.memory_space<vmem>> -> memref<1024xi32, #tpu.memory_space<vmem>>
    %dma_start3A_492 = tpu.memref_slice %arg5[%dma_start3A_489, %mul3A_488] : memref<16x16384xi32, #tpu.memory_space<vmem_shared>> -> memref<1x1024xi32, #tpu.memory_space<vmem_shared>>
    %dma_start3A_493 = tpu.memref_squeeze %dma_start3A_492 : memref<1x1024xi32, #tpu.memory_space<vmem_shared>> -> memref<1024xi32, #tpu.memory_space<vmem_shared>>
    %dma_start3A_494 = tpu.memref_slice %arg5[%dma_start3A_489, %mul3A_488] : memref<16x16384xi32, #tpu.memory_space<vmem_shared>> -> memref<1x1024xi32, #tpu.memory_space<vmem_shared>>
    %dma_start3A_495 = tpu.memref_squeeze %dma_start3A_494 : memref<1x1024xi32, #tpu.memory_space<vmem_shared>> -> memref<1024xi32, #tpu.memory_space<vmem_shared>>
    %dma_start3A_496 = arith.constant 8192 : i32
    %dma_start3A_497 = tpu.memref_slice %arg12[%dma_start3A_496] : memref<16384xi32, #tpu.memory_space<vmem>> -> memref<1024xi32, #tpu.memory_space<vmem>>
    tpu.enqueue_dma source(%dma_start3A_497 : memref<1024xi32, #tpu.memory_space<vmem>>) target(%dma_start3A_495 : memref<1024xi32, #tpu.memory_space<vmem_shared>>) target_semaphore(%arg26 : memref<!tpu.dma_semaphore, #tpu.memory_space<semaphore_mem>>)
    %mul3A_498 = arith.constant 1024 : i32
    %mul3A_499 = arith.muli %mul3A_498, %arg1 : i32
    %dma_start3A_500 = arith.constant 9 : i32
    %dma_start3A_501 = arith.constant 9216 : i32
    %dma_start3A_502 = tpu.memref_slice %arg12[%dma_start3A_501] : memref<16384xi32, #tpu.memory_space<vmem>> -> memref<1024xi32, #tpu.memory_space<vmem>>
    %dma_start3A_503 = tpu.memref_slice %arg5[%dma_start3A_500, %mul3A_499] : memref<16x16384xi32, #tpu.memory_space<vmem_shared>> -> memref<1x1024xi32, #tpu.memory_space<vmem_shared>>
    %dma_start3A_504 = tpu.memref_squeeze %dma_start3A_503 : memref<1x1024xi32, #tpu.memory_space<vmem_shared>> -> memref<1024xi32, #tpu.memory_space<vmem_shared>>
    %dma_start3A_505 = tpu.memref_slice %arg5[%dma_start3A_500, %mul3A_499] : memref<16x16384xi32, #tpu.memory_space<vmem_shared>> -> memref<1x1024xi32, #tpu.memory_space<vmem_shared>>
    %dma_start3A_506 = tpu.memref_squeeze %dma_start3A_505 : memref<1x1024xi32, #tpu.memory_space<vmem_shared>> -> memref<1024xi32, #tpu.memory_space<vmem_shared>>
    %dma_start3A_507 = arith.constant 9216 : i32
    %dma_start3A_508 = tpu.memref_slice %arg12[%dma_start3A_507] : memref<16384xi32, #tpu.memory_space<vmem>> -> memref<1024xi32, #tpu.memory_space<vmem>>
    tpu.enqueue_dma source(%dma_start3A_508 : memref<1024xi32, #tpu.memory_space<vmem>>) target(%dma_start3A_506 : memref<1024xi32, #tpu.memory_space<vmem_shared>>) target_semaphore(%arg26 : memref<!tpu.dma_semaphore, #tpu.memory_space<semaphore_mem>>)
    %mul3A_509 = arith.constant 1024 : i32
    %mul3A_510 = arith.muli %mul3A_509, %arg1 : i32
    %dma_start3A_511 = arith.constant 10 : i32
    %dma_start3A_512 = arith.constant 10240 : i32
    %dma_start3A_513 = tpu.memref_slice %arg12[%dma_start3A_512] : memref<16384xi32, #tpu.memory_space<vmem>> -> memref<1024xi32, #tpu.memory_space<vmem>>
    %dma_start3A_514 = tpu.memref_slice %arg5[%dma_start3A_511, %mul3A_510] : memref<16x16384xi32, #tpu.memory_space<vmem_shared>> -> memref<1x1024xi32, #tpu.memory_space<vmem_shared>>
    %dma_start3A_515 = tpu.memref_squeeze %dma_start3A_514 : memref<1x1024xi32, #tpu.memory_space<vmem_shared>> -> memref<1024xi32, #tpu.memory_space<vmem_shared>>
    %dma_start3A_516 = tpu.memref_slice %arg5[%dma_start3A_511, %mul3A_510] : memref<16x16384xi32, #tpu.memory_space<vmem_shared>> -> memref<1x1024xi32, #tpu.memory_space<vmem_shared>>
    %dma_start3A_517 = tpu.memref_squeeze %dma_start3A_516 : memref<1x1024xi32, #tpu.memory_space<vmem_shared>> -> memref<1024xi32, #tpu.memory_space<vmem_shared>>
    %dma_start3A_518 = arith.constant 10240 : i32
    %dma_start3A_519 = tpu.memref_slice %arg12[%dma_start3A_518] : memref<16384xi32, #tpu.memory_space<vmem>> -> memref<1024xi32, #tpu.memory_space<vmem>>
    tpu.enqueue_dma source(%dma_start3A_519 : memref<1024xi32, #tpu.memory_space<vmem>>) target(%dma_start3A_517 : memref<1024xi32, #tpu.memory_space<vmem_shared>>) target_semaphore(%arg26 : memref<!tpu.dma_semaphore, #tpu.memory_space<semaphore_mem>>)
    %mul3A_520 = arith.constant 1024 : i32
    %mul3A_521 = arith.muli %mul3A_520, %arg1 : i32
    %dma_start3A_522 = arith.constant 11 : i32
    %dma_start3A_523 = arith.constant 11264 : i32
    %dma_start3A_524 = tpu.memref_slice %arg12[%dma_start3A_523] : memref<16384xi32, #tpu.memory_space<vmem>> -> memref<1024xi32, #tpu.memory_space<vmem>>
    %dma_start3A_525 = tpu.memref_slice %arg5[%dma_start3A_522, %mul3A_521] : memref<16x16384xi32, #tpu.memory_space<vmem_shared>> -> memref<1x1024xi32, #tpu.memory_space<vmem_shared>>
    %dma_start3A_526 = tpu.memref_squeeze %dma_start3A_525 : memref<1x1024xi32, #tpu.memory_space<vmem_shared>> -> memref<1024xi32, #tpu.memory_space<vmem_shared>>
    %dma_start3A_527 = tpu.memref_slice %arg5[%dma_start3A_522, %mul3A_521] : memref<16x16384xi32, #tpu.memory_space<vmem_shared>> -> memref<1x1024xi32, #tpu.memory_space<vmem_shared>>
    %dma_start3A_528 = tpu.memref_squeeze %dma_start3A_527 : memref<1x1024xi32, #tpu.memory_space<vmem_shared>> -> memref<1024xi32, #tpu.memory_space<vmem_shared>>
    %dma_start3A_529 = arith.constant 11264 : i32
    %dma_start3A_530 = tpu.memref_slice %arg12[%dma_start3A_529] : memref<16384xi32, #tpu.memory_space<vmem>> -> memref<1024xi32, #tpu.memory_space<vmem>>
    tpu.enqueue_dma source(%dma_start3A_530 : memref<1024xi32, #tpu.memory_space<vmem>>) target(%dma_start3A_528 : memref<1024xi32, #tpu.memory_space<vmem_shared>>) target_semaphore(%arg26 : memref<!tpu.dma_semaphore, #tpu.memory_space<semaphore_mem>>)
    %mul3A_531 = arith.constant 1024 : i32
    %mul3A_532 = arith.muli %mul3A_531, %arg1 : i32
    %dma_start3A_533 = arith.constant 12 : i32
    %dma_start3A_534 = arith.constant 12288 : i32
    %dma_start3A_535 = tpu.memref_slice %arg12[%dma_start3A_534] : memref<16384xi32, #tpu.memory_space<vmem>> -> memref<1024xi32, #tpu.memory_space<vmem>>
    %dma_start3A_536 = tpu.memref_slice %arg5[%dma_start3A_533, %mul3A_532] : memref<16x16384xi32, #tpu.memory_space<vmem_shared>> -> memref<1x1024xi32, #tpu.memory_space<vmem_shared>>
    %dma_start3A_537 = tpu.memref_squeeze %dma_start3A_536 : memref<1x1024xi32, #tpu.memory_space<vmem_shared>> -> memref<1024xi32, #tpu.memory_space<vmem_shared>>
    %dma_start3A_538 = tpu.memref_slice %arg5[%dma_start3A_533, %mul3A_532] : memref<16x16384xi32, #tpu.memory_space<vmem_shared>> -> memref<1x1024xi32, #tpu.memory_space<vmem_shared>>
    %dma_start3A_539 = tpu.memref_squeeze %dma_start3A_538 : memref<1x1024xi32, #tpu.memory_space<vmem_shared>> -> memref<1024xi32, #tpu.memory_space<vmem_shared>>
    %dma_start3A_540 = arith.constant 12288 : i32
    %dma_start3A_541 = tpu.memref_slice %arg12[%dma_start3A_540] : memref<16384xi32, #tpu.memory_space<vmem>> -> memref<1024xi32, #tpu.memory_space<vmem>>
    tpu.enqueue_dma source(%dma_start3A_541 : memref<1024xi32, #tpu.memory_space<vmem>>) target(%dma_start3A_539 : memref<1024xi32, #tpu.memory_space<vmem_shared>>) target_semaphore(%arg26 : memref<!tpu.dma_semaphore, #tpu.memory_space<semaphore_mem>>)
    %mul3A_542 = arith.constant 1024 : i32
    %mul3A_543 = arith.muli %mul3A_542, %arg1 : i32
    %dma_start3A_544 = arith.constant 13 : i32
    %dma_start3A_545 = arith.constant 13312 : i32
    %dma_start3A_546 = tpu.memref_slice %arg12[%dma_start3A_545] : memref<16384xi32, #tpu.memory_space<vmem>> -> memref<1024xi32, #tpu.memory_space<vmem>>
    %dma_start3A_547 = tpu.memref_slice %arg5[%dma_start3A_544, %mul3A_543] : memref<16x16384xi32, #tpu.memory_space<vmem_shared>> -> memref<1x1024xi32, #tpu.memory_space<vmem_shared>>
    %dma_start3A_548 = tpu.memref_squeeze %dma_start3A_547 : memref<1x1024xi32, #tpu.memory_space<vmem_shared>> -> memref<1024xi32, #tpu.memory_space<vmem_shared>>
    %dma_start3A_549 = tpu.memref_slice %arg5[%dma_start3A_544, %mul3A_543] : memref<16x16384xi32, #tpu.memory_space<vmem_shared>> -> memref<1x1024xi32, #tpu.memory_space<vmem_shared>>
    %dma_start3A_550 = tpu.memref_squeeze %dma_start3A_549 : memref<1x1024xi32, #tpu.memory_space<vmem_shared>> -> memref<1024xi32, #tpu.memory_space<vmem_shared>>
    %dma_start3A_551 = arith.constant 13312 : i32
    %dma_start3A_552 = tpu.memref_slice %arg12[%dma_start3A_551] : memref<16384xi32, #tpu.memory_space<vmem>> -> memref<1024xi32, #tpu.memory_space<vmem>>
    tpu.enqueue_dma source(%dma_start3A_552 : memref<1024xi32, #tpu.memory_space<vmem>>) target(%dma_start3A_550 : memref<1024xi32, #tpu.memory_space<vmem_shared>>) target_semaphore(%arg26 : memref<!tpu.dma_semaphore, #tpu.memory_space<semaphore_mem>>)
    %mul3A_553 = arith.constant 1024 : i32
    %mul3A_554 = arith.muli %mul3A_553, %arg1 : i32
    %dma_start3A_555 = arith.constant 14 : i32
    %dma_start3A_556 = arith.constant 14336 : i32
    %dma_start3A_557 = tpu.memref_slice %arg12[%dma_start3A_556] : memref<16384xi32, #tpu.memory_space<vmem>> -> memref<1024xi32, #tpu.memory_space<vmem>>
    %dma_start3A_558 = tpu.memref_slice %arg5[%dma_start3A_555, %mul3A_554] : memref<16x16384xi32, #tpu.memory_space<vmem_shared>> -> memref<1x1024xi32, #tpu.memory_space<vmem_shared>>
    %dma_start3A_559 = tpu.memref_squeeze %dma_start3A_558 : memref<1x1024xi32, #tpu.memory_space<vmem_shared>> -> memref<1024xi32, #tpu.memory_space<vmem_shared>>
    %dma_start3A_560 = tpu.memref_slice %arg5[%dma_start3A_555, %mul3A_554] : memref<16x16384xi32, #tpu.memory_space<vmem_shared>> -> memref<1x1024xi32, #tpu.memory_space<vmem_shared>>
    %dma_start3A_561 = tpu.memref_squeeze %dma_start3A_560 : memref<1x1024xi32, #tpu.memory_space<vmem_shared>> -> memref<1024xi32, #tpu.memory_space<vmem_shared>>
    %dma_start3A_562 = arith.constant 14336 : i32
    %dma_start3A_563 = tpu.memref_slice %arg12[%dma_start3A_562] : memref<16384xi32, #tpu.memory_space<vmem>> -> memref<1024xi32, #tpu.memory_space<vmem>>
    tpu.enqueue_dma source(%dma_start3A_563 : memref<1024xi32, #tpu.memory_space<vmem>>) target(%dma_start3A_561 : memref<1024xi32, #tpu.memory_space<vmem_shared>>) target_semaphore(%arg26 : memref<!tpu.dma_semaphore, #tpu.memory_space<semaphore_mem>>)
    %mul3A_564 = arith.constant 1024 : i32
    %mul3A_565 = arith.muli %mul3A_564, %arg1 : i32
    %dma_start3A_566 = arith.constant 15 : i32
    %dma_start3A_567 = arith.constant 15360 : i32
    %dma_start3A_568 = tpu.memref_slice %arg12[%dma_start3A_567] : memref<16384xi32, #tpu.memory_space<vmem>> -> memref<1024xi32, #tpu.memory_space<vmem>>
    %dma_start3A_569 = tpu.memref_slice %arg5[%dma_start3A_566, %mul3A_565] : memref<16x16384xi32, #tpu.memory_space<vmem_shared>> -> memref<1x1024xi32, #tpu.memory_space<vmem_shared>>
    %dma_start3A_570 = tpu.memref_squeeze %dma_start3A_569 : memref<1x1024xi32, #tpu.memory_space<vmem_shared>> -> memref<1024xi32, #tpu.memory_space<vmem_shared>>
    %dma_start3A_571 = tpu.memref_slice %arg5[%dma_start3A_566, %mul3A_565] : memref<16x16384xi32, #tpu.memory_space<vmem_shared>> -> memref<1x1024xi32, #tpu.memory_space<vmem_shared>>
    %dma_start3A_572 = tpu.memref_squeeze %dma_start3A_571 : memref<1x1024xi32, #tpu.memory_space<vmem_shared>> -> memref<1024xi32, #tpu.memory_space<vmem_shared>>
    %dma_start3A_573 = arith.constant 15360 : i32
    %dma_start3A_574 = tpu.memref_slice %arg12[%dma_start3A_573] : memref<16384xi32, #tpu.memory_space<vmem>> -> memref<1024xi32, #tpu.memory_space<vmem>>
    tpu.enqueue_dma source(%dma_start3A_574 : memref<1024xi32, #tpu.memory_space<vmem>>) target(%dma_start3A_572 : memref<1024xi32, #tpu.memory_space<vmem_shared>>) target_semaphore(%arg26 : memref<!tpu.dma_semaphore, #tpu.memory_space<semaphore_mem>>)
    %mul3A_575 = arith.constant 1024 : i32
    %mul3A_576 = arith.muli %mul3A_575, %arg1 : i32
    %dma_wait3A_577 = arith.constant 0 : i32
    %dma_wait3A_578 = arith.constant 0 : i32
    %dma_wait3A_579 = tpu.memref_slice %arg12[%dma_wait3A_578] : memref<16384xi32, #tpu.memory_space<vmem>> -> memref<1024xi32, #tpu.memory_space<vmem>>
    %dma_wait3A_580 = tpu.memref_slice %arg5[%dma_wait3A_577, %mul3A_576] : memref<16x16384xi32, #tpu.memory_space<vmem_shared>> -> memref<1x1024xi32, #tpu.memory_space<vmem_shared>>
    %dma_wait3A_581 = tpu.memref_squeeze %dma_wait3A_580 : memref<1x1024xi32, #tpu.memory_space<vmem_shared>> -> memref<1024xi32, #tpu.memory_space<vmem_shared>>
    %dma_wait3A_582 = tpu.memref_slice %arg5[%dma_wait3A_577, %mul3A_576] : memref<16x16384xi32, #tpu.memory_space<vmem_shared>> -> memref<1x1024xi32, #tpu.memory_space<vmem_shared>>
    %dma_wait3A_583 = tpu.memref_squeeze %dma_wait3A_582 : memref<1x1024xi32, #tpu.memory_space<vmem_shared>> -> memref<1024xi32, #tpu.memory_space<vmem_shared>>
    %dma_wait3A_584 = arith.constant 0 : i32
    %dma_wait3A_585 = tpu.memref_slice %arg12[%dma_wait3A_584] : memref<16384xi32, #tpu.memory_space<vmem>> -> memref<1024xi32, #tpu.memory_space<vmem>>
    tpu.wait_dma2 semaphore(%arg26 : memref<!tpu.dma_semaphore, #tpu.memory_space<semaphore_mem>>) src(%dma_wait3A_585 : memref<1024xi32, #tpu.memory_space<vmem>>) dst(%dma_wait3A_583 : memref<1024xi32, #tpu.memory_space<vmem_shared>>)
    %mul3A_586 = arith.constant 1024 : i32
    %mul3A_587 = arith.muli %mul3A_586, %arg1 : i32
    %dma_wait3A_588 = arith.constant 1 : i32
    %dma_wait3A_589 = arith.constant 1024 : i32
    %dma_wait3A_590 = tpu.memref_slice %arg12[%dma_wait3A_589] : memref<16384xi32, #tpu.memory_space<vmem>> -> memref<1024xi32, #tpu.memory_space<vmem>>
    %dma_wait3A_591 = tpu.memref_slice %arg5[%dma_wait3A_588, %mul3A_587] : memref<16x16384xi32, #tpu.memory_space<vmem_shared>> -> memref<1x1024xi32, #tpu.memory_space<vmem_shared>>
    %dma_wait3A_592 = tpu.memref_squeeze %dma_wait3A_591 : memref<1x1024xi32, #tpu.memory_space<vmem_shared>> -> memref<1024xi32, #tpu.memory_space<vmem_shared>>
    %dma_wait3A_593 = tpu.memref_slice %arg5[%dma_wait3A_588, %mul3A_587] : memref<16x16384xi32, #tpu.memory_space<vmem_shared>> -> memref<1x1024xi32, #tpu.memory_space<vmem_shared>>
    %dma_wait3A_594 = tpu.memref_squeeze %dma_wait3A_593 : memref<1x1024xi32, #tpu.memory_space<vmem_shared>> -> memref<1024xi32, #tpu.memory_space<vmem_shared>>
    %dma_wait3A_595 = arith.constant 1024 : i32
    %dma_wait3A_596 = tpu.memref_slice %arg12[%dma_wait3A_595] : memref<16384xi32, #tpu.memory_space<vmem>> -> memref<1024xi32, #tpu.memory_space<vmem>>
    tpu.wait_dma2 semaphore(%arg26 : memref<!tpu.dma_semaphore, #tpu.memory_space<semaphore_mem>>) src(%dma_wait3A_596 : memref<1024xi32, #tpu.memory_space<vmem>>) dst(%dma_wait3A_594 : memref<1024xi32, #tpu.memory_space<vmem_shared>>)
    %mul3A_597 = arith.constant 1024 : i32
    %mul3A_598 = arith.muli %mul3A_597, %arg1 : i32
    %dma_wait3A_599 = arith.constant 2 : i32
    %dma_wait3A_600 = arith.constant 2048 : i32
    %dma_wait3A_601 = tpu.memref_slice %arg12[%dma_wait3A_600] : memref<16384xi32, #tpu.memory_space<vmem>> -> memref<1024xi32, #tpu.memory_space<vmem>>
    %dma_wait3A_602 = tpu.memref_slice %arg5[%dma_wait3A_599, %mul3A_598] : memref<16x16384xi32, #tpu.memory_space<vmem_shared>> -> memref<1x1024xi32, #tpu.memory_space<vmem_shared>>
    %dma_wait3A_603 = tpu.memref_squeeze %dma_wait3A_602 : memref<1x1024xi32, #tpu.memory_space<vmem_shared>> -> memref<1024xi32, #tpu.memory_space<vmem_shared>>
    %dma_wait3A_604 = tpu.memref_slice %arg5[%dma_wait3A_599, %mul3A_598] : memref<16x16384xi32, #tpu.memory_space<vmem_shared>> -> memref<1x1024xi32, #tpu.memory_space<vmem_shared>>
    %dma_wait3A_605 = tpu.memref_squeeze %dma_wait3A_604 : memref<1x1024xi32, #tpu.memory_space<vmem_shared>> -> memref<1024xi32, #tpu.memory_space<vmem_shared>>
    %dma_wait3A_606 = arith.constant 2048 : i32
    %dma_wait3A_607 = tpu.memref_slice %arg12[%dma_wait3A_606] : memref<16384xi32, #tpu.memory_space<vmem>> -> memref<1024xi32, #tpu.memory_space<vmem>>
    tpu.wait_dma2 semaphore(%arg26 : memref<!tpu.dma_semaphore, #tpu.memory_space<semaphore_mem>>) src(%dma_wait3A_607 : memref<1024xi32, #tpu.memory_space<vmem>>) dst(%dma_wait3A_605 : memref<1024xi32, #tpu.memory_space<vmem_shared>>)
    %mul3A_608 = arith.constant 1024 : i32
    %mul3A_609 = arith.muli %mul3A_608, %arg1 : i32
    %dma_wait3A_610 = arith.constant 3 : i32
    %dma_wait3A_611 = arith.constant 3072 : i32
    %dma_wait3A_612 = tpu.memref_slice %arg12[%dma_wait3A_611] : memref<16384xi32, #tpu.memory_space<vmem>> -> memref<1024xi32, #tpu.memory_space<vmem>>
    %dma_wait3A_613 = tpu.memref_slice %arg5[%dma_wait3A_610, %mul3A_609] : memref<16x16384xi32, #tpu.memory_space<vmem_shared>> -> memref<1x1024xi32, #tpu.memory_space<vmem_shared>>
    %dma_wait3A_614 = tpu.memref_squeeze %dma_wait3A_613 : memref<1x1024xi32, #tpu.memory_space<vmem_shared>> -> memref<1024xi32, #tpu.memory_space<vmem_shared>>
    %dma_wait3A_615 = tpu.memref_slice %arg5[%dma_wait3A_610, %mul3A_609] : memref<16x16384xi32, #tpu.memory_space<vmem_shared>> -> memref<1x1024xi32, #tpu.memory_space<vmem_shared>>
    %dma_wait3A_616 = tpu.memref_squeeze %dma_wait3A_615 : memref<1x1024xi32, #tpu.memory_space<vmem_shared>> -> memref<1024xi32, #tpu.memory_space<vmem_shared>>
    %dma_wait3A_617 = arith.constant 3072 : i32
    %dma_wait3A_618 = tpu.memref_slice %arg12[%dma_wait3A_617] : memref<16384xi32, #tpu.memory_space<vmem>> -> memref<1024xi32, #tpu.memory_space<vmem>>
    tpu.wait_dma2 semaphore(%arg26 : memref<!tpu.dma_semaphore, #tpu.memory_space<semaphore_mem>>) src(%dma_wait3A_618 : memref<1024xi32, #tpu.memory_space<vmem>>) dst(%dma_wait3A_616 : memref<1024xi32, #tpu.memory_space<vmem_shared>>)
    %mul3A_619 = arith.constant 1024 : i32
    %mul3A_620 = arith.muli %mul3A_619, %arg1 : i32
    %dma_wait3A_621 = arith.constant 4 : i32
    %dma_wait3A_622 = arith.constant 4096 : i32
    %dma_wait3A_623 = tpu.memref_slice %arg12[%dma_wait3A_622] : memref<16384xi32, #tpu.memory_space<vmem>> -> memref<1024xi32, #tpu.memory_space<vmem>>
    %dma_wait3A_624 = tpu.memref_slice %arg5[%dma_wait3A_621, %mul3A_620] : memref<16x16384xi32, #tpu.memory_space<vmem_shared>> -> memref<1x1024xi32, #tpu.memory_space<vmem_shared>>
    %dma_wait3A_625 = tpu.memref_squeeze %dma_wait3A_624 : memref<1x1024xi32, #tpu.memory_space<vmem_shared>> -> memref<1024xi32, #tpu.memory_space<vmem_shared>>
    %dma_wait3A_626 = tpu.memref_slice %arg5[%dma_wait3A_621, %mul3A_620] : memref<16x16384xi32, #tpu.memory_space<vmem_shared>> -> memref<1x1024xi32, #tpu.memory_space<vmem_shared>>
    %dma_wait3A_627 = tpu.memref_squeeze %dma_wait3A_626 : memref<1x1024xi32, #tpu.memory_space<vmem_shared>> -> memref<1024xi32, #tpu.memory_space<vmem_shared>>
    %dma_wait3A_628 = arith.constant 4096 : i32
    %dma_wait3A_629 = tpu.memref_slice %arg12[%dma_wait3A_628] : memref<16384xi32, #tpu.memory_space<vmem>> -> memref<1024xi32, #tpu.memory_space<vmem>>
    tpu.wait_dma2 semaphore(%arg26 : memref<!tpu.dma_semaphore, #tpu.memory_space<semaphore_mem>>) src(%dma_wait3A_629 : memref<1024xi32, #tpu.memory_space<vmem>>) dst(%dma_wait3A_627 : memref<1024xi32, #tpu.memory_space<vmem_shared>>)
    %mul3A_630 = arith.constant 1024 : i32
    %mul3A_631 = arith.muli %mul3A_630, %arg1 : i32
    %dma_wait3A_632 = arith.constant 5 : i32
    %dma_wait3A_633 = arith.constant 5120 : i32
    %dma_wait3A_634 = tpu.memref_slice %arg12[%dma_wait3A_633] : memref<16384xi32, #tpu.memory_space<vmem>> -> memref<1024xi32, #tpu.memory_space<vmem>>
    %dma_wait3A_635 = tpu.memref_slice %arg5[%dma_wait3A_632, %mul3A_631] : memref<16x16384xi32, #tpu.memory_space<vmem_shared>> -> memref<1x1024xi32, #tpu.memory_space<vmem_shared>>
    %dma_wait3A_636 = tpu.memref_squeeze %dma_wait3A_635 : memref<1x1024xi32, #tpu.memory_space<vmem_shared>> -> memref<1024xi32, #tpu.memory_space<vmem_shared>>
    %dma_wait3A_637 = tpu.memref_slice %arg5[%dma_wait3A_632, %mul3A_631] : memref<16x16384xi32, #tpu.memory_space<vmem_shared>> -> memref<1x1024xi32, #tpu.memory_space<vmem_shared>>
    %dma_wait3A_638 = tpu.memref_squeeze %dma_wait3A_637 : memref<1x1024xi32, #tpu.memory_space<vmem_shared>> -> memref<1024xi32, #tpu.memory_space<vmem_shared>>
    %dma_wait3A_639 = arith.constant 5120 : i32
    %dma_wait3A_640 = tpu.memref_slice %arg12[%dma_wait3A_639] : memref<16384xi32, #tpu.memory_space<vmem>> -> memref<1024xi32, #tpu.memory_space<vmem>>
    tpu.wait_dma2 semaphore(%arg26 : memref<!tpu.dma_semaphore, #tpu.memory_space<semaphore_mem>>) src(%dma_wait3A_640 : memref<1024xi32, #tpu.memory_space<vmem>>) dst(%dma_wait3A_638 : memref<1024xi32, #tpu.memory_space<vmem_shared>>)
    %mul3A_641 = arith.constant 1024 : i32
    %mul3A_642 = arith.muli %mul3A_641, %arg1 : i32
    %dma_wait3A_643 = arith.constant 6 : i32
    %dma_wait3A_644 = arith.constant 6144 : i32
    %dma_wait3A_645 = tpu.memref_slice %arg12[%dma_wait3A_644] : memref<16384xi32, #tpu.memory_space<vmem>> -> memref<1024xi32, #tpu.memory_space<vmem>>
    %dma_wait3A_646 = tpu.memref_slice %arg5[%dma_wait3A_643, %mul3A_642] : memref<16x16384xi32, #tpu.memory_space<vmem_shared>> -> memref<1x1024xi32, #tpu.memory_space<vmem_shared>>
    %dma_wait3A_647 = tpu.memref_squeeze %dma_wait3A_646 : memref<1x1024xi32, #tpu.memory_space<vmem_shared>> -> memref<1024xi32, #tpu.memory_space<vmem_shared>>
    %dma_wait3A_648 = tpu.memref_slice %arg5[%dma_wait3A_643, %mul3A_642] : memref<16x16384xi32, #tpu.memory_space<vmem_shared>> -> memref<1x1024xi32, #tpu.memory_space<vmem_shared>>
    %dma_wait3A_649 = tpu.memref_squeeze %dma_wait3A_648 : memref<1x1024xi32, #tpu.memory_space<vmem_shared>> -> memref<1024xi32, #tpu.memory_space<vmem_shared>>
    %dma_wait3A_650 = arith.constant 6144 : i32
    %dma_wait3A_651 = tpu.memref_slice %arg12[%dma_wait3A_650] : memref<16384xi32, #tpu.memory_space<vmem>> -> memref<1024xi32, #tpu.memory_space<vmem>>
    tpu.wait_dma2 semaphore(%arg26 : memref<!tpu.dma_semaphore, #tpu.memory_space<semaphore_mem>>) src(%dma_wait3A_651 : memref<1024xi32, #tpu.memory_space<vmem>>) dst(%dma_wait3A_649 : memref<1024xi32, #tpu.memory_space<vmem_shared>>)
    %mul3A_652 = arith.constant 1024 : i32
    %mul3A_653 = arith.muli %mul3A_652, %arg1 : i32
    %dma_wait3A_654 = arith.constant 7 : i32
    %dma_wait3A_655 = arith.constant 7168 : i32
    %dma_wait3A_656 = tpu.memref_slice %arg12[%dma_wait3A_655] : memref<16384xi32, #tpu.memory_space<vmem>> -> memref<1024xi32, #tpu.memory_space<vmem>>
    %dma_wait3A_657 = tpu.memref_slice %arg5[%dma_wait3A_654, %mul3A_653] : memref<16x16384xi32, #tpu.memory_space<vmem_shared>> -> memref<1x1024xi32, #tpu.memory_space<vmem_shared>>
    %dma_wait3A_658 = tpu.memref_squeeze %dma_wait3A_657 : memref<1x1024xi32, #tpu.memory_space<vmem_shared>> -> memref<1024xi32, #tpu.memory_space<vmem_shared>>
    %dma_wait3A_659 = tpu.memref_slice %arg5[%dma_wait3A_654, %mul3A_653] : memref<16x16384xi32, #tpu.memory_space<vmem_shared>> -> memref<1x1024xi32, #tpu.memory_space<vmem_shared>>
    %dma_wait3A_660 = tpu.memref_squeeze %dma_wait3A_659 : memref<1x1024xi32, #tpu.memory_space<vmem_shared>> -> memref<1024xi32, #tpu.memory_space<vmem_shared>>
    %dma_wait3A_661 = arith.constant 7168 : i32
    %dma_wait3A_662 = tpu.memref_slice %arg12[%dma_wait3A_661] : memref<16384xi32, #tpu.memory_space<vmem>> -> memref<1024xi32, #tpu.memory_space<vmem>>
    tpu.wait_dma2 semaphore(%arg26 : memref<!tpu.dma_semaphore, #tpu.memory_space<semaphore_mem>>) src(%dma_wait3A_662 : memref<1024xi32, #tpu.memory_space<vmem>>) dst(%dma_wait3A_660 : memref<1024xi32, #tpu.memory_space<vmem_shared>>)
    %mul3A_663 = arith.constant 1024 : i32
    %mul3A_664 = arith.muli %mul3A_663, %arg1 : i32
    %dma_wait3A_665 = arith.constant 8 : i32
    %dma_wait3A_666 = arith.constant 8192 : i32
    %dma_wait3A_667 = tpu.memref_slice %arg12[%dma_wait3A_666] : memref<16384xi32, #tpu.memory_space<vmem>> -> memref<1024xi32, #tpu.memory_space<vmem>>
    %dma_wait3A_668 = tpu.memref_slice %arg5[%dma_wait3A_665, %mul3A_664] : memref<16x16384xi32, #tpu.memory_space<vmem_shared>> -> memref<1x1024xi32, #tpu.memory_space<vmem_shared>>
    %dma_wait3A_669 = tpu.memref_squeeze %dma_wait3A_668 : memref<1x1024xi32, #tpu.memory_space<vmem_shared>> -> memref<1024xi32, #tpu.memory_space<vmem_shared>>
    %dma_wait3A_670 = tpu.memref_slice %arg5[%dma_wait3A_665, %mul3A_664] : memref<16x16384xi32, #tpu.memory_space<vmem_shared>> -> memref<1x1024xi32, #tpu.memory_space<vmem_shared>>
    %dma_wait3A_671 = tpu.memref_squeeze %dma_wait3A_670 : memref<1x1024xi32, #tpu.memory_space<vmem_shared>> -> memref<1024xi32, #tpu.memory_space<vmem_shared>>
    %dma_wait3A_672 = arith.constant 8192 : i32
    %dma_wait3A_673 = tpu.memref_slice %arg12[%dma_wait3A_672] : memref<16384xi32, #tpu.memory_space<vmem>> -> memref<1024xi32, #tpu.memory_space<vmem>>
    tpu.wait_dma2 semaphore(%arg26 : memref<!tpu.dma_semaphore, #tpu.memory_space<semaphore_mem>>) src(%dma_wait3A_673 : memref<1024xi32, #tpu.memory_space<vmem>>) dst(%dma_wait3A_671 : memref<1024xi32, #tpu.memory_space<vmem_shared>>)
    %mul3A_674 = arith.constant 1024 : i32
    %mul3A_675 = arith.muli %mul3A_674, %arg1 : i32
    %dma_wait3A_676 = arith.constant 9 : i32
    %dma_wait3A_677 = arith.constant 9216 : i32
    %dma_wait3A_678 = tpu.memref_slice %arg12[%dma_wait3A_677] : memref<16384xi32, #tpu.memory_space<vmem>> -> memref<1024xi32, #tpu.memory_space<vmem>>
    %dma_wait3A_679 = tpu.memref_slice %arg5[%dma_wait3A_676, %mul3A_675] : memref<16x16384xi32, #tpu.memory_space<vmem_shared>> -> memref<1x1024xi32, #tpu.memory_space<vmem_shared>>
    %dma_wait3A_680 = tpu.memref_squeeze %dma_wait3A_679 : memref<1x1024xi32, #tpu.memory_space<vmem_shared>> -> memref<1024xi32, #tpu.memory_space<vmem_shared>>
    %dma_wait3A_681 = tpu.memref_slice %arg5[%dma_wait3A_676, %mul3A_675] : memref<16x16384xi32, #tpu.memory_space<vmem_shared>> -> memref<1x1024xi32, #tpu.memory_space<vmem_shared>>
    %dma_wait3A_682 = tpu.memref_squeeze %dma_wait3A_681 : memref<1x1024xi32, #tpu.memory_space<vmem_shared>> -> memref<1024xi32, #tpu.memory_space<vmem_shared>>
    %dma_wait3A_683 = arith.constant 9216 : i32
    %dma_wait3A_684 = tpu.memref_slice %arg12[%dma_wait3A_683] : memref<16384xi32, #tpu.memory_space<vmem>> -> memref<1024xi32, #tpu.memory_space<vmem>>
    tpu.wait_dma2 semaphore(%arg26 : memref<!tpu.dma_semaphore, #tpu.memory_space<semaphore_mem>>) src(%dma_wait3A_684 : memref<1024xi32, #tpu.memory_space<vmem>>) dst(%dma_wait3A_682 : memref<1024xi32, #tpu.memory_space<vmem_shared>>)
    %mul3A_685 = arith.constant 1024 : i32
    %mul3A_686 = arith.muli %mul3A_685, %arg1 : i32
    %dma_wait3A_687 = arith.constant 10 : i32
    %dma_wait3A_688 = arith.constant 10240 : i32
    %dma_wait3A_689 = tpu.memref_slice %arg12[%dma_wait3A_688] : memref<16384xi32, #tpu.memory_space<vmem>> -> memref<1024xi32, #tpu.memory_space<vmem>>
    %dma_wait3A_690 = tpu.memref_slice %arg5[%dma_wait3A_687, %mul3A_686] : memref<16x16384xi32, #tpu.memory_space<vmem_shared>> -> memref<1x1024xi32, #tpu.memory_space<vmem_shared>>
    %dma_wait3A_691 = tpu.memref_squeeze %dma_wait3A_690 : memref<1x1024xi32, #tpu.memory_space<vmem_shared>> -> memref<1024xi32, #tpu.memory_space<vmem_shared>>
    %dma_wait3A_692 = tpu.memref_slice %arg5[%dma_wait3A_687, %mul3A_686] : memref<16x16384xi32, #tpu.memory_space<vmem_shared>> -> memref<1x1024xi32, #tpu.memory_space<vmem_shared>>
    %dma_wait3A_693 = tpu.memref_squeeze %dma_wait3A_692 : memref<1x1024xi32, #tpu.memory_space<vmem_shared>> -> memref<1024xi32, #tpu.memory_space<vmem_shared>>
    %dma_wait3A_694 = arith.constant 10240 : i32
    %dma_wait3A_695 = tpu.memref_slice %arg12[%dma_wait3A_694] : memref<16384xi32, #tpu.memory_space<vmem>> -> memref<1024xi32, #tpu.memory_space<vmem>>
    tpu.wait_dma2 semaphore(%arg26 : memref<!tpu.dma_semaphore, #tpu.memory_space<semaphore_mem>>) src(%dma_wait3A_695 : memref<1024xi32, #tpu.memory_space<vmem>>) dst(%dma_wait3A_693 : memref<1024xi32, #tpu.memory_space<vmem_shared>>)
    %mul3A_696 = arith.constant 1024 : i32
    %mul3A_697 = arith.muli %mul3A_696, %arg1 : i32
    %dma_wait3A_698 = arith.constant 11 : i32
    %dma_wait3A_699 = arith.constant 11264 : i32
    %dma_wait3A_700 = tpu.memref_slice %arg12[%dma_wait3A_699] : memref<16384xi32, #tpu.memory_space<vmem>> -> memref<1024xi32, #tpu.memory_space<vmem>>
    %dma_wait3A_701 = tpu.memref_slice %arg5[%dma_wait3A_698, %mul3A_697] : memref<16x16384xi32, #tpu.memory_space<vmem_shared>> -> memref<1x1024xi32, #tpu.memory_space<vmem_shared>>
    %dma_wait3A_702 = tpu.memref_squeeze %dma_wait3A_701 : memref<1x1024xi32, #tpu.memory_space<vmem_shared>> -> memref<1024xi32, #tpu.memory_space<vmem_shared>>
    %dma_wait3A_703 = tpu.memref_slice %arg5[%dma_wait3A_698, %mul3A_697] : memref<16x16384xi32, #tpu.memory_space<vmem_shared>> -> memref<1x1024xi32, #tpu.memory_space<vmem_shared>>
    %dma_wait3A_704 = tpu.memref_squeeze %dma_wait3A_703 : memref<1x1024xi32, #tpu.memory_space<vmem_shared>> -> memref<1024xi32, #tpu.memory_space<vmem_shared>>
    %dma_wait3A_705 = arith.constant 11264 : i32
    %dma_wait3A_706 = tpu.memref_slice %arg12[%dma_wait3A_705] : memref<16384xi32, #tpu.memory_space<vmem>> -> memref<1024xi32, #tpu.memory_space<vmem>>
    tpu.wait_dma2 semaphore(%arg26 : memref<!tpu.dma_semaphore, #tpu.memory_space<semaphore_mem>>) src(%dma_wait3A_706 : memref<1024xi32, #tpu.memory_space<vmem>>) dst(%dma_wait3A_704 : memref<1024xi32, #tpu.memory_space<vmem_shared>>)
    %mul3A_707 = arith.constant 1024 : i32
    %mul3A_708 = arith.muli %mul3A_707, %arg1 : i32
    %dma_wait3A_709 = arith.constant 12 : i32
    %dma_wait3A_710 = arith.constant 12288 : i32
    %dma_wait3A_711 = tpu.memref_slice %arg12[%dma_wait3A_710] : memref<16384xi32, #tpu.memory_space<vmem>> -> memref<1024xi32, #tpu.memory_space<vmem>>
    %dma_wait3A_712 = tpu.memref_slice %arg5[%dma_wait3A_709, %mul3A_708] : memref<16x16384xi32, #tpu.memory_space<vmem_shared>> -> memref<1x1024xi32, #tpu.memory_space<vmem_shared>>
    %dma_wait3A_713 = tpu.memref_squeeze %dma_wait3A_712 : memref<1x1024xi32, #tpu.memory_space<vmem_shared>> -> memref<1024xi32, #tpu.memory_space<vmem_shared>>
    %dma_wait3A_714 = tpu.memref_slice %arg5[%dma_wait3A_709, %mul3A_708] : memref<16x16384xi32, #tpu.memory_space<vmem_shared>> -> memref<1x1024xi32, #tpu.memory_space<vmem_shared>>
    %dma_wait3A_715 = tpu.memref_squeeze %dma_wait3A_714 : memref<1x1024xi32, #tpu.memory_space<vmem_shared>> -> memref<1024xi32, #tpu.memory_space<vmem_shared>>
    %dma_wait3A_716 = arith.constant 12288 : i32
    %dma_wait3A_717 = tpu.memref_slice %arg12[%dma_wait3A_716] : memref<16384xi32, #tpu.memory_space<vmem>> -> memref<1024xi32, #tpu.memory_space<vmem>>
    tpu.wait_dma2 semaphore(%arg26 : memref<!tpu.dma_semaphore, #tpu.memory_space<semaphore_mem>>) src(%dma_wait3A_717 : memref<1024xi32, #tpu.memory_space<vmem>>) dst(%dma_wait3A_715 : memref<1024xi32, #tpu.memory_space<vmem_shared>>)
    %mul3A_718 = arith.constant 1024 : i32
    %mul3A_719 = arith.muli %mul3A_718, %arg1 : i32
    %dma_wait3A_720 = arith.constant 13 : i32
    %dma_wait3A_721 = arith.constant 13312 : i32
    %dma_wait3A_722 = tpu.memref_slice %arg12[%dma_wait3A_721] : memref<16384xi32, #tpu.memory_space<vmem>> -> memref<1024xi32, #tpu.memory_space<vmem>>
    %dma_wait3A_723 = tpu.memref_slice %arg5[%dma_wait3A_720, %mul3A_719] : memref<16x16384xi32, #tpu.memory_space<vmem_shared>> -> memref<1x1024xi32, #tpu.memory_space<vmem_shared>>
    %dma_wait3A_724 = tpu.memref_squeeze %dma_wait3A_723 : memref<1x1024xi32, #tpu.memory_space<vmem_shared>> -> memref<1024xi32, #tpu.memory_space<vmem_shared>>
    %dma_wait3A_725 = tpu.memref_slice %arg5[%dma_wait3A_720, %mul3A_719] : memref<16x16384xi32, #tpu.memory_space<vmem_shared>> -> memref<1x1024xi32, #tpu.memory_space<vmem_shared>>
    %dma_wait3A_726 = tpu.memref_squeeze %dma_wait3A_725 : memref<1x1024xi32, #tpu.memory_space<vmem_shared>> -> memref<1024xi32, #tpu.memory_space<vmem_shared>>
    %dma_wait3A_727 = arith.constant 13312 : i32
    %dma_wait3A_728 = tpu.memref_slice %arg12[%dma_wait3A_727] : memref<16384xi32, #tpu.memory_space<vmem>> -> memref<1024xi32, #tpu.memory_space<vmem>>
    tpu.wait_dma2 semaphore(%arg26 : memref<!tpu.dma_semaphore, #tpu.memory_space<semaphore_mem>>) src(%dma_wait3A_728 : memref<1024xi32, #tpu.memory_space<vmem>>) dst(%dma_wait3A_726 : memref<1024xi32, #tpu.memory_space<vmem_shared>>)
    %mul3A_729 = arith.constant 1024 : i32
    %mul3A_730 = arith.muli %mul3A_729, %arg1 : i32
    %dma_wait3A_731 = arith.constant 14 : i32
    %dma_wait3A_732 = arith.constant 14336 : i32
    %dma_wait3A_733 = tpu.memref_slice %arg12[%dma_wait3A_732] : memref<16384xi32, #tpu.memory_space<vmem>> -> memref<1024xi32, #tpu.memory_space<vmem>>
    %dma_wait3A_734 = tpu.memref_slice %arg5[%dma_wait3A_731, %mul3A_730] : memref<16x16384xi32, #tpu.memory_space<vmem_shared>> -> memref<1x1024xi32, #tpu.memory_space<vmem_shared>>
    %dma_wait3A_735 = tpu.memref_squeeze %dma_wait3A_734 : memref<1x1024xi32, #tpu.memory_space<vmem_shared>> -> memref<1024xi32, #tpu.memory_space<vmem_shared>>
    %dma_wait3A_736 = tpu.memref_slice %arg5[%dma_wait3A_731, %mul3A_730] : memref<16x16384xi32, #tpu.memory_space<vmem_shared>> -> memref<1x1024xi32, #tpu.memory_space<vmem_shared>>
    %dma_wait3A_737 = tpu.memref_squeeze %dma_wait3A_736 : memref<1x1024xi32, #tpu.memory_space<vmem_shared>> -> memref<1024xi32, #tpu.memory_space<vmem_shared>>
    %dma_wait3A_738 = arith.constant 14336 : i32
    %dma_wait3A_739 = tpu.memref_slice %arg12[%dma_wait3A_738] : memref<16384xi32, #tpu.memory_space<vmem>> -> memref<1024xi32, #tpu.memory_space<vmem>>
    tpu.wait_dma2 semaphore(%arg26 : memref<!tpu.dma_semaphore, #tpu.memory_space<semaphore_mem>>) src(%dma_wait3A_739 : memref<1024xi32, #tpu.memory_space<vmem>>) dst(%dma_wait3A_737 : memref<1024xi32, #tpu.memory_space<vmem_shared>>)
    %mul3A_740 = arith.constant 1024 : i32
    %mul3A_741 = arith.muli %mul3A_740, %arg1 : i32
    %dma_wait3A_742 = arith.constant 15 : i32
    %dma_wait3A_743 = arith.constant 15360 : i32
    %dma_wait3A_744 = tpu.memref_slice %arg12[%dma_wait3A_743] : memref<16384xi32, #tpu.memory_space<vmem>> -> memref<1024xi32, #tpu.memory_space<vmem>>
    %dma_wait3A_745 = tpu.memref_slice %arg5[%dma_wait3A_742, %mul3A_741] : memref<16x16384xi32, #tpu.memory_space<vmem_shared>> -> memref<1x1024xi32, #tpu.memory_space<vmem_shared>>
    %dma_wait3A_746 = tpu.memref_squeeze %dma_wait3A_745 : memref<1x1024xi32, #tpu.memory_space<vmem_shared>> -> memref<1024xi32, #tpu.memory_space<vmem_shared>>
    %dma_wait3A_747 = tpu.memref_slice %arg5[%dma_wait3A_742, %mul3A_741] : memref<16x16384xi32, #tpu.memory_space<vmem_shared>> -> memref<1x1024xi32, #tpu.memory_space<vmem_shared>>
    %dma_wait3A_748 = tpu.memref_squeeze %dma_wait3A_747 : memref<1x1024xi32, #tpu.memory_space<vmem_shared>> -> memref<1024xi32, #tpu.memory_space<vmem_shared>>
    %dma_wait3A_749 = arith.constant 15360 : i32
    %dma_wait3A_750 = tpu.memref_slice %arg12[%dma_wait3A_749] : memref<16384xi32, #tpu.memory_space<vmem>> -> memref<1024xi32, #tpu.memory_space<vmem>>
    tpu.wait_dma2 semaphore(%arg26 : memref<!tpu.dma_semaphore, #tpu.memory_space<semaphore_mem>>) src(%dma_wait3A_750 : memref<1024xi32, #tpu.memory_space<vmem>>) dst(%dma_wait3A_748 : memref<1024xi32, #tpu.memory_space<vmem_shared>>)
    %barrier3A_751 = arith.constant 0 : index
    tpu.barrier barrier_id(%barrier3A_751)
    "tpu.region"() ({
      %run_scoped3A_1032 = tpu.sem_alloc : memref<!tpu.dma_semaphore, #tpu.memory_space<semaphore_mem>>
      tpu.enqueue_dma source(%arg7 : memref<16x16xi32, #tpu.memory_space<vmem_shared>>) target(%arg16 : memref<16x16xi32, #tpu.memory_space<vmem>>) target_semaphore(%run_scoped3A_1032 : memref<!tpu.dma_semaphore, #tpu.memory_space<semaphore_mem>>)
      tpu.wait_dma2 semaphore(%run_scoped3A_1032 : memref<!tpu.dma_semaphore, #tpu.memory_space<semaphore_mem>>) src(%arg7 : memref<16x16xi32, #tpu.memory_space<vmem_shared>>) dst(%arg16 : memref<16x16xi32, #tpu.memory_space<vmem>>)
      tpu.yield
    }) : () -> ()
    %broadcast_in_dim3A_752 = arith.constant 15 : i32
    %broadcast_in_dim3A_753 = vector.broadcast %broadcast_in_dim3A_752 : i32 to vector<16xi32>
    %gather3A = tpu.vector_load_idx %arg16[%iota3A, %broadcast_in_dim3A_753] : memref<16x16xi32, #tpu.memory_space<vmem>>[vector<16xi32>, vector<16xi32>], vector<16xi32>,
    %lt3A = vector.broadcast %arg1 : i32 to vector<16xi32>
    %lt3A_754 = arith.cmpi slt, %iota3A, %lt3A : vector<16xi32>
    %jit3A = arith.constant 0 : i32
    %broadcast_in_dim3A_755 = vector.broadcast %jit3A : i32 to vector<16xi32>
    %select_n3A = arith.select %lt3A_754, %gather3A, %broadcast_in_dim3A_755 : vector<16xi1>, vector<16xi32>
    %reduce_sum3A = arith.constant true
    %reduce_sum3A_756 = vector.broadcast %reduce_sum3A : i1 to vector<16xi1>
    %reduce_sum3A_757 = tpu.scan <sum>, %select_n3A masked %reduce_sum3A_756 : vector<16xi32>, vector<16xi1> -> vector<16xi32>
    %reduce_sum3A_758 = vector.extract %reduce_sum3A_757[15] : i32 from vector<16xi32>
    %get3A_759 = arith.constant 0 : index
    %get3A_760 = tpu.vector_load %arg14[%get3A_759] {strides = array<i32>} : memref<80xi32, #tpu.memory_space<vmem>>, vector<16xi32>,
    %broadcast_in_dim3A_761 = arith.constant true
    %broadcast_in_dim3A_762 = vector.broadcast %broadcast_in_dim3A_761 : i1 to vector<16xi1>
    %masked_cumsum3A_763 = tpu.scan <sum>, %get3A_760 masked %broadcast_in_dim3A_762 : vector<16xi32>, vector<16xi1> -> vector<16xi32>
    %sub3A = arith.subi %masked_cumsum3A_763, %get3A_760 : vector<16xi32>
    %add3A_764 = vector.broadcast %reduce_sum3A_758 : i32 to vector<16xi32>
    %add3A_765 = arith.addi %sub3A, %add3A_764 : vector<16xi32>
    %swap3A_766 = arith.constant 0 : index
    %swap3A_767 = tpu.vector_load %arg14[%swap3A_766] {strides = array<i32>} : memref<80xi32, #tpu.memory_space<vmem>>, vector<16xi32>,
    tpu.vector_store %arg14[%swap3A_766], %add3A_765 {strides = array<i32>} : memref<80xi32, #tpu.memory_space<vmem>>, vector<16xi32>,
    %slice3A = vector.extract_strided_slice %masked_cumsum3A_763 {offsets = [15], sizes = [1], strides = [1]} : vector<16xi32> to vector<1xi32>
    %squeeze3A = vector.extract %slice3A[0] : i32 from vector<1xi32>
    %add3A_768 = arith.addi %reduce_sum3A_758, %squeeze3A : i32
    %get3A_769 = arith.constant 16 : index
    %get3A_770 = tpu.vector_load %arg14[%get3A_769] {strides = array<i32>} : memref<80xi32, #tpu.memory_space<vmem>>, vector<16xi32>,
    %broadcast_in_dim3A_771 = arith.constant true
    %broadcast_in_dim3A_772 = vector.broadcast %broadcast_in_dim3A_771 : i1 to vector<16xi1>
    %masked_cumsum3A_773 = tpu.scan <sum>, %get3A_770 masked %broadcast_in_dim3A_772 : vector<16xi32>, vector<16xi1> -> vector<16xi32>
    %sub3A_774 = arith.subi %masked_cumsum3A_773, %get3A_770 : vector<16xi32>
    %add3A_775 = vector.broadcast %add3A_768 : i32 to vector<16xi32>
    %add3A_776 = arith.addi %sub3A_774, %add3A_775 : vector<16xi32>
    %swap3A_777 = arith.constant 16 : index
    %swap3A_778 = tpu.vector_load %arg14[%swap3A_777] {strides = array<i32>} : memref<80xi32, #tpu.memory_space<vmem>>, vector<16xi32>,
    tpu.vector_store %arg14[%swap3A_777], %add3A_776 {strides = array<i32>} : memref<80xi32, #tpu.memory_space<vmem>>, vector<16xi32>,
    %slice3A_779 = vector.extract_strided_slice %masked_cumsum3A_773 {offsets = [15], sizes = [1], strides = [1]} : vector<16xi32> to vector<1xi32>
    %squeeze3A_780 = vector.extract %slice3A_779[0] : i32 from vector<1xi32>
    %add3A_781 = arith.addi %add3A_768, %squeeze3A_780 : i32
    %get3A_782 = arith.constant 32 : index
    %get3A_783 = tpu.vector_load %arg14[%get3A_782] {strides = array<i32>} : memref<80xi32, #tpu.memory_space<vmem>>, vector<16xi32>,
    %broadcast_in_dim3A_784 = arith.constant true
    %broadcast_in_dim3A_785 = vector.broadcast %broadcast_in_dim3A_784 : i1 to vector<16xi1>
    %masked_cumsum3A_786 = tpu.scan <sum>, %get3A_783 masked %broadcast_in_dim3A_785 : vector<16xi32>, vector<16xi1> -> vector<16xi32>
    %sub3A_787 = arith.subi %masked_cumsum3A_786, %get3A_783 : vector<16xi32>
    %add3A_788 = vector.broadcast %add3A_781 : i32 to vector<16xi32>
    %add3A_789 = arith.addi %sub3A_787, %add3A_788 : vector<16xi32>
    %swap3A_790 = arith.constant 32 : index
    %swap3A_791 = tpu.vector_load %arg14[%swap3A_790] {strides = array<i32>} : memref<80xi32, #tpu.memory_space<vmem>>, vector<16xi32>,
    tpu.vector_store %arg14[%swap3A_790], %add3A_789 {strides = array<i32>} : memref<80xi32, #tpu.memory_space<vmem>>, vector<16xi32>,
    %slice3A_792 = vector.extract_strided_slice %masked_cumsum3A_786 {offsets = [15], sizes = [1], strides = [1]} : vector<16xi32> to vector<1xi32>
    %squeeze3A_793 = vector.extract %slice3A_792[0] : i32 from vector<1xi32>
    %add3A_794 = arith.addi %add3A_781, %squeeze3A_793 : i32
    %get3A_795 = arith.constant 48 : index
    %get3A_796 = tpu.vector_load %arg14[%get3A_795] {strides = array<i32>} : memref<80xi32, #tpu.memory_space<vmem>>, vector<16xi32>,
    %broadcast_in_dim3A_797 = arith.constant true
    %broadcast_in_dim3A_798 = vector.broadcast %broadcast_in_dim3A_797 : i1 to vector<16xi1>
    %masked_cumsum3A_799 = tpu.scan <sum>, %get3A_796 masked %broadcast_in_dim3A_798 : vector<16xi32>, vector<16xi1> -> vector<16xi32>
    %sub3A_800 = arith.subi %masked_cumsum3A_799, %get3A_796 : vector<16xi32>
    %add3A_801 = vector.broadcast %add3A_794 : i32 to vector<16xi32>
    %add3A_802 = arith.addi %sub3A_800, %add3A_801 : vector<16xi32>
    %swap3A_803 = arith.constant 48 : index
    %swap3A_804 = tpu.vector_load %arg14[%swap3A_803] {strides = array<i32>} : memref<80xi32, #tpu.memory_space<vmem>>, vector<16xi32>,
    tpu.vector_store %arg14[%swap3A_803], %add3A_802 {strides = array<i32>} : memref<80xi32, #tpu.memory_space<vmem>>, vector<16xi32>,
    %slice3A_805 = vector.extract_strided_slice %masked_cumsum3A_799 {offsets = [15], sizes = [1], strides = [1]} : vector<16xi32> to vector<1xi32>
    %squeeze3A_806 = vector.extract %slice3A_805[0] : i32 from vector<1xi32>
    %add3A_807 = arith.addi %add3A_794, %squeeze3A_806 : i32
    %scan3A_808 = arith.constant 0 : i32
    %scan3A_809 = arith.constant 0 : i32
    %scan3A_810 = arith.constant 64 : i32
    %scan3A_811 = arith.addi %scan3A_809, %scan3A_810 : i32
    %scan3A_812 = arith.constant 1 : i32
    %scan3A_813 = scf.for %scan3A_1032 = %scan3A_809 to %scan3A_811 step %scan3A_812 iter_args(%scan3A_1033 = %scan3A_808) -> (i32)  : i32 {
      %mul3A_1034 = arith.constant 16 : i32
      %mul3A_1035 = arith.muli %mul3A_1034, %scan3A_1032 : i32
      %get3A_1036 = arith.index_cast %scan3A_1032 : i32 to index
      %get3A_1037 = tpu.vector_load %arg14[%get3A_1036] {strides = array<i32>} : memref<80xi32, #tpu.memory_space<vmem>>, vector<16xi32>,
      %slice3A_1038 = vector.extract_strided_slice %get3A_1037 {offsets = [0], sizes = [1], strides = [1]} : vector<16xi32> to vector<1xi32>
      %squeeze3A_1039 = vector.extract %slice3A_1038[0] : i32 from vector<1xi32>
      %get3A_1040 = arith.index_cast %mul3A_1035 : i32 to index
      %get3A_1041 = tpu.vector_load %arg13[%get3A_1040] {strides = array<i32>} : memref<1024xi32, #tpu.memory_space<vmem>>, vector<16xi32>,
      %add3A_1042 = vector.broadcast %squeeze3A_1039 : i32 to vector<16xi32>
      %add3A_1043 = arith.addi %get3A_1041, %add3A_1042 : vector<16xi32>
      %swap3A_1044 = arith.index_cast %mul3A_1035 : i32 to index
      %swap3A_1045 = tpu.vector_load %arg13[%swap3A_1044] {strides = array<i32>} : memref<1024xi32, #tpu.memory_space<vmem>>, vector<16xi32>,
      tpu.vector_store %arg13[%swap3A_1044], %add3A_1043 {strides = array<i32>} : memref<1024xi32, #tpu.memory_space<vmem>>, vector<16xi32>,
      %scan3A_1046 = arith.constant 0 : i32
      scf.yield %scan3A_1046 : i32
    }
    %scan3A_814 = arith.constant 64 : i32
    %mul3A_815 = arith.constant 1024 : i32
    %mul3A_816 = arith.muli %mul3A_815, %arg1 : i32
    "tpu.region"() ({
      %run_scoped3A_1032 = tpu.sem_alloc : memref<!tpu.dma_semaphore, #tpu.memory_space<semaphore_mem>>
      %dma_start3A_1033 = tpu.memref_slice %arg6[%mul3A_816] : memref<16384xi32, #tpu.memory_space<vmem_shared>> -> memref<1024xi32, #tpu.memory_space<vmem_shared>>
      %dma_start3A_1034 = tpu.memref_slice %arg6[%mul3A_816] : memref<16384xi32, #tpu.memory_space<vmem_shared>> -> memref<1024xi32, #tpu.memory_space<vmem_shared>>
      tpu.enqueue_dma source(%arg13 : memref<1024xi32, #tpu.memory_space<vmem>>) target(%dma_start3A_1034 : memref<1024xi32, #tpu.memory_space<vmem_shared>>) target_semaphore(%run_scoped3A_1032 : memref<!tpu.dma_semaphore, #tpu.memory_space<semaphore_mem>>)
      %dma_wait3A_1035 = tpu.memref_slice %arg6[%mul3A_816] : memref<16384xi32, #tpu.memory_space<vmem_shared>> -> memref<1024xi32, #tpu.memory_space<vmem_shared>>
      %dma_wait3A_1036 = tpu.memref_slice %arg6[%mul3A_816] : memref<16384xi32, #tpu.memory_space<vmem_shared>> -> memref<1024xi32, #tpu.memory_space<vmem_shared>>
      tpu.wait_dma2 semaphore(%run_scoped3A_1032 : memref<!tpu.dma_semaphore, #tpu.memory_space<semaphore_mem>>) src(%arg13 : memref<1024xi32, #tpu.memory_space<vmem>>) dst(%dma_wait3A_1036 : memref<1024xi32, #tpu.memory_space<vmem_shared>>)
      tpu.yield
    }) : () -> ()
    %barrier3A_817 = arith.constant 0 : index
    tpu.barrier barrier_id(%barrier3A_817)
    tpu.enqueue_dma source(%arg6 : memref<16384xi32, #tpu.memory_space<vmem_shared>>) target(%arg11 : memref<16384xi32, #tpu.memory_space<vmem>>) target_semaphore(%arg26 : memref<!tpu.dma_semaphore, #tpu.memory_space<semaphore_mem>>)
    %dma_start3A_818 = arith.constant 0 : i32
    %dma_start3A_819 = tpu.memref_slice %arg5[%arg1, %dma_start3A_818] : memref<16x16384xi32, #tpu.memory_space<vmem_shared>> -> memref<1x16384xi32, #tpu.memory_space<vmem_shared>>
    %dma_start3A_820 = tpu.memref_squeeze %dma_start3A_819 : memref<1x16384xi32, #tpu.memory_space<vmem_shared>> -> memref<16384xi32, #tpu.memory_space<vmem_shared>>
    %dma_start3A_821 = arith.constant 0 : i32
    %dma_start3A_822 = tpu.memref_slice %arg5[%arg1, %dma_start3A_821] : memref<16x16384xi32, #tpu.memory_space<vmem_shared>> -> memref<1x16384xi32, #tpu.memory_space<vmem_shared>>
    %dma_start3A_823 = tpu.memref_squeeze %dma_start3A_822 : memref<1x16384xi32, #tpu.memory_space<vmem_shared>> -> memref<16384xi32, #tpu.memory_space<vmem_shared>>
    tpu.enqueue_dma source(%dma_start3A_823 : memref<16384xi32, #tpu.memory_space<vmem_shared>>) target(%arg12 : memref<16384xi32, #tpu.memory_space<vmem>>) target_semaphore(%arg27 : memref<!tpu.dma_semaphore, #tpu.memory_space<semaphore_mem>>)
    tpu.wait_dma2 semaphore(%arg26 : memref<!tpu.dma_semaphore, #tpu.memory_space<semaphore_mem>>) src(%arg6 : memref<16384xi32, #tpu.memory_space<vmem_shared>>) dst(%arg11 : memref<16384xi32, #tpu.memory_space<vmem>>)
    %dma_wait3A_824 = arith.constant 0 : i32
    %dma_wait3A_825 = tpu.memref_slice %arg5[%arg1, %dma_wait3A_824] : memref<16x16384xi32, #tpu.memory_space<vmem_shared>> -> memref<1x16384xi32, #tpu.memory_space<vmem_shared>>
    %dma_wait3A_826 = tpu.memref_squeeze %dma_wait3A_825 : memref<1x16384xi32, #tpu.memory_space<vmem_shared>> -> memref<16384xi32, #tpu.memory_space<vmem_shared>>
    %dma_wait3A_827 = arith.constant 0 : i32
    %dma_wait3A_828 = tpu.memref_slice %arg5[%arg1, %dma_wait3A_827] : memref<16x16384xi32, #tpu.memory_space<vmem_shared>> -> memref<1x16384xi32, #tpu.memory_space<vmem_shared>>
    %dma_wait3A_829 = tpu.memref_squeeze %dma_wait3A_828 : memref<1x16384xi32, #tpu.memory_space<vmem_shared>> -> memref<16384xi32, #tpu.memory_space<vmem_shared>>
    tpu.wait_dma2 semaphore(%arg27 : memref<!tpu.dma_semaphore, #tpu.memory_space<semaphore_mem>>) src(%dma_wait3A_829 : memref<16384xi32, #tpu.memory_space<vmem_shared>>) dst(%arg12 : memref<16384xi32, #tpu.memory_space<vmem>>)
    %scan3A_830 = arith.constant 0 : i32
    %scan3A_831 = arith.constant 0 : i32
    %scan3A_832 = arith.constant 64 : i32
    %scan3A_833 = arith.addi %scan3A_831, %scan3A_832 : i32
    %scan3A_834 = arith.constant 1 : i32
    %scan3A_835 = scf.for %scan3A_1032 = %scan3A_831 to %scan3A_833 step %scan3A_834 iter_args(%scan3A_1033 = %scan3A_830) -> (i32)  : i32 {
      %mul3A_1034 = arith.constant 16 : i32
      %mul3A_1035 = arith.muli %mul3A_1034, %scan3A_1032 : i32
      %get3A_1036 = arith.index_cast %mul3A_1035 : i32 to index
      %get3A_1037 = tpu.vector_load %arg10[%get3A_1036] {strides = array<i32>} : memref<1024xi32, #tpu.memory_space<vmem>>, vector<16xi32>,
      %broadcast_in_dim3A_1038 = arith.constant true
      %broadcast_in_dim3A_1039 = vector.broadcast %broadcast_in_dim3A_1038 : i1 to vector<16xi1>
      %unique3A, %unique3A_1040 = tpu.scan_count mask(%broadcast_in_dim3A_1039 : vector<16xi1>) value(%get3A_1037 : vector<16xi32>) : vector<16xi1>, vector<16xi32>
      %gather3A_1041 = tpu.vector_load_idx %arg11[%get3A_1037] : memref<16384xi32, #tpu.memory_space<vmem>>[vector<16xi32>], vector<16xi32>,
      %gather3A_1042 = tpu.vector_load_idx %arg12[%get3A_1037] : memref<16384xi32, #tpu.memory_space<vmem>>[vector<16xi32>], vector<16xi32>,
      %add3A_1043 = arith.addi %gather3A_1041, %gather3A_1042 : vector<16xi32>
      %add3A_1044 = arith.addi %add3A_1043, %unique3A_1040 : vector<16xi32>
      %sub3A_1045 = arith.constant 1 : i32
      %sub3A_1046 = vector.broadcast %sub3A_1045 : i32 to vector<16xi32>
      %sub3A_1047 = arith.subi %add3A_1044, %sub3A_1046 : vector<16xi32>
      %jit3A_1048 = arith.constant 8 : i32
      %div3A = arith.divsi %scan3A_1032, %jit3A_1048 : i32
      %sign3A = arith.constant 0 : i32
      %sign3A_1049 = arith.cmpi sgt, %scan3A_1032, %sign3A : i32
      %sign3A_1050 = arith.extui %sign3A_1049 : i1 to i32
      %sign3A_1051 = arith.constant 0 : i32
      %sign3A_1052 = arith.cmpi slt, %scan3A_1032, %sign3A_1051 : i32
      %sign3A_1053 = arith.extui %sign3A_1052 : i1 to i32
      %sign3A_1054 = arith.subi %sign3A_1050, %sign3A_1053 : i32
      %sign3A_1055 = arith.constant 0 : i32
      %sign3A_1056 = arith.cmpi sgt, %jit3A_1048, %sign3A_1055 : i32
      %sign3A_1057 = arith.extui %sign3A_1056 : i1 to i32
      %sign3A_1058 = arith.constant 0 : i32
      %sign3A_1059 = arith.cmpi slt, %jit3A_1048, %sign3A_1058 : i32
      %sign3A_1060 = arith.extui %sign3A_1059 : i1 to i32
      %sign3A_1061 = arith.subi %sign3A_1057, %sign3A_1060 : i32
      %ne3A = arith.cmpi ne, %sign3A_1054, %sign3A_1061 : i32
      %rem3A = arith.remsi %scan3A_1032, %jit3A_1048 : i32
      %ne3A_1062 = arith.constant 0 : i32
      %ne3A_1063 = arith.cmpi ne, %rem3A, %ne3A_1062 : i32
      %and3A = arith.andi %ne3A, %ne3A_1063 : i1
      %sub3A_1064 = arith.constant 1 : i32
      %sub3A_1065 = arith.subi %div3A, %sub3A_1064 : i32
      %select_n3A_1066 = arith.select %and3A, %sub3A_1065, %div3A : i32
      %jit3A_1067 = arith.constant 8 : i32
      %eq3A_1068 = arith.constant 0 : i32
      %eq3A_1069 = arith.cmpi eq, %jit3A_1067, %eq3A_1068 : i32
      %jit3A_1070 = arith.constant 1 : i32
      %select_n3A_1071 = arith.select %eq3A_1069, %jit3A_1070, %jit3A_1067 : i32
      %rem3A_1072 = arith.remsi %scan3A_1032, %select_n3A_1071 : i32
      %ne3A_1073 = arith.constant 0 : i32
      %ne3A_1074 = arith.cmpi ne, %rem3A_1072, %ne3A_1073 : i32
      %lt3A_1075 = arith.constant 0 : i32
      %lt3A_1076 = arith.cmpi slt, %rem3A_1072, %lt3A_1075 : i32
      %lt3A_1077 = arith.constant 0 : i32
      %lt3A_1078 = arith.cmpi slt, %select_n3A_1071, %lt3A_1077 : i32
      %ne3A_1079 = arith.xori %lt3A_1076, %lt3A_1078 : i1
      %and3A_1080 = arith.andi %ne3A_1079, %ne3A_1074 : i1
      %add3A_1081 = arith.addi %rem3A_1072, %select_n3A_1071 : i32
      %select_n3A_1082 = arith.select %and3A_1080, %add3A_1081, %rem3A_1072 : i32
      %mul3A_1083 = arith.constant 16 : i32
      %mul3A_1084 = arith.muli %mul3A_1083, %select_n3A_1082 : i32
      %swap3A_1085 = arith.index_cast %select_n3A_1066 : i32 to index
      %swap3A_1086 = arith.index_cast %mul3A_1084 : i32 to index
      %swap3A_1087 = tpu.vector_load %arg18[%swap3A_1085, %swap3A_1086] {strides = array<i32>} : memref<8x128xi32, #tpu.memory_space<vmem>>, vector<16xi32>,
      tpu.vector_store %arg18[%swap3A_1085, %swap3A_1086], %sub3A_1047 {strides = array<i32>} : memref<8x128xi32, #tpu.memory_space<vmem>>, vector<16xi32>,
      tpu.vector_store_idx %arg12[%get3A_1037], %unique3A_1040 masked %unique3A {add = true} : memref<16384xi32, #tpu.memory_space<vmem>>[vector<16xi32>], vector<16xi32>, vector<16xi1>
      %scan3A_1088 = arith.constant 0 : i32
      scf.yield %scan3A_1088 : i32
    }
    %scan3A_836 = arith.constant 64 : i32
    %dma_start3A_837 = arith.constant 0 : i32
    %dma_start3A_838 = arith.constant 0 : i32
    %dma_start3A_839 = arith.constant 0 : i32
    %dma_start3A_840 = tpu.memref_slice %arg19[%dma_start3A_837, %dma_start3A_839] : memref<8x128xi32, #tpu.memory_space<vmem>> -> memref<1x128xi32, #tpu.memory_space<vmem>>
    %dma_start3A_841 = tpu.memref_squeeze %dma_start3A_840 : memref<1x128xi32, #tpu.memory_space<vmem>> -> memref<128xi32, #tpu.memory_space<vmem>>
    %dma_start3A_842 = arith.constant 0 : i32
    %dma_start3A_843 = tpu.memref_slice %arg18[%dma_start3A_838, %dma_start3A_842] : memref<8x128xi32, #tpu.memory_space<vmem>> -> memref<1x128xi32, #tpu.memory_space<vmem>>
    %dma_start3A_844 = tpu.memref_squeeze %dma_start3A_843 : memref<1x128xi32, #tpu.memory_space<vmem>> -> memref<128xi32, #tpu.memory_space<vmem>>
    %dma_start3A_845 = arith.constant 0 : i32
    %dma_start3A_846 = tpu.memref_slice %arg8[%dma_start3A_845] : memref<16384xi32, #tpu.memory_space<vmem_shared>> -> memref<16384xi32, #tpu.memory_space<vmem_shared>>
    tpu.enqueue_indirect_dma source(%dma_start3A_841 : memref<128xi32, #tpu.memory_space<vmem>>) target(%dma_start3A_846 : memref<16384xi32, #tpu.memory_space<vmem_shared>>) offsets(%dma_start3A_844 : memref<128xi32, #tpu.memory_space<vmem>>) semaphore(%arg26 : memref<!tpu.dma_semaphore, #tpu.memory_space<semaphore_mem>>)
    %dma_start3A_847 = arith.constant 1 : i32
    %dma_start3A_848 = arith.constant 1 : i32
    %dma_start3A_849 = arith.constant 0 : i32
    %dma_start3A_850 = tpu.memref_slice %arg19[%dma_start3A_847, %dma_start3A_849] : memref<8x128xi32, #tpu.memory_space<vmem>> -> memref<1x128xi32, #tpu.memory_space<vmem>>
    %dma_start3A_851 = tpu.memref_squeeze %dma_start3A_850 : memref<1x128xi32, #tpu.memory_space<vmem>> -> memref<128xi32, #tpu.memory_space<vmem>>
    %dma_start3A_852 = arith.constant 0 : i32
    %dma_start3A_853 = tpu.memref_slice %arg18[%dma_start3A_848, %dma_start3A_852] : memref<8x128xi32, #tpu.memory_space<vmem>> -> memref<1x128xi32, #tpu.memory_space<vmem>>
    %dma_start3A_854 = tpu.memref_squeeze %dma_start3A_853 : memref<1x128xi32, #tpu.memory_space<vmem>> -> memref<128xi32, #tpu.memory_space<vmem>>
    %dma_start3A_855 = arith.constant 0 : i32
    %dma_start3A_856 = tpu.memref_slice %arg8[%dma_start3A_855] : memref<16384xi32, #tpu.memory_space<vmem_shared>> -> memref<16384xi32, #tpu.memory_space<vmem_shared>>
    tpu.enqueue_indirect_dma source(%dma_start3A_851 : memref<128xi32, #tpu.memory_space<vmem>>) target(%dma_start3A_856 : memref<16384xi32, #tpu.memory_space<vmem_shared>>) offsets(%dma_start3A_854 : memref<128xi32, #tpu.memory_space<vmem>>) semaphore(%arg26 : memref<!tpu.dma_semaphore, #tpu.memory_space<semaphore_mem>>)
    %dma_start3A_857 = arith.constant 2 : i32
    %dma_start3A_858 = arith.constant 2 : i32
    %dma_start3A_859 = arith.constant 0 : i32
    %dma_start3A_860 = tpu.memref_slice %arg19[%dma_start3A_857, %dma_start3A_859] : memref<8x128xi32, #tpu.memory_space<vmem>> -> memref<1x128xi32, #tpu.memory_space<vmem>>
    %dma_start3A_861 = tpu.memref_squeeze %dma_start3A_860 : memref<1x128xi32, #tpu.memory_space<vmem>> -> memref<128xi32, #tpu.memory_space<vmem>>
    %dma_start3A_862 = arith.constant 0 : i32
    %dma_start3A_863 = tpu.memref_slice %arg18[%dma_start3A_858, %dma_start3A_862] : memref<8x128xi32, #tpu.memory_space<vmem>> -> memref<1x128xi32, #tpu.memory_space<vmem>>
    %dma_start3A_864 = tpu.memref_squeeze %dma_start3A_863 : memref<1x128xi32, #tpu.memory_space<vmem>> -> memref<128xi32, #tpu.memory_space<vmem>>
    %dma_start3A_865 = arith.constant 0 : i32
    %dma_start3A_866 = tpu.memref_slice %arg8[%dma_start3A_865] : memref<16384xi32, #tpu.memory_space<vmem_shared>> -> memref<16384xi32, #tpu.memory_space<vmem_shared>>
    tpu.enqueue_indirect_dma source(%dma_start3A_861 : memref<128xi32, #tpu.memory_space<vmem>>) target(%dma_start3A_866 : memref<16384xi32, #tpu.memory_space<vmem_shared>>) offsets(%dma_start3A_864 : memref<128xi32, #tpu.memory_space<vmem>>) semaphore(%arg26 : memref<!tpu.dma_semaphore, #tpu.memory_space<semaphore_mem>>)
    %dma_start3A_867 = arith.constant 3 : i32
    %dma_start3A_868 = arith.constant 3 : i32
    %dma_start3A_869 = arith.constant 0 : i32
    %dma_start3A_870 = tpu.memref_slice %arg19[%dma_start3A_867, %dma_start3A_869] : memref<8x128xi32, #tpu.memory_space<vmem>> -> memref<1x128xi32, #tpu.memory_space<vmem>>
    %dma_start3A_871 = tpu.memref_squeeze %dma_start3A_870 : memref<1x128xi32, #tpu.memory_space<vmem>> -> memref<128xi32, #tpu.memory_space<vmem>>
    %dma_start3A_872 = arith.constant 0 : i32
    %dma_start3A_873 = tpu.memref_slice %arg18[%dma_start3A_868, %dma_start3A_872] : memref<8x128xi32, #tpu.memory_space<vmem>> -> memref<1x128xi32, #tpu.memory_space<vmem>>
    %dma_start3A_874 = tpu.memref_squeeze %dma_start3A_873 : memref<1x128xi32, #tpu.memory_space<vmem>> -> memref<128xi32, #tpu.memory_space<vmem>>
    %dma_start3A_875 = arith.constant 0 : i32
    %dma_start3A_876 = tpu.memref_slice %arg8[%dma_start3A_875] : memref<16384xi32, #tpu.memory_space<vmem_shared>> -> memref<16384xi32, #tpu.memory_space<vmem_shared>>
    tpu.enqueue_indirect_dma source(%dma_start3A_871 : memref<128xi32, #tpu.memory_space<vmem>>) target(%dma_start3A_876 : memref<16384xi32, #tpu.memory_space<vmem_shared>>) offsets(%dma_start3A_874 : memref<128xi32, #tpu.memory_space<vmem>>) semaphore(%arg26 : memref<!tpu.dma_semaphore, #tpu.memory_space<semaphore_mem>>)
    %dma_start3A_877 = arith.constant 4 : i32
    %dma_start3A_878 = arith.constant 4 : i32
    %dma_start3A_879 = arith.constant 0 : i32
    %dma_start3A_880 = tpu.memref_slice %arg19[%dma_start3A_877, %dma_start3A_879] : memref<8x128xi32, #tpu.memory_space<vmem>> -> memref<1x128xi32, #tpu.memory_space<vmem>>
    %dma_start3A_881 = tpu.memref_squeeze %dma_start3A_880 : memref<1x128xi32, #tpu.memory_space<vmem>> -> memref<128xi32, #tpu.memory_space<vmem>>
    %dma_start3A_882 = arith.constant 0 : i32
    %dma_start3A_883 = tpu.memref_slice %arg18[%dma_start3A_878, %dma_start3A_882] : memref<8x128xi32, #tpu.memory_space<vmem>> -> memref<1x128xi32, #tpu.memory_space<vmem>>
    %dma_start3A_884 = tpu.memref_squeeze %dma_start3A_883 : memref<1x128xi32, #tpu.memory_space<vmem>> -> memref<128xi32, #tpu.memory_space<vmem>>
    %dma_start3A_885 = arith.constant 0 : i32
    %dma_start3A_886 = tpu.memref_slice %arg8[%dma_start3A_885] : memref<16384xi32, #tpu.memory_space<vmem_shared>> -> memref<16384xi32, #tpu.memory_space<vmem_shared>>
    tpu.enqueue_indirect_dma source(%dma_start3A_881 : memref<128xi32, #tpu.memory_space<vmem>>) target(%dma_start3A_886 : memref<16384xi32, #tpu.memory_space<vmem_shared>>) offsets(%dma_start3A_884 : memref<128xi32, #tpu.memory_space<vmem>>) semaphore(%arg26 : memref<!tpu.dma_semaphore, #tpu.memory_space<semaphore_mem>>)
    %dma_start3A_887 = arith.constant 5 : i32
    %dma_start3A_888 = arith.constant 5 : i32
    %dma_start3A_889 = arith.constant 0 : i32
    %dma_start3A_890 = tpu.memref_slice %arg19[%dma_start3A_887, %dma_start3A_889] : memref<8x128xi32, #tpu.memory_space<vmem>> -> memref<1x128xi32, #tpu.memory_space<vmem>>
    %dma_start3A_891 = tpu.memref_squeeze %dma_start3A_890 : memref<1x128xi32, #tpu.memory_space<vmem>> -> memref<128xi32, #tpu.memory_space<vmem>>
    %dma_start3A_892 = arith.constant 0 : i32
    %dma_start3A_893 = tpu.memref_slice %arg18[%dma_start3A_888, %dma_start3A_892] : memref<8x128xi32, #tpu.memory_space<vmem>> -> memref<1x128xi32, #tpu.memory_space<vmem>>
    %dma_start3A_894 = tpu.memref_squeeze %dma_start3A_893 : memref<1x128xi32, #tpu.memory_space<vmem>> -> memref<128xi32, #tpu.memory_space<vmem>>
    %dma_start3A_895 = arith.constant 0 : i32
    %dma_start3A_896 = tpu.memref_slice %arg8[%dma_start3A_895] : memref<16384xi32, #tpu.memory_space<vmem_shared>> -> memref<16384xi32, #tpu.memory_space<vmem_shared>>
    tpu.enqueue_indirect_dma source(%dma_start3A_891 : memref<128xi32, #tpu.memory_space<vmem>>) target(%dma_start3A_896 : memref<16384xi32, #tpu.memory_space<vmem_shared>>) offsets(%dma_start3A_894 : memref<128xi32, #tpu.memory_space<vmem>>) semaphore(%arg26 : memref<!tpu.dma_semaphore, #tpu.memory_space<semaphore_mem>>)
    %dma_start3A_897 = arith.constant 6 : i32
    %dma_start3A_898 = arith.constant 6 : i32
    %dma_start3A_899 = arith.constant 0 : i32
    %dma_start3A_900 = tpu.memref_slice %arg19[%dma_start3A_897, %dma_start3A_899] : memref<8x128xi32, #tpu.memory_space<vmem>> -> memref<1x128xi32, #tpu.memory_space<vmem>>
    %dma_start3A_901 = tpu.memref_squeeze %dma_start3A_900 : memref<1x128xi32, #tpu.memory_space<vmem>> -> memref<128xi32, #tpu.memory_space<vmem>>
    %dma_start3A_902 = arith.constant 0 : i32
    %dma_start3A_903 = tpu.memref_slice %arg18[%dma_start3A_898, %dma_start3A_902] : memref<8x128xi32, #tpu.memory_space<vmem>> -> memref<1x128xi32, #tpu.memory_space<vmem>>
    %dma_start3A_904 = tpu.memref_squeeze %dma_start3A_903 : memref<1x128xi32, #tpu.memory_space<vmem>> -> memref<128xi32, #tpu.memory_space<vmem>>
    %dma_start3A_905 = arith.constant 0 : i32
    %dma_start3A_906 = tpu.memref_slice %arg8[%dma_start3A_905] : memref<16384xi32, #tpu.memory_space<vmem_shared>> -> memref<16384xi32, #tpu.memory_space<vmem_shared>>
    tpu.enqueue_indirect_dma source(%dma_start3A_901 : memref<128xi32, #tpu.memory_space<vmem>>) target(%dma_start3A_906 : memref<16384xi32, #tpu.memory_space<vmem_shared>>) offsets(%dma_start3A_904 : memref<128xi32, #tpu.memory_space<vmem>>) semaphore(%arg26 : memref<!tpu.dma_semaphore, #tpu.memory_space<semaphore_mem>>)
    %dma_start3A_907 = arith.constant 7 : i32
    %dma_start3A_908 = arith.constant 7 : i32
    %dma_start3A_909 = arith.constant 0 : i32
    %dma_start3A_910 = tpu.memref_slice %arg19[%dma_start3A_907, %dma_start3A_909] : memref<8x128xi32, #tpu.memory_space<vmem>> -> memref<1x128xi32, #tpu.memory_space<vmem>>
    %dma_start3A_911 = tpu.memref_squeeze %dma_start3A_910 : memref<1x128xi32, #tpu.memory_space<vmem>> -> memref<128xi32, #tpu.memory_space<vmem>>
    %dma_start3A_912 = arith.constant 0 : i32
    %dma_start3A_913 = tpu.memref_slice %arg18[%dma_start3A_908, %dma_start3A_912] : memref<8x128xi32, #tpu.memory_space<vmem>> -> memref<1x128xi32, #tpu.memory_space<vmem>>
    %dma_start3A_914 = tpu.memref_squeeze %dma_start3A_913 : memref<1x128xi32, #tpu.memory_space<vmem>> -> memref<128xi32, #tpu.memory_space<vmem>>
    %dma_start3A_915 = arith.constant 0 : i32
    %dma_start3A_916 = tpu.memref_slice %arg8[%dma_start3A_915] : memref<16384xi32, #tpu.memory_space<vmem_shared>> -> memref<16384xi32, #tpu.memory_space<vmem_shared>>
    tpu.enqueue_indirect_dma source(%dma_start3A_911 : memref<128xi32, #tpu.memory_space<vmem>>) target(%dma_start3A_916 : memref<16384xi32, #tpu.memory_space<vmem_shared>>) offsets(%dma_start3A_914 : memref<128xi32, #tpu.memory_space<vmem>>) semaphore(%arg26 : memref<!tpu.dma_semaphore, #tpu.memory_space<semaphore_mem>>)
    %dma_wait3A_917 = arith.constant 0 : i32
    %dma_wait3A_918 = arith.constant 0 : i32
    %dma_wait3A_919 = arith.constant 0 : i32
    %dma_wait3A_920 = tpu.memref_slice %arg19[%dma_wait3A_917, %dma_wait3A_919] : memref<8x128xi32, #tpu.memory_space<vmem>> -> memref<1x128xi32, #tpu.memory_space<vmem>>
    %dma_wait3A_921 = tpu.memref_squeeze %dma_wait3A_920 : memref<1x128xi32, #tpu.memory_space<vmem>> -> memref<128xi32, #tpu.memory_space<vmem>>
    %dma_wait3A_922 = arith.constant 0 : i32
    %dma_wait3A_923 = tpu.memref_slice %arg18[%dma_wait3A_918, %dma_wait3A_922] : memref<8x128xi32, #tpu.memory_space<vmem>> -> memref<1x128xi32, #tpu.memory_space<vmem>>
    %dma_wait3A_924 = tpu.memref_squeeze %dma_wait3A_923 : memref<1x128xi32, #tpu.memory_space<vmem>> -> memref<128xi32, #tpu.memory_space<vmem>>
    %dma_wait3A_925 = arith.constant 0 : i32
    %dma_wait3A_926 = tpu.memref_slice %arg8[%dma_wait3A_925] : memref<16384xi32, #tpu.memory_space<vmem_shared>> -> memref<16384xi32, #tpu.memory_space<vmem_shared>>
    tpu.wait_indirect_dma semaphore(%arg26 : memref<!tpu.dma_semaphore, #tpu.memory_space<semaphore_mem>>) src(%dma_wait3A_921 : memref<128xi32, #tpu.memory_space<vmem>>) dst(%dma_wait3A_926 : memref<16384xi32, #tpu.memory_space<vmem_shared>>)
    %dma_wait3A_927 = arith.constant 1 : i32
    %dma_wait3A_928 = arith.constant 1 : i32
    %dma_wait3A_929 = arith.constant 0 : i32
    %dma_wait3A_930 = tpu.memref_slice %arg19[%dma_wait3A_927, %dma_wait3A_929] : memref<8x128xi32, #tpu.memory_space<vmem>> -> memref<1x128xi32, #tpu.memory_space<vmem>>
    %dma_wait3A_931 = tpu.memref_squeeze %dma_wait3A_930 : memref<1x128xi32, #tpu.memory_space<vmem>> -> memref<128xi32, #tpu.memory_space<vmem>>
    %dma_wait3A_932 = arith.constant 0 : i32
    %dma_wait3A_933 = tpu.memref_slice %arg18[%dma_wait3A_928, %dma_wait3A_932] : memref<8x128xi32, #tpu.memory_space<vmem>> -> memref<1x128xi32, #tpu.memory_space<vmem>>
    %dma_wait3A_934 = tpu.memref_squeeze %dma_wait3A_933 : memref<1x128xi32, #tpu.memory_space<vmem>> -> memref<128xi32, #tpu.memory_space<vmem>>
    %dma_wait3A_935 = arith.constant 0 : i32
    %dma_wait3A_936 = tpu.memref_slice %arg8[%dma_wait3A_935] : memref<16384xi32, #tpu.memory_space<vmem_shared>> -> memref<16384xi32, #tpu.memory_space<vmem_shared>>
    tpu.wait_indirect_dma semaphore(%arg26 : memref<!tpu.dma_semaphore, #tpu.memory_space<semaphore_mem>>) src(%dma_wait3A_931 : memref<128xi32, #tpu.memory_space<vmem>>) dst(%dma_wait3A_936 : memref<16384xi32, #tpu.memory_space<vmem_shared>>)
    %dma_wait3A_937 = arith.constant 2 : i32
    %dma_wait3A_938 = arith.constant 2 : i32
    %dma_wait3A_939 = arith.constant 0 : i32
    %dma_wait3A_940 = tpu.memref_slice %arg19[%dma_wait3A_937, %dma_wait3A_939] : memref<8x128xi32, #tpu.memory_space<vmem>> -> memref<1x128xi32, #tpu.memory_space<vmem>>
    %dma_wait3A_941 = tpu.memref_squeeze %dma_wait3A_940 : memref<1x128xi32, #tpu.memory_space<vmem>> -> memref<128xi32, #tpu.memory_space<vmem>>
    %dma_wait3A_942 = arith.constant 0 : i32
    %dma_wait3A_943 = tpu.memref_slice %arg18[%dma_wait3A_938, %dma_wait3A_942] : memref<8x128xi32, #tpu.memory_space<vmem>> -> memref<1x128xi32, #tpu.memory_space<vmem>>
    %dma_wait3A_944 = tpu.memref_squeeze %dma_wait3A_943 : memref<1x128xi32, #tpu.memory_space<vmem>> -> memref<128xi32, #tpu.memory_space<vmem>>
    %dma_wait3A_945 = arith.constant 0 : i32
    %dma_wait3A_946 = tpu.memref_slice %arg8[%dma_wait3A_945] : memref<16384xi32, #tpu.memory_space<vmem_shared>> -> memref<16384xi32, #tpu.memory_space<vmem_shared>>
    tpu.wait_indirect_dma semaphore(%arg26 : memref<!tpu.dma_semaphore, #tpu.memory_space<semaphore_mem>>) src(%dma_wait3A_941 : memref<128xi32, #tpu.memory_space<vmem>>) dst(%dma_wait3A_946 : memref<16384xi32, #tpu.memory_space<vmem_shared>>)
    %dma_wait3A_947 = arith.constant 3 : i32
    %dma_wait3A_948 = arith.constant 3 : i32
    %dma_wait3A_949 = arith.constant 0 : i32
    %dma_wait3A_950 = tpu.memref_slice %arg19[%dma_wait3A_947, %dma_wait3A_949] : memref<8x128xi32, #tpu.memory_space<vmem>> -> memref<1x128xi32, #tpu.memory_space<vmem>>
    %dma_wait3A_951 = tpu.memref_squeeze %dma_wait3A_950 : memref<1x128xi32, #tpu.memory_space<vmem>> -> memref<128xi32, #tpu.memory_space<vmem>>
    %dma_wait3A_952 = arith.constant 0 : i32
    %dma_wait3A_953 = tpu.memref_slice %arg18[%dma_wait3A_948, %dma_wait3A_952] : memref<8x128xi32, #tpu.memory_space<vmem>> -> memref<1x128xi32, #tpu.memory_space<vmem>>
    %dma_wait3A_954 = tpu.memref_squeeze %dma_wait3A_953 : memref<1x128xi32, #tpu.memory_space<vmem>> -> memref<128xi32, #tpu.memory_space<vmem>>
    %dma_wait3A_955 = arith.constant 0 : i32
    %dma_wait3A_956 = tpu.memref_slice %arg8[%dma_wait3A_955] : memref<16384xi32, #tpu.memory_space<vmem_shared>> -> memref<16384xi32, #tpu.memory_space<vmem_shared>>
    tpu.wait_indirect_dma semaphore(%arg26 : memref<!tpu.dma_semaphore, #tpu.memory_space<semaphore_mem>>) src(%dma_wait3A_951 : memref<128xi32, #tpu.memory_space<vmem>>) dst(%dma_wait3A_956 : memref<16384xi32, #tpu.memory_space<vmem_shared>>)
    %dma_wait3A_957 = arith.constant 4 : i32
    %dma_wait3A_958 = arith.constant 4 : i32
    %dma_wait3A_959 = arith.constant 0 : i32
    %dma_wait3A_960 = tpu.memref_slice %arg19[%dma_wait3A_957, %dma_wait3A_959] : memref<8x128xi32, #tpu.memory_space<vmem>> -> memref<1x128xi32, #tpu.memory_space<vmem>>
    %dma_wait3A_961 = tpu.memref_squeeze %dma_wait3A_960 : memref<1x128xi32, #tpu.memory_space<vmem>> -> memref<128xi32, #tpu.memory_space<vmem>>
    %dma_wait3A_962 = arith.constant 0 : i32
    %dma_wait3A_963 = tpu.memref_slice %arg18[%dma_wait3A_958, %dma_wait3A_962] : memref<8x128xi32, #tpu.memory_space<vmem>> -> memref<1x128xi32, #tpu.memory_space<vmem>>
    %dma_wait3A_964 = tpu.memref_squeeze %dma_wait3A_963 : memref<1x128xi32, #tpu.memory_space<vmem>> -> memref<128xi32, #tpu.memory_space<vmem>>
    %dma_wait3A_965 = arith.constant 0 : i32
    %dma_wait3A_966 = tpu.memref_slice %arg8[%dma_wait3A_965] : memref<16384xi32, #tpu.memory_space<vmem_shared>> -> memref<16384xi32, #tpu.memory_space<vmem_shared>>
    tpu.wait_indirect_dma semaphore(%arg26 : memref<!tpu.dma_semaphore, #tpu.memory_space<semaphore_mem>>) src(%dma_wait3A_961 : memref<128xi32, #tpu.memory_space<vmem>>) dst(%dma_wait3A_966 : memref<16384xi32, #tpu.memory_space<vmem_shared>>)
    %dma_wait3A_967 = arith.constant 5 : i32
    %dma_wait3A_968 = arith.constant 5 : i32
    %dma_wait3A_969 = arith.constant 0 : i32
    %dma_wait3A_970 = tpu.memref_slice %arg19[%dma_wait3A_967, %dma_wait3A_969] : memref<8x128xi32, #tpu.memory_space<vmem>> -> memref<1x128xi32, #tpu.memory_space<vmem>>
    %dma_wait3A_971 = tpu.memref_squeeze %dma_wait3A_970 : memref<1x128xi32, #tpu.memory_space<vmem>> -> memref<128xi32, #tpu.memory_space<vmem>>
    %dma_wait3A_972 = arith.constant 0 : i32
    %dma_wait3A_973 = tpu.memref_slice %arg18[%dma_wait3A_968, %dma_wait3A_972] : memref<8x128xi32, #tpu.memory_space<vmem>> -> memref<1x128xi32, #tpu.memory_space<vmem>>
    %dma_wait3A_974 = tpu.memref_squeeze %dma_wait3A_973 : memref<1x128xi32, #tpu.memory_space<vmem>> -> memref<128xi32, #tpu.memory_space<vmem>>
    %dma_wait3A_975 = arith.constant 0 : i32
    %dma_wait3A_976 = tpu.memref_slice %arg8[%dma_wait3A_975] : memref<16384xi32, #tpu.memory_space<vmem_shared>> -> memref<16384xi32, #tpu.memory_space<vmem_shared>>
    tpu.wait_indirect_dma semaphore(%arg26 : memref<!tpu.dma_semaphore, #tpu.memory_space<semaphore_mem>>) src(%dma_wait3A_971 : memref<128xi32, #tpu.memory_space<vmem>>) dst(%dma_wait3A_976 : memref<16384xi32, #tpu.memory_space<vmem_shared>>)
    %dma_wait3A_977 = arith.constant 6 : i32
    %dma_wait3A_978 = arith.constant 6 : i32
    %dma_wait3A_979 = arith.constant 0 : i32
    %dma_wait3A_980 = tpu.memref_slice %arg19[%dma_wait3A_977, %dma_wait3A_979] : memref<8x128xi32, #tpu.memory_space<vmem>> -> memref<1x128xi32, #tpu.memory_space<vmem>>
    %dma_wait3A_981 = tpu.memref_squeeze %dma_wait3A_980 : memref<1x128xi32, #tpu.memory_space<vmem>> -> memref<128xi32, #tpu.memory_space<vmem>>
    %dma_wait3A_982 = arith.constant 0 : i32
    %dma_wait3A_983 = tpu.memref_slice %arg18[%dma_wait3A_978, %dma_wait3A_982] : memref<8x128xi32, #tpu.memory_space<vmem>> -> memref<1x128xi32, #tpu.memory_space<vmem>>
    %dma_wait3A_984 = tpu.memref_squeeze %dma_wait3A_983 : memref<1x128xi32, #tpu.memory_space<vmem>> -> memref<128xi32, #tpu.memory_space<vmem>>
    %dma_wait3A_985 = arith.constant 0 : i32
    %dma_wait3A_986 = tpu.memref_slice %arg8[%dma_wait3A_985] : memref<16384xi32, #tpu.memory_space<vmem_shared>> -> memref<16384xi32, #tpu.memory_space<vmem_shared>>
    tpu.wait_indirect_dma semaphore(%arg26 : memref<!tpu.dma_semaphore, #tpu.memory_space<semaphore_mem>>) src(%dma_wait3A_981 : memref<128xi32, #tpu.memory_space<vmem>>) dst(%dma_wait3A_986 : memref<16384xi32, #tpu.memory_space<vmem_shared>>)
    %dma_wait3A_987 = arith.constant 7 : i32
    %dma_wait3A_988 = arith.constant 7 : i32
    %dma_wait3A_989 = arith.constant 0 : i32
    %dma_wait3A_990 = tpu.memref_slice %arg19[%dma_wait3A_987, %dma_wait3A_989] : memref<8x128xi32, #tpu.memory_space<vmem>> -> memref<1x128xi32, #tpu.memory_space<vmem>>
    %dma_wait3A_991 = tpu.memref_squeeze %dma_wait3A_990 : memref<1x128xi32, #tpu.memory_space<vmem>> -> memref<128xi32, #tpu.memory_space<vmem>>
    %dma_wait3A_992 = arith.constant 0 : i32
    %dma_wait3A_993 = tpu.memref_slice %arg18[%dma_wait3A_988, %dma_wait3A_992] : memref<8x128xi32, #tpu.memory_space<vmem>> -> memref<1x128xi32, #tpu.memory_space<vmem>>
    %dma_wait3A_994 = tpu.memref_squeeze %dma_wait3A_993 : memref<1x128xi32, #tpu.memory_space<vmem>> -> memref<128xi32, #tpu.memory_space<vmem>>
    %dma_wait3A_995 = arith.constant 0 : i32
    %dma_wait3A_996 = tpu.memref_slice %arg8[%dma_wait3A_995] : memref<16384xi32, #tpu.memory_space<vmem_shared>> -> memref<16384xi32, #tpu.memory_space<vmem_shared>>
    tpu.wait_indirect_dma semaphore(%arg26 : memref<!tpu.dma_semaphore, #tpu.memory_space<semaphore_mem>>) src(%dma_wait3A_991 : memref<128xi32, #tpu.memory_space<vmem>>) dst(%dma_wait3A_996 : memref<16384xi32, #tpu.memory_space<vmem_shared>>)
    %barrier3A_997 = arith.constant 0 : index
    tpu.barrier barrier_id(%barrier3A_997)
    %mul3A_998 = arith.constant 1024 : i32
    %mul3A_999 = arith.muli %mul3A_998, %arg1 : i32
    "tpu.region"() ({
      %run_scoped3A_1032 = tpu.sem_alloc : memref<!tpu.dma_semaphore, #tpu.memory_space<semaphore_mem>>
      %dma_start3A_1033 = tpu.memref_slice %arg8[%mul3A_999] : memref<16384xi32, #tpu.memory_space<vmem_shared>> -> memref<1024xi32, #tpu.memory_space<vmem_shared>>
      %dma_start3A_1034 = tpu.memref_slice %arg8[%mul3A_999] : memref<16384xi32, #tpu.memory_space<vmem_shared>> -> memref<1024xi32, #tpu.memory_space<vmem_shared>>
      tpu.enqueue_dma source(%dma_start3A_1034 : memref<1024xi32, #tpu.memory_space<vmem_shared>>) target(%arg20 : memref<1024xi32, #tpu.memory_space<vmem>>) target_semaphore(%run_scoped3A_1032 : memref<!tpu.dma_semaphore, #tpu.memory_space<semaphore_mem>>)
      %dma_wait3A_1035 = tpu.memref_slice %arg8[%mul3A_999] : memref<16384xi32, #tpu.memory_space<vmem_shared>> -> memref<1024xi32, #tpu.memory_space<vmem_shared>>
      %dma_wait3A_1036 = tpu.memref_slice %arg8[%mul3A_999] : memref<16384xi32, #tpu.memory_space<vmem_shared>> -> memref<1024xi32, #tpu.memory_space<vmem_shared>>
      tpu.wait_dma2 semaphore(%run_scoped3A_1032 : memref<!tpu.dma_semaphore, #tpu.memory_space<semaphore_mem>>) src(%dma_wait3A_1036 : memref<1024xi32, #tpu.memory_space<vmem_shared>>) dst(%arg20 : memref<1024xi32, #tpu.memory_space<vmem>>)
      tpu.yield
    }) : () -> ()
    %dma_start3A_1000 = arith.constant 0 : i32
    %dma_start3A_1001 = tpu.memref_slice %arg20[%dma_start3A_1000] : memref<1024xi32, #tpu.memory_space<vmem>> -> memref<128xi32, #tpu.memory_space<vmem>>
    %dma_start3A_1002 = arith.constant 0 : i32
    %dma_start3A_1003 = arith.constant 0 : i32
    %dma_start3A_1004 = tpu.memref_slice %arg2[%dma_start3A_1002, %dma_start3A_1003] : memref<16384x128xf32, #tpu.memory_space<hbm>> -> memref<16384x128xf32, #tpu.memory_space<hbm>>
    tpu.enqueue_indirect_dma source(%dma_start3A_1004 : memref<16384x128xf32, #tpu.memory_space<hbm>>) target(%arg21 : memref<128x128xf32, #tpu.memory_space<vmem>>) offsets(%dma_start3A_1001 : memref<128xi32, #tpu.memory_space<vmem>>) semaphore(%arg26 : memref<!tpu.dma_semaphore, #tpu.memory_space<semaphore_mem>>)
    %dma_start3A_1005 = arith.constant 128 : i32
    %dma_start3A_1006 = tpu.memref_slice %arg20[%dma_start3A_1005] : memref<1024xi32, #tpu.memory_space<vmem>> -> memref<128xi32, #tpu.memory_space<vmem>>
    %dma_start3A_1007 = arith.constant 0 : i32
    %dma_start3A_1008 = arith.constant 0 : i32
    %dma_start3A_1009 = tpu.memref_slice %arg2[%dma_start3A_1007, %dma_start3A_1008] : memref<16384x128xf32, #tpu.memory_space<hbm>> -> memref<16384x128xf32, #tpu.memory_space<hbm>>
    tpu.enqueue_indirect_dma source(%dma_start3A_1009 : memref<16384x128xf32, #tpu.memory_space<hbm>>) target(%arg22 : memref<128x128xf32, #tpu.memory_space<vmem>>) offsets(%dma_start3A_1006 : memref<128xi32, #tpu.memory_space<vmem>>) semaphore(%arg27 : memref<!tpu.dma_semaphore, #tpu.memory_space<semaphore_mem>>)
    %dma_start3A_1010 = arith.constant 256 : i32
    %dma_start3A_1011 = tpu.memref_slice %arg20[%dma_start3A_1010] : memref<1024xi32, #tpu.memory_space<vmem>> -> memref<128xi32, #tpu.memory_space<vmem>>
    %dma_start3A_1012 = arith.constant 0 : i32
    %dma_start3A_1013 = arith.constant 0 : i32
    %dma_start3A_1014 = tpu.memref_slice %arg2[%dma_start3A_1012, %dma_start3A_1013] : memref<16384x128xf32, #tpu.memory_space<hbm>> -> memref<16384x128xf32, #tpu.memory_space<hbm>>
    tpu.enqueue_indirect_dma source(%dma_start3A_1014 : memref<16384x128xf32, #tpu.memory_space<hbm>>) target(%arg23 : memref<128x128xf32, #tpu.memory_space<vmem>>) offsets(%dma_start3A_1011 : memref<128xi32, #tpu.memory_space<vmem>>) semaphore(%arg28 : memref<!tpu.dma_semaphore, #tpu.memory_space<semaphore_mem>>)
    %broadcast_in_dim3A_1015 = arith.constant 0.000000e+00 : f32
    %broadcast_in_dim3A_1016 = vector.broadcast %broadcast_in_dim3A_1015 : f32 to vector<16xf32>
    %scan3A_1017 = arith.constant 0 : i32
    %scan3A_1018 = arith.constant 2 : i32
    %scan3A_1019 = arith.addi %scan3A_1017, %scan3A_1018 : i32
    %scan3A_1020 = arith.constant 1 : i32
    %scan3A_1021 = scf.for %scan3A_1032 = %scan3A_1017 to %scan3A_1019 step %scan3A_1020 iter_args(%scan3A_1033 = %broadcast_in_dim3A_1016) -> (vector<16xf32>)  : i32 {
      %mul3A_1034 = arith.constant 4 : i32
      %mul3A_1035 = arith.muli %mul3A_1034, %scan3A_1032 : i32
      %add3A_1036 = arith.constant 0 : i32
      %add3A_1037 = arith.addi %mul3A_1035, %add3A_1036 : i32
      %mul3A_1038 = arith.constant 128 : i32
      %mul3A_1039 = arith.muli %mul3A_1038, %add3A_1037 : i32
      %dma_wait3A_1040 = tpu.memref_slice %arg20[%mul3A_1039] : memref<1024xi32, #tpu.memory_space<vmem>> -> memref<128xi32, #tpu.memory_space<vmem>>
      %dma_wait3A_1041 = arith.constant 0 : i32
      %dma_wait3A_1042 = arith.constant 0 : i32
      %dma_wait3A_1043 = tpu.memref_slice %arg2[%dma_wait3A_1041, %dma_wait3A_1042] : memref<16384x128xf32, #tpu.memory_space<hbm>> -> memref<16384x128xf32, #tpu.memory_space<hbm>>
      tpu.wait_indirect_dma semaphore(%arg26 : memref<!tpu.dma_semaphore, #tpu.memory_space<semaphore_mem>>) src(%dma_wait3A_1043 : memref<16384x128xf32, #tpu.memory_space<hbm>>) dst(%arg21 : memref<128x128xf32, #tpu.memory_space<vmem>>)
      %scan3A_1044 = arith.constant 0 : i32
      %scan3A_1045 = arith.constant 64 : i32
      %scan3A_1046 = arith.addi %scan3A_1044, %scan3A_1045 : i32
      %scan3A_1047 = arith.constant 1 : i32
      %scan3A_1048 = scf.for %scan3A_1126 = %scan3A_1044 to %scan3A_1046 step %scan3A_1047 iter_args(%scan3A_1127 = %scan3A_1033) -> (vector<16xf32>)  : i32 {
        %mul3A_1128 = arith.constant 2 : i32
        %mul3A_1129 = arith.muli %mul3A_1128, %scan3A_1126 : i32
        %get3A_1130 = arith.index_cast %mul3A_1129 : i32 to index
        %get3A_1131 = arith.constant 0 : index
        %get3A_1132 = tpu.vector_load %arg21[%get3A_1130, %get3A_1131] {strides = array<i32>} : memref<128x128xf32, #tpu.memory_space<vmem>>, vector<16xf32>,
        %add3A_1133 = arith.constant 1 : i32
        %add3A_1134 = arith.addi %mul3A_1129, %add3A_1133 : i32
        %get3A_1135 = arith.index_cast %add3A_1134 : i32 to index
        %get3A_1136 = arith.constant 0 : index
        %get3A_1137 = tpu.vector_load %arg21[%get3A_1135, %get3A_1136] {strides = array<i32>} : memref<128x128xf32, #tpu.memory_space<vmem>>, vector<16xf32>,
        %mul3A_1138 = arith.mulf %get3A_1132, %get3A_1137 : vector<16xf32>
        %get3A_1139 = arith.index_cast %mul3A_1129 : i32 to index
        %get3A_1140 = arith.constant 16 : index
        %get3A_1141 = tpu.vector_load %arg21[%get3A_1139, %get3A_1140] {strides = array<i32>} : memref<128x128xf32, #tpu.memory_space<vmem>>, vector<16xf32>,
        %add3A_1142 = arith.constant 1 : i32
        %add3A_1143 = arith.addi %mul3A_1129, %add3A_1142 : i32
        %get3A_1144 = arith.index_cast %add3A_1143 : i32 to index
        %get3A_1145 = arith.constant 16 : index
        %get3A_1146 = tpu.vector_load %arg21[%get3A_1144, %get3A_1145] {strides = array<i32>} : memref<128x128xf32, #tpu.memory_space<vmem>>, vector<16xf32>,
        %mul3A_1147 = arith.mulf %get3A_1141, %get3A_1146 : vector<16xf32>
        %add3A_1148 = arith.addf %mul3A_1138, %mul3A_1147 : vector<16xf32>
        %get3A_1149 = arith.index_cast %mul3A_1129 : i32 to index
        %get3A_1150 = arith.constant 32 : index
        %get3A_1151 = tpu.vector_load %arg21[%get3A_1149, %get3A_1150] {strides = array<i32>} : memref<128x128xf32, #tpu.memory_space<vmem>>, vector<16xf32>,
        %add3A_1152 = arith.constant 1 : i32
        %add3A_1153 = arith.addi %mul3A_1129, %add3A_1152 : i32
        %get3A_1154 = arith.index_cast %add3A_1153 : i32 to index
        %get3A_1155 = arith.constant 32 : index
        %get3A_1156 = tpu.vector_load %arg21[%get3A_1154, %get3A_1155] {strides = array<i32>} : memref<128x128xf32, #tpu.memory_space<vmem>>, vector<16xf32>,
        %mul3A_1157 = arith.mulf %get3A_1151, %get3A_1156 : vector<16xf32>
        %add3A_1158 = arith.addf %add3A_1148, %mul3A_1157 : vector<16xf32>
        %get3A_1159 = arith.index_cast %mul3A_1129 : i32 to index
        %get3A_1160 = arith.constant 48 : index
        %get3A_1161 = tpu.vector_load %arg21[%get3A_1159, %get3A_1160] {strides = array<i32>} : memref<128x128xf32, #tpu.memory_space<vmem>>, vector<16xf32>,
        %add3A_1162 = arith.constant 1 : i32
        %add3A_1163 = arith.addi %mul3A_1129, %add3A_1162 : i32
        %get3A_1164 = arith.index_cast %add3A_1163 : i32 to index
        %get3A_1165 = arith.constant 48 : index
        %get3A_1166 = tpu.vector_load %arg21[%get3A_1164, %get3A_1165] {strides = array<i32>} : memref<128x128xf32, #tpu.memory_space<vmem>>, vector<16xf32>,
        %mul3A_1167 = arith.mulf %get3A_1161, %get3A_1166 : vector<16xf32>
        %add3A_1168 = arith.addf %add3A_1158, %mul3A_1167 : vector<16xf32>
        %get3A_1169 = arith.index_cast %mul3A_1129 : i32 to index
        %get3A_1170 = arith.constant 64 : index
        %get3A_1171 = tpu.vector_load %arg21[%get3A_1169, %get3A_1170] {strides = array<i32>} : memref<128x128xf32, #tpu.memory_space<vmem>>, vector<16xf32>,
        %add3A_1172 = arith.constant 1 : i32
        %add3A_1173 = arith.addi %mul3A_1129, %add3A_1172 : i32
        %get3A_1174 = arith.index_cast %add3A_1173 : i32 to index
        %get3A_1175 = arith.constant 64 : index
        %get3A_1176 = tpu.vector_load %arg21[%get3A_1174, %get3A_1175] {strides = array<i32>} : memref<128x128xf32, #tpu.memory_space<vmem>>, vector<16xf32>,
        %mul3A_1177 = arith.mulf %get3A_1171, %get3A_1176 : vector<16xf32>
        %add3A_1178 = arith.addf %add3A_1168, %mul3A_1177 : vector<16xf32>
        %get3A_1179 = arith.index_cast %mul3A_1129 : i32 to index
        %get3A_1180 = arith.constant 80 : index
        %get3A_1181 = tpu.vector_load %arg21[%get3A_1179, %get3A_1180] {strides = array<i32>} : memref<128x128xf32, #tpu.memory_space<vmem>>, vector<16xf32>,
        %add3A_1182 = arith.constant 1 : i32
        %add3A_1183 = arith.addi %mul3A_1129, %add3A_1182 : i32
        %get3A_1184 = arith.index_cast %add3A_1183 : i32 to index
        %get3A_1185 = arith.constant 80 : index
        %get3A_1186 = tpu.vector_load %arg21[%get3A_1184, %get3A_1185] {strides = array<i32>} : memref<128x128xf32, #tpu.memory_space<vmem>>, vector<16xf32>,
        %mul3A_1187 = arith.mulf %get3A_1181, %get3A_1186 : vector<16xf32>
        %add3A_1188 = arith.addf %add3A_1178, %mul3A_1187 : vector<16xf32>
        %get3A_1189 = arith.index_cast %mul3A_1129 : i32 to index
        %get3A_1190 = arith.constant 96 : index
        %get3A_1191 = tpu.vector_load %arg21[%get3A_1189, %get3A_1190] {strides = array<i32>} : memref<128x128xf32, #tpu.memory_space<vmem>>, vector<16xf32>,
        %add3A_1192 = arith.constant 1 : i32
        %add3A_1193 = arith.addi %mul3A_1129, %add3A_1192 : i32
        %get3A_1194 = arith.index_cast %add3A_1193 : i32 to index
        %get3A_1195 = arith.constant 96 : index
        %get3A_1196 = tpu.vector_load %arg21[%get3A_1194, %get3A_1195] {strides = array<i32>} : memref<128x128xf32, #tpu.memory_space<vmem>>, vector<16xf32>,
        %mul3A_1197 = arith.mulf %get3A_1191, %get3A_1196 : vector<16xf32>
        %add3A_1198 = arith.addf %add3A_1188, %mul3A_1197 : vector<16xf32>
        %get3A_1199 = arith.index_cast %mul3A_1129 : i32 to index
        %get3A_1200 = arith.constant 112 : index
        %get3A_1201 = tpu.vector_load %arg21[%get3A_1199, %get3A_1200] {strides = array<i32>} : memref<128x128xf32, #tpu.memory_space<vmem>>, vector<16xf32>,
        %add3A_1202 = arith.constant 1 : i32
        %add3A_1203 = arith.addi %mul3A_1129, %add3A_1202 : i32
        %get3A_1204 = arith.index_cast %add3A_1203 : i32 to index
        %get3A_1205 = arith.constant 112 : index
        %get3A_1206 = tpu.vector_load %arg21[%get3A_1204, %get3A_1205] {strides = array<i32>} : memref<128x128xf32, #tpu.memory_space<vmem>>, vector<16xf32>,
        %mul3A_1207 = arith.mulf %get3A_1201, %get3A_1206 : vector<16xf32>
        %add3A_1208 = arith.addf %add3A_1198, %mul3A_1207 : vector<16xf32>
        %broadcast_in_dim3A_1209 = arith.constant true
        %broadcast_in_dim3A_1210 = vector.broadcast %broadcast_in_dim3A_1209 : i1 to vector<16xi1>
        %masked_cumsum3A_1211 = tpu.scan <sum>, %add3A_1208 masked %broadcast_in_dim3A_1210 : vector<16xf32>, vector<16xi1> -> vector<16xf32>
        %sub3A_1212 = arith.constant 5.000000e-01 : f32
        %sub3A_1213 = vector.broadcast %sub3A_1212 : f32 to vector<16xf32>
        %sub3A_1214 = arith.subf %masked_cumsum3A_1211, %sub3A_1213 : vector<16xf32>
        %max3A = arith.constant 0.000000e+00 : f32
        %max3A_1215 = vector.broadcast %max3A : f32 to vector<16xf32>
        %max3A_1216 = arith.maximumf %sub3A_1214, %max3A_1215 : vector<16xf32>
        %jit3A_1217 = arith.constant 0.000000e+00 : f32
        %broadcast_in_dim3A_1218 = vector.broadcast %jit3A_1217 : f32 to vector<16xf32>
        %select_n3A_1219 = arith.select %eq3A_1, %max3A_1216, %broadcast_in_dim3A_1218 : vector<16xi1>, vector<16xf32>
        %add3A_1220 = arith.addf %scan3A_1127, %select_n3A_1219 : vector<16xf32>
        scf.yield %add3A_1220 : vector<16xf32>
      }
      %scan3A_1049 = arith.constant 64 : i32
      %add3A_1050 = arith.constant 3 : i32
      %add3A_1051 = arith.addi %add3A_1037, %add3A_1050 : i32
      %lt3A_1052 = arith.constant 8 : i32
      %lt3A_1053 = arith.cmpi slt, %add3A_1051, %lt3A_1052 : i32
      %convert_element_type3A_1054 = arith.extui %lt3A_1053 : i1 to i32
      %cond3A_1055 = arith.constant 0 : i32
      %cond3A_1056 = arith.cmpi ne, %convert_element_type3A_1054, %cond3A_1055 : i32
      scf.if %cond3A_1056 {
        %add3A_1126 = arith.constant 3 : i32
        %add3A_1127 = arith.addi %add3A_1037, %add3A_1126 : i32
        %mul3A_1128 = arith.constant 128 : i32
        %mul3A_1129 = arith.muli %mul3A_1128, %add3A_1127 : i32
        %dma_start3A_1130 = tpu.memref_slice %arg20[%mul3A_1129] : memref<1024xi32, #tpu.memory_space<vmem>> -> memref<128xi32, #tpu.memory_space<vmem>>
        %dma_start3A_1131 = arith.constant 0 : i32
        %dma_start3A_1132 = arith.constant 0 : i32
        %dma_start3A_1133 = tpu.memref_slice %arg2[%dma_start3A_1131, %dma_start3A_1132] : memref<16384x128xf32, #tpu.memory_space<hbm>> -> memref<16384x128xf32, #tpu.memory_space<hbm>>
        tpu.enqueue_indirect_dma source(%dma_start3A_1133 : memref<16384x128xf32, #tpu.memory_space<hbm>>) target(%arg24 : memref<128x128xf32, #tpu.memory_space<vmem>>) offsets(%dma_start3A_1130 : memref<128xi32, #tpu.memory_space<vmem>>) semaphore(%arg29 : memref<!tpu.dma_semaphore, #tpu.memory_space<semaphore_mem>>)
      } else {
      }
      %mul3A_1057 = arith.constant 4 : i32
      %mul3A_1058 = arith.muli %mul3A_1057, %scan3A_1032 : i32
      %add3A_1059 = arith.constant 1 : i32
      %add3A_1060 = arith.addi %mul3A_1058, %add3A_1059 : i32
      %mul3A_1061 = arith.constant 128 : i32
      %mul3A_1062 = arith.muli %mul3A_1061, %add3A_1060 : i32
      %dma_wait3A_1063 = tpu.memref_slice %arg20[%mul3A_1062] : memref<1024xi32, #tpu.memory_space<vmem>> -> memref<128xi32, #tpu.memory_space<vmem>>
      %dma_wait3A_1064 = arith.constant 0 : i32
      %dma_wait3A_1065 = arith.constant 0 : i32
      %dma_wait3A_1066 = tpu.memref_slice %arg2[%dma_wait3A_1064, %dma_wait3A_1065] : memref<16384x128xf32, #tpu.memory_space<hbm>> -> memref<16384x128xf32, #tpu.memory_space<hbm>>
      tpu.wait_indirect_dma semaphore(%arg27 : memref<!tpu.dma_semaphore, #tpu.memory_space<semaphore_mem>>) src(%dma_wait3A_1066 : memref<16384x128xf32, #tpu.memory_space<hbm>>) dst(%arg22 : memref<128x128xf32, #tpu.memory_space<vmem>>)
      %scan3A_1067 = arith.constant 0 : i32
      %scan3A_1068 = arith.constant 64 : i32
      %scan3A_1069 = arith.addi %scan3A_1067, %scan3A_1068 : i32
      %scan3A_1070 = arith.constant 1 : i32
      %scan3A_1071 = scf.for %scan3A_1126 = %scan3A_1067 to %scan3A_1069 step %scan3A_1070 iter_args(%scan3A_1127 = %scan3A_1048) -> (vector<16xf32>)  : i32 {
        %mul3A_1128 = arith.constant 2 : i32
        %mul3A_1129 = arith.muli %mul3A_1128, %scan3A_1126 : i32
        %get3A_1130 = arith.index_cast %mul3A_1129 : i32 to index
        %get3A_1131 = arith.constant 0 : index
        %get3A_1132 = tpu.vector_load %arg22[%get3A_1130, %get3A_1131] {strides = array<i32>} : memref<128x128xf32, #tpu.memory_space<vmem>>, vector<16xf32>,
        %add3A_1133 = arith.constant 1 : i32
        %add3A_1134 = arith.addi %mul3A_1129, %add3A_1133 : i32
        %get3A_1135 = arith.index_cast %add3A_1134 : i32 to index
        %get3A_1136 = arith.constant 0 : index
        %get3A_1137 = tpu.vector_load %arg22[%get3A_1135, %get3A_1136] {strides = array<i32>} : memref<128x128xf32, #tpu.memory_space<vmem>>, vector<16xf32>,
        %mul3A_1138 = arith.mulf %get3A_1132, %get3A_1137 : vector<16xf32>
        %get3A_1139 = arith.index_cast %mul3A_1129 : i32 to index
        %get3A_1140 = arith.constant 16 : index
        %get3A_1141 = tpu.vector_load %arg22[%get3A_1139, %get3A_1140] {strides = array<i32>} : memref<128x128xf32, #tpu.memory_space<vmem>>, vector<16xf32>,
        %add3A_1142 = arith.constant 1 : i32
        %add3A_1143 = arith.addi %mul3A_1129, %add3A_1142 : i32
        %get3A_1144 = arith.index_cast %add3A_1143 : i32 to index
        %get3A_1145 = arith.constant 16 : index
        %get3A_1146 = tpu.vector_load %arg22[%get3A_1144, %get3A_1145] {strides = array<i32>} : memref<128x128xf32, #tpu.memory_space<vmem>>, vector<16xf32>,
        %mul3A_1147 = arith.mulf %get3A_1141, %get3A_1146 : vector<16xf32>
        %add3A_1148 = arith.addf %mul3A_1138, %mul3A_1147 : vector<16xf32>
        %get3A_1149 = arith.index_cast %mul3A_1129 : i32 to index
        %get3A_1150 = arith.constant 32 : index
        %get3A_1151 = tpu.vector_load %arg22[%get3A_1149, %get3A_1150] {strides = array<i32>} : memref<128x128xf32, #tpu.memory_space<vmem>>, vector<16xf32>,
        %add3A_1152 = arith.constant 1 : i32
        %add3A_1153 = arith.addi %mul3A_1129, %add3A_1152 : i32
        %get3A_1154 = arith.index_cast %add3A_1153 : i32 to index
        %get3A_1155 = arith.constant 32 : index
        %get3A_1156 = tpu.vector_load %arg22[%get3A_1154, %get3A_1155] {strides = array<i32>} : memref<128x128xf32, #tpu.memory_space<vmem>>, vector<16xf32>,
        %mul3A_1157 = arith.mulf %get3A_1151, %get3A_1156 : vector<16xf32>
        %add3A_1158 = arith.addf %add3A_1148, %mul3A_1157 : vector<16xf32>
        %get3A_1159 = arith.index_cast %mul3A_1129 : i32 to index
        %get3A_1160 = arith.constant 48 : index
        %get3A_1161 = tpu.vector_load %arg22[%get3A_1159, %get3A_1160] {strides = array<i32>} : memref<128x128xf32, #tpu.memory_space<vmem>>, vector<16xf32>,
        %add3A_1162 = arith.constant 1 : i32
        %add3A_1163 = arith.addi %mul3A_1129, %add3A_1162 : i32
        %get3A_1164 = arith.index_cast %add3A_1163 : i32 to index
        %get3A_1165 = arith.constant 48 : index
        %get3A_1166 = tpu.vector_load %arg22[%get3A_1164, %get3A_1165] {strides = array<i32>} : memref<128x128xf32, #tpu.memory_space<vmem>>, vector<16xf32>,
        %mul3A_1167 = arith.mulf %get3A_1161, %get3A_1166 : vector<16xf32>
        %add3A_1168 = arith.addf %add3A_1158, %mul3A_1167 : vector<16xf32>
        %get3A_1169 = arith.index_cast %mul3A_1129 : i32 to index
        %get3A_1170 = arith.constant 64 : index
        %get3A_1171 = tpu.vector_load %arg22[%get3A_1169, %get3A_1170] {strides = array<i32>} : memref<128x128xf32, #tpu.memory_space<vmem>>, vector<16xf32>,
        %add3A_1172 = arith.constant 1 : i32
        %add3A_1173 = arith.addi %mul3A_1129, %add3A_1172 : i32
        %get3A_1174 = arith.index_cast %add3A_1173 : i32 to index
        %get3A_1175 = arith.constant 64 : index
        %get3A_1176 = tpu.vector_load %arg22[%get3A_1174, %get3A_1175] {strides = array<i32>} : memref<128x128xf32, #tpu.memory_space<vmem>>, vector<16xf32>,
        %mul3A_1177 = arith.mulf %get3A_1171, %get3A_1176 : vector<16xf32>
        %add3A_1178 = arith.addf %add3A_1168, %mul3A_1177 : vector<16xf32>
        %get3A_1179 = arith.index_cast %mul3A_1129 : i32 to index
        %get3A_1180 = arith.constant 80 : index
        %get3A_1181 = tpu.vector_load %arg22[%get3A_1179, %get3A_1180] {strides = array<i32>} : memref<128x128xf32, #tpu.memory_space<vmem>>, vector<16xf32>,
        %add3A_1182 = arith.constant 1 : i32
        %add3A_1183 = arith.addi %mul3A_1129, %add3A_1182 : i32
        %get3A_1184 = arith.index_cast %add3A_1183 : i32 to index
        %get3A_1185 = arith.constant 80 : index
        %get3A_1186 = tpu.vector_load %arg22[%get3A_1184, %get3A_1185] {strides = array<i32>} : memref<128x128xf32, #tpu.memory_space<vmem>>, vector<16xf32>,
        %mul3A_1187 = arith.mulf %get3A_1181, %get3A_1186 : vector<16xf32>
        %add3A_1188 = arith.addf %add3A_1178, %mul3A_1187 : vector<16xf32>
        %get3A_1189 = arith.index_cast %mul3A_1129 : i32 to index
        %get3A_1190 = arith.constant 96 : index
        %get3A_1191 = tpu.vector_load %arg22[%get3A_1189, %get3A_1190] {strides = array<i32>} : memref<128x128xf32, #tpu.memory_space<vmem>>, vector<16xf32>,
        %add3A_1192 = arith.constant 1 : i32
        %add3A_1193 = arith.addi %mul3A_1129, %add3A_1192 : i32
        %get3A_1194 = arith.index_cast %add3A_1193 : i32 to index
        %get3A_1195 = arith.constant 96 : index
        %get3A_1196 = tpu.vector_load %arg22[%get3A_1194, %get3A_1195] {strides = array<i32>} : memref<128x128xf32, #tpu.memory_space<vmem>>, vector<16xf32>,
        %mul3A_1197 = arith.mulf %get3A_1191, %get3A_1196 : vector<16xf32>
        %add3A_1198 = arith.addf %add3A_1188, %mul3A_1197 : vector<16xf32>
        %get3A_1199 = arith.index_cast %mul3A_1129 : i32 to index
        %get3A_1200 = arith.constant 112 : index
        %get3A_1201 = tpu.vector_load %arg22[%get3A_1199, %get3A_1200] {strides = array<i32>} : memref<128x128xf32, #tpu.memory_space<vmem>>, vector<16xf32>,
        %add3A_1202 = arith.constant 1 : i32
        %add3A_1203 = arith.addi %mul3A_1129, %add3A_1202 : i32
        %get3A_1204 = arith.index_cast %add3A_1203 : i32 to index
        %get3A_1205 = arith.constant 112 : index
        %get3A_1206 = tpu.vector_load %arg22[%get3A_1204, %get3A_1205] {strides = array<i32>} : memref<128x128xf32, #tpu.memory_space<vmem>>, vector<16xf32>,
        %mul3A_1207 = arith.mulf %get3A_1201, %get3A_1206 : vector<16xf32>
        %add3A_1208 = arith.addf %add3A_1198, %mul3A_1207 : vector<16xf32>
        %broadcast_in_dim3A_1209 = arith.constant true
        %broadcast_in_dim3A_1210 = vector.broadcast %broadcast_in_dim3A_1209 : i1 to vector<16xi1>
        %masked_cumsum3A_1211 = tpu.scan <sum>, %add3A_1208 masked %broadcast_in_dim3A_1210 : vector<16xf32>, vector<16xi1> -> vector<16xf32>
        %sub3A_1212 = arith.constant 5.000000e-01 : f32
        %sub3A_1213 = vector.broadcast %sub3A_1212 : f32 to vector<16xf32>
        %sub3A_1214 = arith.subf %masked_cumsum3A_1211, %sub3A_1213 : vector<16xf32>
        %max3A = arith.constant 0.000000e+00 : f32
        %max3A_1215 = vector.broadcast %max3A : f32 to vector<16xf32>
        %max3A_1216 = arith.maximumf %sub3A_1214, %max3A_1215 : vector<16xf32>
        %jit3A_1217 = arith.constant 0.000000e+00 : f32
        %broadcast_in_dim3A_1218 = vector.broadcast %jit3A_1217 : f32 to vector<16xf32>
        %select_n3A_1219 = arith.select %eq3A_1, %max3A_1216, %broadcast_in_dim3A_1218 : vector<16xi1>, vector<16xf32>
        %add3A_1220 = arith.addf %scan3A_1127, %select_n3A_1219 : vector<16xf32>
        scf.yield %add3A_1220 : vector<16xf32>
      }
      %scan3A_1072 = arith.constant 64 : i32
      %add3A_1073 = arith.constant 3 : i32
      %add3A_1074 = arith.addi %add3A_1060, %add3A_1073 : i32
      %lt3A_1075 = arith.constant 8 : i32
      %lt3A_1076 = arith.cmpi slt, %add3A_1074, %lt3A_1075 : i32
      %convert_element_type3A_1077 = arith.extui %lt3A_1076 : i1 to i32
      %cond3A_1078 = arith.constant 0 : i32
      %cond3A_1079 = arith.cmpi ne, %convert_element_type3A_1077, %cond3A_1078 : i32
      scf.if %cond3A_1079 {
        %add3A_1126 = arith.constant 3 : i32
        %add3A_1127 = arith.addi %add3A_1060, %add3A_1126 : i32
        %mul3A_1128 = arith.constant 128 : i32
        %mul3A_1129 = arith.muli %mul3A_1128, %add3A_1127 : i32
        %dma_start3A_1130 = tpu.memref_slice %arg20[%mul3A_1129] : memref<1024xi32, #tpu.memory_space<vmem>> -> memref<128xi32, #tpu.memory_space<vmem>>
        %dma_start3A_1131 = arith.constant 0 : i32
        %dma_start3A_1132 = arith.constant 0 : i32
        %dma_start3A_1133 = tpu.memref_slice %arg2[%dma_start3A_1131, %dma_start3A_1132] : memref<16384x128xf32, #tpu.memory_space<hbm>> -> memref<16384x128xf32, #tpu.memory_space<hbm>>
        tpu.enqueue_indirect_dma source(%dma_start3A_1133 : memref<16384x128xf32, #tpu.memory_space<hbm>>) target(%arg21 : memref<128x128xf32, #tpu.memory_space<vmem>>) offsets(%dma_start3A_1130 : memref<128xi32, #tpu.memory_space<vmem>>) semaphore(%arg26 : memref<!tpu.dma_semaphore, #tpu.memory_space<semaphore_mem>>)
      } else {
      }
      %mul3A_1080 = arith.constant 4 : i32
      %mul3A_1081 = arith.muli %mul3A_1080, %scan3A_1032 : i32
      %add3A_1082 = arith.constant 2 : i32
      %add3A_1083 = arith.addi %mul3A_1081, %add3A_1082 : i32
      %mul3A_1084 = arith.constant 128 : i32
      %mul3A_1085 = arith.muli %mul3A_1084, %add3A_1083 : i32
      %dma_wait3A_1086 = tpu.memref_slice %arg20[%mul3A_1085] : memref<1024xi32, #tpu.memory_space<vmem>> -> memref<128xi32, #tpu.memory_space<vmem>>
      %dma_wait3A_1087 = arith.constant 0 : i32
      %dma_wait3A_1088 = arith.constant 0 : i32
      %dma_wait3A_1089 = tpu.memref_slice %arg2[%dma_wait3A_1087, %dma_wait3A_1088] : memref<16384x128xf32, #tpu.memory_space<hbm>> -> memref<16384x128xf32, #tpu.memory_space<hbm>>
      tpu.wait_indirect_dma semaphore(%arg28 : memref<!tpu.dma_semaphore, #tpu.memory_space<semaphore_mem>>) src(%dma_wait3A_1089 : memref<16384x128xf32, #tpu.memory_space<hbm>>) dst(%arg23 : memref<128x128xf32, #tpu.memory_space<vmem>>)
      %scan3A_1090 = arith.constant 0 : i32
      %scan3A_1091 = arith.constant 64 : i32
      %scan3A_1092 = arith.addi %scan3A_1090, %scan3A_1091 : i32
      %scan3A_1093 = arith.constant 1 : i32
      %scan3A_1094 = scf.for %scan3A_1126 = %scan3A_1090 to %scan3A_1092 step %scan3A_1093 iter_args(%scan3A_1127 = %scan3A_1071) -> (vector<16xf32>)  : i32 {
        %mul3A_1128 = arith.constant 2 : i32
        %mul3A_1129 = arith.muli %mul3A_1128, %scan3A_1126 : i32
        %get3A_1130 = arith.index_cast %mul3A_1129 : i32 to index
        %get3A_1131 = arith.constant 0 : index
        %get3A_1132 = tpu.vector_load %arg23[%get3A_1130, %get3A_1131] {strides = array<i32>} : memref<128x128xf32, #tpu.memory_space<vmem>>, vector<16xf32>,
        %add3A_1133 = arith.constant 1 : i32
        %add3A_1134 = arith.addi %mul3A_1129, %add3A_1133 : i32
        %get3A_1135 = arith.index_cast %add3A_1134 : i32 to index
        %get3A_1136 = arith.constant 0 : index
        %get3A_1137 = tpu.vector_load %arg23[%get3A_1135, %get3A_1136] {strides = array<i32>} : memref<128x128xf32, #tpu.memory_space<vmem>>, vector<16xf32>,
        %mul3A_1138 = arith.mulf %get3A_1132, %get3A_1137 : vector<16xf32>
        %get3A_1139 = arith.index_cast %mul3A_1129 : i32 to index
        %get3A_1140 = arith.constant 16 : index
        %get3A_1141 = tpu.vector_load %arg23[%get3A_1139, %get3A_1140] {strides = array<i32>} : memref<128x128xf32, #tpu.memory_space<vmem>>, vector<16xf32>,
        %add3A_1142 = arith.constant 1 : i32
        %add3A_1143 = arith.addi %mul3A_1129, %add3A_1142 : i32
        %get3A_1144 = arith.index_cast %add3A_1143 : i32 to index
        %get3A_1145 = arith.constant 16 : index
        %get3A_1146 = tpu.vector_load %arg23[%get3A_1144, %get3A_1145] {strides = array<i32>} : memref<128x128xf32, #tpu.memory_space<vmem>>, vector<16xf32>,
        %mul3A_1147 = arith.mulf %get3A_1141, %get3A_1146 : vector<16xf32>
        %add3A_1148 = arith.addf %mul3A_1138, %mul3A_1147 : vector<16xf32>
        %get3A_1149 = arith.index_cast %mul3A_1129 : i32 to index
        %get3A_1150 = arith.constant 32 : index
        %get3A_1151 = tpu.vector_load %arg23[%get3A_1149, %get3A_1150] {strides = array<i32>} : memref<128x128xf32, #tpu.memory_space<vmem>>, vector<16xf32>,
        %add3A_1152 = arith.constant 1 : i32
        %add3A_1153 = arith.addi %mul3A_1129, %add3A_1152 : i32
        %get3A_1154 = arith.index_cast %add3A_1153 : i32 to index
        %get3A_1155 = arith.constant 32 : index
        %get3A_1156 = tpu.vector_load %arg23[%get3A_1154, %get3A_1155] {strides = array<i32>} : memref<128x128xf32, #tpu.memory_space<vmem>>, vector<16xf32>,
        %mul3A_1157 = arith.mulf %get3A_1151, %get3A_1156 : vector<16xf32>
        %add3A_1158 = arith.addf %add3A_1148, %mul3A_1157 : vector<16xf32>
        %get3A_1159 = arith.index_cast %mul3A_1129 : i32 to index
        %get3A_1160 = arith.constant 48 : index
        %get3A_1161 = tpu.vector_load %arg23[%get3A_1159, %get3A_1160] {strides = array<i32>} : memref<128x128xf32, #tpu.memory_space<vmem>>, vector<16xf32>,
        %add3A_1162 = arith.constant 1 : i32
        %add3A_1163 = arith.addi %mul3A_1129, %add3A_1162 : i32
        %get3A_1164 = arith.index_cast %add3A_1163 : i32 to index
        %get3A_1165 = arith.constant 48 : index
        %get3A_1166 = tpu.vector_load %arg23[%get3A_1164, %get3A_1165] {strides = array<i32>} : memref<128x128xf32, #tpu.memory_space<vmem>>, vector<16xf32>,
        %mul3A_1167 = arith.mulf %get3A_1161, %get3A_1166 : vector<16xf32>
        %add3A_1168 = arith.addf %add3A_1158, %mul3A_1167 : vector<16xf32>
        %get3A_1169 = arith.index_cast %mul3A_1129 : i32 to index
        %get3A_1170 = arith.constant 64 : index
        %get3A_1171 = tpu.vector_load %arg23[%get3A_1169, %get3A_1170] {strides = array<i32>} : memref<128x128xf32, #tpu.memory_space<vmem>>, vector<16xf32>,
        %add3A_1172 = arith.constant 1 : i32
        %add3A_1173 = arith.addi %mul3A_1129, %add3A_1172 : i32
        %get3A_1174 = arith.index_cast %add3A_1173 : i32 to index
        %get3A_1175 = arith.constant 64 : index
        %get3A_1176 = tpu.vector_load %arg23[%get3A_1174, %get3A_1175] {strides = array<i32>} : memref<128x128xf32, #tpu.memory_space<vmem>>, vector<16xf32>,
        %mul3A_1177 = arith.mulf %get3A_1171, %get3A_1176 : vector<16xf32>
        %add3A_1178 = arith.addf %add3A_1168, %mul3A_1177 : vector<16xf32>
        %get3A_1179 = arith.index_cast %mul3A_1129 : i32 to index
        %get3A_1180 = arith.constant 80 : index
        %get3A_1181 = tpu.vector_load %arg23[%get3A_1179, %get3A_1180] {strides = array<i32>} : memref<128x128xf32, #tpu.memory_space<vmem>>, vector<16xf32>,
        %add3A_1182 = arith.constant 1 : i32
        %add3A_1183 = arith.addi %mul3A_1129, %add3A_1182 : i32
        %get3A_1184 = arith.index_cast %add3A_1183 : i32 to index
        %get3A_1185 = arith.constant 80 : index
        %get3A_1186 = tpu.vector_load %arg23[%get3A_1184, %get3A_1185] {strides = array<i32>} : memref<128x128xf32, #tpu.memory_space<vmem>>, vector<16xf32>,
        %mul3A_1187 = arith.mulf %get3A_1181, %get3A_1186 : vector<16xf32>
        %add3A_1188 = arith.addf %add3A_1178, %mul3A_1187 : vector<16xf32>
        %get3A_1189 = arith.index_cast %mul3A_1129 : i32 to index
        %get3A_1190 = arith.constant 96 : index
        %get3A_1191 = tpu.vector_load %arg23[%get3A_1189, %get3A_1190] {strides = array<i32>} : memref<128x128xf32, #tpu.memory_space<vmem>>, vector<16xf32>,
        %add3A_1192 = arith.constant 1 : i32
        %add3A_1193 = arith.addi %mul3A_1129, %add3A_1192 : i32
        %get3A_1194 = arith.index_cast %add3A_1193 : i32 to index
        %get3A_1195 = arith.constant 96 : index
        %get3A_1196 = tpu.vector_load %arg23[%get3A_1194, %get3A_1195] {strides = array<i32>} : memref<128x128xf32, #tpu.memory_space<vmem>>, vector<16xf32>,
        %mul3A_1197 = arith.mulf %get3A_1191, %get3A_1196 : vector<16xf32>
        %add3A_1198 = arith.addf %add3A_1188, %mul3A_1197 : vector<16xf32>
        %get3A_1199 = arith.index_cast %mul3A_1129 : i32 to index
        %get3A_1200 = arith.constant 112 : index
        %get3A_1201 = tpu.vector_load %arg23[%get3A_1199, %get3A_1200] {strides = array<i32>} : memref<128x128xf32, #tpu.memory_space<vmem>>, vector<16xf32>,
        %add3A_1202 = arith.constant 1 : i32
        %add3A_1203 = arith.addi %mul3A_1129, %add3A_1202 : i32
        %get3A_1204 = arith.index_cast %add3A_1203 : i32 to index
        %get3A_1205 = arith.constant 112 : index
        %get3A_1206 = tpu.vector_load %arg23[%get3A_1204, %get3A_1205] {strides = array<i32>} : memref<128x128xf32, #tpu.memory_space<vmem>>, vector<16xf32>,
        %mul3A_1207 = arith.mulf %get3A_1201, %get3A_1206 : vector<16xf32>
        %add3A_1208 = arith.addf %add3A_1198, %mul3A_1207 : vector<16xf32>
        %broadcast_in_dim3A_1209 = arith.constant true
        %broadcast_in_dim3A_1210 = vector.broadcast %broadcast_in_dim3A_1209 : i1 to vector<16xi1>
        %masked_cumsum3A_1211 = tpu.scan <sum>, %add3A_1208 masked %broadcast_in_dim3A_1210 : vector<16xf32>, vector<16xi1> -> vector<16xf32>
        %sub3A_1212 = arith.constant 5.000000e-01 : f32
        %sub3A_1213 = vector.broadcast %sub3A_1212 : f32 to vector<16xf32>
        %sub3A_1214 = arith.subf %masked_cumsum3A_1211, %sub3A_1213 : vector<16xf32>
        %max3A = arith.constant 0.000000e+00 : f32
        %max3A_1215 = vector.broadcast %max3A : f32 to vector<16xf32>
        %max3A_1216 = arith.maximumf %sub3A_1214, %max3A_1215 : vector<16xf32>
        %jit3A_1217 = arith.constant 0.000000e+00 : f32
        %broadcast_in_dim3A_1218 = vector.broadcast %jit3A_1217 : f32 to vector<16xf32>
        %select_n3A_1219 = arith.select %eq3A_1, %max3A_1216, %broadcast_in_dim3A_1218 : vector<16xi1>, vector<16xf32>
        %add3A_1220 = arith.addf %scan3A_1127, %select_n3A_1219 : vector<16xf32>
        scf.yield %add3A_1220 : vector<16xf32>
      }
      %scan3A_1095 = arith.constant 64 : i32
      %add3A_1096 = arith.constant 3 : i32
      %add3A_1097 = arith.addi %add3A_1083, %add3A_1096 : i32
      %lt3A_1098 = arith.constant 8 : i32
      %lt3A_1099 = arith.cmpi slt, %add3A_1097, %lt3A_1098 : i32
      %convert_element_type3A_1100 = arith.extui %lt3A_1099 : i1 to i32
      %cond3A_1101 = arith.constant 0 : i32
      %cond3A_1102 = arith.cmpi ne, %convert_element_type3A_1100, %cond3A_1101 : i32
      scf.if %cond3A_1102 {
        %add3A_1126 = arith.constant 3 : i32
        %add3A_1127 = arith.addi %add3A_1083, %add3A_1126 : i32
        %mul3A_1128 = arith.constant 128 : i32
        %mul3A_1129 = arith.muli %mul3A_1128, %add3A_1127 : i32
        %dma_start3A_1130 = tpu.memref_slice %arg20[%mul3A_1129] : memref<1024xi32, #tpu.memory_space<vmem>> -> memref<128xi32, #tpu.memory_space<vmem>>
        %dma_start3A_1131 = arith.constant 0 : i32
        %dma_start3A_1132 = arith.constant 0 : i32
        %dma_start3A_1133 = tpu.memref_slice %arg2[%dma_start3A_1131, %dma_start3A_1132] : memref<16384x128xf32, #tpu.memory_space<hbm>> -> memref<16384x128xf32, #tpu.memory_space<hbm>>
        tpu.enqueue_indirect_dma source(%dma_start3A_1133 : memref<16384x128xf32, #tpu.memory_space<hbm>>) target(%arg22 : memref<128x128xf32, #tpu.memory_space<vmem>>) offsets(%dma_start3A_1130 : memref<128xi32, #tpu.memory_space<vmem>>) semaphore(%arg27 : memref<!tpu.dma_semaphore, #tpu.memory_space<semaphore_mem>>)
      } else {
      }
      %mul3A_1103 = arith.constant 4 : i32
      %mul3A_1104 = arith.muli %mul3A_1103, %scan3A_1032 : i32
      %add3A_1105 = arith.constant 3 : i32
      %add3A_1106 = arith.addi %mul3A_1104, %add3A_1105 : i32
      %mul3A_1107 = arith.constant 128 : i32
      %mul3A_1108 = arith.muli %mul3A_1107, %add3A_1106 : i32
      %dma_wait3A_1109 = tpu.memref_slice %arg20[%mul3A_1108] : memref<1024xi32, #tpu.memory_space<vmem>> -> memref<128xi32, #tpu.memory_space<vmem>>
      %dma_wait3A_1110 = arith.constant 0 : i32
      %dma_wait3A_1111 = arith.constant 0 : i32
      %dma_wait3A_1112 = tpu.memref_slice %arg2[%dma_wait3A_1110, %dma_wait3A_1111] : memref<16384x128xf32, #tpu.memory_space<hbm>> -> memref<16384x128xf32, #tpu.memory_space<hbm>>
      tpu.wait_indirect_dma semaphore(%arg29 : memref<!tpu.dma_semaphore, #tpu.memory_space<semaphore_mem>>) src(%dma_wait3A_1112 : memref<16384x128xf32, #tpu.memory_space<hbm>>) dst(%arg24 : memref<128x128xf32, #tpu.memory_space<vmem>>)
      %scan3A_1113 = arith.constant 0 : i32
      %scan3A_1114 = arith.constant 64 : i32
      %scan3A_1115 = arith.addi %scan3A_1113, %scan3A_1114 : i32
      %scan3A_1116 = arith.constant 1 : i32
      %scan3A_1117 = scf.for %scan3A_1126 = %scan3A_1113 to %scan3A_1115 step %scan3A_1116 iter_args(%scan3A_1127 = %scan3A_1094) -> (vector<16xf32>)  : i32 {
        %mul3A_1128 = arith.constant 2 : i32
        %mul3A_1129 = arith.muli %mul3A_1128, %scan3A_1126 : i32
        %get3A_1130 = arith.index_cast %mul3A_1129 : i32 to index
        %get3A_1131 = arith.constant 0 : index
        %get3A_1132 = tpu.vector_load %arg24[%get3A_1130, %get3A_1131] {strides = array<i32>} : memref<128x128xf32, #tpu.memory_space<vmem>>, vector<16xf32>,
        %add3A_1133 = arith.constant 1 : i32
        %add3A_1134 = arith.addi %mul3A_1129, %add3A_1133 : i32
        %get3A_1135 = arith.index_cast %add3A_1134 : i32 to index
        %get3A_1136 = arith.constant 0 : index
        %get3A_1137 = tpu.vector_load %arg24[%get3A_1135, %get3A_1136] {strides = array<i32>} : memref<128x128xf32, #tpu.memory_space<vmem>>, vector<16xf32>,
        %mul3A_1138 = arith.mulf %get3A_1132, %get3A_1137 : vector<16xf32>
        %get3A_1139 = arith.index_cast %mul3A_1129 : i32 to index
        %get3A_1140 = arith.constant 16 : index
        %get3A_1141 = tpu.vector_load %arg24[%get3A_1139, %get3A_1140] {strides = array<i32>} : memref<128x128xf32, #tpu.memory_space<vmem>>, vector<16xf32>,
        %add3A_1142 = arith.constant 1 : i32
        %add3A_1143 = arith.addi %mul3A_1129, %add3A_1142 : i32
        %get3A_1144 = arith.index_cast %add3A_1143 : i32 to index
        %get3A_1145 = arith.constant 16 : index
        %get3A_1146 = tpu.vector_load %arg24[%get3A_1144, %get3A_1145] {strides = array<i32>} : memref<128x128xf32, #tpu.memory_space<vmem>>, vector<16xf32>,
        %mul3A_1147 = arith.mulf %get3A_1141, %get3A_1146 : vector<16xf32>
        %add3A_1148 = arith.addf %mul3A_1138, %mul3A_1147 : vector<16xf32>
        %get3A_1149 = arith.index_cast %mul3A_1129 : i32 to index
        %get3A_1150 = arith.constant 32 : index
        %get3A_1151 = tpu.vector_load %arg24[%get3A_1149, %get3A_1150] {strides = array<i32>} : memref<128x128xf32, #tpu.memory_space<vmem>>, vector<16xf32>,
        %add3A_1152 = arith.constant 1 : i32
        %add3A_1153 = arith.addi %mul3A_1129, %add3A_1152 : i32
        %get3A_1154 = arith.index_cast %add3A_1153 : i32 to index
        %get3A_1155 = arith.constant 32 : index
        %get3A_1156 = tpu.vector_load %arg24[%get3A_1154, %get3A_1155] {strides = array<i32>} : memref<128x128xf32, #tpu.memory_space<vmem>>, vector<16xf32>,
        %mul3A_1157 = arith.mulf %get3A_1151, %get3A_1156 : vector<16xf32>
        %add3A_1158 = arith.addf %add3A_1148, %mul3A_1157 : vector<16xf32>
        %get3A_1159 = arith.index_cast %mul3A_1129 : i32 to index
        %get3A_1160 = arith.constant 48 : index
        %get3A_1161 = tpu.vector_load %arg24[%get3A_1159, %get3A_1160] {strides = array<i32>} : memref<128x128xf32, #tpu.memory_space<vmem>>, vector<16xf32>,
        %add3A_1162 = arith.constant 1 : i32
        %add3A_1163 = arith.addi %mul3A_1129, %add3A_1162 : i32
        %get3A_1164 = arith.index_cast %add3A_1163 : i32 to index
        %get3A_1165 = arith.constant 48 : index
        %get3A_1166 = tpu.vector_load %arg24[%get3A_1164, %get3A_1165] {strides = array<i32>} : memref<128x128xf32, #tpu.memory_space<vmem>>, vector<16xf32>,
        %mul3A_1167 = arith.mulf %get3A_1161, %get3A_1166 : vector<16xf32>
        %add3A_1168 = arith.addf %add3A_1158, %mul3A_1167 : vector<16xf32>
        %get3A_1169 = arith.index_cast %mul3A_1129 : i32 to index
        %get3A_1170 = arith.constant 64 : index
        %get3A_1171 = tpu.vector_load %arg24[%get3A_1169, %get3A_1170] {strides = array<i32>} : memref<128x128xf32, #tpu.memory_space<vmem>>, vector<16xf32>,
        %add3A_1172 = arith.constant 1 : i32
        %add3A_1173 = arith.addi %mul3A_1129, %add3A_1172 : i32
        %get3A_1174 = arith.index_cast %add3A_1173 : i32 to index
        %get3A_1175 = arith.constant 64 : index
        %get3A_1176 = tpu.vector_load %arg24[%get3A_1174, %get3A_1175] {strides = array<i32>} : memref<128x128xf32, #tpu.memory_space<vmem>>, vector<16xf32>,
        %mul3A_1177 = arith.mulf %get3A_1171, %get3A_1176 : vector<16xf32>
        %add3A_1178 = arith.addf %add3A_1168, %mul3A_1177 : vector<16xf32>
        %get3A_1179 = arith.index_cast %mul3A_1129 : i32 to index
        %get3A_1180 = arith.constant 80 : index
        %get3A_1181 = tpu.vector_load %arg24[%get3A_1179, %get3A_1180] {strides = array<i32>} : memref<128x128xf32, #tpu.memory_space<vmem>>, vector<16xf32>,
        %add3A_1182 = arith.constant 1 : i32
        %add3A_1183 = arith.addi %mul3A_1129, %add3A_1182 : i32
        %get3A_1184 = arith.index_cast %add3A_1183 : i32 to index
        %get3A_1185 = arith.constant 80 : index
        %get3A_1186 = tpu.vector_load %arg24[%get3A_1184, %get3A_1185] {strides = array<i32>} : memref<128x128xf32, #tpu.memory_space<vmem>>, vector<16xf32>,
        %mul3A_1187 = arith.mulf %get3A_1181, %get3A_1186 : vector<16xf32>
        %add3A_1188 = arith.addf %add3A_1178, %mul3A_1187 : vector<16xf32>
        %get3A_1189 = arith.index_cast %mul3A_1129 : i32 to index
        %get3A_1190 = arith.constant 96 : index
        %get3A_1191 = tpu.vector_load %arg24[%get3A_1189, %get3A_1190] {strides = array<i32>} : memref<128x128xf32, #tpu.memory_space<vmem>>, vector<16xf32>,
        %add3A_1192 = arith.constant 1 : i32
        %add3A_1193 = arith.addi %mul3A_1129, %add3A_1192 : i32
        %get3A_1194 = arith.index_cast %add3A_1193 : i32 to index
        %get3A_1195 = arith.constant 96 : index
        %get3A_1196 = tpu.vector_load %arg24[%get3A_1194, %get3A_1195] {strides = array<i32>} : memref<128x128xf32, #tpu.memory_space<vmem>>, vector<16xf32>,
        %mul3A_1197 = arith.mulf %get3A_1191, %get3A_1196 : vector<16xf32>
        %add3A_1198 = arith.addf %add3A_1188, %mul3A_1197 : vector<16xf32>
        %get3A_1199 = arith.index_cast %mul3A_1129 : i32 to index
        %get3A_1200 = arith.constant 112 : index
        %get3A_1201 = tpu.vector_load %arg24[%get3A_1199, %get3A_1200] {strides = array<i32>} : memref<128x128xf32, #tpu.memory_space<vmem>>, vector<16xf32>,
        %add3A_1202 = arith.constant 1 : i32
        %add3A_1203 = arith.addi %mul3A_1129, %add3A_1202 : i32
        %get3A_1204 = arith.index_cast %add3A_1203 : i32 to index
        %get3A_1205 = arith.constant 112 : index
        %get3A_1206 = tpu.vector_load %arg24[%get3A_1204, %get3A_1205] {strides = array<i32>} : memref<128x128xf32, #tpu.memory_space<vmem>>, vector<16xf32>,
        %mul3A_1207 = arith.mulf %get3A_1201, %get3A_1206 : vector<16xf32>
        %add3A_1208 = arith.addf %add3A_1198, %mul3A_1207 : vector<16xf32>
        %broadcast_in_dim3A_1209 = arith.constant true
        %broadcast_in_dim3A_1210 = vector.broadcast %broadcast_in_dim3A_1209 : i1 to vector<16xi1>
        %masked_cumsum3A_1211 = tpu.scan <sum>, %add3A_1208 masked %broadcast_in_dim3A_1210 : vector<16xf32>, vector<16xi1> -> vector<16xf32>
        %sub3A_1212 = arith.constant 5.000000e-01 : f32
        %sub3A_1213 = vector.broadcast %sub3A_1212 : f32 to vector<16xf32>
        %sub3A_1214 = arith.subf %masked_cumsum3A_1211, %sub3A_1213 : vector<16xf32>
        %max3A = arith.constant 0.000000e+00 : f32
        %max3A_1215 = vector.broadcast %max3A : f32 to vector<16xf32>
        %max3A_1216 = arith.maximumf %sub3A_1214, %max3A_1215 : vector<16xf32>
        %jit3A_1217 = arith.constant 0.000000e+00 : f32
        %broadcast_in_dim3A_1218 = vector.broadcast %jit3A_1217 : f32 to vector<16xf32>
        %select_n3A_1219 = arith.select %eq3A_1, %max3A_1216, %broadcast_in_dim3A_1218 : vector<16xi1>, vector<16xf32>
        %add3A_1220 = arith.addf %scan3A_1127, %select_n3A_1219 : vector<16xf32>
        scf.yield %add3A_1220 : vector<16xf32>
      }
      %scan3A_1118 = arith.constant 64 : i32
      %add3A_1119 = arith.constant 3 : i32
      %add3A_1120 = arith.addi %add3A_1106, %add3A_1119 : i32
      %lt3A_1121 = arith.constant 8 : i32
      %lt3A_1122 = arith.cmpi slt, %add3A_1120, %lt3A_1121 : i32
      %convert_element_type3A_1123 = arith.extui %lt3A_1122 : i1 to i32
      %cond3A_1124 = arith.constant 0 : i32
      %cond3A_1125 = arith.cmpi ne, %convert_element_type3A_1123, %cond3A_1124 : i32
      scf.if %cond3A_1125 {
        %add3A_1126 = arith.constant 3 : i32
        %add3A_1127 = arith.addi %add3A_1106, %add3A_1126 : i32
        %mul3A_1128 = arith.constant 128 : i32
        %mul3A_1129 = arith.muli %mul3A_1128, %add3A_1127 : i32
        %dma_start3A_1130 = tpu.memref_slice %arg20[%mul3A_1129] : memref<1024xi32, #tpu.memory_space<vmem>> -> memref<128xi32, #tpu.memory_space<vmem>>
        %dma_start3A_1131 = arith.constant 0 : i32
        %dma_start3A_1132 = arith.constant 0 : i32
        %dma_start3A_1133 = tpu.memref_slice %arg2[%dma_start3A_1131, %dma_start3A_1132] : memref<16384x128xf32, #tpu.memory_space<hbm>> -> memref<16384x128xf32, #tpu.memory_space<hbm>>
        tpu.enqueue_indirect_dma source(%dma_start3A_1133 : memref<16384x128xf32, #tpu.memory_space<hbm>>) target(%arg23 : memref<128x128xf32, #tpu.memory_space<vmem>>) offsets(%dma_start3A_1130 : memref<128xi32, #tpu.memory_space<vmem>>) semaphore(%arg28 : memref<!tpu.dma_semaphore, #tpu.memory_space<semaphore_mem>>)
      } else {
      }
      scf.yield %scan3A_1117 : vector<16xf32>
    }
    %scan3A_1022 = arith.constant 2 : i32
    %bitcast3A = vector.bitcast %scan3A_1021 : vector<16xf32> to vector<16xi32>
    %swap3A_1023 = arith.constant 0 : i32
    %swap3A_1024 = arith.index_cast %swap3A_1023 : i32 to index
    %swap3A_1025 = arith.constant 0 : index
    %swap3A_1026 = tpu.vector_load %arg15[%swap3A_1024, %swap3A_1025] {strides = array<i32>} : memref<1x16xi32, #tpu.memory_space<vmem>>, vector<16xi32>,
    tpu.vector_store %arg15[%swap3A_1024, %swap3A_1025], %bitcast3A {strides = array<i32>} : memref<1x16xi32, #tpu.memory_space<vmem>>, vector<16xi32>,
    %run_scoped3A_1027 = arith.constant 0 : i32
    "tpu.region"() ({
      %run_scoped3A_1032 = tpu.sem_alloc : memref<!tpu.dma_semaphore, #tpu.memory_space<semaphore_mem>>
      %dma_start3A_1033 = arith.constant 0 : i32
      %dma_start3A_1034 = tpu.memref_slice %arg15[%run_scoped3A_1027, %dma_start3A_1033] : memref<1x16xi32, #tpu.memory_space<vmem>> -> memref<1x16xi32, #tpu.memory_space<vmem>>
      %dma_start3A_1035 = tpu.memref_squeeze %dma_start3A_1034 : memref<1x16xi32, #tpu.memory_space<vmem>> -> memref<16xi32, #tpu.memory_space<vmem>>
      %dma_start3A_1036 = arith.constant 0 : i32
      %dma_start3A_1037 = tpu.memref_slice %arg9[%arg1, %dma_start3A_1036] : memref<16x16xi32, #tpu.memory_space<vmem_shared>> -> memref<1x16xi32, #tpu.memory_space<vmem_shared>>
      %dma_start3A_1038 = tpu.memref_squeeze %dma_start3A_1037 : memref<1x16xi32, #tpu.memory_space<vmem_shared>> -> memref<16xi32, #tpu.memory_space<vmem_shared>>
      %dma_start3A_1039 = arith.constant 0 : i32
      %dma_start3A_1040 = tpu.memref_slice %arg9[%arg1, %dma_start3A_1039] : memref<16x16xi32, #tpu.memory_space<vmem_shared>> -> memref<1x16xi32, #tpu.memory_space<vmem_shared>>
      %dma_start3A_1041 = tpu.memref_squeeze %dma_start3A_1040 : memref<1x16xi32, #tpu.memory_space<vmem_shared>> -> memref<16xi32, #tpu.memory_space<vmem_shared>>
      %dma_start3A_1042 = arith.constant 0 : i32
      %dma_start3A_1043 = tpu.memref_slice %arg15[%run_scoped3A_1027, %dma_start3A_1042] : memref<1x16xi32, #tpu.memory_space<vmem>> -> memref<1x16xi32, #tpu.memory_space<vmem>>
      %dma_start3A_1044 = tpu.memref_squeeze %dma_start3A_1043 : memref<1x16xi32, #tpu.memory_space<vmem>> -> memref<16xi32, #tpu.memory_space<vmem>>
      tpu.enqueue_dma source(%dma_start3A_1044 : memref<16xi32, #tpu.memory_space<vmem>>) target(%dma_start3A_1041 : memref<16xi32, #tpu.memory_space<vmem_shared>>) target_semaphore(%run_scoped3A_1032 : memref<!tpu.dma_semaphore, #tpu.memory_space<semaphore_mem>>)
      %dma_wait3A_1045 = arith.constant 0 : i32
      %dma_wait3A_1046 = tpu.memref_slice %arg15[%run_scoped3A_1027, %dma_wait3A_1045] : memref<1x16xi32, #tpu.memory_space<vmem>> -> memref<1x16xi32, #tpu.memory_space<vmem>>
      %dma_wait3A_1047 = tpu.memref_squeeze %dma_wait3A_1046 : memref<1x16xi32, #tpu.memory_space<vmem>> -> memref<16xi32, #tpu.memory_space<vmem>>
      %dma_wait3A_1048 = arith.constant 0 : i32
      %dma_wait3A_1049 = tpu.memref_slice %arg9[%arg1, %dma_wait3A_1048] : memref<16x16xi32, #tpu.memory_space<vmem_shared>> -> memref<1x16xi32, #tpu.memory_space<vmem_shared>>
      %dma_wait3A_1050 = tpu.memref_squeeze %dma_wait3A_1049 : memref<1x16xi32, #tpu.memory_space<vmem_shared>> -> memref<16xi32, #tpu.memory_space<vmem_shared>>
      %dma_wait3A_1051 = arith.constant 0 : i32
      %dma_wait3A_1052 = tpu.memref_slice %arg9[%arg1, %dma_wait3A_1051] : memref<16x16xi32, #tpu.memory_space<vmem_shared>> -> memref<1x16xi32, #tpu.memory_space<vmem_shared>>
      %dma_wait3A_1053 = tpu.memref_squeeze %dma_wait3A_1052 : memref<1x16xi32, #tpu.memory_space<vmem_shared>> -> memref<16xi32, #tpu.memory_space<vmem_shared>>
      %dma_wait3A_1054 = arith.constant 0 : i32
      %dma_wait3A_1055 = tpu.memref_slice %arg15[%run_scoped3A_1027, %dma_wait3A_1054] : memref<1x16xi32, #tpu.memory_space<vmem>> -> memref<1x16xi32, #tpu.memory_space<vmem>>
      %dma_wait3A_1056 = tpu.memref_squeeze %dma_wait3A_1055 : memref<1x16xi32, #tpu.memory_space<vmem>> -> memref<16xi32, #tpu.memory_space<vmem>>
      tpu.wait_dma2 semaphore(%run_scoped3A_1032 : memref<!tpu.dma_semaphore, #tpu.memory_space<semaphore_mem>>) src(%dma_wait3A_1056 : memref<16xi32, #tpu.memory_space<vmem>>) dst(%dma_wait3A_1053 : memref<16xi32, #tpu.memory_space<vmem_shared>>)
      tpu.yield
    }) : () -> ()
    %barrier3A_1028 = arith.constant 0 : index
    tpu.barrier barrier_id(%barrier3A_1028)
    %eq3A_1029 = arith.constant 0 : i32
    %eq3A_1030 = arith.cmpi eq, %arg1, %eq3A_1029 : i32
    %convert_element_type3A = arith.extui %eq3A_1030 : i1 to i32
    %cond3A = arith.constant 0 : i32
    %cond3A_1031 = arith.cmpi ne, %convert_element_type3A, %cond3A : i32
    scf.if %cond3A_1031 {
      "tpu.region"() ({
        %run_scoped3A_1046 = tpu.sem_alloc : memref<!tpu.dma_semaphore, #tpu.memory_space<semaphore_mem>>
        tpu.enqueue_dma source(%arg9 : memref<16x16xi32, #tpu.memory_space<vmem_shared>>) target(%arg17 : memref<16x16xi32, #tpu.memory_space<vmem>>) target_semaphore(%run_scoped3A_1046 : memref<!tpu.dma_semaphore, #tpu.memory_space<semaphore_mem>>)
        tpu.wait_dma2 semaphore(%run_scoped3A_1046 : memref<!tpu.dma_semaphore, #tpu.memory_space<semaphore_mem>>) src(%arg9 : memref<16x16xi32, #tpu.memory_space<vmem_shared>>) dst(%arg17 : memref<16x16xi32, #tpu.memory_space<vmem>>)
        tpu.yield
      }) : () -> ()
      %broadcast_in_dim3A_1032 = arith.constant 15 : i32
      %broadcast_in_dim3A_1033 = vector.broadcast %broadcast_in_dim3A_1032 : i32 to vector<16xi32>
      %gather3A_1034 = tpu.vector_load_idx %arg17[%iota3A, %broadcast_in_dim3A_1033] : memref<16x16xi32, #tpu.memory_space<vmem>>[vector<16xi32>, vector<16xi32>], vector<16xi32>,
      %bitcast3A_1035 = vector.bitcast %gather3A_1034 : vector<16xi32> to vector<16xf32>
      %reduce_sum3A_1036 = arith.constant true
      %reduce_sum3A_1037 = vector.broadcast %reduce_sum3A_1036 : i1 to vector<16xi1>
      %reduce_sum3A_1038 = tpu.scan <sum>, %bitcast3A_1035 masked %reduce_sum3A_1037 : vector<16xf32>, vector<16xi1> -> vector<16xf32>
      %reduce_sum3A_1039 = vector.extract %reduce_sum3A_1038[15] : f32 from vector<16xf32>
      %mul3A_1040 = arith.constant 1.22070313E-4 : f32
      %mul3A_1041 = arith.mulf %reduce_sum3A_1039, %mul3A_1040 : f32
      %broadcast_in_dim3A_1042 = vector.broadcast %mul3A_1041 : f32 to vector<16xf32>
      %swap3A_1043 = arith.constant 0 : index
      %swap3A_1044 = tpu.vector_load %arg25[%swap3A_1043] {strides = array<i32>} : memref<16xf32, #tpu.memory_space<vmem>>, vector<16xf32>,
      tpu.vector_store %arg25[%swap3A_1043], %broadcast_in_dim3A_1042 {strides = array<i32>} : memref<16xf32, #tpu.memory_space<vmem>>, vector<16xf32>,
      %run_scoped3A_1045 = arith.constant 0 : i32
      "tpu.region"() ({
        %run_scoped3A_1046 = tpu.sem_alloc : memref<!tpu.dma_semaphore, #tpu.memory_space<semaphore_mem>>
        %dma_start3A_1047 = arith.constant 0 : i32
        %dma_start3A_1048 = tpu.memref_slice %arg4[%run_scoped3A_1045, %dma_start3A_1047] : memref<1x16xf32, #tpu.memory_space<hbm>> -> memref<1x16xf32, #tpu.memory_space<hbm>>
        %dma_start3A_1049 = tpu.memref_squeeze %dma_start3A_1048 : memref<1x16xf32, #tpu.memory_space<hbm>> -> memref<16xf32, #tpu.memory_space<hbm>>
        %dma_start3A_1050 = arith.constant 0 : i32
        %dma_start3A_1051 = tpu.memref_slice %arg4[%run_scoped3A_1045, %dma_start3A_1050] : memref<1x16xf32, #tpu.memory_space<hbm>> -> memref<1x16xf32, #tpu.memory_space<hbm>>
        %dma_start3A_1052 = tpu.memref_squeeze %dma_start3A_1051 : memref<1x16xf32, #tpu.memory_space<hbm>> -> memref<16xf32, #tpu.memory_space<hbm>>
        tpu.enqueue_dma source(%arg25 : memref<16xf32, #tpu.memory_space<vmem>>) target(%dma_start3A_1052 : memref<16xf32, #tpu.memory_space<hbm>>) target_semaphore(%run_scoped3A_1046 : memref<!tpu.dma_semaphore, #tpu.memory_space<semaphore_mem>>)
        %dma_wait3A_1053 = arith.constant 0 : i32
        %dma_wait3A_1054 = tpu.memref_slice %arg4[%run_scoped3A_1045, %dma_wait3A_1053] : memref<1x16xf32, #tpu.memory_space<hbm>> -> memref<1x16xf32, #tpu.memory_space<hbm>>
        %dma_wait3A_1055 = tpu.memref_squeeze %dma_wait3A_1054 : memref<1x16xf32, #tpu.memory_space<hbm>> -> memref<16xf32, #tpu.memory_space<hbm>>
        %dma_wait3A_1056 = arith.constant 0 : i32
        %dma_wait3A_1057 = tpu.memref_slice %arg4[%run_scoped3A_1045, %dma_wait3A_1056] : memref<1x16xf32, #tpu.memory_space<hbm>> -> memref<1x16xf32, #tpu.memory_space<hbm>>
        %dma_wait3A_1058 = tpu.memref_squeeze %dma_wait3A_1057 : memref<1x16xf32, #tpu.memory_space<hbm>> -> memref<16xf32, #tpu.memory_space<hbm>>
        tpu.wait_dma2 semaphore(%run_scoped3A_1046 : memref<!tpu.dma_semaphore, #tpu.memory_space<semaphore_mem>>) src(%arg25 : memref<16xf32, #tpu.memory_space<vmem>>) dst(%dma_wait3A_1058 : memref<16xf32, #tpu.memory_space<hbm>>)
        tpu.yield
      }) : () -> ()
    } else {
    }
    return
  }
}

</mosaic_0001>

<sc_bundles>
// kernel: kernel.3.cloned.1.call-start
scs
__scs_entry_jumppad:
0x0: {  	(pc) =	sbr.rel $0x88, $3  }
0x1: {  	(tag) =	ssettag $0x0;
	lr =	simm.s32 $0x1  }
0x2: {  	[smem:$0x3F9F] =	sst lr;
	_ =	strace $0xD0000000  }
0x3: {  	_ = 	snop  }
0x4: {  	_ = 	snop  }
0x5: {  	_ = 	snop  }
0x6: {  	_ = 	snop  }
0x7: {  	_ = 	snop  }
__scs_overlays_trampoline_lowered:
0x8: {  	[smem:$0x3FAE] =	sst s0  }
0x9: {  	[smem:$0x3FAF] =	sst s1  }
0xa: {  	[smem:$0x3FB0] =	sst s2  }
0xb: {  	[smem:$0x3FB1] =	sst s3  }
0xc: {  	[smem:$0x3FB2] =	sst s4  }
0xd: {  	[smem:$0x3FB3] =	sst s5  }
0xe: {  	[smem:$0x3FB4] =	sst s6  }
0xf: {  	[smem:$0x3FB5] =	sst s7  }
0x10: {  	[smem:$0x3FB6] =	sst s8  }
0x11: {  	[smem:$0x3FB7] =	sst s9;
	s0 =	simm.s32 @!p0 $0x0  }
0x12: {  	s1 =	sld [smem:$0x3F9D];
	s0 =	simm.s32 @p0 $0x1  }
0x13: {  	[smem:$0x3FB8] =	sst s0;
	s0 =	simm.s32 @!p1 $0x0  }
0x14: {  	s2 =	sld [smem:$0x3F9C];
	s0 =	simm.s32 @p1 $0x1  }
0x15: {  	[smem:$0x3FB9] =	sst s0;
	s0 =	simm.s32 @!p2 $0x0  }
0x16: {  	s3 =	sld [smem:$0x3FDB];
	s0 =	simm.s32 @p2 $0x1  }
0x17: {  	s4 =	simm.s32 $0x1BF5;
	[smem:$0x3FBB] =	sst s0  }
0x18: {  	s0 =	sld [smem:$0x3F9E];
	_ =	swait.ge [sflag:s4], $0x0  }
0x19: {  	s7 =	sld [smem:$0x3F9F]  }
0x1a: {  	s8 =	sadd.s32 $0xFFFFE003, lr  }
0x1b: {  	s9 =	sadd.s32 $0xFFFFFEF7, lr;
	s5 =	simm.s32 $0xFFFFFFFF;
	p2 =	slt.u32 s8, $0xFFFFF086  }
0x1c: {  	p1 =	slt.u32 s9, $0xF7A;
	s5 =	simm.s32 @!p2 $0x0  }
0x1d: {  	s5 =	simm.s32 @p1 $0x1;
	p0 =	seq.s32 s7, s2  }
0x1e: {  	s7 =	smul.u32 @!p0 $0xF7A, s2;
	p2 =	seq.s32 @!p0 s5, $0x0  }
0x1f: {  	s9 =	smul.u32 $0xF7A, s1;
	s8 =	simm.s32 @!p0 $0x1BF5;
	p2 =	por !p2, p0  }
0x20: {  	[sflag:s8] =	ssyncset.s32 @!p0 $0xFFFFF086;
	s6 =	sadd.s32 @!p0 s3, s7;
	s7 =	simm.s32 @!p0 $0x108  }
0x21: {  	s3 =	sadd.s32 s3, s9;
	s6 =	sadd.s32 @!p0 $0x88, s6;
	s7 =	simm.s32 @p2 $0x1082  }
0x22: {  	[simem:s7], [sflag:s8] =	dma.local @!p0 [hbm:s6], $0xF7A  }
0x23: {  	s9 =	sor.u32 $0xD0000000, s2;
	s6 =	simm.s32 $0x108;
	_ =	swait.ge @!p0 [sflag:s8], $0x0  }
0x24: {  	s3 =	sadd.s32 $0x88, s3;
	s6 =	simm.s32 @!p1 $0x1082;
	[sflag:s4] =	ssyncset.s32 $0xFFFFF086  }
0x25: {  	[simem:s6], [sflag:s4] =	dma.local [hbm:s3], $0xF7A  }
0x26: {  	[smem:$0x3F9F] =	sst s1;
	(tag) =	ssettag s2;
	_ =	strace s9  }
0x27: {  	s1 =	sld [smem:$0x3FAF]  }
0x28: {  	s2 =	sld [smem:$0x3FB0]  }
0x29: {  	s4 =	sld [smem:$0x3FB2]  }
0x2a: {  	p0 =	seq.s32 s5, $0x0;
	s5 =	sld [smem:$0x3FB3]  }
0x2b: {  	s6 =	sld [smem:$0x3FB4]  }
0x2c: {  	s7 =	sld [smem:$0x3FB5]  }
0x2d: {  	s3 =	simm.s32 $0x108;
	s8 =	sld [smem:$0x3FB6]  }
0x2e: {  	s3 =	simm.s32 @!p0 $0x1082;
	s9 =	sld [smem:$0x3FB7]  }
0x2f: {  	lr =	sadd.s32 s0, s3;
	s0 =	sld [smem:$0x3FAE]  }
0x30: {  	s3 =	sld [smem:$0x3FB1]  }
0x31: {  	[smem:$0x3FBA] =	sst s10  }
0x32: {  	s10 =	sld [smem:$0x3FB8];
	_ =	sdelay $0x3  }
0x33: {  	p0 =	seq.s32 s10, $0x1;
	s10 =	sld [smem:$0x3FBA];
	_ =	sdelay $0x3  }
0x34: {  	[smem:$0x3FBA] =	sst s10  }
0x35: {  	s10 =	sld [smem:$0x3FB9];
	_ =	sdelay $0x3  }
0x36: {  	p1 =	seq.s32 s10, $0x1;
	s10 =	sld [smem:$0x3FBA];
	_ =	sdelay $0x3  }
0x37: {  	[smem:$0x3FBA] =	sst s10  }
0x38: {  	s10 =	sld [smem:$0x3FBB]  }
0x39: {  	_ = 	snop;
	(pc) =	sbr.ind lr, $3  }
0x3a: {  	_ = 	snop  }
0x3b: {  	_ = 	snop  }
0x3c: {  	p2 =	seq.s32 s10, $0x1;
	s10 =	sld [smem:$0x3FBA]  }
0x3d: {  	_ =	shalt  }
0x3e: {  	_ =	shalt  }
0x3f: {  	_ =	shalt  }
0x40: {  	_ =	shalt  }
0x41: {  	_ =	shalt  }
0x42: {  	_ =	shalt  }
0x43: {  	_ =	shalt  }
0x44: {  	_ =	shalt  }
0x45: {  	_ =	shalt  }
0x46: {  	_ =	shalt  }
0x47: {  	_ =	shalt  }
0x48: {  	_ =	shalt  }
0x49: {  	_ =	shalt  }
0x4a: {  	_ =	shalt  }
0x4b: {  	_ =	shalt  }
0x4c: {  	_ =	shalt  }
0x4d: {  	_ =	shalt  }
0x4e: {  	_ =	shalt  }
0x4f: {  	_ =	shalt  }
0x50: {  	_ =	shalt  }
0x51: {  	_ =	shalt  }
0x52: {  	_ =	shalt  }
0x53: {  	_ =	shalt  }
0x54: {  	_ =	shalt  }
0x55: {  	_ =	shalt  }
0x56: {  	_ =	shalt  }
0x57: {  	_ =	shalt  }
0x58: {  	_ =	shalt  }
0x59: {  	_ =	shalt  }
0x5a: {  	_ =	shalt  }
0x5b: {  	_ =	shalt  }
0x5c: {  	_ =	shalt  }
0x5d: {  	_ =	shalt  }
0x5e: {  	_ =	shalt  }
0x5f: {  	_ =	shalt  }
0x60: {  	_ =	shalt  }
0x61: {  	_ =	shalt  }
0x62: {  	_ =	shalt  }
0x63: {  	_ =	shalt  }
0x64: {  	_ =	shalt  }
0x65: {  	_ =	shalt  }
0x66: {  	_ =	shalt  }
0x67: {  	_ =	shalt  }
0x68: {  	_ =	shalt  }
0x69: {  	_ =	shalt  }
0x6a: {  	_ =	shalt  }
0x6b: {  	_ =	shalt  }
0x6c: {  	_ =	shalt  }
0x6d: {  	_ =	shalt  }
0x6e: {  	_ =	shalt  }
0x6f: {  	_ =	shalt  }
0x70: {  	_ =	shalt  }
0x71: {  	_ =	shalt  }
0x72: {  	_ =	shalt  }
0x73: {  	_ =	shalt  }
0x74: {  	_ =	shalt  }
0x75: {  	_ =	shalt  }
0x76: {  	_ =	shalt  }
0x77: {  	_ =	shalt  }
0x78: {  	_ =	shalt  }
0x79: {  	_ =	shalt  }
0x7a: {  	_ =	shalt  }
0x7b: {  	_ =	shalt  }
0x7c: {  	_ =	shalt  }
0x7d: {  	_ =	shalt  }
0x7e: {  	_ =	shalt  }
0x7f: {  	_ =	shalt  }
0x80: {  	_ =	shalt  }
0x81: {  	_ =	shalt  }
0x82: {  	_ =	shalt  }
0x83: {  	_ =	shalt  }
0x84: {  	_ =	shalt  }
0x85: {  	_ =	shalt  }
0x86: {  	_ =	shalt  }
0x87: {  	_ =	shalt  }
.Lfunc_end0:
.L_simem_size_0:
called_computation_lowered:
.L_overlay_start_0:
0x88: {  	s0 =	sld [smem:$0x3FD9]  }
0x89: {  	s1 =	sld [smem:$0x3FFE];
	_ =	sdelay $0x3  }
0x8a: {  	s0 =	sadd.s32 s1, s0  }
0x8b: {  	[smem:$0x3FC6] =	sst s0  }
0x8c: {  	_ = 	snop  }
0x8d: {  	s0 =	sld [smem:$0x3FC9]  }
0x8e: {  	s17 =	sld [smem:$0x3FC8]  }
0x8f: {  	s2 =	sld [smem:$0x3FD0];
	(tm) =	ssettm $0x1  }
0x90: {  	s3 =	sld [smem:$0x3FFB];
	_ =	sdelay $0x3  }
0x91: {  	_ =	strace s3  }
0x92: {  	s3 =	sld [smem:$0x3FFC];
	_ =	sdelay $0x3  }
0x93: {  	_ =	strace s3  }
0x94: {  	s3 =	sld [smem:$0x3FFD];
	_ =	sdelay $0x3  }
0x95: {  	_ =	strace s3  }
0x96: {  	_ =	strace $0x8FFFFFFF  }
0x97: {  	s18 =	sld [smem:$0x3FDB];
	_ =	sdelay $0x1  }
0x98: {  	s4 =	simm.s32 $_scs_section_size  }
0x99: {  	s5 =	simm.s32 $_size__tile_overlayer_lowered;
	s6 =	simm.s32 $_tile_overlayer_lowered  }
0x9a: {  	s21 =	simm.s32 $0x1BFF;
	s20 =	sshll.u32 s6, $0x1;
	s3 =	sadd.s32 s4, s18  }
0x9b: {  	s7 =	simm.s32 $0x0;
	s19 =	sshll.u32 s5, $0x1;
	s5 =	sadd.s32 s20, s3  }
0x9c: {  	[timem:s7], [sflag:s21] =	dma.local [hbm:s5], s19  }
0x9d: {  	_ =	swait.ge [sflag:s21], s19  }
0x9e: {  	s4 =	ssub.s32 $0x0, s19;
	[sflag:s21] =	ssyncset.done $0x0  }
0x9f: {  	[sflag:s21] =	ssyncadd.s32 s4;
	_ =	sdelay $0x1  }
0xa0: {  	s22 =	simm.s32 $0x1B8B  }
0xa1: {  	_ =	swait.ge [sflag:s22], $0x1  }
0xa2: {  	[sflag:s22] =	ssyncset.done $0x0  }
0xa3: {  	s23 =	simm.s32 $0x1B8E;
	[sflag:s22] =	ssyncadd.s32 $0xFFFFFFFF  }
0xa4: {  	s24 =	simm.s32 $execute0_lowered;
	[smem:$0x3FD2] =	sst s23  }
0xa5: {  	s4 =	sshll.u32 s24, $0x1;
	_ =	strace $0x80000046;
	[dreg:$0x1] =	wrdreg $0xFFFFFFFF  }
0xa6: {  	s25 =	simm.s32 $_size_execute0_lowered;
	s3 =	sadd.s32 s3, s4;
	[dreg:$0x0] =	wrdreg $0x0  }
0xa7: {  	s4 =	sshll.u32 s25, $0x1;
	[dreg:$0x2] =	wrdreg s3  }
0xa8: {  	[dreg:$0x3] =	wrdreg s4  }
0xa9: {  	[dreg:$0x4] =	wrdreg $0xC0  }
0xaa: {  	_ =	task [dreg:s7], $0x5FFFF  }
0xab: {  	[dreg:$0x1] =	wrdreg $0xFFFFFFFF  }
0xac: {  	[dreg:$0x0] =	wrdreg $0x60  }
0xad: {  	[dreg:$0x2] =	wrdreg s0  }
0xae: {  	[dreg:$0x3] =	wrdreg s17  }
0xaf: {  	[dreg:$0x4] =	wrdreg s2  }
0xb0: {  	[dreg:$0x5] =	wrdreg $0x44000  }
0xb1: {  	[dreg:$0x6] =	wrdreg $0x48100  }
0xb2: {  	[dreg:$0x7] =	wrdreg $0x0  }
0xb3: {  	[dreg:$0x8] =	wrdreg $0x40000  }
0xb4: {  	[dreg:$0x9] =	wrdreg $0x44100  }
0xb5: {  	[dreg:$0xa] =	wrdreg $0x9  }
0xb6: {  	_ =	task.clear_ibuf [dreg:s7], $0xBFFFF;
	_ =	strace $0x90000046  }
0xb7: {  	s26 =	simm.s32 $0x9;
	_ =	strace $0x80000048  }
0xb8: {  	_ =	swait.ge [sflag:s26], $0x1  }
0xb9: {  	[sflag:s26] =	ssyncadd.s32 $0xFFFFFFFF  }
0xba: {  	_ =	strace $0x90000048  }
0xbb: {  	_ =	sfence  }
0xbc: {  	s28 =	sld [smem:$0x0];
	_ =	sdelay $0x1  }
0xbd: {  	s29 =	srdreg.scid  }
0xbe: {  	s30 =	sshll.u32 s29, $0xD;
	s31 =	sshrl.u32 s29, $0x2  }
0xbf: {  	s1 =	sand.u32 $0x1, s29;
	s2 =	sand.u32 $0x4000, s30;
	s0 =	sadd.s32 s31, s28  }
0xc0: {  	s1 =	sor.u32 s2, s1;
	s0 =	sshll.u32 s0, $0x11  }
0xc1: {  	s0 =	sor.u32 s0, s1  }
0xc2: {  	s0 =	sadd.s32 $0x8F2B, s0  }
0xc3: {  	[sflag:s0] =	ssyncadd.remote.s32 $0x1  }
0xc4: {  	_ =	sfence.sel $0xFFFF  }
0xc5: {  	[dreg:$0x0] =	wrdreg $0xFFFFFFFF;
	(pc) =	sbr.abs _section_cstart, $3  }
0xc6: {  	[dreg:$0x1] =	wrdreg $0xFFFFFFFF  }
0xc7: {  	_ =	task.clear_ibuf [dreg:s7], $0x2FFFF;
	_ =	strace $0x9FFFFFFF  }
0xc8: {  	(tm) =	ssettm $0x7FFFFFFF  }
0xc9: {  	_ =	shalt  }
tec
execute0_lowered:
.L_overlay_start_1:
0x0: {  	(tag) =	ssettag $0x1  }
0x1: {  	s3 =	rddreg [dreg:$0x0]  }
0x2: {  	s0 =	rddreg [dreg:$0x1]  }
0x3: {  	s9 =	rddreg [dreg:$0x3]  }
0x4: {  	s11 =	rddreg [dreg:$0x5]  }
0x5: {  	s8 =	rddreg [dreg:$0x6]  }
0x6: {  	s6 =	rddreg [dreg:$0x7]  }
0x7: {  	s1 =	simm.s32 $0x0;
	s4 =	stileid.u32;
	s2 =	simm.s32 $0x4820  }
0x8: {  	[smem:$0x7FF] =	sst s1;
	s5 =	sshll.u32 s4, $0x7;
	s7 =	sshll.u32 s4, $0xA  }
0x9: {  	_ =	strace $0x80000047;
	s0 =	sadd.s32 s0, s5;
	s24 =	sadd.s32 $0x0, s7  }
0xa: {  	[tilespmem:s2], [sflag:$0x1] =	stream.linear.gather [hbm4b:s0+s1], $0x400, $0x38;
	[tilespmem:$0x1EDA0] =	vst v63  }
0xb: {  	v0 =	vlaneseq.u32;
	s25 =	sadd.s32 $0x70, s24  }
0xc: {  	s0 =	simm.s32 $0xE560;
	s10 =	sadd.s32 $0x10, s24;
	v1 =	vor.u32 s25, v0  }
0xd: {  	s30 =	sadd.s32 $0x50, s24;
	v2 =	vor.u32 s10, v0;
	[tilespmem:s0+$0x30] =	vst v1  }
0xe: {  	s26 =	sadd.s32 $0x20, s24;
	v3 =	vor.u32 s30, v0;
	[tilespmem:s0+$0xFFFFFFD0] =	vst v2  }
0xf: {  	s28 =	sadd.s32 $0x30, s24;
	v1 =	vor.u32 s26, v0;
	[tilespmem:s0+$0x10] =	vst v3  }
0x10: {  	s29 =	sadd.s32 $0x40, s24;
	v2 =	vor.u32 s28, v0;
	[tilespmem:s0+$0xFFFFFFE0] =	vst v1  }
0x11: {  	s31 =	sadd.s32 $0x60, s24;
	v1 =	vor.u32 s29, v0;
	[tilespmem:s0+$0xFFFFFFF0] =	vst v2  }
0x12: {  	s1 =	sadd.s32 $0x80, s7;
	s2 =	simm.s32 $0x100;
	v2 =	vor.u32 s31, v0;
	[tilespmem:s0+$0x0] =	vst v1;
	v1 =	vor.u32 s24, v0  }
.LBB2_1:
0x13: {  	p0 =	sne.s32 s2, $0x380;
	v3 =	vor.u32 s1, v0;
	s10 =	sadd.s32 $0x10, s1;
	s12 =	sadd.s32 $0x70, s1;
	[tilespmem:s0+$0x20] =	vst v2  }
0x14: {  	s13 =	sadd.s32 $0x30, s1;
	v2 =	vor.u32 s10, v0;
	s10 =	sadd.s32 $0x20, s1;
	v4 =	vor.u32 s12, v0;
	[tilespmem:s0+$0xFFFFFFC0] =	vst v1;
	s0 =	sadd.s32 $0x80, s0;
	v1 =	vmov v3  }
0x15: {  	v5 =	vor.u32 s13, v0;
	s12 =	sadd.s32 $0x50, s1;
	v3 =	vor.u32 s10, v0;
	s10 =	sadd.s32 $0x40, s1;
	s1 =	sadd.s32 $0x60, s1;
	[tilespmem:s0+$0x30] =	vst v4  }
.Ltmp0:
0x16: {  	v6 =	vor.u32 s12, v0;
	[tilespmem:s0+$0xFFFFFFD0] =	vst v2;
	v4 =	vor.u32 s10, v0;
	v2 =	vor.u32 s1, v0;
	(pc) =	sbr.rel @p0 .LBB2_1-.Ltmp0, $4  }
0x17: {  	[tilespmem:s0+$0xFFFFFFE0] =	vst v3  }
0x18: {  	[tilespmem:s0+$0xFFFFFFF0] =	vst v5  }
0x19: {  	[tilespmem:s0+$0x0] =	vst v4  }
0x1a: {  	s1 =	sadd.s32 s2, s7;
	s2 =	sadd.s32 $0x80, s2;
	[tilespmem:s0+$0x10] =	vst v6  }
0x1b: {  	s2 =	sadd.s32 $0x70, s1;
	[tilespmem:s0+$0x20] =	vst v2  }
0x1c: {  	s10 =	sadd.s32 $0x10, s1;
	[tilespmem:s0+$0xFFFFFFC0] =	vst v1;
	s25 =	sadd.s32 $0x80, s0;
	v2 =	vor.u32 s2, v0  }
0x1d: {  	s26 =	sadd.s32 $0x20, s1;
	v1 =	vor.u32 s10, v0;
	[tilespmem:s25+$0x30] =	vst v2  }
0x1e: {  	s28 =	sadd.s32 $0x30, s1;
	v2 =	vor.u32 s26, v0;
	[tilespmem:s25+$0xFFFFFFD0] =	vst v1  }
0x1f: {  	s29 =	sadd.s32 $0x40, s1;
	v1 =	vor.u32 s28, v0;
	[tilespmem:s25+$0xFFFFFFE0] =	vst v2  }
0x20: {  	s30 =	sadd.s32 $0x50, s1;
	v2 =	vor.u32 s29, v0;
	[tilespmem:s25+$0xFFFFFFF0] =	vst v1  }
0x21: {  	s31 =	sadd.s32 $0x60, s1;
	v1 =	vor.u32 s30, v0;
	[tilespmem:s25+$0x0] =	vst v2  }
0x22: {  	v2 =	vor.u32 s31, v0;
	[tilespmem:s25+$0x10] =	vst v1  }
0x23: {  	v0 =	vor.u32 s1, v0;
	[tilespmem:s25+$0x20] =	vst v2  }
0x24: {  	s0 =	simm.s32 $0x0;
	s1 =	simm.s32 $0x200;
	[tilespmem:s25+$0xFFFFFFC0] =	vst v0;
	v0 =	vimm.s32 $0x0  }
.LBB2_3:
0x25: {  	p0 =	sne.s32 s1, $0xFE00;
	[tilespmem:s0+$0x8C90] =	vst v0  }
0x26: {  	[tilespmem:s0+$0x8C20] =	vst v0  }
0x27: {  	[tilespmem:s0+$0x8C30] =	vst v0  }
.Ltmp1:
0x28: {  	[tilespmem:s0+$0x8C40] =	vst v0;
	(pc) =	sbr.rel @p0 .LBB2_3-.Ltmp1, $4  }
0x29: {  	[tilespmem:s0+$0x8C50] =	vst v0  }
0x2a: {  	[tilespmem:s0+$0x8C60] =	vst v0  }
0x2b: {  	[tilespmem:s0+$0x8C70] =	vst v0  }
0x2c: {  	[tilespmem:s0+$0x8C80] =	vst v0;
	s0 =	sshra.s32 s1, $0x2;
	s1 =	sadd.s32 $0x200, s1  }
0x2d: {  	[tilespmem:s0+$0x8C90] =	vst v0  }
0x2e: {  	[tilespmem:s0+$0x8C20] =	vst v0  }
0x2f: {  	[tilespmem:s0+$0x8C30] =	vst v0  }
0x30: {  	[tilespmem:s0+$0x8C40] =	vst v0  }
0x31: {  	[tilespmem:s0+$0x8C50] =	vst v0  }
0x32: {  	[tilespmem:s0+$0x8C60] =	vst v0  }
0x33: {  	[tilespmem:s0+$0x8C70] =	vst v0  }
0x34: {  	[tilespmem:s0+$0x8C80] =	vst v0;
	s31 =	simm.s32 $0x1  }
0x35: {  	_ =	swait.ge [sflag:s31], $0x400  }
0x36: {  	s0 =	simm.s32 $0x8C20;
	[sflag:s31] =	ssyncset.done $0x0  }
0x37: {  	s2 =	simm.s32 $0x0;
	s1 =	simm.s32 $0x40;
	[sflag:s31] =	ssyncadd.s32 $0xFFFFFC00  }
.LBB2_5:
0x38: {  	p0 =	sne.s32 s1, $0xFC0;
	v0 =	vld [tilespmem:s2+$0x4820];
	_ =	sdelay $0x4  }
0x39: {  	(xrf1) =	vunique.msk.u32 $0xffff, v0;
	_ =	sdelay $0xd  }
0x3a: {  	_, v1, vm0 =	vpop (xrf1);
	_ =	sdelay $0x1  }
.Ltmp2:
0x3b: {  	(pc) =	sbr.rel @p0 .LBB2_5-.Ltmp2, $2  }
0x3c: {  	_ =	sdelay $0x2  }
0x3d: {  	s2 =	sshra.s32 s1, $0x2;
	s1 =	sadd.s32 $0x40, s1;
	[tilespmem:v0+s0+$0x0] =	vst.idx.add.s32.msk vm0, v1  }
0x3e: {  	v0 =	vld [tilespmem:s2+$0x4820];
	_ =	sdelay $0x4  }
0x3f: {  	(xrf1) =	vunique.msk.u32 $0xffff, v0;
	_ =	sdelay $0xd  }
0x40: {  	_, v1, vm0 =	vpop (xrf1);
	_ =	sdelay $0x2  }
0x41: {  	s1 =	sshll.u32 s4, $0xE  }
0x42: {  	s25 =	sand.u32 $0x380, s5;
	s1 =	sand.u32 $0x20000, s1  }
0x43: {  	s28 =	simm.s32 $0x8C20;
	s26 =	simm.s32 $0x5;
	s1 =	sadd.s32 s1, s11  }
0x44: {  	s10 =	sadd.s32 s25, s1;
	s1 =	simm.s32 $0x400;
	[tilespmem:v0+s0+$0x0] =	vst.idx.add.s32.msk vm0, v1;
	s0 =	simm.s32 $0x80  }
0x45: {  	[spmem:s10] =	stream.strided.scatter [tilespmem:s28], [sflag:$0x5], $0x4000, s1, s0, $0x38;
	[tilespmem:$0x1EDA0] =	vst v63  }
0x46: {  	_ =	swait.ge [sflag:s26], $0x4000  }
0x47: {  	[sflag:s26] =	ssyncset.done $0x0  }
0x48: {  	s12 =	sshll.u32 s4, $0xD;
	[sflag:s26] =	ssyncadd.s32 $0xFFFFC000  }
0x49: {  	s11 =	sadd.s32 s12, s11;
	[bflag:$0x0] =	sbarrier.arrive $0xFFFF  }
0x4a: {  	[tilespmem:s28], [sflag:$0x1] =	stream.strided.gather [spmem:s11], $0x400, s1, s0, $0x38;
	[tilespmem:$0x1EDA0] =	vst v63  }
0x4b: {  	s13 =	simm.s32 $0x9020;
	s12 =	sadd.s32 $0x80, s11  }
0x4c: {  	[tilespmem:s13], [sflag:$0x1] =	stream.strided.gather [spmem:s12], $0x400, s1, s0, $0x38;
	[tilespmem:$0x1EDA0] =	vst v63  }
0x4d: {  	s14 =	simm.s32 $0x9420;
	s13 =	sadd.s32 $0x100, s11  }
0x4e: {  	[tilespmem:s14], [sflag:$0x1] =	stream.strided.gather [spmem:s13], $0x400, s1, s0, $0x38;
	[tilespmem:$0x1EDA0] =	vst v63  }
0x4f: {  	s15 =	simm.s32 $0x9820;
	s14 =	sadd.s32 $0x180, s11  }
0x50: {  	[tilespmem:s15], [sflag:$0x1] =	stream.strided.gather [spmem:s14], $0x400, s1, s0, $0x38;
	[tilespmem:$0x1EDA0] =	vst v63  }
0x51: {  	s16 =	simm.s32 $0x9C20;
	s15 =	sadd.s32 $0x200, s11  }
0x52: {  	[tilespmem:s16], [sflag:$0x1] =	stream.strided.gather [spmem:s15], $0x400, s1, s0, $0x38;
	[tilespmem:$0x1EDA0] =	vst v63  }
0x53: {  	s17 =	simm.s32 $0xA020;
	s16 =	sadd.s32 $0x280, s11  }
0x54: {  	[tilespmem:s17], [sflag:$0x1] =	stream.strided.gather [spmem:s16], $0x400, s1, s0, $0x38;
	[tilespmem:$0x1EDA0] =	vst v63  }
0x55: {  	s18 =	simm.s32 $0xA420;
	s17 =	sadd.s32 $0x300, s11  }
0x56: {  	[tilespmem:s18], [sflag:$0x1] =	stream.strided.gather [spmem:s17], $0x400, s1, s0, $0x38;
	[tilespmem:$0x1EDA0] =	vst v63  }
0x57: {  	s19 =	simm.s32 $0xA820;
	s18 =	sadd.s32 $0x380, s11  }
0x58: {  	[tilespmem:s19], [sflag:$0x1] =	stream.strided.gather [spmem:s18], $0x400, s1, s0, $0x38;
	[tilespmem:$0x1EDA0] =	vst v63  }
0x59: {  	s20 =	simm.s32 $0xAC20;
	s19 =	sadd.s32 $0x20000, s11  }
0x5a: {  	[tilespmem:s20], [sflag:$0x1] =	stream.strided.gather [spmem:s19], $0x400, s1, s0, $0x38;
	[tilespmem:$0x1EDA0] =	vst v63  }
0x5b: {  	s21 =	simm.s32 $0xB020;
	s20 =	sadd.s32 $0x20080, s11  }
0x5c: {  	[tilespmem:s21], [sflag:$0x1] =	stream.strided.gather [spmem:s20], $0x400, s1, s0, $0x38;
	[tilespmem:$0x1EDA0] =	vst v63  }
0x5d: {  	s22 =	simm.s32 $0xB420;
	s21 =	sadd.s32 $0x20100, s11  }
0x5e: {  	[tilespmem:s22], [sflag:$0x1] =	stream.strided.gather [spmem:s21], $0x400, s1, s0, $0x38;
	[tilespmem:$0x1EDA0] =	vst v63  }
0x5f: {  	s23 =	simm.s32 $0xB820;
	s22 =	sadd.s32 $0x20180, s11  }
0x60: {  	[tilespmem:s23], [sflag:$0x1] =	stream.strided.gather [spmem:s22], $0x400, s1, s0, $0x38;
	[tilespmem:$0x1EDA0] =	vst v63  }
0x61: {  	s24 =	simm.s32 $0xBC20;
	s23 =	sadd.s32 $0x20200, s11  }
0x62: {  	[tilespmem:s24], [sflag:$0x1] =	stream.strided.gather [spmem:s23], $0x400, s1, s0, $0x38;
	[tilespmem:$0x1EDA0] =	vst v63  }
0x63: {  	s25 =	simm.s32 $0xC020;
	s24 =	sadd.s32 $0x20280, s11  }
0x64: {  	[tilespmem:s25], [sflag:$0x1] =	stream.strided.gather [spmem:s24], $0x400, s1, s0, $0x38;
	[tilespmem:$0x1EDA0] =	vst v63  }
0x65: {  	s26 =	simm.s32 $0xC420;
	s25 =	sadd.s32 $0x20300, s11  }
0x66: {  	[tilespmem:s26], [sflag:$0x1] =	stream.strided.gather [spmem:s25], $0x400, s1, s0, $0x38;
	[tilespmem:$0x1EDA0] =	vst v63  }
0x67: {  	s2 =	simm.s32 $0xC820;
	s26 =	sadd.s32 $0x20380, s11  }
0x68: {  	[tilespmem:s2], [sflag:$0x1] =	stream.strided.gather [spmem:s26], $0x400, s1, s0, $0x38;
	[tilespmem:$0x1EDA0] =	vst v63  }
0x69: {  	s2 =	simm.s32 $0x1  }
0x6a: {  	_ =	swait.ge [sflag:s2], $0x400  }
0x6b: {  	[sflag:s2] =	ssyncset.done $0x0  }
0x6c: {  	[sflag:s2] =	ssyncadd.s32 $0xFFFFFC00  }
0x6d: {  	_ =	swait.ge [sflag:s2], $0x400  }
0x6e: {  	[sflag:s2] =	ssyncset.done $0x0  }
0x6f: {  	[sflag:s2] =	ssyncadd.s32 $0xFFFFFC00  }
0x70: {  	_ =	swait.ge [sflag:s2], $0x400  }
0x71: {  	[sflag:s2] =	ssyncset.done $0x0  }
0x72: {  	[sflag:s2] =	ssyncadd.s32 $0xFFFFFC00  }
0x73: {  	_ =	swait.ge [sflag:s2], $0x400  }
0x74: {  	[sflag:s2] =	ssyncset.done $0x0  }
0x75: {  	[sflag:s2] =	ssyncadd.s32 $0xFFFFFC00  }
0x76: {  	_ =	swait.ge [sflag:s2], $0x400  }
0x77: {  	[sflag:s2] =	ssyncset.done $0x0  }
0x78: {  	[sflag:s2] =	ssyncadd.s32 $0xFFFFFC00  }
0x79: {  	_ =	swait.ge [sflag:s2], $0x400  }
0x7a: {  	[sflag:s2] =	ssyncset.done $0x0  }
0x7b: {  	[sflag:s2] =	ssyncadd.s32 $0xFFFFFC00  }
0x7c: {  	_ =	swait.ge [sflag:s2], $0x400  }
0x7d: {  	[sflag:s2] =	ssyncset.done $0x0  }
0x7e: {  	[sflag:s2] =	ssyncadd.s32 $0xFFFFFC00  }
0x7f: {  	_ =	swait.ge [sflag:s2], $0x400  }
0x80: {  	[sflag:s2] =	ssyncset.done $0x0  }
0x81: {  	[sflag:s2] =	ssyncadd.s32 $0xFFFFFC00  }
0x82: {  	_ =	swait.ge [sflag:s2], $0x400  }
0x83: {  	[sflag:s2] =	ssyncset.done $0x0  }
0x84: {  	[sflag:s2] =	ssyncadd.s32 $0xFFFFFC00  }
0x85: {  	_ =	swait.ge [sflag:s2], $0x400  }
0x86: {  	[sflag:s2] =	ssyncset.done $0x0  }
0x87: {  	[sflag:s2] =	ssyncadd.s32 $0xFFFFFC00  }
0x88: {  	_ =	swait.ge [sflag:s2], $0x400  }
0x89: {  	[sflag:s2] =	ssyncset.done $0x0  }
0x8a: {  	[sflag:s2] =	ssyncadd.s32 $0xFFFFFC00  }
0x8b: {  	_ =	swait.ge [sflag:s2], $0x400  }
0x8c: {  	[sflag:s2] =	ssyncset.done $0x0  }
0x8d: {  	[sflag:s2] =	ssyncadd.s32 $0xFFFFFC00  }
0x8e: {  	_ =	swait.ge [sflag:s2], $0x400  }
0x8f: {  	[sflag:s2] =	ssyncset.done $0x0  }
0x90: {  	[sflag:s2] =	ssyncadd.s32 $0xFFFFFC00  }
0x91: {  	_ =	swait.ge [sflag:s2], $0x400  }
0x92: {  	[sflag:s2] =	ssyncset.done $0x0  }
0x93: {  	[sflag:s2] =	ssyncadd.s32 $0xFFFFFC00  }
0x94: {  	_ =	swait.ge [sflag:s2], $0x400  }
0x95: {  	[sflag:s2] =	ssyncset.done $0x0  }
0x96: {  	[sflag:s2] =	ssyncadd.s32 $0xFFFFFC00  }
0x97: {  	_ =	swait.ge [sflag:s2], $0x400  }
0x98: {  	[sflag:s2] =	ssyncset.done $0x0  }
0x99: {  	v0 =	vimm.s32 $0x0;
	s1 =	simm.s32 $0x0;
	[sflag:s2] =	ssyncadd.s32 $0xFFFFFC00  }
0x9a: {  	s2 =	sand.u32 $0x3F0, s1;
	v1 =	vld [tilespmem:s28+$0x0];
	[tilespmem:s28+$0x0] =	vst v0  }
0x9b: {  	v2 =	vld [tilespmem:s2+$0x9020]  }
0x9c: {  	v3 =	vld [tilespmem:s2+$0x9420]  }
0x9d: {  	v4 =	vld [tilespmem:s2+$0x9820]  }
0x9e: {  	v5 =	vld [tilespmem:s2+$0x9C20]  }
0x9f: {  	v6 =	vld [tilespmem:s2+$0xA020]  }
0xa0: {  	v7 =	vld [tilespmem:s2+$0xA420];
	v2 =	vadd.s32 v1, v2  }
0xa1: {  	v8 =	vld [tilespmem:s2+$0xA820];
	v3 =	vadd.s32 v2, v3  }
0xa2: {  	v9 =	vld [tilespmem:s2+$0xAC20];
	v4 =	vadd.s32 v3, v4  }
0xa3: {  	v10 =	vld [tilespmem:s2+$0xB020];
	v5 =	vadd.s32 v4, v5  }
0xa4: {  	v11 =	vld [tilespmem:s2+$0xB420];
	v6 =	vadd.s32 v5, v6  }
0xa5: {  	v12 =	vld [tilespmem:s2+$0xB820];
	v7 =	vadd.s32 v6, v7  }
0xa6: {  	v13 =	vld [tilespmem:s2+$0xBC20];
	v8 =	vadd.s32 v7, v8  }
0xa7: {  	v14 =	vld [tilespmem:s2+$0xC020];
	v9 =	vadd.s32 v8, v9  }
0xa8: {  	v58 =	vld [tilespmem:s2+$0xC420];
	[tilespmem:s2+$0x9020] =	vst v1;
	v1 =	vadd.s32 v9, v10  }
0xa9: {  	v59 =	vld [tilespmem:s2+$0xC820];
	[tilespmem:s2+$0x9420] =	vst v2;
	v2 =	vadd.s32 v1, v11  }
0xaa: {  	[tilespmem:s2+$0x9820] =	vst v3;
	v3 =	vadd.s32 v2, v12  }
0xab: {  	[tilespmem:s2+$0x9C20] =	vst v4;
	v60 =	vadd.s32 v3, v13  }
0xac: {  	[tilespmem:s2+$0xA020] =	vst v5;
	v61 =	vadd.s32 v60, v14  }
0xad: {  	[tilespmem:s2+$0xA420] =	vst v6;
	v62 =	vadd.s32 v61, v58  }
0xae: {  	[tilespmem:s2+$0xA820] =	vst v7;
	v63 =	vadd.s32 v62, v59  }
0xaf: {  	[tilespmem:s2+$0xAC20] =	vst v8;
	(xrf0) =	vadd.scan.msk.s32 $0xffff, v63  }
0xb0: {  	[tilespmem:s2+$0xB020] =	vst v9  }
0xb1: {  	[tilespmem:s2+$0xB420] =	vst v1  }
0xb2: {  	vm0 =	vcmask $0x3F3C;
	[tilespmem:s2+$0xB820] =	vst v2  }
0xb3: {  	v1 =	vmov s1;
	[tilespmem:s2+$0xBC20] =	vst v3  }
0xb4: {  	[tilespmem:s2+$0xC020] =	vst v60  }
0xb5: {  	[tilespmem:s2+$0xC420] =	vst v61;
	v2, _, _ =	vpop (xrf0)  }
0xb6: {  	s28 =	simm.s32 $0xCC20;
	[tilespmem:s2+$0xC820] =	vst v62;
	v3 =	vsub.s32 v2, v63  }
0xb7: {  	s29 =	simm.s32 $0xD020;
	[tilespmem:s28+$0x0] =	vst v3  }
0xb8: {  	s0 =	simm.s32 $0x8C30;
	s1 =	simm.s32 $0x10;
	[tilespmem:v1+s29+$0x0] =	vst.idx.msk vm0, v2  }
0xb9: {  	s31 =	sand.u32 $0x3F0, s1;
	v1 =	vld [tilespmem:s0+$0x0];
	[tilespmem:s0+$0x0] =	vst v0  }
0xba: {  	s30 =	simm.s32 $0x1;
	s2 =	simm.s32 $0x2;
	v2 =	vld [tilespmem:s31+$0x9020]  }
.LBB2_7:
0xbb: {  	p0 =	sne.s32 s2, $0x3F;
	v3 =	vld [tilespmem:s31+$0x9420]  }
0xbc: {  	v4 =	vld [tilespmem:s31+$0x9820]  }
0xbd: {  	v5 =	vld [tilespmem:s31+$0x9C20]  }
0xbe: {  	[tilespmem:s31+$0x9020] =	vst v1;
	v6 =	vld [tilespmem:s31+$0xA020]  }
0xbf: {  	v1 =	vadd.s32 v1, v2;
	v2 =	vld [tilespmem:s31+$0xA420]  }
0xc0: {  	[tilespmem:s31+$0x9420] =	vst v1;
	v1 =	vadd.s32 v1, v3;
	v3 =	vld [tilespmem:s31+$0xA820]  }
0xc1: {  	[tilespmem:s31+$0x9820] =	vst v1;
	v1 =	vadd.s32 v1, v4;
	v4 =	vld [tilespmem:s31+$0xAC20]  }
0xc2: {  	[tilespmem:s31+$0x9C20] =	vst v1;
	v1 =	vadd.s32 v1, v5;
	v5 =	vld [tilespmem:s31+$0xB020]  }
0xc3: {  	v6 =	vadd.s32 v1, v6;
	v7 =	vld [tilespmem:s31+$0xB420]  }
0xc4: {  	[tilespmem:s31+$0xA420] =	vst v6;
	v2 =	vadd.s32 v6, v2;
	v6 =	vld [tilespmem:s31+$0xB820]  }
0xc5: {  	[tilespmem:s31+$0xA820] =	vst v2;
	v2 =	vadd.s32 v2, v3;
	v3 =	vld [tilespmem:s31+$0xBC20]  }
0xc6: {  	[tilespmem:s31+$0xAC20] =	vst v2;
	v2 =	vadd.s32 v2, v4;
	v4 =	vld [tilespmem:s31+$0xC020]  }
0xc7: {  	[tilespmem:s31+$0xB020] =	vst v2;
	v2 =	vadd.s32 v2, v5;
	v5 =	vld [tilespmem:s31+$0xC420]  }
0xc8: {  	[tilespmem:s31+$0xB420] =	vst v2;
	v2 =	vadd.s32 v2, v7;
	v7 =	vld [tilespmem:s31+$0xC820]  }
0xc9: {  	[tilespmem:s31+$0xB820] =	vst v2;
	v2 =	vadd.s32 v2, v6  }
0xca: {  	[tilespmem:s31+$0xBC20] =	vst v2;
	v2 =	vadd.s32 v2, v3  }
0xcb: {  	[tilespmem:s31+$0xC020] =	vst v2;
	v2 =	vadd.s32 v2, v4  }
0xcc: {  	[tilespmem:s31+$0xC420] =	vst v2;
	v2 =	vadd.s32 v2, v5  }
0xcd: {  	[tilespmem:s31+$0xC820] =	vst v2;
	v2 =	vadd.s32 v2, v7  }
0xce: {  	(xrf0) =	vadd.scan.msk.s32 $0xffff, v2;
	_ =	sdelay $0x3  }
0xcf: {  	v3 =	vmov s30;
	s30 =	smov.u32 s2;
	_ =	sdelay $0x1  }
0xd0: {  	v4, _, _ =	vpop (xrf0)  }
.Ltmp3:
0xd1: {  	s28 =	sadd.s32 $0x10, s28;
	[tilespmem:s31+$0xA020] =	vst v1;
	v1 =	vsub.s32 v4, v2;
	(pc) =	sbr.rel @p0 .LBB2_7-.Ltmp3, $4  }
0xd2: {  	[tilespmem:s28+$0x0] =	vst v1  }
0xd3: {  	s1 =	sadd.s32 $0x10, s1;
	s0 =	sadd.s32 $0x10, s0;
	[tilespmem:v3+s29+$0x0] =	vst.idx.msk vm0, v4  }
0xd4: {  	s31 =	sand.u32 $0x3F0, s1;
	v1 =	vld [tilespmem:s0+$0x0];
	[tilespmem:s0+$0x0] =	vst v0  }
0xd5: {  	s2 =	sadd.s32 $0x1, s2;
	v2 =	vld [tilespmem:s31+$0x9020]  }
0xd6: {  	v0 =	vld [tilespmem:s31+$0x9420]  }
0xd7: {  	v3 =	vld [tilespmem:s31+$0x9820]  }
0xd8: {  	v4 =	vld [tilespmem:s31+$0x9C20]  }
0xd9: {  	v5 =	vld [tilespmem:s31+$0xA020]  }
0xda: {  	v37 =	vld [tilespmem:s31+$0xA420];
	v36 =	vadd.s32 v1, v2  }
0xdb: {  	v38 =	vld [tilespmem:s31+$0xA820];
	v0 =	vadd.s32 v36, v0  }
0xdc: {  	v39 =	vld [tilespmem:s31+$0xAC20];
	[tilespmem:s31+$0x9820] =	vst v0;
	v0 =	vadd.s32 v0, v3  }
0xdd: {  	v40 =	vld [tilespmem:s31+$0xB020];
	[tilespmem:s31+$0x9C20] =	vst v0;
	v0 =	vadd.s32 v0, v4  }
0xde: {  	v6 =	vld [tilespmem:s31+$0xB420];
	v5 =	vadd.s32 v0, v5  }
0xdf: {  	v41 =	vld [tilespmem:s31+$0xB820];
	v2 =	vadd.s32 v5, v37  }
0xe0: {  	v42 =	vld [tilespmem:s31+$0xBC20];
	[tilespmem:s31+$0x9020] =	vst v1;
	v1 =	vadd.s32 v2, v38  }
0xe1: {  	v43 =	vld [tilespmem:s31+$0xC020];
	[tilespmem:s31+$0xAC20] =	vst v1;
	v1 =	vadd.s32 v1, v39  }
0xe2: {  	v44 =	vld [tilespmem:s31+$0xC420];
	[tilespmem:s31+$0xB020] =	vst v1;
	v1 =	vadd.s32 v1, v40  }
0xe3: {  	v45 =	vld [tilespmem:s31+$0xC820];
	[tilespmem:s31+$0xB420] =	vst v1;
	v1 =	vadd.s32 v1, v6  }
0xe4: {  	[tilespmem:s31+$0xA420] =	vst v5;
	v5 =	vadd.s32 v1, v41  }
0xe5: {  	[tilespmem:s31+$0xA820] =	vst v2;
	v2 =	vadd.s32 v5, v42  }
0xe6: {  	v3 =	vadd.s32 v2, v43  }
0xe7: {  	v4 =	vadd.s32 v3, v44  }
0xe8: {  	v6 =	vadd.s32 v4, v45  }
0xe9: {  	(xrf0) =	vadd.scan.msk.s32 $0xffff, v6  }
0xea: {  	[tilespmem:s31+$0x9420] =	vst v36  }
0xeb: {  	[tilespmem:s31+$0xA020] =	vst v0  }
0xec: {  	[tilespmem:s31+$0xB820] =	vst v1  }
0xed: {  	v46 =	vmov s30;
	[tilespmem:s31+$0xBC20] =	vst v5  }
0xee: {  	[tilespmem:s31+$0xC020] =	vst v2  }
0xef: {  	[tilespmem:s31+$0xC420] =	vst v3;
	v47, _, _ =	vpop (xrf0)  }
0xf0: {  	s0 =	sadd.s32 $0x10, s28;
	[tilespmem:s31+$0xC820] =	vst v4;
	v48 =	vsub.s32 v47, v6  }
0xf1: {  	[tilespmem:s0+$0x0] =	vst v48  }
0xf2: {  	[tilespmem:v46+s29+$0x0] =	vst.idx.msk vm0, v47  }
0xf3: {  	v0 =	vld [tilespmem:$0xD020]  }
0xf4: {  	v1 =	vld [tilespmem:$0xD030]  }
0xf5: {  	v2 =	vld [tilespmem:$0xD040]  }
0xf6: {  	v3 =	vld [tilespmem:$0xD050];
	_ =	sdelay $0x2  }
0xf7: {  	v0 =	vadd.s32 v0, v1  }
0xf8: {  	v0 =	vadd.s32 v2, v0  }
0xf9: {  	v0 =	vadd.s32 v3, v0  }
0xfa: {  	(xrf0) =	vadd.scan.msk.s32 $0xffff, v0;
	_ =	sdelay $0x5  }
0xfb: {  	v0, _, _ =	vpop (xrf0)  }
0xfc: {  	s30 =	sadd.s32 s5, s9;
	s1 =	simm.s32 $0xD0A0;
	s0 =	simm.s32 $0x5;
	[tilespmem:$0xD0A0] =	vst v0  }
0xfd: {  	[spmem:s30] =	stream.linear.scatter [tilespmem:s1], [sflag:$0x5], $0x80, $0x38;
	[tilespmem:$0x1EDA0] =	vst v63  }
0xfe: {  	_ =	swait.ge [sflag:s0], $0x80  }
0xff: {  	s2 =	simm.s32 $0x400;
	[sflag:s0] =	ssyncset.done $0x0  }
0x100: {  	s31 =	simm.s32 $0x8C20;
	s1 =	simm.s32 $0x80;
	[sflag:s0] =	ssyncadd.s32 $0xFFFFFF80  }
0x101: {  	[spmem:s11] =	stream.strided.scatter [tilespmem:s31], [sflag:$0x1], $0x400, s2, s1, $0x38;
	[tilespmem:$0x1EDA0] =	vst v63  }
0x102: {  	s29 =	simm.s32 $0x9020  }
0x103: {  	[spmem:s12] =	stream.strided.scatter [tilespmem:s29], [sflag:$0x1], $0x400, s2, s1, $0x38;
	[tilespmem:$0x1EDA0] =	vst v63  }
0x104: {  	s30 =	simm.s32 $0x9420  }
0x105: {  	[spmem:s13] =	stream.strided.scatter [tilespmem:s30], [sflag:$0x1], $0x400, s2, s1, $0x38;
	[tilespmem:$0x1EDA0] =	vst v63  }
0x106: {  	s31 =	simm.s32 $0x9820  }
0x107: {  	[spmem:s14] =	stream.strided.scatter [tilespmem:s31], [sflag:$0x1], $0x400, s2, s1, $0x38;
	[tilespmem:$0x1EDA0] =	vst v63  }
0x108: {  	s12 =	simm.s32 $0x9C20  }
0x109: {  	[spmem:s15] =	stream.strided.scatter [tilespmem:s12], [sflag:$0x1], $0x400, s2, s1, $0x38;
	[tilespmem:$0x1EDA0] =	vst v63  }
0x10a: {  	s13 =	simm.s32 $0xA020  }
0x10b: {  	[spmem:s16] =	stream.strided.scatter [tilespmem:s13], [sflag:$0x1], $0x400, s2, s1, $0x38;
	[tilespmem:$0x1EDA0] =	vst v63  }
0x10c: {  	s14 =	simm.s32 $0xA420  }
0x10d: {  	[spmem:s17] =	stream.strided.scatter [tilespmem:s14], [sflag:$0x1], $0x400, s2, s1, $0x38;
	[tilespmem:$0x1EDA0] =	vst v63  }
0x10e: {  	s15 =	simm.s32 $0xA820  }
0x10f: {  	[spmem:s18] =	stream.strided.scatter [tilespmem:s15], [sflag:$0x1], $0x400, s2, s1, $0x38;
	[tilespmem:$0x1EDA0] =	vst v63  }
0x110: {  	s16 =	simm.s32 $0xAC20  }
0x111: {  	[spmem:s19] =	stream.strided.scatter [tilespmem:s16], [sflag:$0x1], $0x400, s2, s1, $0x38;
	[tilespmem:$0x1EDA0] =	vst v63  }
0x112: {  	s17 =	simm.s32 $0xB020  }
0x113: {  	[spmem:s20] =	stream.strided.scatter [tilespmem:s17], [sflag:$0x1], $0x400, s2, s1, $0x38;
	[tilespmem:$0x1EDA0] =	vst v63  }
0x114: {  	s18 =	simm.s32 $0xB420  }
0x115: {  	[spmem:s21] =	stream.strided.scatter [tilespmem:s18], [sflag:$0x1], $0x400, s2, s1, $0x38;
	[tilespmem:$0x1EDA0] =	vst v63  }
0x116: {  	s19 =	simm.s32 $0xB820  }
0x117: {  	[spmem:s22] =	stream.strided.scatter [tilespmem:s19], [sflag:$0x1], $0x400, s2, s1, $0x38;
	[tilespmem:$0x1EDA0] =	vst v63  }
0x118: {  	s20 =	simm.s32 $0xBC20  }
0x119: {  	[spmem:s23] =	stream.strided.scatter [tilespmem:s20], [sflag:$0x1], $0x400, s2, s1, $0x38;
	[tilespmem:$0x1EDA0] =	vst v63  }
0x11a: {  	s21 =	simm.s32 $0xC020  }
0x11b: {  	[spmem:s24] =	stream.strided.scatter [tilespmem:s21], [sflag:$0x1], $0x400, s2, s1, $0x38;
	[tilespmem:$0x1EDA0] =	vst v63  }
0x11c: {  	s22 =	simm.s32 $0xC420  }
0x11d: {  	[spmem:s25] =	stream.strided.scatter [tilespmem:s22], [sflag:$0x1], $0x400, s2, s1, $0x38;
	[tilespmem:$0x1EDA0] =	vst v63  }
0x11e: {  	s23 =	simm.s32 $0xC820;
	s24 =	simm.s32 $0x1  }
0x11f: {  	[spmem:s26] =	stream.strided.scatter [tilespmem:s23], [sflag:$0x1], $0x400, s2, s1, $0x38;
	[tilespmem:$0x1EDA0] =	vst v63  }
0x120: {  	_ =	swait.ge [sflag:s24], $0x400  }
0x121: {  	[sflag:s24] =	ssyncset.done $0x0  }
0x122: {  	[sflag:s24] =	ssyncadd.s32 $0xFFFFFC00  }
0x123: {  	_ =	swait.ge [sflag:s24], $0x400  }
0x124: {  	[sflag:s24] =	ssyncset.done $0x0  }
0x125: {  	[sflag:s24] =	ssyncadd.s32 $0xFFFFFC00  }
0x126: {  	_ =	swait.ge [sflag:s24], $0x400  }
0x127: {  	[sflag:s24] =	ssyncset.done $0x0  }
0x128: {  	[sflag:s24] =	ssyncadd.s32 $0xFFFFFC00  }
0x129: {  	_ =	swait.ge [sflag:s24], $0x400  }
0x12a: {  	[sflag:s24] =	ssyncset.done $0x0  }
0x12b: {  	[sflag:s24] =	ssyncadd.s32 $0xFFFFFC00  }
0x12c: {  	_ =	swait.ge [sflag:s24], $0x400  }
0x12d: {  	[sflag:s24] =	ssyncset.done $0x0  }
0x12e: {  	[sflag:s24] =	ssyncadd.s32 $0xFFFFFC00  }
0x12f: {  	_ =	swait.ge [sflag:s24], $0x400  }
0x130: {  	[sflag:s24] =	ssyncset.done $0x0  }
0x131: {  	[sflag:s24] =	ssyncadd.s32 $0xFFFFFC00  }
0x132: {  	_ =	swait.ge [sflag:s24], $0x400  }
0x133: {  	[sflag:s24] =	ssyncset.done $0x0  }
0x134: {  	[sflag:s24] =	ssyncadd.s32 $0xFFFFFC00  }
0x135: {  	_ =	swait.ge [sflag:s24], $0x400  }
0x136: {  	[sflag:s24] =	ssyncset.done $0x0  }
0x137: {  	[sflag:s24] =	ssyncadd.s32 $0xFFFFFC00  }
0x138: {  	_ =	swait.ge [sflag:s24], $0x400  }
0x139: {  	[sflag:s24] =	ssyncset.done $0x0  }
0x13a: {  	[sflag:s24] =	ssyncadd.s32 $0xFFFFFC00  }
0x13b: {  	_ =	swait.ge [sflag:s24], $0x400  }
0x13c: {  	[sflag:s24] =	ssyncset.done $0x0  }
0x13d: {  	[sflag:s24] =	ssyncadd.s32 $0xFFFFFC00  }
0x13e: {  	_ =	swait.ge [sflag:s24], $0x400  }
0x13f: {  	[sflag:s24] =	ssyncset.done $0x0  }
0x140: {  	[sflag:s24] =	ssyncadd.s32 $0xFFFFFC00  }
0x141: {  	_ =	swait.ge [sflag:s24], $0x400  }
0x142: {  	[sflag:s24] =	ssyncset.done $0x0  }
0x143: {  	[sflag:s24] =	ssyncadd.s32 $0xFFFFFC00  }
0x144: {  	_ =	swait.ge [sflag:s24], $0x400  }
0x145: {  	[sflag:s24] =	ssyncset.done $0x0  }
0x146: {  	[sflag:s24] =	ssyncadd.s32 $0xFFFFFC00  }
0x147: {  	_ =	swait.ge [sflag:s24], $0x400  }
0x148: {  	[sflag:s24] =	ssyncset.done $0x0  }
0x149: {  	[sflag:s24] =	ssyncadd.s32 $0xFFFFFC00  }
0x14a: {  	_ =	swait.ge [sflag:s24], $0x400  }
0x14b: {  	[sflag:s24] =	ssyncset.done $0x0  }
0x14c: {  	[sflag:s24] =	ssyncadd.s32 $0xFFFFFC00  }
0x14d: {  	v49 =	vlaneseq.u32;
	_ =	swait.ge [sflag:s24], $0x400  }
0x14e: {  	v50 =	vmul.u32 $0x80, v49;
	[sflag:s24] =	ssyncset.done $0x0  }
0x14f: {  	[sflag:s24] =	ssyncadd.s32 $0xFFFFFC00  }
0x150: {  	v1 =	vor.u32 $0xF, v50;
	s25 =	simm.s32 $0xD120;
	[bflag:$0x0] =	sbarrier.arrive $0xFFFF  }
0x151: {  	[tilespmem:s25], [sflag:$0x5] =	stream.linear.gather [spmem:s9], $0x800, $0x38;
	[tilespmem:$0x1EDA0] =	vst v63  }
0x152: {  	_ =	swait.ge [sflag:s0], $0x800  }
0x153: {  	[sflag:s0] =	ssyncset.done $0x0  }
0x154: {  	[sflag:s0] =	ssyncadd.s32 $0xFFFFF800  }
0x155: {  	v1 =	vld.idx.msk [tilespmem:v1+s25+$0x0], $0xffff;
	_ =	sdelay $0x1  }
0x156: {  	v51 =	vld [tilespmem:$0xD020]  }
0x157: {  	v52 =	vmov s4;
	v53 =	vld [tilespmem:$0xD030]  }
0x158: {  	vm15 =	vgt.u32 v52, v49;
	v54 =	vld [tilespmem:$0xD040]  }
0x159: {  	v1 =	vnsel vm15, $0x0, v1  }
0x15a: {  	(xrf0) =	vadd.scan.msk.s32 $0xffff, v1  }
0x15b: {  	(xrf0) =	vadd.scan.msk.s32 $0xffff, v51  }
0x15c: {  	(xrf0) =	vadd.scan.msk.s32 $0xffff, v53  }
0x15d: {  	(xrf0) =	vadd.scan.msk.s32 $0xffff, v54;
	_ =	sdelay $0x2  }
0x15e: {  	v1, _, _ =	vpop (xrf0)  }
0x15f: {  	v55, _, _ =	vpop (xrf0);
	(v2sf) =	vpush v1, $0xF  }
0x160: {  	v56, _, _ =	vpop (xrf0);
	(v2sf) =	vpush v55, $0xF  }
0x161: {  	(v2sf) =	vpush v56, $0xF;
	v57, _, _ =	vpop (xrf0)  }
0x162: {  	(v2sf) =	vpush v57, $0xF;
	_ =	sdelay $0x3  }
0x163: {  	v7 =	vld [tilespmem:$0xD050];
	_ =	sdelay $0x4  }
0x164: {  	(xrf0) =	vadd.scan.msk.s32 $0xffff, v7;
	_ =	sdelay $0x2  }
0x165: {  	v1 =	vbroadcast v1, $0xF;
	s26 =	spop (v2sf)  }
0x166: {  	v2 =	vsub.s32 v55, v51;
	s28 =	spop (v2sf)  }
0x167: {  	v1 =	vadd.s32 v1, v2;
	v58 =	vsub.s32 v56, v53;
	s29 =	spop (v2sf);
	s0 =	sadd.s32 s28, s26  }
0x168: {  	[tilespmem:$0xD020] =	vst v1;
	v0 =	vsub.s32 v57, v54;
	v60, _, _ =	vpop (xrf0);
	v59 =	vadd.s32 s0, v58;
	s0 =	sadd.s32 s0, s29;
	s30 =	spop (v2sf)  }
0x169: {  	v61 =	vsub.s32 v60, v7;
	[tilespmem:$0xD030] =	vst v59;
	v0 =	vadd.s32 s0, v0;
	s0 =	sadd.s32 s0, s30  }
0x16a: {  	[tilespmem:$0xD040] =	vst v0;
	v62 =	vadd.s32 s0, v61  }
0x16b: {  	s31 =	simm.s32 $0x0;
	[tilespmem:$0xD050] =	vst v62  }
0x16c: {  	s0 =	simm.s32 $0xCC20;
	v0 =	vld.msk [tilespmem:s31+$0xD020 ss:$0x0], $0xffff  }
0x16d: {  	v63 =	vld [tilespmem:s0+$0x0];
	_ =	sdelay $0x4  }
0x16e: {  	v0 =	vadd.s32 v0, v63  }
0x16f: {  	s2 =	simm.s32 $0x1;
	s1 =	simm.s32 $0x8;
	[tilespmem:s0+$0x0] =	vst v0  }
.LBB2_9:
0x170: {  	p0 =	sne.s32 s1, $0xFC;
	v0 =	vld.msk [tilespmem:s2+$0xD020 ss:$0x0], $0xffff;
	s0 =	sadd.s32 $0x10, s0  }
0x171: {  	v1 =	vld [tilespmem:s0+$0x0];
	_ =	sdelay $0x1  }
.Ltmp4:
0x172: {  	(pc) =	sbr.rel @p0 .LBB2_9-.Ltmp4, $3  }
0x173: {  	_ =	sdelay $0x1  }
0x174: {  	v0 =	vadd.s32 v0, v1  }
0x175: {  	s2 =	sshra.s32 s1, $0x2;
	s1 =	sadd.s32 $0x4, s1;
	[tilespmem:s0+$0x0] =	vst v0  }
0x176: {  	v0 =	vld.msk [tilespmem:s2+$0xD020 ss:$0x0], $0xffff;
	s0 =	sadd.s32 $0x10, s0  }
0x177: {  	v1 =	vld [tilespmem:s0+$0x0];
	_ =	sdelay $0x4  }
0x178: {  	v0 =	vadd.s32 v0, v1  }
0x179: {  	s25 =	sadd.s32 s7, s8;
	s1 =	simm.s32 $0xCC20;
	s26 =	simm.s32 $0x5;
	[tilespmem:s0+$0x0] =	vst v0  }
0x17a: {  	[spmem:s25] =	stream.linear.scatter [tilespmem:s1], [sflag:$0x5], $0x400, $0x38;
	[tilespmem:$0x1EDA0] =	vst v63  }
0x17b: {  	_ =	swait.ge [sflag:s26], $0x400  }
0x17c: {  	[sflag:s26] =	ssyncset.done $0x0  }
0x17d: {  	[sflag:s26] =	ssyncadd.s32 $0xFFFFFC00  }
0x17e: {  	s28 =	simm.s32 $0x80;
	s1 =	simm.s32 $0x4C20;
	[bflag:$0x0] =	sbarrier.arrive $0xFFFF  }
0x17f: {  	[tilespmem:s1], [sflag:$0x1] =	stream.linear.gather [spmem:s8], $0x4000, $0x38;
	[tilespmem:$0x1EDA0] =	vst v63  }
0x180: {  	s29 =	simm.s32 $0x400;
	s30 =	simm.s32 $0x1;
	s0 =	simm.s32 $0x8C20  }
0x181: {  	[tilespmem:s0], [sflag:$0x2] =	stream.strided.gather [spmem:s10], $0x4000, s29, s28, $0x38;
	[tilespmem:$0x1EDA0] =	vst v63  }
0x182: {  	_ =	swait.ge [sflag:s30], $0x4000  }
0x183: {  	[sflag:s30] =	ssyncset.done $0x0  }
0x184: {  	s31 =	simm.s32 $0x2;
	[sflag:s30] =	ssyncadd.s32 $0xFFFFC000  }
0x185: {  	_ =	swait.ge [sflag:s31], $0x4000  }
0x186: {  	s2 =	simm.s32 $0x0;
	s9 =	simm.s32 $0x10;
	[sflag:s31] =	ssyncset.done $0x0  }
0x187: {  	s8 =	simm.s32 $0x0;
	s10 =	simm.s32 $0x0;
	[sflag:s31] =	ssyncadd.s32 $0xFFFFC000  }
.LBB2_11:
0x188: {  	p0 =	sne.s32 s9, $0x3F0;
	v0 =	vld [tilespmem:s10+$0x4820];
	_ =	sdelay $0x4  }
0x189: {  	(xrf1) =	vunique.msk.u32 $0xffff, v0;
	_ =	sdelay $0x8  }
0x18a: {  	v1 =	vld.idx.msk [tilespmem:v0+s1+$0x0], $0xffff  }
0x18b: {  	v2 =	vld.idx.msk [tilespmem:v0+s0+$0x0], $0xffff;
	_ =	sdelay $0x3  }
0x18c: {  	_, v3, vm0 =	vpop (xrf1);
	_ =	sdelay $0x1  }
.Ltmp5:
0x18d: {  	s10 =	sand.u32 $0xE00, s2;
	v1 =	vadd.s32 v2, v1;
	(pc) =	sbr.rel @p0 .LBB2_11-.Ltmp5, $4  }
0x18e: {  	s11 =	sand.u32 $0x70, s8;
	s8 =	smov.u32 s9;
	s10 =	sshrl.u32 s10, $0x2;
	v1 =	vadd.s32 v3, v1  }
0x18f: {  	s10 =	sor.u32 s11, s10;
	v1 =	vadd.s32 $0xFFFFFFFF, v1  }
0x190: {  	s2 =	sadd.s32 $0x40, s2;
	[tilespmem:s10+$0xE120] =	vst v1  }
0x191: {  	s9 =	sadd.s32 $0x10, s9;
	s10 =	sshra.s32 s2, $0x2;
	[tilespmem:v0+s0+$0x0] =	vst.idx.add.s32.msk vm0, v3  }
0x192: {  	v0 =	vld [tilespmem:s10+$0x4820];
	_ =	sdelay $0x4  }
0x193: {  	(xrf1) =	vunique.msk.u32 $0xffff, v0;
	_ =	sdelay $0x9  }
0x194: {  	v1 =	vld.idx.msk [tilespmem:v0+s1+$0x0], $0xffff  }
0x195: {  	v2 =	vld.idx.msk [tilespmem:v0+s0+$0x0], $0xffff;
	_ =	sdelay $0x2  }
0x196: {  	_, v3, vm0 =	vpop (xrf1);
	_ =	sdelay $0x1  }
0x197: {  	s2 =	sand.u32 $0xE00, s2;
	v1 =	vadd.s32 v2, v1  }
0x198: {  	s8 =	sand.u32 $0x70, s8;
	s1 =	sshrl.u32 s2, $0x2;
	v1 =	vadd.s32 v3, v1  }
0x199: {  	s1 =	sor.u32 s8, s1;
	v1 =	vadd.s32 $0xFFFFFFFF, v1  }
0x19a: {  	[tilespmem:s1+$0xE120] =	vst v1  }
0x19b: {  	s9 =	simm.s32 $0xE120;
	s10 =	simm.s32 $0xE520;
	s8 =	simm.s32 $0x80;
	[tilespmem:v0+s0+$0x0] =	vst.idx.add.s32.msk vm0, v3  }
0x19c: {  	[spmem:s6] =	stream.indirect.scatter [tilespmem:s10], [sflag:$0x1], $0x1, s9, s8, $0xb8;
	[tilespmem:$0x1EDA0] =	vst v63  }
0x19d: {  	s11 =	simm.s32 $0xE1A0;
	s12 =	simm.s32 $0xE5A0  }
0x19e: {  	[spmem:s6] =	stream.indirect.scatter [tilespmem:s12], [sflag:$0x1], $0x1, s11, s8, $0xb8;
	[tilespmem:$0x1EDA0] =	vst v63  }
0x19f: {  	s13 =	simm.s32 $0xE220;
	s14 =	simm.s32 $0xE620  }
0x1a0: {  	[spmem:s6] =	stream.indirect.scatter [tilespmem:s14], [sflag:$0x1], $0x1, s13, s8, $0xb8;
	[tilespmem:$0x1EDA0] =	vst v63  }
0x1a1: {  	s15 =	simm.s32 $0xE2A0;
	s16 =	simm.s32 $0xE6A0  }
0x1a2: {  	[spmem:s6] =	stream.indirect.scatter [tilespmem:s16], [sflag:$0x1], $0x1, s15, s8, $0xb8;
	[tilespmem:$0x1EDA0] =	vst v63  }
0x1a3: {  	s17 =	simm.s32 $0xE320;
	s18 =	simm.s32 $0xE720  }
0x1a4: {  	[spmem:s6] =	stream.indirect.scatter [tilespmem:s18], [sflag:$0x1], $0x1, s17, s8, $0xb8;
	[tilespmem:$0x1EDA0] =	vst v63  }
0x1a5: {  	s19 =	simm.s32 $0xE3A0;
	s20 =	simm.s32 $0xE7A0  }
0x1a6: {  	[spmem:s6] =	stream.indirect.scatter [tilespmem:s20], [sflag:$0x1], $0x1, s19, s8, $0xb8;
	[tilespmem:$0x1EDA0] =	vst v63  }
0x1a7: {  	s21 =	simm.s32 $0xE420;
	s22 =	simm.s32 $0xE820  }
0x1a8: {  	[spmem:s6] =	stream.indirect.scatter [tilespmem:s22], [sflag:$0x1], $0x1, s21, s8, $0xb8;
	[tilespmem:$0x1EDA0] =	vst v63  }
0x1a9: {  	s23 =	simm.s32 $0xE4A0;
	s24 =	simm.s32 $0xE8A0;
	s9 =	simm.s32 $0x1  }
0x1aa: {  	[spmem:s6] =	stream.indirect.scatter [tilespmem:s24], [sflag:$0x1], $0x1, s23, s8, $0xb8;
	[tilespmem:$0x1EDA0] =	vst v63  }
0x1ab: {  	_ =	swait.ge [sflag:s9], $0x80  }
0x1ac: {  	[sflag:s9] =	ssyncset.done $0x0  }
0x1ad: {  	[sflag:s9] =	ssyncadd.s32 $0xFFFFFF80  }
0x1ae: {  	_ =	swait.ge [sflag:s9], $0x80  }
0x1af: {  	[sflag:s9] =	ssyncset.done $0x0  }
0x1b0: {  	[sflag:s9] =	ssyncadd.s32 $0xFFFFFF80  }
0x1b1: {  	_ =	swait.ge [sflag:s9], $0x80  }
0x1b2: {  	[sflag:s9] =	ssyncset.done $0x0  }
0x1b3: {  	[sflag:s9] =	ssyncadd.s32 $0xFFFFFF80  }
0x1b4: {  	_ =	swait.ge [sflag:s9], $0x80  }
0x1b5: {  	[sflag:s9] =	ssyncset.done $0x0  }
0x1b6: {  	[sflag:s9] =	ssyncadd.s32 $0xFFFFFF80  }
0x1b7: {  	_ =	swait.ge [sflag:s9], $0x80  }
0x1b8: {  	[sflag:s9] =	ssyncset.done $0x0  }
0x1b9: {  	[sflag:s9] =	ssyncadd.s32 $0xFFFFFF80  }
0x1ba: {  	_ =	swait.ge [sflag:s9], $0x80  }
0x1bb: {  	[sflag:s9] =	ssyncset.done $0x0  }
0x1bc: {  	[sflag:s9] =	ssyncadd.s32 $0xFFFFFF80  }
0x1bd: {  	_ =	swait.ge [sflag:s9], $0x80  }
0x1be: {  	[sflag:s9] =	ssyncset.done $0x0  }
0x1bf: {  	[sflag:s9] =	ssyncadd.s32 $0xFFFFFF80  }
0x1c0: {  	_ =	swait.ge [sflag:s9], $0x80  }
0x1c1: {  	s25 =	sadd.s32 s7, s6;
	[sflag:s9] =	ssyncset.done $0x0  }
0x1c2: {  	s26 =	simm.s32 $0xE920;
	s28 =	simm.s32 $0x5;
	[sflag:s9] =	ssyncadd.s32 $0xFFFFFF80  }
0x1c3: {  	s29 =	simm.s32 $0xED20;
	s30 =	simm.s32 $0xE9A0;
	[bflag:$0x0] =	sbarrier.arrive $0xFFFF  }
0x1c4: {  	[tilespmem:s26], [sflag:$0x5] =	stream.linear.gather [spmem:s25], $0x400, $0x38;
	[tilespmem:$0x1EDA0] =	vst v63  }
0x1c5: {  	s31 =	simm.s32 $0x12D20;
	p1 =	por $0x1, $0x1;
	_ =	swait.ge [sflag:s28], $0x400  }
0x1c6: {  	s7 =	simm.s32 $0x1AD20;
	s0 =	simm.s32 $0xEA20;
	[sflag:s28] =	ssyncset.done $0x0  }
0x1c7: {  	s10 =	simm.s32 $0x2;
	s11 =	simm.s32 $0x3;
	[sflag:s28] =	ssyncadd.s32 $0xFFFFFC00  }
0x1c8: {  	[tilespmem:s29], [sflag:$0x1] =	stream.indirect.gather [hbm4b:s3+s8], $0x80, s26, s8, $0xb8;
	[tilespmem:$0x1EDA0] =	vst v63  }
0x1c9: {  	s12 =	simm.s32 $0x4;
	s13 =	simm.s32 $0x0;
	s6 =	simm.s32 $0x16D20  }
0x1ca: {  	v0 =	vimm.f32 $0.0e+00;
	vm0 =	vmmov $0x7fff;
	[tilespmem:s31], [sflag:$0x2] =	stream.indirect.gather [hbm4b:s3+s8], $0x80, s30, s8, $0xb8;
	[tilespmem:$0x1EDA0] =	vst v63  }
.LBB2_13:
0x1cb: {  	[tilespmem:s6], [sflag:$0x3] =	stream.indirect.gather [hbm4b:s3+s8], $0x80, s0, s8, $0xb8;
	[tilespmem:$0x1EDA0] =	vst v63  }
0x1cc: {  	_ =	swait.ge [sflag:s9], $0x4000  }
0x1cd: {  	[sflag:s9] =	ssyncset.done $0x0  }
0x1ce: {  	s31 =	simm.s32 $0x0;
	[sflag:s9] =	ssyncadd.s32 $0xFFFFC000  }
0x1cf: {  	v1 =	vld [tilespmem:s31+$0xED20]  }
0x1d0: {  	v2 =	vld [tilespmem:s31+$0xEDA0]  }
0x1d1: {  	v3 =	vld [tilespmem:s31+$0xED30]  }
0x1d2: {  	v4 =	vld [tilespmem:s31+$0xEDB0]  }
0x1d3: {  	v5 =	vld [tilespmem:s31+$0xED40]  }
0x1d4: {  	v6 =	vld [tilespmem:s31+$0xEDC0]  }
0x1d5: {  	v7 =	vld [tilespmem:s31+$0xED50]  }
0x1d6: {  	s1 =	simm.s32 $0x100;
	v8 =	vld [tilespmem:s31+$0xEDD0]  }
0x1d7: {  	v9 =	vld [tilespmem:s1+$0xED20]  }
0x1d8: {  	v1 =	vmul.f32 v2, v1;
	v2 =	vmul.f32 v4, v3;
	v3 =	vld [tilespmem:s31+$0xED60]  }
0x1d9: {  	v4 =	vld [tilespmem:s31+$0xEDE0]  }
0x1da: {  	v1 =	vadd.f32 v2, v1;
	v2 =	vmul.f32 v6, v5;
	v5 =	vld [tilespmem:s31+$0xED70]  }
0x1db: {  	v6 =	vld [tilespmem:s31+$0xEDF0]  }
0x1dc: {  	v1 =	vadd.f32 v2, v1;
	v2 =	vmul.f32 v8, v7;
	v7 =	vld [tilespmem:s31+$0xED80]  }
0x1dd: {  	v8 =	vld [tilespmem:s31+$0xEE00]  }
0x1de: {  	v1 =	vadd.f32 v2, v1;
	v2 =	vmul.f32 v4, v3;
	v3 =	vld [tilespmem:s31+$0xED90]  }
0x1df: {  	v4 =	vld [tilespmem:s31+$0xEE10]  }
0x1e0: {  	v1 =	vadd.f32 v2, v1;
	v2 =	vmul.f32 v6, v5;
	v5 =	vld [tilespmem:s1+$0xEDA0]  }
0x1e1: {  	v6 =	vld [tilespmem:s1+$0xED30]  }
0x1e2: {  	v1 =	vadd.f32 v2, v1;
	v2 =	vmul.f32 v8, v7;
	v7 =	vld [tilespmem:s1+$0xEDB0]  }
0x1e3: {  	v8 =	vld [tilespmem:s1+$0xED40]  }
0x1e4: {  	v1 =	vadd.f32 v2, v1;
	v2 =	vmul.f32 v4, v3;
	v3 =	vld [tilespmem:s1+$0xEDC0]  }
0x1e5: {  	v4 =	vld [tilespmem:s1+$0xED50]  }
0x1e6: {  	v1 =	vadd.f32 v2, v1;
	v2 =	vld [tilespmem:s1+$0xEDD0]  }
0x1e7: {  	v5 =	vmul.f32 v5, v9;
	v6 =	vmul.f32 v7, v6;
	v7 =	vld [tilespmem:s1+$0xED60]  }
0x1e8: {  	(xrf2) =	vadd.scan.msk.f32 $0xffff, v1;
	v1 =	vld [tilespmem:s1+$0xEDE0]  }
0x1e9: {  	v5 =	vadd.f32 v6, v5;
	v3 =	vmul.f32 v3, v8;
	_ =	sdelay $0x1  }
0x1ea: {  	v6 =	vld [tilespmem:s1+$0xED70];
	v3 =	vadd.f32 v3, v5;
	v2 =	vmul.f32 v2, v4  }
0x1eb: {  	v8 =	vld [tilespmem:s1+$0xEDF0]  }
0x1ec: {  	v10 =	vld [tilespmem:s1+$0xEE00];
	v5 =	vadd.f32 v2, v3;
	v1 =	vmul.f32 v1, v7  }
0x1ed: {  	v9 =	vld [tilespmem:s1+$0xED80]  }
0x1ee: {  	v2 =	vld [tilespmem:s1+$0xED90];
	v1 =	vadd.f32 v1, v5  }
0x1ef: {  	s0 =	simm.s32 $0x200;
	v3 =	vld [tilespmem:s1+$0xEE10]  }
0x1f0: {  	v4 =	vld [tilespmem:s0+$0xED20];
	v6 =	vmul.f32 v8, v6  }
0x1f1: {  	v7 =	vld [tilespmem:s0+$0xED30]  }
0x1f2: {  	p0 =	por p1, p1;
	s1 =	simm.s32 $0xC00;
	v8 =	vmul.f32 v10, v9;
	v5 =	vld [tilespmem:s0+$0xEDA0];
	v6 =	vadd.f32 v6, v1;
	v1, _, _ =	vpop (xrf2)  }
.LBB2_14:
0x1f3: {  	p1 =	sne.s32 s1, $0xFC00;
	v9 =	vld [tilespmem:s0+$0xEDB0];
	v1 =	vadd.f32 $-5.000000000e-01, v1  }
0x1f4: {  	v10 =	vld [tilespmem:s0+$0xED40];
	v6 =	vadd.f32 v8, v6;
	v2 =	vmul.f32 v3, v2  }
0x1f5: {  	v3 =	vld [tilespmem:s0+$0xEDC0];
	v1 =	vmax.f32 v1, $0.0e+00  }
0x1f6: {  	v8 =	vld [tilespmem:s0+$0xED50];
	v2 =	vadd.f32 v2, v6;
	v1 =	vsel vm0, $0x0, v1  }
0x1f7: {  	v6 =	vld [tilespmem:s0+$0xEDD0];
	v0 =	vadd.f32 v1, v0  }
0x1f8: {  	v1 =	vmul.f32 v5, v4;
	v4 =	vmul.f32 v9, v7;
	v5 =	vld [tilespmem:s0+$0xED60];
	(xrf2) =	vadd.scan.msk.f32 $0xffff, v2  }
0x1f9: {  	v2 =	vld [tilespmem:s0+$0xEDE0]  }
0x1fa: {  	v1 =	vadd.f32 v4, v1;
	v3 =	vmul.f32 v3, v10;
	v7 =	vld [tilespmem:s0+$0xED70]  }
0x1fb: {  	v9 =	vld [tilespmem:s0+$0xEDF0]  }
0x1fc: {  	v1 =	vadd.f32 v3, v1;
	v3 =	vmul.f32 v6, v8;
	v8 =	vld [tilespmem:s0+$0xED80]  }
0x1fd: {  	v10 =	vld [tilespmem:s0+$0xEE00]  }
.Ltmp6:
0x1fe: {  	v1 =	vadd.f32 v3, v1;
	v5 =	vmul.f32 v2, v5;
	v2 =	vld [tilespmem:s0+$0xED90];
	(pc) =	sbr.rel @p1 .LBB2_14-.Ltmp6, $4  }
0x1ff: {  	v3 =	vld [tilespmem:s0+$0xEE10];
	s0 =	sshra.s32 s1, $0x2  }
0x200: {  	v4 =	vld [tilespmem:s0+$0xED20];
	v11 =	vadd.f32 v5, v1;
	v6 =	vmul.f32 v9, v7  }
0x201: {  	v5 =	vld [tilespmem:s0+$0xEDA0]  }
0x202: {  	s1 =	sadd.s32 $0x400, s1;
	v7 =	vld [tilespmem:s0+$0xED30];
	v6 =	vadd.f32 v6, v11;
	v8 =	vmul.f32 v10, v8;
	v1, _, _ =	vpop (xrf2)  }
0x203: {  	v9 =	vld [tilespmem:s0+$0xEDB0]  }
0x204: {  	v10 =	vld [tilespmem:s0+$0xED40]  }
0x205: {  	v11 =	vld [tilespmem:s0+$0xEDC0]  }
0x206: {  	v12 =	vld [tilespmem:s0+$0xED50]  }
0x207: {  	v13 =	vld [tilespmem:s0+$0xEDD0]  }
0x208: {  	v4 =	vmul.f32 v5, v4;
	v5 =	vmul.f32 v9, v7;
	v7 =	vld [tilespmem:s0+$0xED60]  }
0x209: {  	v9 =	vld [tilespmem:s0+$0xEDE0]  }
0x20a: {  	v4 =	vadd.f32 v5, v4;
	v5 =	vmul.f32 v11, v10;
	v10 =	vld [tilespmem:s0+$0xED70]  }
0x20b: {  	v11 =	vld [tilespmem:s0+$0xEDF0]  }
0x20c: {  	v59 =	vld [tilespmem:s0+$0xED80];
	v4 =	vadd.f32 v5, v4;
	v5 =	vmul.f32 v13, v12  }
0x20d: {  	v60 =	vld [tilespmem:s0+$0xEE00]  }
0x20e: {  	v4 =	vadd.f32 v5, v4;
	v5 =	vmul.f32 v9, v7;
	v7 =	vld [tilespmem:s0+$0xED90]  }
0x20f: {  	v9 =	vld [tilespmem:s0+$0xEE10]  }
0x210: {  	v4 =	vadd.f32 v5, v4;
	v5 =	vmul.f32 v11, v10;
	_ =	sdelay $0x1  }
0x211: {  	v4 =	vadd.f32 v5, v4;
	v5 =	vmul.f32 v60, v59  }
0x212: {  	v6 =	vadd.f32 v8, v6;
	v2 =	vmul.f32 v3, v2  }
0x213: {  	v3 =	vadd.f32 v5, v4;
	v4 =	vmul.f32 v9, v7  }
0x214: {  	v2 =	vadd.f32 v2, v6  }
0x215: {  	v3 =	vadd.f32 v4, v3  }
0x216: {  	(xrf2) =	vadd.scan.msk.f32 $0xffff, v2  }
0x217: {  	(xrf2) =	vadd.scan.msk.f32 $0xffff, v3;
	_ =	sdelay $0x7  }
0x218: {  	s30 =	sshra.s32 s13, $0x2  }
0x219: {  	s0 =	sadd.s32 $0xEAA0, s30;
	v2, _, _ =	vpop (xrf2)  }
0x21a: {  	[tilespmem:s7], [sflag:$0x4] =	stream.indirect.gather [hbm4b:s3+s8], $0x80, s0, s8, $0xb8;
	v3, _, _ =	vpop (xrf2);
	[tilespmem:$0x1EDA0] =	vst v63  }
0x21b: {  	_ =	swait.ge [sflag:s10], $0x4000  }
0x21c: {  	[sflag:s10] =	ssyncset.done $0x0  }
0x21d: {  	s31 =	simm.s32 $0x0;
	[sflag:s10] =	ssyncadd.s32 $0xFFFFC000  }
0x21e: {  	v4 =	vld [tilespmem:s31+$0x12D20]  }
0x21f: {  	v5 =	vld [tilespmem:s31+$0x12DA0]  }
0x220: {  	v6 =	vld [tilespmem:s31+$0x12D30]  }
0x221: {  	v7 =	vld [tilespmem:s31+$0x12DB0]  }
0x222: {  	v8 =	vld [tilespmem:s31+$0x12D40]  }
0x223: {  	v9 =	vld [tilespmem:s31+$0x12DC0]  }
0x224: {  	v10 =	vld [tilespmem:s31+$0x12D50]  }
0x225: {  	v11 =	vld [tilespmem:s31+$0x12DD0]  }
0x226: {  	s1 =	simm.s32 $0x100;
	v61 =	vld [tilespmem:s31+$0x12D60]  }
0x227: {  	v62 =	vld [tilespmem:s1+$0x12D20];
	v4 =	vmul.f32 v5, v4;
	v5 =	vmul.f32 v7, v6  }
0x228: {  	v6 =	vld [tilespmem:s31+$0x12DE0]  }
0x229: {  	v7 =	vld [tilespmem:s31+$0x12D70];
	v4 =	vadd.f32 v5, v4;
	v5 =	vmul.f32 v9, v8  }
0x22a: {  	v8 =	vld [tilespmem:s31+$0x12DF0]  }
0x22b: {  	v9 =	vld [tilespmem:s31+$0x12D80];
	v4 =	vadd.f32 v5, v4;
	v5 =	vmul.f32 v11, v10  }
0x22c: {  	v10 =	vld [tilespmem:s31+$0x12E00]  }
0x22d: {  	v11 =	vld [tilespmem:s31+$0x12D90];
	v4 =	vadd.f32 v5, v4;
	v5 =	vmul.f32 v6, v61  }
0x22e: {  	v6 =	vld [tilespmem:s31+$0x12E10]  }
0x22f: {  	v4 =	vadd.f32 v5, v4;
	v5 =	vmul.f32 v8, v7;
	v7 =	vld [tilespmem:s1+$0x12DA0]  }
0x230: {  	v8 =	vld [tilespmem:s1+$0x12D30]  }
0x231: {  	v4 =	vadd.f32 v5, v4;
	v5 =	vmul.f32 v10, v9;
	v9 =	vld [tilespmem:s1+$0x12DB0]  }
0x232: {  	v10 =	vld [tilespmem:s1+$0x12D40]  }
0x233: {  	v4 =	vadd.f32 v5, v4;
	v5 =	vmul.f32 v6, v11;
	v6 =	vld [tilespmem:s1+$0x12DC0];
	_ =	sdelay $0x1  }
0x234: {  	v1 =	vadd.f32 $-5.000000000e-01, v1;
	v4 =	vadd.f32 v5, v4;
	v5 =	vld [tilespmem:s1+$0x12D50]  }
0x235: {  	v7 =	vmul.f32 v7, v62;
	v8 =	vmul.f32 v9, v8;
	v9 =	vld [tilespmem:s1+$0x12DD0]  }
0x236: {  	v1 =	vmax.f32 v1, $0.0e+00;
	(xrf2) =	vadd.scan.msk.f32 $0xffff, v4;
	v4 =	vld [tilespmem:s1+$0x12D60]  }
0x237: {  	v2 =	vadd.f32 $-5.000000000e-01, v2;
	v7 =	vadd.f32 v8, v7;
	v8 =	vld [tilespmem:s1+$0x12DE0];
	v6 =	vmul.f32 v6, v10  }
0x238: {  	v1 =	vsel vm0, $0x0, v1;
	v10 =	vld [tilespmem:s1+$0x12D70]  }
0x239: {  	v0 =	vadd.f32 v1, v0;
	v2 =	vmax.f32 v2, $0.0e+00;
	v6 =	vadd.f32 v6, v7;
	v7 =	vld [tilespmem:s1+$0x12DF0]  }
0x23a: {  	v1 =	vsel vm0, $0x0, v2;
	v63 =	vadd.f32 $-5.000000000e-01, v3;
	v11 =	vld [tilespmem:s1+$0x12E00];
	v5 =	vmul.f32 v9, v5  }
0x23b: {  	v0 =	vadd.f32 v1, v0;
	v9 =	vld [tilespmem:s1+$0x12D80]  }
0x23c: {  	v1 =	vmax.f32 v63, $0.0e+00;
	v2 =	vld [tilespmem:s1+$0x12D90];
	v5 =	vadd.f32 v5, v6;
	v6 =	vmul.f32 v8, v4  }
0x23d: {  	s0 =	simm.s32 $0x200;
	v3 =	vld [tilespmem:s1+$0x12E10];
	v1 =	vsel vm0, $0x0, v1  }
0x23e: {  	v4 =	vld [tilespmem:s0+$0x12D20];
	v6 =	vadd.f32 v6, v5;
	v8 =	vmul.f32 v7, v10  }
0x23f: {  	v5 =	vld [tilespmem:s0+$0x12DA0]  }
0x240: {  	v0 =	vadd.f32 v1, v0;
	s1 =	simm.s32 $0xC00;
	v7 =	vld [tilespmem:s0+$0x12D30];
	v6 =	vadd.f32 v8, v6;
	v8 =	vmul.f32 v11, v9;
	v1, _, _ =	vpop (xrf2)  }
.LBB2_16:
0x241: {  	p1 =	sne.s32 s1, $0xFC00;
	v9 =	vld [tilespmem:s0+$0x12DB0];
	v1 =	vadd.f32 $-5.000000000e-01, v1  }
0x242: {  	v10 =	vld [tilespmem:s0+$0x12D40];
	v6 =	vadd.f32 v8, v6;
	v2 =	vmul.f32 v3, v2  }
0x243: {  	v3 =	vld [tilespmem:s0+$0x12DC0];
	v1 =	vmax.f32 v1, $0.0e+00  }
0x244: {  	v8 =	vld [tilespmem:s0+$0x12D50];
	v2 =	vadd.f32 v2, v6;
	v1 =	vsel vm0, $0x0, v1  }
0x245: {  	v6 =	vld [tilespmem:s0+$0x12DD0];
	v0 =	vadd.f32 v1, v0  }
0x246: {  	v1 =	vmul.f32 v5, v4;
	v4 =	vmul.f32 v9, v7;
	v5 =	vld [tilespmem:s0+$0x12D60];
	(xrf2) =	vadd.scan.msk.f32 $0xffff, v2  }
0x247: {  	v2 =	vld [tilespmem:s0+$0x12DE0]  }
0x248: {  	v1 =	vadd.f32 v4, v1;
	v3 =	vmul.f32 v3, v10;
	v7 =	vld [tilespmem:s0+$0x12D70]  }
0x249: {  	v9 =	vld [tilespmem:s0+$0x12DF0]  }
0x24a: {  	v1 =	vadd.f32 v3, v1;
	v3 =	vmul.f32 v6, v8;
	v8 =	vld [tilespmem:s0+$0x12D80]  }
0x24b: {  	v10 =	vld [tilespmem:s0+$0x12E00]  }
.Ltmp7:
0x24c: {  	v1 =	vadd.f32 v3, v1;
	v5 =	vmul.f32 v2, v5;
	v2 =	vld [tilespmem:s0+$0x12D90];
	(pc) =	sbr.rel @p1 .LBB2_16-.Ltmp7, $4  }
0x24d: {  	v3 =	vld [tilespmem:s0+$0x12E10];
	s0 =	sshra.s32 s1, $0x2  }
0x24e: {  	v4 =	vld [tilespmem:s0+$0x12D20];
	v11 =	vadd.f32 v5, v1;
	v6 =	vmul.f32 v9, v7  }
0x24f: {  	v5 =	vld [tilespmem:s0+$0x12DA0]  }
0x250: {  	s1 =	sadd.s32 $0x400, s1;
	v7 =	vld [tilespmem:s0+$0x12D30];
	v6 =	vadd.f32 v6, v11;
	v8 =	vmul.f32 v10, v8;
	v1, _, _ =	vpop (xrf2)  }
0x251: {  	v9 =	vld [tilespmem:s0+$0x12DB0]  }
0x252: {  	v10 =	vld [tilespmem:s0+$0x12D40]  }
0x253: {  	v11 =	vld [tilespmem:s0+$0x12DC0]  }
0x254: {  	v12 =	vld [tilespmem:s0+$0x12D50]  }
0x255: {  	v13 =	vld [tilespmem:s0+$0x12DD0]  }
0x256: {  	v4 =	vmul.f32 v5, v4;
	v5 =	vmul.f32 v9, v7;
	v7 =	vld [tilespmem:s0+$0x12D60]  }
0x257: {  	v9 =	vld [tilespmem:s0+$0x12DE0]  }
0x258: {  	v4 =	vadd.f32 v5, v4;
	v5 =	vmul.f32 v11, v10;
	v10 =	vld [tilespmem:s0+$0x12D70]  }
0x259: {  	v11 =	vld [tilespmem:s0+$0x12DF0]  }
0x25a: {  	v59 =	vld [tilespmem:s0+$0x12D80];
	v4 =	vadd.f32 v5, v4;
	v5 =	vmul.f32 v13, v12  }
0x25b: {  	v60 =	vld [tilespmem:s0+$0x12E00]  }
0x25c: {  	v4 =	vadd.f32 v5, v4;
	v5 =	vmul.f32 v9, v7;
	v7 =	vld [tilespmem:s0+$0x12D90]  }
0x25d: {  	v9 =	vld [tilespmem:s0+$0x12E10]  }
0x25e: {  	v4 =	vadd.f32 v5, v4;
	v5 =	vmul.f32 v11, v10;
	_ =	sdelay $0x1  }
0x25f: {  	v4 =	vadd.f32 v5, v4;
	v5 =	vmul.f32 v60, v59  }
0x260: {  	v6 =	vadd.f32 v8, v6;
	v2 =	vmul.f32 v3, v2  }
0x261: {  	v3 =	vadd.f32 v5, v4;
	v4 =	vmul.f32 v9, v7  }
0x262: {  	v2 =	vadd.f32 v2, v6  }
0x263: {  	v3 =	vadd.f32 v4, v3  }
0x264: {  	(xrf2) =	vadd.scan.msk.f32 $0xffff, v2  }
0x265: {  	(xrf2) =	vadd.scan.msk.f32 $0xffff, v3;
	_ =	sdelay $0x8  }
0x266: {  	s1 =	simm.s32 @p0 $0xEB20;
	s2 =	simm.s32 @p0 $0xED20;
	s0 =	simm.s32 @p0 $0x80;
	v2, _, _ =	vpop (xrf2)  }
0x267: {  	[tilespmem:s2], [sflag:$0x1] =	stream.indirect.gather @p0 [hbm4b:s3+s0], $0x80, s1, s0, $0xb8;
	v3, _, _ =	vpop (xrf2);
	[tilespmem:$0x1EDA0] =	vst v63  }
0x268: {  	_ =	swait.ge [sflag:s11], $0x4000  }
0x269: {  	[sflag:s11] =	ssyncset.done $0x0  }
0x26a: {  	s30 =	simm.s32 $0x0;
	[sflag:s11] =	ssyncadd.s32 $0xFFFFC000  }
0x26b: {  	v4 =	vld [tilespmem:s30+$0x16D20]  }
0x26c: {  	v5 =	vld [tilespmem:s30+$0x16DA0]  }
0x26d: {  	v6 =	vld [tilespmem:s30+$0x16D30]  }
0x26e: {  	v7 =	vld [tilespmem:s30+$0x16DB0]  }
0x26f: {  	v8 =	vld [tilespmem:s30+$0x16D40]  }
0x270: {  	v9 =	vld [tilespmem:s30+$0x16DC0]  }
0x271: {  	v10 =	vld [tilespmem:s30+$0x16D50]  }
0x272: {  	v11 =	vld [tilespmem:s30+$0x16DD0]  }
0x273: {  	s31 =	simm.s32 $0x100;
	v61 =	vld [tilespmem:s30+$0x16D60]  }
0x274: {  	v62 =	vld [tilespmem:s31+$0x16D20];
	v4 =	vmul.f32 v5, v4;
	v5 =	vmul.f32 v7, v6  }
0x275: {  	v6 =	vld [tilespmem:s30+$0x16DE0]  }
0x276: {  	v7 =	vld [tilespmem:s30+$0x16D70];
	v4 =	vadd.f32 v5, v4;
	v5 =	vmul.f32 v9, v8  }
0x277: {  	v8 =	vld [tilespmem:s30+$0x16DF0]  }
0x278: {  	v9 =	vld [tilespmem:s30+$0x16D80];
	v4 =	vadd.f32 v5, v4;
	v5 =	vmul.f32 v11, v10  }
0x279: {  	v10 =	vld [tilespmem:s30+$0x16E00]  }
0x27a: {  	v11 =	vld [tilespmem:s30+$0x16D90];
	v4 =	vadd.f32 v5, v4;
	v5 =	vmul.f32 v6, v61  }
0x27b: {  	v6 =	vld [tilespmem:s30+$0x16E10]  }
0x27c: {  	v4 =	vadd.f32 v5, v4;
	v5 =	vmul.f32 v8, v7;
	v7 =	vld [tilespmem:s31+$0x16DA0]  }
0x27d: {  	v8 =	vld [tilespmem:s31+$0x16D30]  }
0x27e: {  	v4 =	vadd.f32 v5, v4;
	v5 =	vmul.f32 v10, v9;
	v9 =	vld [tilespmem:s31+$0x16DB0]  }
0x27f: {  	v10 =	vld [tilespmem:s31+$0x16D40]  }
0x280: {  	v4 =	vadd.f32 v5, v4;
	v5 =	vmul.f32 v6, v11;
	v6 =	vld [tilespmem:s31+$0x16DC0];
	_ =	sdelay $0x1  }
0x281: {  	v1 =	vadd.f32 $-5.000000000e-01, v1;
	v4 =	vadd.f32 v5, v4;
	v5 =	vld [tilespmem:s31+$0x16D50]  }
0x282: {  	v7 =	vmul.f32 v7, v62;
	v8 =	vmul.f32 v9, v8;
	v9 =	vld [tilespmem:s31+$0x16DD0]  }
0x283: {  	v1 =	vmax.f32 v1, $0.0e+00;
	(xrf2) =	vadd.scan.msk.f32 $0xffff, v4;
	v4 =	vld [tilespmem:s31+$0x16D60]  }
0x284: {  	v2 =	vadd.f32 $-5.000000000e-01, v2;
	v7 =	vadd.f32 v8, v7;
	v8 =	vld [tilespmem:s31+$0x16DE0];
	v6 =	vmul.f32 v6, v10  }
0x285: {  	v1 =	vsel vm0, $0x0, v1;
	v10 =	vld [tilespmem:s31+$0x16D70]  }
0x286: {  	v0 =	vadd.f32 v1, v0;
	v2 =	vmax.f32 v2, $0.0e+00;
	v6 =	vadd.f32 v6, v7;
	v7 =	vld [tilespmem:s31+$0x16DF0]  }
0x287: {  	v1 =	vsel vm0, $0x0, v2;
	v63 =	vadd.f32 $-5.000000000e-01, v3;
	v11 =	vld [tilespmem:s31+$0x16E00];
	v5 =	vmul.f32 v9, v5  }
0x288: {  	v0 =	vadd.f32 v1, v0;
	v9 =	vld [tilespmem:s31+$0x16D80]  }
0x289: {  	v1 =	vmax.f32 v63, $0.0e+00;
	v2 =	vld [tilespmem:s31+$0x16D90];
	v5 =	vadd.f32 v5, v6;
	v6 =	vmul.f32 v8, v4  }
0x28a: {  	s0 =	simm.s32 $0x200;
	v3 =	vld [tilespmem:s31+$0x16E10];
	v1 =	vsel vm0, $0x0, v1  }
0x28b: {  	v4 =	vld [tilespmem:s0+$0x16D20];
	v6 =	vadd.f32 v6, v5;
	v8 =	vmul.f32 v7, v10  }
0x28c: {  	v5 =	vld [tilespmem:s0+$0x16DA0]  }
0x28d: {  	s1 =	simm.s32 $0xC00;
	v0 =	vadd.f32 v1, v0;
	v7 =	vld [tilespmem:s0+$0x16D30];
	v6 =	vadd.f32 v8, v6;
	v8 =	vmul.f32 v11, v9;
	v1, _, _ =	vpop (xrf2)  }
.LBB2_18:
0x28e: {  	p1 =	sne.s32 s1, $0xFC00;
	v9 =	vld [tilespmem:s0+$0x16DB0];
	v1 =	vadd.f32 $-5.000000000e-01, v1  }
0x28f: {  	v10 =	vld [tilespmem:s0+$0x16D40];
	v6 =	vadd.f32 v8, v6;
	v2 =	vmul.f32 v3, v2  }
0x290: {  	v3 =	vld [tilespmem:s0+$0x16DC0];
	v1 =	vmax.f32 v1, $0.0e+00  }
0x291: {  	v8 =	vld [tilespmem:s0+$0x16D50];
	v2 =	vadd.f32 v2, v6;
	v1 =	vsel vm0, $0x0, v1  }
0x292: {  	v6 =	vld [tilespmem:s0+$0x16DD0];
	v0 =	vadd.f32 v1, v0  }
0x293: {  	v1 =	vmul.f32 v5, v4;
	v4 =	vmul.f32 v9, v7;
	v5 =	vld [tilespmem:s0+$0x16D60];
	(xrf2) =	vadd.scan.msk.f32 $0xffff, v2  }
0x294: {  	v2 =	vld [tilespmem:s0+$0x16DE0]  }
0x295: {  	v1 =	vadd.f32 v4, v1;
	v3 =	vmul.f32 v3, v10;
	v7 =	vld [tilespmem:s0+$0x16D70]  }
0x296: {  	v9 =	vld [tilespmem:s0+$0x16DF0]  }
0x297: {  	v1 =	vadd.f32 v3, v1;
	v3 =	vmul.f32 v6, v8;
	v8 =	vld [tilespmem:s0+$0x16D80]  }
0x298: {  	v10 =	vld [tilespmem:s0+$0x16E00]  }
.Ltmp8:
0x299: {  	v1 =	vadd.f32 v3, v1;
	v5 =	vmul.f32 v2, v5;
	v2 =	vld [tilespmem:s0+$0x16D90];
	(pc) =	sbr.rel @p1 .LBB2_18-.Ltmp8, $4  }
0x29a: {  	v3 =	vld [tilespmem:s0+$0x16E10];
	s0 =	sshra.s32 s1, $0x2  }
0x29b: {  	v4 =	vld [tilespmem:s0+$0x16D20];
	v11 =	vadd.f32 v5, v1;
	v6 =	vmul.f32 v9, v7  }
0x29c: {  	v5 =	vld [tilespmem:s0+$0x16DA0]  }
0x29d: {  	s1 =	sadd.s32 $0x400, s1;
	v7 =	vld [tilespmem:s0+$0x16D30];
	v6 =	vadd.f32 v6, v11;
	v8 =	vmul.f32 v10, v8;
	v1, _, _ =	vpop (xrf2)  }
0x29e: {  	v9 =	vld [tilespmem:s0+$0x16DB0]  }
0x29f: {  	v10 =	vld [tilespmem:s0+$0x16D40]  }
0x2a0: {  	v11 =	vld [tilespmem:s0+$0x16DC0]  }
0x2a1: {  	v12 =	vld [tilespmem:s0+$0x16D50]  }
0x2a2: {  	v13 =	vld [tilespmem:s0+$0x16DD0]  }
0x2a3: {  	v4 =	vmul.f32 v5, v4;
	v5 =	vmul.f32 v9, v7;
	v7 =	vld [tilespmem:s0+$0x16D60]  }
0x2a4: {  	v9 =	vld [tilespmem:s0+$0x16DE0]  }
0x2a5: {  	v4 =	vadd.f32 v5, v4;
	v5 =	vmul.f32 v11, v10;
	v10 =	vld [tilespmem:s0+$0x16D70]  }
0x2a6: {  	v11 =	vld [tilespmem:s0+$0x16DF0]  }
0x2a7: {  	v60 =	vld [tilespmem:s0+$0x16D80];
	v4 =	vadd.f32 v5, v4;
	v5 =	vmul.f32 v13, v12  }
0x2a8: {  	v61 =	vld [tilespmem:s0+$0x16E00]  }
0x2a9: {  	v4 =	vadd.f32 v5, v4;
	v5 =	vmul.f32 v9, v7;
	v7 =	vld [tilespmem:s0+$0x16D90]  }
0x2aa: {  	v9 =	vld [tilespmem:s0+$0x16E10]  }
0x2ab: {  	v4 =	vadd.f32 v5, v4;
	v5 =	vmul.f32 v11, v10;
	_ =	sdelay $0x1  }
0x2ac: {  	v4 =	vadd.f32 v5, v4;
	v5 =	vmul.f32 v61, v60  }
0x2ad: {  	v6 =	vadd.f32 v8, v6;
	v2 =	vmul.f32 v3, v2  }
0x2ae: {  	v3 =	vadd.f32 v5, v4;
	v4 =	vmul.f32 v9, v7  }
0x2af: {  	v2 =	vadd.f32 v2, v6  }
0x2b0: {  	v3 =	vadd.f32 v4, v3  }
0x2b1: {  	(xrf2) =	vadd.scan.msk.f32 $0xffff, v2  }
0x2b2: {  	(xrf2) =	vadd.scan.msk.f32 $0xffff, v3;
	_ =	sdelay $0x8  }
0x2b3: {  	s1 =	simm.s32 @p0 $0xEBA0;
	s2 =	simm.s32 @p0 $0x12D20;
	s0 =	simm.s32 @p0 $0x80;
	v2, _, _ =	vpop (xrf2)  }
0x2b4: {  	[tilespmem:s2], [sflag:$0x2] =	stream.indirect.gather @p0 [hbm4b:s3+s0], $0x80, s1, s0, $0xb8;
	v3, _, _ =	vpop (xrf2);
	[tilespmem:$0x1EDA0] =	vst v63  }
0x2b5: {  	_ =	swait.ge [sflag:s12], $0x4000  }
0x2b6: {  	[sflag:s12] =	ssyncset.done $0x0  }
0x2b7: {  	s30 =	simm.s32 $0x0;
	[sflag:s12] =	ssyncadd.s32 $0xFFFFC000  }
0x2b8: {  	v4 =	vld [tilespmem:s30+$0x1AD20]  }
0x2b9: {  	v5 =	vld [tilespmem:s30+$0x1ADA0]  }
0x2ba: {  	v6 =	vld [tilespmem:s30+$0x1AD30]  }
0x2bb: {  	v7 =	vld [tilespmem:s30+$0x1ADB0]  }
0x2bc: {  	v8 =	vld [tilespmem:s30+$0x1AD40]  }
0x2bd: {  	v9 =	vld [tilespmem:s30+$0x1ADC0]  }
0x2be: {  	v10 =	vld [tilespmem:s30+$0x1AD50]  }
0x2bf: {  	v11 =	vld [tilespmem:s30+$0x1ADD0]  }
0x2c0: {  	s31 =	simm.s32 $0x100;
	v62 =	vld [tilespmem:s30+$0x1AD60]  }
0x2c1: {  	v63 =	vld [tilespmem:s31+$0x1AD20];
	v4 =	vmul.f32 v5, v4;
	v5 =	vmul.f32 v7, v6  }
0x2c2: {  	v6 =	vld [tilespmem:s30+$0x1ADE0]  }
0x2c3: {  	v7 =	vld [tilespmem:s30+$0x1AD70];
	v4 =	vadd.f32 v5, v4;
	v5 =	vmul.f32 v9, v8  }
0x2c4: {  	v8 =	vld [tilespmem:s30+$0x1ADF0]  }
0x2c5: {  	v9 =	vld [tilespmem:s30+$0x1AD80];
	v4 =	vadd.f32 v5, v4;
	v5 =	vmul.f32 v11, v10  }
0x2c6: {  	v10 =	vld [tilespmem:s30+$0x1AE00]  }
0x2c7: {  	v11 =	vld [tilespmem:s30+$0x1AD90];
	v4 =	vadd.f32 v5, v4;
	v5 =	vmul.f32 v6, v62  }
0x2c8: {  	v6 =	vld [tilespmem:s30+$0x1AE10]  }
0x2c9: {  	v4 =	vadd.f32 v5, v4;
	v5 =	vmul.f32 v8, v7;
	v7 =	vld [tilespmem:s31+$0x1ADA0]  }
0x2ca: {  	v8 =	vld [tilespmem:s31+$0x1AD30]  }
0x2cb: {  	v4 =	vadd.f32 v5, v4;
	v5 =	vmul.f32 v10, v9;
	v9 =	vld [tilespmem:s31+$0x1ADB0];
	_ =	sdelay $0x1  }
0x2cc: {  	v10 =	vld [tilespmem:s31+$0x1AD40];
	v4 =	vadd.f32 v5, v4;
	v5 =	vmul.f32 v6, v11  }
0x2cd: {  	v6 =	vld [tilespmem:s31+$0x1ADC0]  }
0x2ce: {  	v4 =	vadd.f32 v5, v4;
	v5 =	vld [tilespmem:s31+$0x1AD50]  }
0x2cf: {  	v7 =	vmul.f32 v7, v63;
	v8 =	vmul.f32 v9, v8;
	v9 =	vld [tilespmem:s31+$0x1ADD0]  }
0x2d0: {  	(xrf2) =	vadd.scan.msk.f32 $0xffff, v4;
	v4 =	vld [tilespmem:s31+$0x1AD60]  }
0x2d1: {  	v7 =	vadd.f32 v8, v7;
	v8 =	vld [tilespmem:s31+$0x1ADE0]  }
0x2d2: {  	v6 =	vmul.f32 v6, v10  }
0x2d3: {  	v1 =	vadd.f32 $-5.000000000e-01, v1  }
0x2d4: {  	v10 =	vld [tilespmem:s31+$0x1AD70];
	v6 =	vadd.f32 v6, v7;
	v5 =	vmul.f32 v9, v5  }
0x2d5: {  	v1 =	vmax.f32 v1, $0.0e+00;
	v2 =	vadd.f32 $-5.000000000e-01, v2;
	v7 =	vld [tilespmem:s31+$0x1ADF0]  }
0x2d6: {  	v1 =	vsel vm0, $0x0, v1;
	v11 =	vld [tilespmem:s31+$0x1AE00];
	v5 =	vadd.f32 v5, v6;
	v4 =	vmul.f32 v8, v4  }
0x2d7: {  	v0 =	vadd.f32 v1, v0;
	v2 =	vmax.f32 v2, $0.0e+00;
	v9 =	vld [tilespmem:s31+$0x1AD80]  }
0x2d8: {  	v2 =	vsel vm0, $0x0, v2;
	v3 =	vadd.f32 $-5.000000000e-01, v3;
	v1 =	vld [tilespmem:s31+$0x1AD90];
	v4 =	vadd.f32 v4, v5  }
0x2d9: {  	s0 =	simm.s32 $0x200;
	v0 =	vadd.f32 v2, v0;
	v2 =	vld [tilespmem:s31+$0x1AE10]  }
0x2da: {  	v6 =	vmax.f32 v3, $0.0e+00;
	v3 =	vld [tilespmem:s0+$0x1AD20];
	v7 =	vmul.f32 v7, v10  }
0x2db: {  	v6 =	vsel vm0, $0x0, v6;
	v5 =	vld [tilespmem:s0+$0x1ADA0]  }
0x2dc: {  	s1 =	simm.s32 $0xC00;
	v0 =	vadd.f32 v6, v0;
	v6 =	vld [tilespmem:s0+$0x1AD30];
	v8 =	vmul.f32 v11, v9;
	v7 =	vadd.f32 v7, v4;
	v4, _, _ =	vpop (xrf2)  }
.LBB2_20:
0x2dd: {  	p1 =	sne.s32 s1, $0xFC00;
	v9 =	vld [tilespmem:s0+$0x1ADB0];
	v4 =	vadd.f32 $-5.000000000e-01, v4  }
0x2de: {  	v10 =	vld [tilespmem:s0+$0x1AD40];
	v7 =	vadd.f32 v8, v7;
	v1 =	vmul.f32 v2, v1  }
0x2df: {  	v2 =	vld [tilespmem:s0+$0x1ADC0];
	v4 =	vmax.f32 v4, $0.0e+00  }
0x2e0: {  	v8 =	vld [tilespmem:s0+$0x1AD50];
	v1 =	vadd.f32 v1, v7;
	v4 =	vsel vm0, $0x0, v4  }
0x2e1: {  	v7 =	vld [tilespmem:s0+$0x1ADD0];
	v0 =	vadd.f32 v4, v0  }
0x2e2: {  	v3 =	vmul.f32 v5, v3;
	v4 =	vmul.f32 v9, v6;
	v5 =	vld [tilespmem:s0+$0x1AD60];
	(xrf2) =	vadd.scan.msk.f32 $0xffff, v1  }
0x2e3: {  	v1 =	vld [tilespmem:s0+$0x1ADE0]  }
0x2e4: {  	v3 =	vadd.f32 v4, v3;
	v2 =	vmul.f32 v2, v10;
	v4 =	vld [tilespmem:s0+$0x1AD70]  }
0x2e5: {  	v6 =	vld [tilespmem:s0+$0x1ADF0]  }
0x2e6: {  	v2 =	vadd.f32 v2, v3;
	v3 =	vmul.f32 v7, v8;
	v8 =	vld [tilespmem:s0+$0x1AD80]  }
0x2e7: {  	v9 =	vld [tilespmem:s0+$0x1AE00]  }
.Ltmp9:
0x2e8: {  	v7 =	vadd.f32 v3, v2;
	v5 =	vmul.f32 v1, v5;
	v1 =	vld [tilespmem:s0+$0x1AD90];
	(pc) =	sbr.rel @p1 .LBB2_20-.Ltmp9, $4  }
0x2e9: {  	v2 =	vld [tilespmem:s0+$0x1AE10];
	s0 =	sshra.s32 s1, $0x2  }
0x2ea: {  	v3 =	vld [tilespmem:s0+$0x1AD20];
	v7 =	vadd.f32 v5, v7;
	v10 =	vmul.f32 v6, v4  }
0x2eb: {  	v5 =	vld [tilespmem:s0+$0x1ADA0]  }
0x2ec: {  	s1 =	sadd.s32 $0x400, s1;
	v6 =	vld [tilespmem:s0+$0x1AD30];
	v7 =	vadd.f32 v10, v7;
	v8 =	vmul.f32 v9, v8;
	v4, _, _ =	vpop (xrf2)  }
0x2ed: {  	v9 =	vld [tilespmem:s0+$0x1ADB0]  }
0x2ee: {  	v10 =	vld [tilespmem:s0+$0x1AD40]  }
0x2ef: {  	v11 =	vld [tilespmem:s0+$0x1ADC0]  }
0x2f0: {  	v12 =	vld [tilespmem:s0+$0x1AD50]  }
0x2f1: {  	v13 =	vld [tilespmem:s0+$0x1ADD0]  }
0x2f2: {  	v52 =	vld [tilespmem:s0+$0x1AD60];
	v3 =	vmul.f32 v5, v3;
	v51 =	vmul.f32 v9, v6  }
0x2f3: {  	v53 =	vld [tilespmem:s0+$0x1ADE0]  }
0x2f4: {  	v55 =	vld [tilespmem:s0+$0x1AD70];
	v54 =	vmul.f32 v11, v10;
	v3 =	vadd.f32 v51, v3  }
0x2f5: {  	v56 =	vld [tilespmem:s0+$0x1ADF0]  }
0x2f6: {  	v58 =	vld [tilespmem:s0+$0x1AD80];
	v57 =	vmul.f32 v13, v12;
	v3 =	vadd.f32 v54, v3  }
0x2f7: {  	v59 =	vld [tilespmem:s0+$0x1AE00]  }
0x2f8: {  	v61 =	vld [tilespmem:s0+$0x1AD90];
	v60 =	vmul.f32 v53, v52;
	v3 =	vadd.f32 v57, v3  }
0x2f9: {  	v62 =	vld [tilespmem:s0+$0x1AE10]  }
0x2fa: {  	v63 =	vmul.f32 v56, v55;
	v3 =	vadd.f32 v60, v3  }
0x2fb: {  	v7 =	vadd.f32 v8, v7  }
0x2fc: {  	v1 =	vmul.f32 v2, v1;
	v2 =	vadd.f32 v63, v3;
	v3 =	vmul.f32 v59, v58;
	_ =	sdelay $0x1  }
0x2fd: {  	v1 =	vadd.f32 v1, v7;
	v2 =	vadd.f32 v3, v2;
	v3 =	vmul.f32 v62, v61;
	_ =	sdelay $0x1  }
0x2fe: {  	(xrf2) =	vadd.scan.msk.f32 $0xffff, v1;
	v1 =	vadd.f32 v3, v2;
	_ =	sdelay $0x1  }
0x2ff: {  	(xrf2) =	vadd.scan.msk.f32 $0xffff, v1;
	_ =	sdelay $0x6  }
0x300: {  	v1 =	vadd.f32 $-5.000000000e-01, v4  }
0x301: {  	v2, _, _ =	vpop (xrf2)  }
0x302: {  	v2 =	vadd.f32 $-5.000000000e-01, v2;
	v1 =	vmax.f32 v1, $0.0e+00  }
0x303: {  	v1 =	vsel vm0, $0x0, v1;
	v3, _, _ =	vpop (xrf2)  }
.Ltmp10:
0x304: {  	v0 =	vadd.f32 v1, v0;
	v1 =	vmax.f32 v2, $0.0e+00;
	v2 =	vadd.f32 $-5.000000000e-01, v3;
	(pc) =	sbr.rel @p0 .LBB2_13-.Ltmp10, $4  }
0x305: {  	v1 =	vsel vm0, $0x0, v1  }
0x306: {  	v0 =	vadd.f32 v1, v0;
	v1 =	vmax.f32 v2, $0.0e+00  }
0x307: {  	v1 =	vsel vm0, $0x0, v1  }
0x308: {  	s13 =	simm.s32 $0x800;
	p1 =	por $0x0, $0x0;
	s0 =	simm.s32 $0xEC20;
	v0 =	vadd.f32 v1, v0  }
0x309: {  	s2 =	rddreg [dreg:$0x4]  }
0x30a: {  	s1 =	simm.s32 $0xD0A0;
	s31 =	simm.s32 $0x5;
	s0 =	sadd.s32 s5, s2;
	[tilespmem:$0xD0A0] =	vst v0  }
0x30b: {  	[spmem:s0] =	stream.linear.scatter [tilespmem:s1], [sflag:$0x5], $0x80, $0x38;
	[tilespmem:$0x1EDA0] =	vst v63  }
0x30c: {  	_ =	swait.ge [sflag:s31], $0x80  }
0x30d: {  	[sflag:s31] =	ssyncset.done $0x0  }
0x30e: {  	[sflag:s31] =	ssyncadd.s32 $0xFFFFFF80  }
0x30f: {  	p0 =	sne.s32 s4, $0x0;
	[bflag:$0x0] =	sbarrier.arrive $0xFFFF  }
0x310: {  	v0 =	vlaneseq.u32 @!p0;
	_ =	sfence.sel @p0 $0x180000  }
0x311: {  	v0 =	vmul.u32 @!p0 $0x80, v0;
	[bflag:$0x0] =	sbarrier.arrive @p0 $0xFFFF  }
0x312: {  	_ =	strace @p0 $0x90000047  }
0x313: {  	s0 =	simm.s32 @!p0 $0xD920;
	s1 =	simm.s32 @!p0 $0x5;
	v0 =	vor.u32 @!p0 $0xF, v0;
	[bflag:$0x2] =	sbarrier.arrive @p0 $0xFFFF  }
0x314: {  	[tilespmem:s0], [sflag:$0x5] =	stream.linear.gather @!p0 [spmem:s2], $0x800, $0x38;
	[tilespmem:$0x1EDA0] =	vst v63  }
0x315: {  	_ =	swait.ge @!p0 [sflag:s1], $0x800  }
0x316: {  	[sflag:s1] =	ssyncset.done @!p0 $0x0  }
0x317: {  	[sflag:s1] =	ssyncadd.s32 @!p0 $0xFFFFF800  }
0x318: {  	v0 =	vld.idx.msk @!p0 [tilespmem:v0+s0+$0x0], $0xffff;
	_ =	sdelay $0x4  }
0x319: {  	(xrf2) =	vadd.scan.msk.f32 @!p0 $0xffff, v0;
	_ =	sdelay $0x9  }
0x31a: {  	v0, _, _ =	vpop @!p0 (xrf2)  }
0x31b: {  	(v2sf) =	vpush @!p0 v0, $0xF;
	_ =	sdelay $0xe  }
0x31c: {  	s0 =	spop @!p0 (v2sf)  }
0x31d: {  	s0 =	smul.f32 @!p0 $1.220703130e-04, s0;
	_ =	sdelay $0x1  }
0x31e: {  	v0 =	vmov @!p0 s0  }
0x31f: {  	s2 =	simm.s32 @!p0 $0x1ED20;
	s3 =	rddreg [dreg:$0x2];
	s0 =	simm.s32 @!p0 $0x0;
	[tilespmem:$0x1ED20] =	vst @!p0 v0  }
0x320: {  	[hbm4b:s3+s0] =	stream.linear.scatter @!p0 [tilespmem:s2], [sflag:$0x5], $0x80, $0x38;
	[tilespmem:$0x1EDA0] =	vst v63  }
0x321: {  	_ =	swait.ge @!p0 [sflag:s1], $0x80  }
0x322: {  	[sflag:s1] =	ssyncset.done @!p0 $0x0  }
0x323: {  	[sflag:s1] =	ssyncadd.s32 @!p0 $0xFFFFFF80  }
0x324: {  	_ =	sfence.sel @!p0 $0x180000  }
0x325: {  	[bflag:$0x0] =	sbarrier.arrive @!p0 $0xFFFF  }
0x326: {  	_ =	strace @!p0 $0x90000047  }
0x327: {  	[bflag:$0x2] =	sbarrier.arrive @!p0 $0xFFFF  }
0x328: {  	s0 =	rddreg [dreg:$0x8]  }
0x329: {  	s0 =	sadd.s32 @!p0 $0x100000, s0  }
0x32a: {  	[sflag:s0] =	ssyncadd.tile.s32 @!p0 $0x1;
	_ =	shalt  }
.Lfunc_end2:
_tile_overlayer_lowered:
.L_overlay_start_2:
0x32b: {  	(tag) =	ssettag $0x2  }
0x32c: {  	s0 =	rddreg [dreg:$0x0];
	s2 =	stileid.u32  }
0x32d: {  	s1 =	rddreg [dreg:$0x1];
	p0 =	sne.s32 s2, $0x0  }
0x32e: {  	s3 =	rddreg [dreg:$0x2];
	[bflag:$0x3] =	sbarrier.arrive $0xFFFF;
	s2 =	simm.s32 @!p0 $0x1C05  }
0x32f: {  	[timem:s3], [sflag:s2] =	dma.local @!p0 [hbm:s0], s1  }
0x330: {  	s0 =	simm.s32 @!p0 $0x5  }
0x331: {  	_ =	swait.ge @!p0 [sflag:s0], s1  }
0x332: {  	s1 =	ssub.s32 @!p0 $0x0, s1;
	[sflag:s0] =	ssyncset.done @!p0 $0x0  }
0x333: {  	[sflag:s0] =	ssyncadd.s32 @!p0 s1  }
0x334: {  	[bflag:$0x3] =	sbarrier.arrive $0xFFFF  }
0x335: {  	_ =	shalt  }

</sc_bundles>
